<compile_context>
chip_gen: v7x
topology: tpu7x:2x2x1
jax: 0.10.2.dev20260603
libtpu: 0.0.44.dev20260713+nightly
codegen_flags: <defaults>
</compile_context>

<pallas_src>
import functools

import jax
import jax.numpy as jnp
from jax import lax
from jax.experimental import pallas as pl
from jax.experimental.pallas import tpu as pltpu
from jax.experimental.pallas import tpu_sc as plsc

N = 10000
NP = 10240
E = 160000
NB = 80
EPT = NB * 128
EP = 16 * EPT
RPT = NP // 16
T = 512
NT = NP // T

_f32 = jnp.float32


def _sc_mesh():
    return plsc.VectorSubcoreMesh(
        core_axis_name="c", subcore_axis_name="s", num_cores=2, num_subcores=16
    )


def _make_deg():
    @functools.partial(
        pl.kernel,
        out_type=jax.ShapeDtypeStruct((2, NP), _f32),
        mesh=_sc_mesh(),
        scratch_types=[
            pltpu.VMEM((NB, 128), jnp.int32),
            pltpu.VMEM((128,), _f32),
            pltpu.VMEM_SHARED((NP,), _f32),
        ],
    )
    def deg_kernel(dst_hbm, ones_hbm, zeros1_hbm, cnt_hbm, dst_v, ones_v, acc_sh):
        c = lax.axis_index("c")
        s = lax.axis_index("s")
        pltpu.sync_copy(dst_hbm.at[s], dst_v)
        pltpu.sync_copy(ones_hbm, ones_v)
        pltpu.sync_copy(zeros1_hbm, acc_sh.at[pl.ds(s * RPT, RPT)])
        plsc.subcore_barrier()

        def body(b, carry):
            pltpu.sync_copy(ones_v, acc_sh.at[dst_v.at[b]], add=True)
            return carry

        lax.fori_loop(c * (NB // 2), (c + 1) * (NB // 2), body, 0)
        plsc.subcore_barrier()
        pltpu.sync_copy(
            acc_sh.at[pl.ds(s * RPT, RPT)], cnt_hbm.at[c, pl.ds(s * RPT, RPT)]
        )

    return deg_kernel


def _make_agg(C):
    CC = C // 2

    NG = NB // 16

    if True:
        @functools.partial(
            pl.kernel,
            out_type=jax.ShapeDtypeStruct((C, NP, 128), _f32),
            mesh=_sc_mesh(),
            scratch_types=[
                pltpu.VMEM((2, 16, 128), jnp.int32),
                pltpu.VMEM((NB, 128), jnp.int32),
                pltpu.VMEM((2, 128, 128), _f32),
                pltpu.VMEM_SHARED((NP, 128), _f32),
                pltpu.SemaphoreType.DMA,
                pltpu.SemaphoreType.DMA,
                pltpu.SemaphoreType.DMA,
            ],
        )
        def agg_kernel(g_hbm, srcall_hbm, dst_hbm, s_hbm,
                       src_g, dst_v, rows_v, acc_sh, sem_a, sem_b, sem_s):
            c = lax.axis_index("c")
            s = lax.axis_index("s")
            pltpu.sync_copy(dst_hbm.at[s], dst_v)
            for j in range(CC):
                cc = c * CC + j
                pltpu.sync_copy(
                    g_hbm.at[pl.ds(cc * NP + s * RPT, RPT)],
                    acc_sh.at[pl.ds(s * RPT, RPT)])
                pltpu.sync_copy(srcall_hbm.at[cc, s, pl.ds(0, 16)], src_g.at[0])
                plsc.subcore_barrier()

                def group_body(g, carry):
                    gp = g % 2

                    @pl.when(g < NG - 1)
                    def _():
                        pltpu.async_copy(
                            srcall_hbm.at[cc, s, pl.ds((g + 1) * 16, 16)],
                            src_g.at[1 - gp], sem_s)

                    def pair(i, carry2):
                        b0 = 2 * i
                        b1 = b0 + 1
                        base = g * 16
                        pltpu.async_copy(
                            g_hbm.at[src_g.at[gp, b1]], rows_v.at[1], sem_b)
                        pltpu.make_async_copy(
                            g_hbm.at[src_g.at[gp, b0]], rows_v.at[0],
                            sem_a).wait()
                        pltpu.sync_copy(
                            rows_v.at[0], acc_sh.at[dst_v.at[base + b0]],
                            add=True)

                        @pl.when(i < 7)
                        def _():
                            pltpu.async_copy(
                                g_hbm.at[src_g.at[gp, b0 + 2]], rows_v.at[0],
                                sem_a)

                        pltpu.make_async_copy(
                            g_hbm.at[src_g.at[gp, b1]], rows_v.at[1],
                            sem_b).wait()
                        pltpu.sync_copy(
                            rows_v.at[1], acc_sh.at[dst_v.at[base + b1]],
                            add=True)
                        return carry2

                    lax.fori_loop(0, 8, pair, 0)

                    @pl.when(g < NG - 1)
                    def _():
                        pltpu.make_async_copy(
                            srcall_hbm.at[cc, s, pl.ds((g + 1) * 16, 16)],
                            src_g.at[1 - gp], sem_s).wait()
                        pltpu.async_copy(
                            g_hbm.at[src_g.at[1 - gp, 0]], rows_v.at[0], sem_a)

                    return carry

                pltpu.async_copy(g_hbm.at[src_g.at[0, 0]], rows_v.at[0], sem_a)
                lax.fori_loop(0, NG, group_body, 0)
                plsc.subcore_barrier()
                pltpu.sync_copy(
                    acc_sh.at[pl.ds(s * RPT, RPT)],
                    s_hbm.at[cc, pl.ds(s * RPT, RPT)],
                )

    return agg_kernel


_deg = _make_deg()
_agg2 = _make_agg(2)
_agg4 = _make_agg(4)


def _prep(cnt2d, x_pad):
    def body(cnt_ref, x_ref, g_ref, dr_ref):
        dinv = lax.rsqrt(cnt_ref[0] + cnt_ref[1] + 1.0)
        g_ref[0] = x_ref[...] * jnp.broadcast_to(dinv, (T, 128))

        @pl.when(pl.program_id(1) == 0)
        def _():
            dr_ref[...] = dinv

    return pl.pallas_call(
        body,
        grid=(NT, 2),
        in_specs=[
            pl.BlockSpec((2, T, 1), lambda i, c: (0, i, 0)),
            pl.BlockSpec((T, 128), lambda i, c: (i, c)),
        ],
        out_specs=[
            pl.BlockSpec((1, T, 128), lambda i, c: (c, i, 0)),
            pl.BlockSpec((T, 1), lambda i, c: (i, 0)),
        ],
        out_shape=[
            jax.ShapeDtypeStruct((2, NP, 128), _f32),
            jax.ShapeDtypeStruct((NP, 1), _f32),
        ],
    )(cnt2d, x_pad)


def _layer(s_arr, dinv_rep, W, b, Cin):
    Cout = 4

    def body(s_ref, d_ref, w_ref, b_ref, o_ref):
        d = jnp.broadcast_to(d_ref[...], (T, 128))
        acc = jnp.zeros((T, 512), _f32)
        for ci in range(Cin):
            u = (s_ref[ci] * d).astype(jnp.bfloat16)
            acc += jnp.dot(u, w_ref[pl.ds(ci * 128, 128), :],
                           preferred_element_type=_f32)
        x = jnp.maximum(acc + b_ref[...], 0.0)
        for co in range(Cout):
            o_ref[co] = x[:, co * 128:(co + 1) * 128] * d

    return pl.pallas_call(
        body,
        grid=(NT,),
        in_specs=[
            pl.BlockSpec((Cin, T, 128), lambda i: (0, i, 0)),
            pl.BlockSpec((T, 1), lambda i: (i, 0)),
            pl.BlockSpec((Cin * 128, 512), lambda i: (0, 0)),
            pl.BlockSpec((1, 512), lambda i: (0, 0)),
        ],
        out_specs=pl.BlockSpec((Cout, T, 128), lambda i: (0, i, 0)),
        out_shape=jax.ShapeDtypeStruct((Cout, NP, 128), _f32),
    )(s_arr, dinv_rep, W, b.reshape(1, 512))


def _head(s_arr, dinv_rep, W3, b3, Wout, bout):
    def body(s_ref, d_ref, w3_ref, b3_ref, wo_ref, bo_ref, o_ref):
        d = jnp.broadcast_to(d_ref[...], (T, 128))
        acc = jnp.zeros((T, 512), _f32)
        for ci in range(4):
            u = (s_ref[ci] * d).astype(jnp.bfloat16)
            acc += jnp.dot(u, w3_ref[pl.ds(ci * 128, 128), :],
                           preferred_element_type=_f32)
        x4 = jnp.maximum(acc + b3_ref[...], 0.0).astype(jnp.bfloat16)
        o_ref[...] = jnp.dot(x4, wo_ref[...], preferred_element_type=_f32) + bo_ref[...]

    return pl.pallas_call(
        body,
        grid=(NT,),
        in_specs=[
            pl.BlockSpec((4, T, 128), lambda i: (0, i, 0)),
            pl.BlockSpec((T, 1), lambda i: (i, 0)),
            pl.BlockSpec((512, 512), lambda i: (0, 0)),
            pl.BlockSpec((1, 512), lambda i: (0, 0)),
            pl.BlockSpec((512, 512), lambda i: (0, 0)),
            pl.BlockSpec((1, 512), lambda i: (0, 0)),
        ],
        out_specs=pl.BlockSpec((T, 512), lambda i: (i, 0)),
        out_shape=jax.ShapeDtypeStruct((N, 512), _f32),
    )(s_arr, dinv_rep, W3, b3.reshape(1, 512), Wout, bout.reshape(1, 512))


def kernel(x_node, edge_index, W1, b1, W2, b2, W3, b3, Wout, bout):
    src = edge_index[0].astype(jnp.int32)
    dst = edge_index[1].astype(jnp.int32)
    pad = EP - E
    pad_src = (jnp.arange(pad, dtype=jnp.int32) * 97) % N
    pad_dst = N + jnp.arange(pad, dtype=jnp.int32) % (NP - N)
    srcp = jnp.concatenate([src, pad_src]).reshape(16, EPT)
    dstp = jnp.concatenate([dst, pad_dst]).reshape(16, NB, 128)
    src2 = (srcp[None] + (jnp.arange(2, dtype=jnp.int32) * NP)[:, None, None]
            ).reshape(2, 16, NB, 128)
    src4 = (srcp[None] + (jnp.arange(4, dtype=jnp.int32) * NP)[:, None, None]
            ).reshape(4, 16, NB, 128)
    zeros1d = jnp.zeros((RPT,), _f32)
    ones1d = jnp.ones((128,), _f32)
    x_pad = jnp.pad(x_node, ((0, NP - N), (0, 0)))

    bf16 = jnp.bfloat16
    cnt = _deg(dstp, ones1d, zeros1d)
    g1, dinv_rep = _prep(cnt.reshape(2, NP, 1), x_pad)
    s1 = _agg2(g1.reshape(2 * NP, 128), src2, dstp)
    g2 = _layer(s1, dinv_rep, W1.astype(bf16), b1, Cin=2)
    s2 = _agg4(g2.reshape(4 * NP, 128), src4, dstp)
    g3 = _layer(s2, dinv_rep, W2.astype(bf16), b2, Cin=4)
    s3 = _agg4(g3.reshape(4 * NP, 128), src4, dstp)
    return _head(s3, dinv_rep, W3.astype(bf16), b3, Wout.astype(bf16), bout)

# --- scband reference (transcript-rebuilt; emitter-appended) ---
"""Pipeline reference for scband-gnnmodel-47373489275461 (READ-ONLY COPY).

The authoritative reference and input builder live on the scoring server;
editing this copy changes nothing except your own understanding.
"""

import jax, jax.numpy as jnp
import numpy as np

N_NODES = 10000
N_EDGES = 160000
D_IN = 256
D_HID = 512
D_OUT = 512


def setup_inputs(seed: int = 0) -> dict:
    key = jax.random.key(seed)
    ks = jax.random.split(key, 12)
    x_node = jax.random.normal(ks[0], (N_NODES, D_IN), dtype=jnp.float32)
    edge_index = jax.random.randint(ks[1], (2, N_EDGES), 0, N_NODES, dtype=jnp.int64 if jax.config.jax_enable_x64 else jnp.int32)
    def glorot(k, shape):
        fan_in, fan_out = shape[0], shape[1]
        lim = jnp.sqrt(6.0 / (fan_in + fan_out))
        return jax.random.uniform(k, shape, jnp.float32, -lim, lim)
    W1 = glorot(ks[2], (D_IN, D_HID)); b1 = jnp.zeros((D_HID,), jnp.float32)
    W2 = glorot(ks[3], (D_HID, D_HID)); b2 = jnp.zeros((D_HID,), jnp.float32)
    W3 = glorot(ks[4], (D_HID, D_HID)); b3 = jnp.zeros((D_HID,), jnp.float32)
    Wout = glorot(ks[5], (D_HID, D_OUT)); bout = jnp.zeros((D_OUT,), jnp.float32)
    return {"x_node": x_node, "edge_index": edge_index,
            "W1": W1, "b1": b1, "W2": W2, "b2": b2, "W3": W3, "b3": b3,
            "Wout": Wout, "bout": bout}


def _gcn_conv(x, src, dst, norm, W, b):
    # x' = D^{-1/2} (A + I) D^{-1/2} (X W) + b  (self-loops already folded into src/dst/norm)
    h = x @ W
    msgs = h[src] * norm[:, None]
    out = jnp.zeros((x.shape[0], h.shape[1]), dtype=h.dtype).at[dst].add(msgs)
    return out + b


def reference(x_node, edge_index, W1, b1, W2, b2, W3, b3, Wout, bout):
    N = x_node.shape[0]
    loop = jnp.arange(N, dtype=edge_index.dtype)
    src = jnp.concatenate([edge_index[0], loop])
    dst = jnp.concatenate([edge_index[1], loop])
    deg = jnp.zeros((N,), jnp.float32).at[dst].add(1.0)
    dinv = 1.0 / jnp.sqrt(deg)  # deg >= 1 thanks to self-loops
    norm = dinv[src] * dinv[dst]
    # layer 1 (GCN) + ReLU (dropout = identity in eval mode)
    h = jax.nn.relu(_gcn_conv(x_node, src, dst, norm, W1, b1))
    # layer 2 (GCN) + ReLU
    h = jax.nn.relu(_gcn_conv(h, src, dst, norm, W2, b2))
    # layer 3 (GCN) + ReLU (GCN type always gets ReLU in this model)
    h = jax.nn.relu(_gcn_conv(h, src, dst, norm, W3, b3))
    # output linear head
    out = h @ Wout + bout
    return out

if __name__ == "__main__":
    import jax
    _d = setup_inputs()
    print(jax.jit(kernel)(*tuple(_d.values())))

</pallas_src>

<mosaic_0001>
#map = affine_map<(d0, d1) -> (0, 0)>
#map1 = affine_map<(d0, d1) -> (0, 0, 0, 0)>
#map2 = affine_map<(d0, d1) -> (0, 0, 0)>
module attributes {stable_mosaic.version = 14 : i64} {
  func.func @agg_kernel(%arg0: i32, %arg1: i32, %arg2: memref<40960x128xf32, #tpu.memory_space<hbm>>, %arg3: memref<4x16x80x128xi32, #tpu.memory_space<hbm>>, %arg4: memref<16x80x128xi32, #tpu.memory_space<hbm>>, %arg5: memref<4x10240x128xf32, #tpu.memory_space<hbm>>, %arg6: memref<2x16x128xi32, #tpu.memory_space<vmem>>, %arg7: memref<80x128xi32, #tpu.memory_space<vmem>>, %arg8: memref<2x128x128xf32, #tpu.memory_space<vmem>>, %arg9: memref<10240x128xf32, #tpu.memory_space<vmem_shared>>, %arg10: memref<!tpu.dma_semaphore, #tpu.memory_space<semaphore_mem>>, %arg11: memref<!tpu.dma_semaphore, #tpu.memory_space<semaphore_mem>>, %arg12: memref<!tpu.dma_semaphore, #tpu.memory_space<semaphore_mem>>) attributes {dimension_semantics = [#tpu.dimension_semantics<core_parallel>, #tpu.dimension_semantics<subcore_parallel>], iteration_bounds = array<i64: 2, 16>, scalar_prefetch = 0 : i64, scratch_operands = 7 : i64, tpu.core_type = #tpu.core_type<sc_vector_subcore>, window_params = [{transform_indices = #map}, {transform_indices = #map1}, {transform_indices = #map2}, {transform_indices = #map2}]} {
    "tpu.region"() ({
      %run_scoped3A_68 = tpu.sem_alloc : memref<!tpu.dma_semaphore, #tpu.memory_space<semaphore_mem>>
      %dma_start3A_69 = arith.constant 0 : i32
      %dma_start3A_70 = arith.constant 0 : i32
      %dma_start3A_71 = tpu.memref_slice %arg4[%arg1, %dma_start3A_69, %dma_start3A_70] : memref<16x80x128xi32, #tpu.memory_space<hbm>> -> memref<1x80x128xi32, #tpu.memory_space<hbm>>
      %dma_start3A_72 = tpu.memref_squeeze %dma_start3A_71 : memref<1x80x128xi32, #tpu.memory_space<hbm>> -> memref<80x128xi32, #tpu.memory_space<hbm>>
      %dma_start3A_73 = arith.constant 0 : i32
      %dma_start3A_74 = arith.constant 0 : i32
      %dma_start3A_75 = tpu.memref_slice %arg4[%arg1, %dma_start3A_73, %dma_start3A_74] : memref<16x80x128xi32, #tpu.memory_space<hbm>> -> memref<1x80x128xi32, #tpu.memory_space<hbm>>
      %dma_start3A_76 = tpu.memref_squeeze %dma_start3A_75 : memref<1x80x128xi32, #tpu.memory_space<hbm>> -> memref<80x128xi32, #tpu.memory_space<hbm>>
      tpu.enqueue_dma source(%dma_start3A_76 : memref<80x128xi32, #tpu.memory_space<hbm>>) target(%arg7 : memref<80x128xi32, #tpu.memory_space<vmem>>) target_semaphore(%run_scoped3A_68 : memref<!tpu.dma_semaphore, #tpu.memory_space<semaphore_mem>>)
      %dma_wait3A = arith.constant 0 : i32
      %dma_wait3A_77 = arith.constant 0 : i32
      %dma_wait3A_78 = tpu.memref_slice %arg4[%arg1, %dma_wait3A, %dma_wait3A_77] : memref<16x80x128xi32, #tpu.memory_space<hbm>> -> memref<1x80x128xi32, #tpu.memory_space<hbm>>
      %dma_wait3A_79 = tpu.memref_squeeze %dma_wait3A_78 : memref<1x80x128xi32, #tpu.memory_space<hbm>> -> memref<80x128xi32, #tpu.memory_space<hbm>>
      %dma_wait3A_80 = arith.constant 0 : i32
      %dma_wait3A_81 = arith.constant 0 : i32
      %dma_wait3A_82 = tpu.memref_slice %arg4[%arg1, %dma_wait3A_80, %dma_wait3A_81] : memref<16x80x128xi32, #tpu.memory_space<hbm>> -> memref<1x80x128xi32, #tpu.memory_space<hbm>>
      %dma_wait3A_83 = tpu.memref_squeeze %dma_wait3A_82 : memref<1x80x128xi32, #tpu.memory_space<hbm>> -> memref<80x128xi32, #tpu.memory_space<hbm>>
      tpu.wait_dma2 semaphore(%run_scoped3A_68 : memref<!tpu.dma_semaphore, #tpu.memory_space<semaphore_mem>>) src(%dma_wait3A_83 : memref<80x128xi32, #tpu.memory_space<hbm>>) dst(%arg7 : memref<80x128xi32, #tpu.memory_space<vmem>>)
      tpu.yield
    }) : () -> ()
    %mul3A = arith.constant 2 : i32
    %mul3A_0 = arith.muli %arg0, %mul3A : i32
    %add3A = arith.constant 0 : i32
    %add3A_1 = arith.addi %mul3A_0, %add3A : i32
    %mul3A_2 = arith.constant 10240 : i32
    %mul3A_3 = arith.muli %add3A_1, %mul3A_2 : i32
    %mul3A_4 = arith.constant 640 : i32
    %mul3A_5 = arith.muli %arg1, %mul3A_4 : i32
    %add3A_6 = arith.addi %mul3A_3, %mul3A_5 : i32
    %mul3A_7 = arith.constant 640 : i32
    %mul3A_8 = arith.muli %arg1, %mul3A_7 : i32
    "tpu.region"() ({
      %run_scoped3A_68 = tpu.sem_alloc : memref<!tpu.dma_semaphore, #tpu.memory_space<semaphore_mem>>
      %dma_start3A_69 = arith.constant 0 : i32
      %dma_start3A_70 = tpu.memref_slice %arg9[%mul3A_8, %dma_start3A_69] : memref<10240x128xf32, #tpu.memory_space<vmem_shared>> -> memref<640x128xf32, #tpu.memory_space<vmem_shared>>
      %dma_start3A_71 = arith.constant 0 : i32
      %dma_start3A_72 = tpu.memref_slice %arg2[%add3A_6, %dma_start3A_71] : memref<40960x128xf32, #tpu.memory_space<hbm>> -> memref<640x128xf32, #tpu.memory_space<hbm>>
      tpu.enqueue_dma source(%dma_start3A_72 : memref<640x128xf32, #tpu.memory_space<hbm>>) target(%dma_start3A_70 : memref<640x128xf32, #tpu.memory_space<vmem_shared>>) target_semaphore(%run_scoped3A_68 : memref<!tpu.dma_semaphore, #tpu.memory_space<semaphore_mem>>)
      %dma_wait3A = arith.constant 0 : i32
      %dma_wait3A_73 = tpu.memref_slice %arg9[%mul3A_8, %dma_wait3A] : memref<10240x128xf32, #tpu.memory_space<vmem_shared>> -> memref<640x128xf32, #tpu.memory_space<vmem_shared>>
      %dma_wait3A_74 = arith.constant 0 : i32
      %dma_wait3A_75 = tpu.memref_slice %arg2[%add3A_6, %dma_wait3A_74] : memref<40960x128xf32, #tpu.memory_space<hbm>> -> memref<640x128xf32, #tpu.memory_space<hbm>>
      tpu.wait_dma2 semaphore(%run_scoped3A_68 : memref<!tpu.dma_semaphore, #tpu.memory_space<semaphore_mem>>) src(%dma_wait3A_75 : memref<640x128xf32, #tpu.memory_space<hbm>>) dst(%dma_wait3A_73 : memref<640x128xf32, #tpu.memory_space<vmem_shared>>)
      tpu.yield
    }) : () -> ()
    %run_scoped3A = arith.constant 0 : i32
    "tpu.region"() ({
      %run_scoped3A_68 = tpu.sem_alloc : memref<!tpu.dma_semaphore, #tpu.memory_space<semaphore_mem>>
      %dma_start3A_69 = arith.constant 0 : i32
      %dma_start3A_70 = arith.constant 0 : i32
      %dma_start3A_71 = tpu.memref_slice %arg6[%run_scoped3A, %dma_start3A_69, %dma_start3A_70] : memref<2x16x128xi32, #tpu.memory_space<vmem>> -> memref<1x16x128xi32, #tpu.memory_space<vmem>>
      %dma_start3A_72 = tpu.memref_squeeze %dma_start3A_71 : memref<1x16x128xi32, #tpu.memory_space<vmem>> -> memref<16x128xi32, #tpu.memory_space<vmem>>
      %dma_start3A_73 = arith.constant 0 : i32
      %dma_start3A_74 = arith.constant 0 : i32
      %dma_start3A_75 = tpu.memref_slice %arg3[%add3A_1, %arg1, %dma_start3A_73, %dma_start3A_74] : memref<4x16x80x128xi32, #tpu.memory_space<hbm>> -> memref<1x1x16x128xi32, #tpu.memory_space<hbm>>
      %dma_start3A_76 = tpu.memref_squeeze %dma_start3A_75 : memref<1x1x16x128xi32, #tpu.memory_space<hbm>> -> memref<16x128xi32, #tpu.memory_space<hbm>>
      %dma_start3A_77 = arith.constant 0 : i32
      %dma_start3A_78 = arith.constant 0 : i32
      %dma_start3A_79 = tpu.memref_slice %arg6[%run_scoped3A, %dma_start3A_77, %dma_start3A_78] : memref<2x16x128xi32, #tpu.memory_space<vmem>> -> memref<1x16x128xi32, #tpu.memory_space<vmem>>
      %dma_start3A_80 = tpu.memref_squeeze %dma_start3A_79 : memref<1x16x128xi32, #tpu.memory_space<vmem>> -> memref<16x128xi32, #tpu.memory_space<vmem>>
      %dma_start3A_81 = arith.constant 0 : i32
      %dma_start3A_82 = arith.constant 0 : i32
      %dma_start3A_83 = tpu.memref_slice %arg3[%add3A_1, %arg1, %dma_start3A_81, %dma_start3A_82] : memref<4x16x80x128xi32, #tpu.memory_space<hbm>> -> memref<1x1x16x128xi32, #tpu.memory_space<hbm>>
      %dma_start3A_84 = tpu.memref_squeeze %dma_start3A_83 : memref<1x1x16x128xi32, #tpu.memory_space<hbm>> -> memref<16x128xi32, #tpu.memory_space<hbm>>
      tpu.enqueue_dma source(%dma_start3A_84 : memref<16x128xi32, #tpu.memory_space<hbm>>) target(%dma_start3A_80 : memref<16x128xi32, #tpu.memory_space<vmem>>) target_semaphore(%run_scoped3A_68 : memref<!tpu.dma_semaphore, #tpu.memory_space<semaphore_mem>>)
      %dma_wait3A = arith.constant 0 : i32
      %dma_wait3A_85 = arith.constant 0 : i32
      %dma_wait3A_86 = tpu.memref_slice %arg6[%run_scoped3A, %dma_wait3A, %dma_wait3A_85] : memref<2x16x128xi32, #tpu.memory_space<vmem>> -> memref<1x16x128xi32, #tpu.memory_space<vmem>>
      %dma_wait3A_87 = tpu.memref_squeeze %dma_wait3A_86 : memref<1x16x128xi32, #tpu.memory_space<vmem>> -> memref<16x128xi32, #tpu.memory_space<vmem>>
      %dma_wait3A_88 = arith.constant 0 : i32
      %dma_wait3A_89 = arith.constant 0 : i32
      %dma_wait3A_90 = tpu.memref_slice %arg3[%add3A_1, %arg1, %dma_wait3A_88, %dma_wait3A_89] : memref<4x16x80x128xi32, #tpu.memory_space<hbm>> -> memref<1x1x16x128xi32, #tpu.memory_space<hbm>>
      %dma_wait3A_91 = tpu.memref_squeeze %dma_wait3A_90 : memref<1x1x16x128xi32, #tpu.memory_space<hbm>> -> memref<16x128xi32, #tpu.memory_space<hbm>>
      %dma_wait3A_92 = arith.constant 0 : i32
      %dma_wait3A_93 = arith.constant 0 : i32
      %dma_wait3A_94 = tpu.memref_slice %arg6[%run_scoped3A, %dma_wait3A_92, %dma_wait3A_93] : memref<2x16x128xi32, #tpu.memory_space<vmem>> -> memref<1x16x128xi32, #tpu.memory_space<vmem>>
      %dma_wait3A_95 = tpu.memref_squeeze %dma_wait3A_94 : memref<1x16x128xi32, #tpu.memory_space<vmem>> -> memref<16x128xi32, #tpu.memory_space<vmem>>
      %dma_wait3A_96 = arith.constant 0 : i32
      %dma_wait3A_97 = arith.constant 0 : i32
      %dma_wait3A_98 = tpu.memref_slice %arg3[%add3A_1, %arg1, %dma_wait3A_96, %dma_wait3A_97] : memref<4x16x80x128xi32, #tpu.memory_space<hbm>> -> memref<1x1x16x128xi32, #tpu.memory_space<hbm>>
      %dma_wait3A_99 = tpu.memref_squeeze %dma_wait3A_98 : memref<1x1x16x128xi32, #tpu.memory_space<hbm>> -> memref<16x128xi32, #tpu.memory_space<hbm>>
      tpu.wait_dma2 semaphore(%run_scoped3A_68 : memref<!tpu.dma_semaphore, #tpu.memory_space<semaphore_mem>>) src(%dma_wait3A_99 : memref<16x128xi32, #tpu.memory_space<hbm>>) dst(%dma_wait3A_95 : memref<16x128xi32, #tpu.memory_space<vmem>>)
      tpu.yield
    }) : () -> ()
    %barrier3A = arith.constant 0 : index
    tpu.barrier barrier_id(%barrier3A)
    %dma_start3A = arith.constant 0 : i32
    %dma_start3A_9 = arith.constant 0 : i32
    %dma_start3A_10 = arith.constant 0 : i32
    %dma_start3A_11 = arith.constant 0 : i32
    %dma_start3A_12 = arith.constant 0 : i32
    %dma_start3A_13 = tpu.memref_slice %arg8[%dma_start3A_10, %dma_start3A_11, %dma_start3A_12] : memref<2x128x128xf32, #tpu.memory_space<vmem>> -> memref<1x128x128xf32, #tpu.memory_space<vmem>>
    %dma_start3A_14 = tpu.memref_squeeze %dma_start3A_13 : memref<1x128x128xf32, #tpu.memory_space<vmem>> -> memref<128x128xf32, #tpu.memory_space<vmem>>
    %dma_start3A_15 = arith.constant 0 : i32
    %dma_start3A_16 = tpu.memref_slice %arg6[%dma_start3A, %dma_start3A_9, %dma_start3A_15] : memref<2x16x128xi32, #tpu.memory_space<vmem>> -> memref<1x1x128xi32, #tpu.memory_space<vmem>>
    %dma_start3A_17 = tpu.memref_squeeze %dma_start3A_16 : memref<1x1x128xi32, #tpu.memory_space<vmem>> -> memref<128xi32, #tpu.memory_space<vmem>>
    %dma_start3A_18 = arith.constant 0 : i32
    %dma_start3A_19 = arith.constant 0 : i32
    %dma_start3A_20 = tpu.memref_slice %arg2[%dma_start3A_18, %dma_start3A_19] : memref<40960x128xf32, #tpu.memory_space<hbm>> -> memref<40960x128xf32, #tpu.memory_space<hbm>>
    tpu.enqueue_indirect_dma source(%dma_start3A_20 : memref<40960x128xf32, #tpu.memory_space<hbm>>) target(%dma_start3A_14 : memref<128x128xf32, #tpu.memory_space<vmem>>) offsets(%dma_start3A_17 : memref<128xi32, #tpu.memory_space<vmem>>) semaphore(%arg10 : memref<!tpu.dma_semaphore, #tpu.memory_space<semaphore_mem>>)
    %scan3A = arith.constant 0 : i32
    %scan3A_21 = arith.constant 0 : i32
    %scan3A_22 = arith.constant 5 : i32
    %scan3A_23 = arith.addi %scan3A_21, %scan3A_22 : i32
    %scan3A_24 = arith.constant 1 : i32
    scf.for %scan3A_68 = %scan3A_21 to %scan3A_23 step %scan3A_24  : i32 {
      %jit3A = arith.constant 2 : i32
      %eq3A = arith.constant 0 : i32
      %eq3A_69 = arith.cmpi eq, %jit3A, %eq3A : i32
      %jit3A_70 = arith.constant 1 : i32
      %select_n3A = arith.select %eq3A_69, %jit3A_70, %jit3A : i32
      %rem3A = arith.remsi %scan3A_68, %select_n3A : i32
      %ne3A = arith.constant 0 : i32
      %ne3A_71 = arith.cmpi ne, %rem3A, %ne3A : i32
      %lt3A = arith.constant 0 : i32
      %lt3A_72 = arith.cmpi slt, %rem3A, %lt3A : i32
      %lt3A_73 = arith.constant 0 : i32
      %lt3A_74 = arith.cmpi slt, %select_n3A, %lt3A_73 : i32
      %ne3A_75 = arith.xori %lt3A_72, %lt3A_74 : i1
      %and3A = arith.andi %ne3A_75, %ne3A_71 : i1
      %add3A_76 = arith.addi %rem3A, %select_n3A : i32
      %select_n3A_77 = arith.select %and3A, %add3A_76, %rem3A : i32
      %lt3A_78 = arith.constant 4 : i32
      %lt3A_79 = arith.cmpi slt, %scan3A_68, %lt3A_78 : i32
      %convert_element_type3A = arith.extui %lt3A_79 : i1 to i32
      %cond3A = arith.constant 0 : i32
      %cond3A_80 = arith.cmpi ne, %convert_element_type3A, %cond3A : i32
      scf.if %cond3A_80 {
        %add3A_92 = arith.constant 1 : i32
        %add3A_93 = arith.addi %scan3A_68, %add3A_92 : i32
        %mul3A_94 = arith.constant 16 : i32
        %mul3A_95 = arith.muli %add3A_93, %mul3A_94 : i32
        %sub3A = arith.constant 1 : i32
        %sub3A_96 = arith.subi %sub3A, %select_n3A_77 : i32
        %dma_start3A_97 = arith.constant 0 : i32
        %dma_start3A_98 = arith.constant 0 : i32
        %dma_start3A_99 = tpu.memref_slice %arg6[%sub3A_96, %dma_start3A_97, %dma_start3A_98] : memref<2x16x128xi32, #tpu.memory_space<vmem>> -> memref<1x16x128xi32, #tpu.memory_space<vmem>>
        %dma_start3A_100 = tpu.memref_squeeze %dma_start3A_99 : memref<1x16x128xi32, #tpu.memory_space<vmem>> -> memref<16x128xi32, #tpu.memory_space<vmem>>
        %dma_start3A_101 = arith.constant 0 : i32
        %dma_start3A_102 = tpu.memref_slice %arg3[%add3A_1, %arg1, %mul3A_95, %dma_start3A_101] : memref<4x16x80x128xi32, #tpu.memory_space<hbm>> -> memref<1x1x16x128xi32, #tpu.memory_space<hbm>>
        %dma_start3A_103 = tpu.memref_squeeze %dma_start3A_102 : memref<1x1x16x128xi32, #tpu.memory_space<hbm>> -> memref<16x128xi32, #tpu.memory_space<hbm>>
        %dma_start3A_104 = arith.constant 0 : i32
        %dma_start3A_105 = arith.constant 0 : i32
        %dma_start3A_106 = tpu.memref_slice %arg6[%sub3A_96, %dma_start3A_104, %dma_start3A_105] : memref<2x16x128xi32, #tpu.memory_space<vmem>> -> memref<1x16x128xi32, #tpu.memory_space<vmem>>
        %dma_start3A_107 = tpu.memref_squeeze %dma_start3A_106 : memref<1x16x128xi32, #tpu.memory_space<vmem>> -> memref<16x128xi32, #tpu.memory_space<vmem>>
        %dma_start3A_108 = arith.constant 0 : i32
        %dma_start3A_109 = tpu.memref_slice %arg3[%add3A_1, %arg1, %mul3A_95, %dma_start3A_108] : memref<4x16x80x128xi32, #tpu.memory_space<hbm>> -> memref<1x1x16x128xi32, #tpu.memory_space<hbm>>
        %dma_start3A_110 = tpu.memref_squeeze %dma_start3A_109 : memref<1x1x16x128xi32, #tpu.memory_space<hbm>> -> memref<16x128xi32, #tpu.memory_space<hbm>>
        tpu.enqueue_dma source(%dma_start3A_110 : memref<16x128xi32, #tpu.memory_space<hbm>>) target(%dma_start3A_107 : memref<16x128xi32, #tpu.memory_space<vmem>>) target_semaphore(%arg12 : memref<!tpu.dma_semaphore, #tpu.memory_space<semaphore_mem>>)
      } else {
      }
      %scan3A_81 = arith.constant 0 : i32
      %scan3A_82 = arith.constant 0 : i32
      %scan3A_83 = arith.constant 8 : i32
      %scan3A_84 = arith.addi %scan3A_82, %scan3A_83 : i32
      %scan3A_85 = arith.constant 1 : i32
      scf.for %scan3A_92 = %scan3A_82 to %scan3A_84 step %scan3A_85  : i32 {
        %mul3A_93 = arith.constant 2 : i32
        %mul3A_94 = arith.muli %mul3A_93, %scan3A_92 : i32
        %add3A_95 = arith.constant 1 : i32
        %add3A_96 = arith.addi %mul3A_94, %add3A_95 : i32
        %mul3A_97 = arith.constant 16 : i32
        %mul3A_98 = arith.muli %scan3A_68, %mul3A_97 : i32
        %dma_start3A_99 = arith.constant 1 : i32
        %dma_start3A_100 = arith.constant 0 : i32
        %dma_start3A_101 = arith.constant 0 : i32
        %dma_start3A_102 = tpu.memref_slice %arg8[%dma_start3A_99, %dma_start3A_100, %dma_start3A_101] : memref<2x128x128xf32, #tpu.memory_space<vmem>> -> memref<1x128x128xf32, #tpu.memory_space<vmem>>
        %dma_start3A_103 = tpu.memref_squeeze %dma_start3A_102 : memref<1x128x128xf32, #tpu.memory_space<vmem>> -> memref<128x128xf32, #tpu.memory_space<vmem>>
        %dma_start3A_104 = arith.constant 0 : i32
        %dma_start3A_105 = tpu.memref_slice %arg6[%select_n3A_77, %add3A_96, %dma_start3A_104] : memref<2x16x128xi32, #tpu.memory_space<vmem>> -> memref<1x1x128xi32, #tpu.memory_space<vmem>>
        %dma_start3A_106 = tpu.memref_squeeze %dma_start3A_105 : memref<1x1x128xi32, #tpu.memory_space<vmem>> -> memref<128xi32, #tpu.memory_space<vmem>>
        %dma_start3A_107 = arith.constant 0 : i32
        %dma_start3A_108 = arith.constant 0 : i32
        %dma_start3A_109 = tpu.memref_slice %arg2[%dma_start3A_107, %dma_start3A_108] : memref<40960x128xf32, #tpu.memory_space<hbm>> -> memref<40960x128xf32, #tpu.memory_space<hbm>>
        tpu.enqueue_indirect_dma source(%dma_start3A_109 : memref<40960x128xf32, #tpu.memory_space<hbm>>) target(%dma_start3A_103 : memref<128x128xf32, #tpu.memory_space<vmem>>) offsets(%dma_start3A_106 : memref<128xi32, #tpu.memory_space<vmem>>) semaphore(%arg11 : memref<!tpu.dma_semaphore, #tpu.memory_space<semaphore_mem>>)
        %dma_wait3A = arith.constant 0 : i32
        %dma_wait3A_110 = arith.constant 0 : i32
        %dma_wait3A_111 = arith.constant 0 : i32
        %dma_wait3A_112 = tpu.memref_slice %arg8[%dma_wait3A, %dma_wait3A_110, %dma_wait3A_111] : memref<2x128x128xf32, #tpu.memory_space<vmem>> -> memref<1x128x128xf32, #tpu.memory_space<vmem>>
        %dma_wait3A_113 = tpu.memref_squeeze %dma_wait3A_112 : memref<1x128x128xf32, #tpu.memory_space<vmem>> -> memref<128x128xf32, #tpu.memory_space<vmem>>
        %dma_wait3A_114 = arith.constant 0 : i32
        %dma_wait3A_115 = tpu.memref_slice %arg6[%select_n3A_77, %mul3A_94, %dma_wait3A_114] : memref<2x16x128xi32, #tpu.memory_space<vmem>> -> memref<1x1x128xi32, #tpu.memory_space<vmem>>
        %dma_wait3A_116 = tpu.memref_squeeze %dma_wait3A_115 : memref<1x1x128xi32, #tpu.memory_space<vmem>> -> memref<128xi32, #tpu.memory_space<vmem>>
        %dma_wait3A_117 = arith.constant 0 : i32
        %dma_wait3A_118 = arith.constant 0 : i32
        %dma_wait3A_119 = tpu.memref_slice %arg2[%dma_wait3A_117, %dma_wait3A_118] : memref<40960x128xf32, #tpu.memory_space<hbm>> -> memref<40960x128xf32, #tpu.memory_space<hbm>>
        tpu.wait_indirect_dma semaphore(%arg10 : memref<!tpu.dma_semaphore, #tpu.memory_space<semaphore_mem>>) src(%dma_wait3A_119 : memref<40960x128xf32, #tpu.memory_space<hbm>>) dst(%dma_wait3A_113 : memref<128x128xf32, #tpu.memory_space<vmem>>)
        %add3A_120 = arith.addi %mul3A_98, %mul3A_94 : i32
        %run_scoped3A_121 = arith.constant 0 : i32
        "tpu.region"() ({
          %run_scoped3A_140 = tpu.sem_alloc : memref<!tpu.dma_semaphore, #tpu.memory_space<semaphore_mem>>
          %dma_start3A_141 = arith.constant 0 : i32
          %dma_start3A_142 = arith.constant 0 : i32
          %dma_start3A_143 = tpu.memref_slice %arg8[%run_scoped3A_121, %dma_start3A_141, %dma_start3A_142] : memref<2x128x128xf32, #tpu.memory_space<vmem>> -> memref<1x128x128xf32, #tpu.memory_space<vmem>>
          %dma_start3A_144 = tpu.memref_squeeze %dma_start3A_143 : memref<1x128x128xf32, #tpu.memory_space<vmem>> -> memref<128x128xf32, #tpu.memory_space<vmem>>
          %dma_start3A_145 = arith.constant 0 : i32
          %dma_start3A_146 = tpu.memref_slice %arg7[%add3A_120, %dma_start3A_145] : memref<80x128xi32, #tpu.memory_space<vmem>> -> memref<1x128xi32, #tpu.memory_space<vmem>>
          %dma_start3A_147 = tpu.memref_squeeze %dma_start3A_146 : memref<1x128xi32, #tpu.memory_space<vmem>> -> memref<128xi32, #tpu.memory_space<vmem>>
          %dma_start3A_148 = arith.constant 0 : i32
          %dma_start3A_149 = arith.constant 0 : i32
          %dma_start3A_150 = tpu.memref_slice %arg9[%dma_start3A_148, %dma_start3A_149] : memref<10240x128xf32, #tpu.memory_space<vmem_shared>> -> memref<10240x128xf32, #tpu.memory_space<vmem_shared>>
          tpu.enqueue_indirect_dma source(%dma_start3A_144 : memref<128x128xf32, #tpu.memory_space<vmem>>) target(%dma_start3A_150 : memref<10240x128xf32, #tpu.memory_space<vmem_shared>>) offsets(%dma_start3A_147 : memref<128xi32, #tpu.memory_space<vmem>>) semaphore(%run_scoped3A_140 : memref<!tpu.dma_semaphore, #tpu.memory_space<semaphore_mem>>) {add = true}
          %dma_wait3A_151 = arith.constant 0 : i32
          %dma_wait3A_152 = arith.constant 0 : i32
          %dma_wait3A_153 = tpu.memref_slice %arg8[%run_scoped3A_121, %dma_wait3A_151, %dma_wait3A_152] : memref<2x128x128xf32, #tpu.memory_space<vmem>> -> memref<1x128x128xf32, #tpu.memory_space<vmem>>
          %dma_wait3A_154 = tpu.memref_squeeze %dma_wait3A_153 : memref<1x128x128xf32, #tpu.memory_space<vmem>> -> memref<128x128xf32, #tpu.memory_space<vmem>>
          %dma_wait3A_155 = arith.constant 0 : i32
          %dma_wait3A_156 = tpu.memref_slice %arg7[%add3A_120, %dma_wait3A_155] : memref<80x128xi32, #tpu.memory_space<vmem>> -> memref<1x128xi32, #tpu.memory_space<vmem>>
          %dma_wait3A_157 = tpu.memref_squeeze %dma_wait3A_156 : memref<1x128xi32, #tpu.memory_space<vmem>> -> memref<128xi32, #tpu.memory_space<vmem>>
          %dma_wait3A_158 = arith.constant 0 : i32
          %dma_wait3A_159 = arith.constant 0 : i32
          %dma_wait3A_160 = tpu.memref_slice %arg9[%dma_wait3A_158, %dma_wait3A_159] : memref<10240x128xf32, #tpu.memory_space<vmem_shared>> -> memref<10240x128xf32, #tpu.memory_space<vmem_shared>>
          tpu.wait_indirect_dma semaphore(%run_scoped3A_140 : memref<!tpu.dma_semaphore, #tpu.memory_space<semaphore_mem>>) src(%dma_wait3A_154 : memref<128x128xf32, #tpu.memory_space<vmem>>) dst(%dma_wait3A_160 : memref<10240x128xf32, #tpu.memory_space<vmem_shared>>)
          tpu.yield
        }) : () -> ()
        %lt3A_122 = arith.constant 7 : i32
        %lt3A_123 = arith.cmpi slt, %scan3A_92, %lt3A_122 : i32
        %convert_element_type3A_124 = arith.extui %lt3A_123 : i1 to i32
        %cond3A_125 = arith.constant 0 : i32
        %cond3A_126 = arith.cmpi ne, %convert_element_type3A_124, %cond3A_125 : i32
        scf.if %cond3A_126 {
          %add3A_140 = arith.constant 2 : i32
          %add3A_141 = arith.addi %mul3A_94, %add3A_140 : i32
          %dma_start3A_142 = arith.constant 0 : i32
          %dma_start3A_143 = arith.constant 0 : i32
          %dma_start3A_144 = arith.constant 0 : i32
          %dma_start3A_145 = tpu.memref_slice %arg8[%dma_start3A_142, %dma_start3A_143, %dma_start3A_144] : memref<2x128x128xf32, #tpu.memory_space<vmem>> -> memref<1x128x128xf32, #tpu.memory_space<vmem>>
          %dma_start3A_146 = tpu.memref_squeeze %dma_start3A_145 : memref<1x128x128xf32, #tpu.memory_space<vmem>> -> memref<128x128xf32, #tpu.memory_space<vmem>>
          %dma_start3A_147 = arith.constant 0 : i32
          %dma_start3A_148 = tpu.memref_slice %arg6[%select_n3A_77, %add3A_141, %dma_start3A_147] : memref<2x16x128xi32, #tpu.memory_space<vmem>> -> memref<1x1x128xi32, #tpu.memory_space<vmem>>
          %dma_start3A_149 = tpu.memref_squeeze %dma_start3A_148 : memref<1x1x128xi32, #tpu.memory_space<vmem>> -> memref<128xi32, #tpu.memory_space<vmem>>
          %dma_start3A_150 = arith.constant 0 : i32
          %dma_start3A_151 = arith.constant 0 : i32
          %dma_start3A_152 = tpu.memref_slice %arg2[%dma_start3A_150, %dma_start3A_151] : memref<40960x128xf32, #tpu.memory_space<hbm>> -> memref<40960x128xf32, #tpu.memory_space<hbm>>
          tpu.enqueue_indirect_dma source(%dma_start3A_152 : memref<40960x128xf32, #tpu.memory_space<hbm>>) target(%dma_start3A_146 : memref<128x128xf32, #tpu.memory_space<vmem>>) offsets(%dma_start3A_149 : memref<128xi32, #tpu.memory_space<vmem>>) semaphore(%arg10 : memref<!tpu.dma_semaphore, #tpu.memory_space<semaphore_mem>>)
        } else {
        }
        %dma_wait3A_127 = arith.constant 1 : i32
        %dma_wait3A_128 = arith.constant 0 : i32
        %dma_wait3A_129 = arith.constant 0 : i32
        %dma_wait3A_130 = tpu.memref_slice %arg8[%dma_wait3A_127, %dma_wait3A_128, %dma_wait3A_129] : memref<2x128x128xf32, #tpu.memory_space<vmem>> -> memref<1x128x128xf32, #tpu.memory_space<vmem>>
        %dma_wait3A_131 = tpu.memref_squeeze %dma_wait3A_130 : memref<1x128x128xf32, #tpu.memory_space<vmem>> -> memref<128x128xf32, #tpu.memory_space<vmem>>
        %dma_wait3A_132 = arith.constant 0 : i32
        %dma_wait3A_133 = tpu.memref_slice %arg6[%select_n3A_77, %add3A_96, %dma_wait3A_132] : memref<2x16x128xi32, #tpu.memory_space<vmem>> -> memref<1x1x128xi32, #tpu.memory_space<vmem>>
        %dma_wait3A_134 = tpu.memref_squeeze %dma_wait3A_133 : memref<1x1x128xi32, #tpu.memory_space<vmem>> -> memref<128xi32, #tpu.memory_space<vmem>>
        %dma_wait3A_135 = arith.constant 0 : i32
        %dma_wait3A_136 = arith.constant 0 : i32
        %dma_wait3A_137 = tpu.memref_slice %arg2[%dma_wait3A_135, %dma_wait3A_136] : memref<40960x128xf32, #tpu.memory_space<hbm>> -> memref<40960x128xf32, #tpu.memory_space<hbm>>
        tpu.wait_indirect_dma semaphore(%arg11 : memref<!tpu.dma_semaphore, #tpu.memory_space<semaphore_mem>>) src(%dma_wait3A_137 : memref<40960x128xf32, #tpu.memory_space<hbm>>) dst(%dma_wait3A_131 : memref<128x128xf32, #tpu.memory_space<vmem>>)
        %add3A_138 = arith.addi %mul3A_98, %add3A_96 : i32
        %run_scoped3A_139 = arith.constant 1 : i32
        "tpu.region"() ({
          %run_scoped3A_140 = tpu.sem_alloc : memref<!tpu.dma_semaphore, #tpu.memory_space<semaphore_mem>>
          %dma_start3A_141 = arith.constant 0 : i32
          %dma_start3A_142 = arith.constant 0 : i32
          %dma_start3A_143 = tpu.memref_slice %arg8[%run_scoped3A_139, %dma_start3A_141, %dma_start3A_142] : memref<2x128x128xf32, #tpu.memory_space<vmem>> -> memref<1x128x128xf32, #tpu.memory_space<vmem>>
          %dma_start3A_144 = tpu.memref_squeeze %dma_start3A_143 : memref<1x128x128xf32, #tpu.memory_space<vmem>> -> memref<128x128xf32, #tpu.memory_space<vmem>>
          %dma_start3A_145 = arith.constant 0 : i32
          %dma_start3A_146 = tpu.memref_slice %arg7[%add3A_138, %dma_start3A_145] : memref<80x128xi32, #tpu.memory_space<vmem>> -> memref<1x128xi32, #tpu.memory_space<vmem>>
          %dma_start3A_147 = tpu.memref_squeeze %dma_start3A_146 : memref<1x128xi32, #tpu.memory_space<vmem>> -> memref<128xi32, #tpu.memory_space<vmem>>
          %dma_start3A_148 = arith.constant 0 : i32
          %dma_start3A_149 = arith.constant 0 : i32
          %dma_start3A_150 = tpu.memref_slice %arg9[%dma_start3A_148, %dma_start3A_149] : memref<10240x128xf32, #tpu.memory_space<vmem_shared>> -> memref<10240x128xf32, #tpu.memory_space<vmem_shared>>
          tpu.enqueue_indirect_dma source(%dma_start3A_144 : memref<128x128xf32, #tpu.memory_space<vmem>>) target(%dma_start3A_150 : memref<10240x128xf32, #tpu.memory_space<vmem_shared>>) offsets(%dma_start3A_147 : memref<128xi32, #tpu.memory_space<vmem>>) semaphore(%run_scoped3A_140 : memref<!tpu.dma_semaphore, #tpu.memory_space<semaphore_mem>>) {add = true}
          %dma_wait3A_151 = arith.constant 0 : i32
          %dma_wait3A_152 = arith.constant 0 : i32
          %dma_wait3A_153 = tpu.memref_slice %arg8[%run_scoped3A_139, %dma_wait3A_151, %dma_wait3A_152] : memref<2x128x128xf32, #tpu.memory_space<vmem>> -> memref<1x128x128xf32, #tpu.memory_space<vmem>>
          %dma_wait3A_154 = tpu.memref_squeeze %dma_wait3A_153 : memref<1x128x128xf32, #tpu.memory_space<vmem>> -> memref<128x128xf32, #tpu.memory_space<vmem>>
          %dma_wait3A_155 = arith.constant 0 : i32
          %dma_wait3A_156 = tpu.memref_slice %arg7[%add3A_138, %dma_wait3A_155] : memref<80x128xi32, #tpu.memory_space<vmem>> -> memref<1x128xi32, #tpu.memory_space<vmem>>
          %dma_wait3A_157 = tpu.memref_squeeze %dma_wait3A_156 : memref<1x128xi32, #tpu.memory_space<vmem>> -> memref<128xi32, #tpu.memory_space<vmem>>
          %dma_wait3A_158 = arith.constant 0 : i32
          %dma_wait3A_159 = arith.constant 0 : i32
          %dma_wait3A_160 = tpu.memref_slice %arg9[%dma_wait3A_158, %dma_wait3A_159] : memref<10240x128xf32, #tpu.memory_space<vmem_shared>> -> memref<10240x128xf32, #tpu.memory_space<vmem_shared>>
          tpu.wait_indirect_dma semaphore(%run_scoped3A_140 : memref<!tpu.dma_semaphore, #tpu.memory_space<semaphore_mem>>) src(%dma_wait3A_154 : memref<128x128xf32, #tpu.memory_space<vmem>>) dst(%dma_wait3A_160 : memref<10240x128xf32, #tpu.memory_space<vmem_shared>>)
          tpu.yield
        }) : () -> ()
      }
      %scan3A_86 = arith.constant 8 : i32
      %lt3A_87 = arith.constant 4 : i32
      %lt3A_88 = arith.cmpi slt, %scan3A_68, %lt3A_87 : i32
      %convert_element_type3A_89 = arith.extui %lt3A_88 : i1 to i32
      %cond3A_90 = arith.constant 0 : i32
      %cond3A_91 = arith.cmpi ne, %convert_element_type3A_89, %cond3A_90 : i32
      scf.if %cond3A_91 {
        %add3A_92 = arith.constant 1 : i32
        %add3A_93 = arith.addi %scan3A_68, %add3A_92 : i32
        %mul3A_94 = arith.constant 16 : i32
        %mul3A_95 = arith.muli %add3A_93, %mul3A_94 : i32
        %sub3A = arith.constant 1 : i32
        %sub3A_96 = arith.subi %sub3A, %select_n3A_77 : i32
        %dma_wait3A = arith.constant 0 : i32
        %dma_wait3A_97 = arith.constant 0 : i32
        %dma_wait3A_98 = tpu.memref_slice %arg6[%sub3A_96, %dma_wait3A, %dma_wait3A_97] : memref<2x16x128xi32, #tpu.memory_space<vmem>> -> memref<1x16x128xi32, #tpu.memory_space<vmem>>
        %dma_wait3A_99 = tpu.memref_squeeze %dma_wait3A_98 : memref<1x16x128xi32, #tpu.memory_space<vmem>> -> memref<16x128xi32, #tpu.memory_space<vmem>>
        %dma_wait3A_100 = arith.constant 0 : i32
        %dma_wait3A_101 = tpu.memref_slice %arg3[%add3A_1, %arg1, %mul3A_95, %dma_wait3A_100] : memref<4x16x80x128xi32, #tpu.memory_space<hbm>> -> memref<1x1x16x128xi32, #tpu.memory_space<hbm>>
        %dma_wait3A_102 = tpu.memref_squeeze %dma_wait3A_101 : memref<1x1x16x128xi32, #tpu.memory_space<hbm>> -> memref<16x128xi32, #tpu.memory_space<hbm>>
        %dma_wait3A_103 = arith.constant 0 : i32
        %dma_wait3A_104 = arith.constant 0 : i32
        %dma_wait3A_105 = tpu.memref_slice %arg6[%sub3A_96, %dma_wait3A_103, %dma_wait3A_104] : memref<2x16x128xi32, #tpu.memory_space<vmem>> -> memref<1x16x128xi32, #tpu.memory_space<vmem>>
        %dma_wait3A_106 = tpu.memref_squeeze %dma_wait3A_105 : memref<1x16x128xi32, #tpu.memory_space<vmem>> -> memref<16x128xi32, #tpu.memory_space<vmem>>
        %dma_wait3A_107 = arith.constant 0 : i32
        %dma_wait3A_108 = tpu.memref_slice %arg3[%add3A_1, %arg1, %mul3A_95, %dma_wait3A_107] : memref<4x16x80x128xi32, #tpu.memory_space<hbm>> -> memref<1x1x16x128xi32, #tpu.memory_space<hbm>>
        %dma_wait3A_109 = tpu.memref_squeeze %dma_wait3A_108 : memref<1x1x16x128xi32, #tpu.memory_space<hbm>> -> memref<16x128xi32, #tpu.memory_space<hbm>>
        tpu.wait_dma2 semaphore(%arg12 : memref<!tpu.dma_semaphore, #tpu.memory_space<semaphore_mem>>) src(%dma_wait3A_109 : memref<16x128xi32, #tpu.memory_space<hbm>>) dst(%dma_wait3A_106 : memref<16x128xi32, #tpu.memory_space<vmem>>)
        %sub3A_110 = arith.constant 1 : i32
        %sub3A_111 = arith.subi %sub3A_110, %select_n3A_77 : i32
        %dma_start3A_112 = arith.constant 0 : i32
        %dma_start3A_113 = arith.constant 0 : i32
        %dma_start3A_114 = arith.constant 0 : i32
        %dma_start3A_115 = arith.constant 0 : i32
        %dma_start3A_116 = tpu.memref_slice %arg8[%dma_start3A_113, %dma_start3A_114, %dma_start3A_115] : memref<2x128x128xf32, #tpu.memory_space<vmem>> -> memref<1x128x128xf32, #tpu.memory_space<vmem>>
        %dma_start3A_117 = tpu.memref_squeeze %dma_start3A_116 : memref<1x128x128xf32, #tpu.memory_space<vmem>> -> memref<128x128xf32, #tpu.memory_space<vmem>>
        %dma_start3A_118 = arith.constant 0 : i32
        %dma_start3A_119 = tpu.memref_slice %arg6[%sub3A_111, %dma_start3A_112, %dma_start3A_118] : memref<2x16x128xi32, #tpu.memory_space<vmem>> -> memref<1x1x128xi32, #tpu.memory_space<vmem>>
        %dma_start3A_120 = tpu.memref_squeeze %dma_start3A_119 : memref<1x1x128xi32, #tpu.memory_space<vmem>> -> memref<128xi32, #tpu.memory_space<vmem>>
        %dma_start3A_121 = arith.constant 0 : i32
        %dma_start3A_122 = arith.constant 0 : i32
        %dma_start3A_123 = tpu.memref_slice %arg2[%dma_start3A_121, %dma_start3A_122] : memref<40960x128xf32, #tpu.memory_space<hbm>> -> memref<40960x128xf32, #tpu.memory_space<hbm>>
        tpu.enqueue_indirect_dma source(%dma_start3A_123 : memref<40960x128xf32, #tpu.memory_space<hbm>>) target(%dma_start3A_117 : memref<128x128xf32, #tpu.memory_space<vmem>>) offsets(%dma_start3A_120 : memref<128xi32, #tpu.memory_space<vmem>>) semaphore(%arg10 : memref<!tpu.dma_semaphore, #tpu.memory_space<semaphore_mem>>)
      } else {
      }
    }
    %scan3A_25 = arith.constant 5 : i32
    %barrier3A_26 = arith.constant 0 : index
    tpu.barrier barrier_id(%barrier3A_26)
    %mul3A_27 = arith.constant 640 : i32
    %mul3A_28 = arith.muli %arg1, %mul3A_27 : i32
    %mul3A_29 = arith.constant 640 : i32
    %mul3A_30 = arith.muli %arg1, %mul3A_29 : i32
    "tpu.region"() ({
      %run_scoped3A_68 = tpu.sem_alloc : memref<!tpu.dma_semaphore, #tpu.memory_space<semaphore_mem>>
      %dma_start3A_69 = arith.constant 0 : i32
      %dma_start3A_70 = tpu.memref_slice %arg5[%add3A_1, %mul3A_30, %dma_start3A_69] : memref<4x10240x128xf32, #tpu.memory_space<hbm>> -> memref<1x640x128xf32, #tpu.memory_space<hbm>>
      %dma_start3A_71 = tpu.memref_squeeze %dma_start3A_70 : memref<1x640x128xf32, #tpu.memory_space<hbm>> -> memref<640x128xf32, #tpu.memory_space<hbm>>
      %dma_start3A_72 = arith.constant 0 : i32
      %dma_start3A_73 = tpu.memref_slice %arg9[%mul3A_28, %dma_start3A_72] : memref<10240x128xf32, #tpu.memory_space<vmem_shared>> -> memref<640x128xf32, #tpu.memory_space<vmem_shared>>
      tpu.enqueue_dma source(%dma_start3A_73 : memref<640x128xf32, #tpu.memory_space<vmem_shared>>) target(%dma_start3A_71 : memref<640x128xf32, #tpu.memory_space<hbm>>) target_semaphore(%run_scoped3A_68 : memref<!tpu.dma_semaphore, #tpu.memory_space<semaphore_mem>>)
      %dma_wait3A = arith.constant 0 : i32
      %dma_wait3A_74 = tpu.memref_slice %arg5[%add3A_1, %mul3A_30, %dma_wait3A] : memref<4x10240x128xf32, #tpu.memory_space<hbm>> -> memref<1x640x128xf32, #tpu.memory_space<hbm>>
      %dma_wait3A_75 = tpu.memref_squeeze %dma_wait3A_74 : memref<1x640x128xf32, #tpu.memory_space<hbm>> -> memref<640x128xf32, #tpu.memory_space<hbm>>
      %dma_wait3A_76 = arith.constant 0 : i32
      %dma_wait3A_77 = tpu.memref_slice %arg9[%mul3A_28, %dma_wait3A_76] : memref<10240x128xf32, #tpu.memory_space<vmem_shared>> -> memref<640x128xf32, #tpu.memory_space<vmem_shared>>
      tpu.wait_dma2 semaphore(%run_scoped3A_68 : memref<!tpu.dma_semaphore, #tpu.memory_space<semaphore_mem>>) src(%dma_wait3A_77 : memref<640x128xf32, #tpu.memory_space<vmem_shared>>) dst(%dma_wait3A_75 : memref<640x128xf32, #tpu.memory_space<hbm>>)
      tpu.yield
    }) : () -> ()
    %mul3A_31 = arith.constant 2 : i32
    %mul3A_32 = arith.muli %arg0, %mul3A_31 : i32
    %add3A_33 = arith.constant 1 : i32
    %add3A_34 = arith.addi %mul3A_32, %add3A_33 : i32
    %mul3A_35 = arith.constant 10240 : i32
    %mul3A_36 = arith.muli %add3A_34, %mul3A_35 : i32
    %mul3A_37 = arith.constant 640 : i32
    %mul3A_38 = arith.muli %arg1, %mul3A_37 : i32
    %add3A_39 = arith.addi %mul3A_36, %mul3A_38 : i32
    %mul3A_40 = arith.constant 640 : i32
    %mul3A_41 = arith.muli %arg1, %mul3A_40 : i32
    "tpu.region"() ({
      %run_scoped3A_68 = tpu.sem_alloc : memref<!tpu.dma_semaphore, #tpu.memory_space<semaphore_mem>>
      %dma_start3A_69 = arith.constant 0 : i32
      %dma_start3A_70 = tpu.memref_slice %arg9[%mul3A_41, %dma_start3A_69] : memref<10240x128xf32, #tpu.memory_space<vmem_shared>> -> memref<640x128xf32, #tpu.memory_space<vmem_shared>>
      %dma_start3A_71 = arith.constant 0 : i32
      %dma_start3A_72 = tpu.memref_slice %arg2[%add3A_39, %dma_start3A_71] : memref<40960x128xf32, #tpu.memory_space<hbm>> -> memref<640x128xf32, #tpu.memory_space<hbm>>
      tpu.enqueue_dma source(%dma_start3A_72 : memref<640x128xf32, #tpu.memory_space<hbm>>) target(%dma_start3A_70 : memref<640x128xf32, #tpu.memory_space<vmem_shared>>) target_semaphore(%run_scoped3A_68 : memref<!tpu.dma_semaphore, #tpu.memory_space<semaphore_mem>>)
      %dma_wait3A = arith.constant 0 : i32
      %dma_wait3A_73 = tpu.memref_slice %arg9[%mul3A_41, %dma_wait3A] : memref<10240x128xf32, #tpu.memory_space<vmem_shared>> -> memref<640x128xf32, #tpu.memory_space<vmem_shared>>
      %dma_wait3A_74 = arith.constant 0 : i32
      %dma_wait3A_75 = tpu.memref_slice %arg2[%add3A_39, %dma_wait3A_74] : memref<40960x128xf32, #tpu.memory_space<hbm>> -> memref<640x128xf32, #tpu.memory_space<hbm>>
      tpu.wait_dma2 semaphore(%run_scoped3A_68 : memref<!tpu.dma_semaphore, #tpu.memory_space<semaphore_mem>>) src(%dma_wait3A_75 : memref<640x128xf32, #tpu.memory_space<hbm>>) dst(%dma_wait3A_73 : memref<640x128xf32, #tpu.memory_space<vmem_shared>>)
      tpu.yield
    }) : () -> ()
    %run_scoped3A_42 = arith.constant 0 : i32
    "tpu.region"() ({
      %run_scoped3A_68 = tpu.sem_alloc : memref<!tpu.dma_semaphore, #tpu.memory_space<semaphore_mem>>
      %dma_start3A_69 = arith.constant 0 : i32
      %dma_start3A_70 = arith.constant 0 : i32
      %dma_start3A_71 = tpu.memref_slice %arg6[%run_scoped3A_42, %dma_start3A_69, %dma_start3A_70] : memref<2x16x128xi32, #tpu.memory_space<vmem>> -> memref<1x16x128xi32, #tpu.memory_space<vmem>>
      %dma_start3A_72 = tpu.memref_squeeze %dma_start3A_71 : memref<1x16x128xi32, #tpu.memory_space<vmem>> -> memref<16x128xi32, #tpu.memory_space<vmem>>
      %dma_start3A_73 = arith.constant 0 : i32
      %dma_start3A_74 = arith.constant 0 : i32
      %dma_start3A_75 = tpu.memref_slice %arg3[%add3A_34, %arg1, %dma_start3A_73, %dma_start3A_74] : memref<4x16x80x128xi32, #tpu.memory_space<hbm>> -> memref<1x1x16x128xi32, #tpu.memory_space<hbm>>
      %dma_start3A_76 = tpu.memref_squeeze %dma_start3A_75 : memref<1x1x16x128xi32, #tpu.memory_space<hbm>> -> memref<16x128xi32, #tpu.memory_space<hbm>>
      %dma_start3A_77 = arith.constant 0 : i32
      %dma_start3A_78 = arith.constant 0 : i32
      %dma_start3A_79 = tpu.memref_slice %arg6[%run_scoped3A_42, %dma_start3A_77, %dma_start3A_78] : memref<2x16x128xi32, #tpu.memory_space<vmem>> -> memref<1x16x128xi32, #tpu.memory_space<vmem>>
      %dma_start3A_80 = tpu.memref_squeeze %dma_start3A_79 : memref<1x16x128xi32, #tpu.memory_space<vmem>> -> memref<16x128xi32, #tpu.memory_space<vmem>>
      %dma_start3A_81 = arith.constant 0 : i32
      %dma_start3A_82 = arith.constant 0 : i32
      %dma_start3A_83 = tpu.memref_slice %arg3[%add3A_34, %arg1, %dma_start3A_81, %dma_start3A_82] : memref<4x16x80x128xi32, #tpu.memory_space<hbm>> -> memref<1x1x16x128xi32, #tpu.memory_space<hbm>>
      %dma_start3A_84 = tpu.memref_squeeze %dma_start3A_83 : memref<1x1x16x128xi32, #tpu.memory_space<hbm>> -> memref<16x128xi32, #tpu.memory_space<hbm>>
      tpu.enqueue_dma source(%dma_start3A_84 : memref<16x128xi32, #tpu.memory_space<hbm>>) target(%dma_start3A_80 : memref<16x128xi32, #tpu.memory_space<vmem>>) target_semaphore(%run_scoped3A_68 : memref<!tpu.dma_semaphore, #tpu.memory_space<semaphore_mem>>)
      %dma_wait3A = arith.constant 0 : i32
      %dma_wait3A_85 = arith.constant 0 : i32
      %dma_wait3A_86 = tpu.memref_slice %arg6[%run_scoped3A_42, %dma_wait3A, %dma_wait3A_85] : memref<2x16x128xi32, #tpu.memory_space<vmem>> -> memref<1x16x128xi32, #tpu.memory_space<vmem>>
      %dma_wait3A_87 = tpu.memref_squeeze %dma_wait3A_86 : memref<1x16x128xi32, #tpu.memory_space<vmem>> -> memref<16x128xi32, #tpu.memory_space<vmem>>
      %dma_wait3A_88 = arith.constant 0 : i32
      %dma_wait3A_89 = arith.constant 0 : i32
      %dma_wait3A_90 = tpu.memref_slice %arg3[%add3A_34, %arg1, %dma_wait3A_88, %dma_wait3A_89] : memref<4x16x80x128xi32, #tpu.memory_space<hbm>> -> memref<1x1x16x128xi32, #tpu.memory_space<hbm>>
      %dma_wait3A_91 = tpu.memref_squeeze %dma_wait3A_90 : memref<1x1x16x128xi32, #tpu.memory_space<hbm>> -> memref<16x128xi32, #tpu.memory_space<hbm>>
      %dma_wait3A_92 = arith.constant 0 : i32
      %dma_wait3A_93 = arith.constant 0 : i32
      %dma_wait3A_94 = tpu.memref_slice %arg6[%run_scoped3A_42, %dma_wait3A_92, %dma_wait3A_93] : memref<2x16x128xi32, #tpu.memory_space<vmem>> -> memref<1x16x128xi32, #tpu.memory_space<vmem>>
      %dma_wait3A_95 = tpu.memref_squeeze %dma_wait3A_94 : memref<1x16x128xi32, #tpu.memory_space<vmem>> -> memref<16x128xi32, #tpu.memory_space<vmem>>
      %dma_wait3A_96 = arith.constant 0 : i32
      %dma_wait3A_97 = arith.constant 0 : i32
      %dma_wait3A_98 = tpu.memref_slice %arg3[%add3A_34, %arg1, %dma_wait3A_96, %dma_wait3A_97] : memref<4x16x80x128xi32, #tpu.memory_space<hbm>> -> memref<1x1x16x128xi32, #tpu.memory_space<hbm>>
      %dma_wait3A_99 = tpu.memref_squeeze %dma_wait3A_98 : memref<1x1x16x128xi32, #tpu.memory_space<hbm>> -> memref<16x128xi32, #tpu.memory_space<hbm>>
      tpu.wait_dma2 semaphore(%run_scoped3A_68 : memref<!tpu.dma_semaphore, #tpu.memory_space<semaphore_mem>>) src(%dma_wait3A_99 : memref<16x128xi32, #tpu.memory_space<hbm>>) dst(%dma_wait3A_95 : memref<16x128xi32, #tpu.memory_space<vmem>>)
      tpu.yield
    }) : () -> ()
    %barrier3A_43 = arith.constant 0 : index
    tpu.barrier barrier_id(%barrier3A_43)
    %dma_start3A_44 = arith.constant 0 : i32
    %dma_start3A_45 = arith.constant 0 : i32
    %dma_start3A_46 = arith.constant 0 : i32
    %dma_start3A_47 = arith.constant 0 : i32
    %dma_start3A_48 = arith.constant 0 : i32
    %dma_start3A_49 = tpu.memref_slice %arg8[%dma_start3A_46, %dma_start3A_47, %dma_start3A_48] : memref<2x128x128xf32, #tpu.memory_space<vmem>> -> memref<1x128x128xf32, #tpu.memory_space<vmem>>
    %dma_start3A_50 = tpu.memref_squeeze %dma_start3A_49 : memref<1x128x128xf32, #tpu.memory_space<vmem>> -> memref<128x128xf32, #tpu.memory_space<vmem>>
    %dma_start3A_51 = arith.constant 0 : i32
    %dma_start3A_52 = tpu.memref_slice %arg6[%dma_start3A_44, %dma_start3A_45, %dma_start3A_51] : memref<2x16x128xi32, #tpu.memory_space<vmem>> -> memref<1x1x128xi32, #tpu.memory_space<vmem>>
    %dma_start3A_53 = tpu.memref_squeeze %dma_start3A_52 : memref<1x1x128xi32, #tpu.memory_space<vmem>> -> memref<128xi32, #tpu.memory_space<vmem>>
    %dma_start3A_54 = arith.constant 0 : i32
    %dma_start3A_55 = arith.constant 0 : i32
    %dma_start3A_56 = tpu.memref_slice %arg2[%dma_start3A_54, %dma_start3A_55] : memref<40960x128xf32, #tpu.memory_space<hbm>> -> memref<40960x128xf32, #tpu.memory_space<hbm>>
    tpu.enqueue_indirect_dma source(%dma_start3A_56 : memref<40960x128xf32, #tpu.memory_space<hbm>>) target(%dma_start3A_50 : memref<128x128xf32, #tpu.memory_space<vmem>>) offsets(%dma_start3A_53 : memref<128xi32, #tpu.memory_space<vmem>>) semaphore(%arg10 : memref<!tpu.dma_semaphore, #tpu.memory_space<semaphore_mem>>)
    %scan3A_57 = arith.constant 0 : i32
    %scan3A_58 = arith.constant 0 : i32
    %scan3A_59 = arith.constant 5 : i32
    %scan3A_60 = arith.addi %scan3A_58, %scan3A_59 : i32
    %scan3A_61 = arith.constant 1 : i32
    scf.for %scan3A_68 = %scan3A_58 to %scan3A_60 step %scan3A_61  : i32 {
      %jit3A = arith.constant 2 : i32
      %eq3A = arith.constant 0 : i32
      %eq3A_69 = arith.cmpi eq, %jit3A, %eq3A : i32
      %jit3A_70 = arith.constant 1 : i32
      %select_n3A = arith.select %eq3A_69, %jit3A_70, %jit3A : i32
      %rem3A = arith.remsi %scan3A_68, %select_n3A : i32
      %ne3A = arith.constant 0 : i32
      %ne3A_71 = arith.cmpi ne, %rem3A, %ne3A : i32
      %lt3A = arith.constant 0 : i32
      %lt3A_72 = arith.cmpi slt, %rem3A, %lt3A : i32
      %lt3A_73 = arith.constant 0 : i32
      %lt3A_74 = arith.cmpi slt, %select_n3A, %lt3A_73 : i32
      %ne3A_75 = arith.xori %lt3A_72, %lt3A_74 : i1
      %and3A = arith.andi %ne3A_75, %ne3A_71 : i1
      %add3A_76 = arith.addi %rem3A, %select_n3A : i32
      %select_n3A_77 = arith.select %and3A, %add3A_76, %rem3A : i32
      %lt3A_78 = arith.constant 4 : i32
      %lt3A_79 = arith.cmpi slt, %scan3A_68, %lt3A_78 : i32
      %convert_element_type3A = arith.extui %lt3A_79 : i1 to i32
      %cond3A = arith.constant 0 : i32
      %cond3A_80 = arith.cmpi ne, %convert_element_type3A, %cond3A : i32
      scf.if %cond3A_80 {
        %add3A_92 = arith.constant 1 : i32
        %add3A_93 = arith.addi %scan3A_68, %add3A_92 : i32
        %mul3A_94 = arith.constant 16 : i32
        %mul3A_95 = arith.muli %add3A_93, %mul3A_94 : i32
        %sub3A = arith.constant 1 : i32
        %sub3A_96 = arith.subi %sub3A, %select_n3A_77 : i32
        %dma_start3A_97 = arith.constant 0 : i32
        %dma_start3A_98 = arith.constant 0 : i32
        %dma_start3A_99 = tpu.memref_slice %arg6[%sub3A_96, %dma_start3A_97, %dma_start3A_98] : memref<2x16x128xi32, #tpu.memory_space<vmem>> -> memref<1x16x128xi32, #tpu.memory_space<vmem>>
        %dma_start3A_100 = tpu.memref_squeeze %dma_start3A_99 : memref<1x16x128xi32, #tpu.memory_space<vmem>> -> memref<16x128xi32, #tpu.memory_space<vmem>>
        %dma_start3A_101 = arith.constant 0 : i32
        %dma_start3A_102 = tpu.memref_slice %arg3[%add3A_34, %arg1, %mul3A_95, %dma_start3A_101] : memref<4x16x80x128xi32, #tpu.memory_space<hbm>> -> memref<1x1x16x128xi32, #tpu.memory_space<hbm>>
        %dma_start3A_103 = tpu.memref_squeeze %dma_start3A_102 : memref<1x1x16x128xi32, #tpu.memory_space<hbm>> -> memref<16x128xi32, #tpu.memory_space<hbm>>
        %dma_start3A_104 = arith.constant 0 : i32
        %dma_start3A_105 = arith.constant 0 : i32
        %dma_start3A_106 = tpu.memref_slice %arg6[%sub3A_96, %dma_start3A_104, %dma_start3A_105] : memref<2x16x128xi32, #tpu.memory_space<vmem>> -> memref<1x16x128xi32, #tpu.memory_space<vmem>>
        %dma_start3A_107 = tpu.memref_squeeze %dma_start3A_106 : memref<1x16x128xi32, #tpu.memory_space<vmem>> -> memref<16x128xi32, #tpu.memory_space<vmem>>
        %dma_start3A_108 = arith.constant 0 : i32
        %dma_start3A_109 = tpu.memref_slice %arg3[%add3A_34, %arg1, %mul3A_95, %dma_start3A_108] : memref<4x16x80x128xi32, #tpu.memory_space<hbm>> -> memref<1x1x16x128xi32, #tpu.memory_space<hbm>>
        %dma_start3A_110 = tpu.memref_squeeze %dma_start3A_109 : memref<1x1x16x128xi32, #tpu.memory_space<hbm>> -> memref<16x128xi32, #tpu.memory_space<hbm>>
        tpu.enqueue_dma source(%dma_start3A_110 : memref<16x128xi32, #tpu.memory_space<hbm>>) target(%dma_start3A_107 : memref<16x128xi32, #tpu.memory_space<vmem>>) target_semaphore(%arg12 : memref<!tpu.dma_semaphore, #tpu.memory_space<semaphore_mem>>)
      } else {
      }
      %scan3A_81 = arith.constant 0 : i32
      %scan3A_82 = arith.constant 0 : i32
      %scan3A_83 = arith.constant 8 : i32
      %scan3A_84 = arith.addi %scan3A_82, %scan3A_83 : i32
      %scan3A_85 = arith.constant 1 : i32
      scf.for %scan3A_92 = %scan3A_82 to %scan3A_84 step %scan3A_85  : i32 {
        %mul3A_93 = arith.constant 2 : i32
        %mul3A_94 = arith.muli %mul3A_93, %scan3A_92 : i32
        %add3A_95 = arith.constant 1 : i32
        %add3A_96 = arith.addi %mul3A_94, %add3A_95 : i32
        %mul3A_97 = arith.constant 16 : i32
        %mul3A_98 = arith.muli %scan3A_68, %mul3A_97 : i32
        %dma_start3A_99 = arith.constant 1 : i32
        %dma_start3A_100 = arith.constant 0 : i32
        %dma_start3A_101 = arith.constant 0 : i32
        %dma_start3A_102 = tpu.memref_slice %arg8[%dma_start3A_99, %dma_start3A_100, %dma_start3A_101] : memref<2x128x128xf32, #tpu.memory_space<vmem>> -> memref<1x128x128xf32, #tpu.memory_space<vmem>>
        %dma_start3A_103 = tpu.memref_squeeze %dma_start3A_102 : memref<1x128x128xf32, #tpu.memory_space<vmem>> -> memref<128x128xf32, #tpu.memory_space<vmem>>
        %dma_start3A_104 = arith.constant 0 : i32
        %dma_start3A_105 = tpu.memref_slice %arg6[%select_n3A_77, %add3A_96, %dma_start3A_104] : memref<2x16x128xi32, #tpu.memory_space<vmem>> -> memref<1x1x128xi32, #tpu.memory_space<vmem>>
        %dma_start3A_106 = tpu.memref_squeeze %dma_start3A_105 : memref<1x1x128xi32, #tpu.memory_space<vmem>> -> memref<128xi32, #tpu.memory_space<vmem>>
        %dma_start3A_107 = arith.constant 0 : i32
        %dma_start3A_108 = arith.constant 0 : i32
        %dma_start3A_109 = tpu.memref_slice %arg2[%dma_start3A_107, %dma_start3A_108] : memref<40960x128xf32, #tpu.memory_space<hbm>> -> memref<40960x128xf32, #tpu.memory_space<hbm>>
        tpu.enqueue_indirect_dma source(%dma_start3A_109 : memref<40960x128xf32, #tpu.memory_space<hbm>>) target(%dma_start3A_103 : memref<128x128xf32, #tpu.memory_space<vmem>>) offsets(%dma_start3A_106 : memref<128xi32, #tpu.memory_space<vmem>>) semaphore(%arg11 : memref<!tpu.dma_semaphore, #tpu.memory_space<semaphore_mem>>)
        %dma_wait3A = arith.constant 0 : i32
        %dma_wait3A_110 = arith.constant 0 : i32
        %dma_wait3A_111 = arith.constant 0 : i32
        %dma_wait3A_112 = tpu.memref_slice %arg8[%dma_wait3A, %dma_wait3A_110, %dma_wait3A_111] : memref<2x128x128xf32, #tpu.memory_space<vmem>> -> memref<1x128x128xf32, #tpu.memory_space<vmem>>
        %dma_wait3A_113 = tpu.memref_squeeze %dma_wait3A_112 : memref<1x128x128xf32, #tpu.memory_space<vmem>> -> memref<128x128xf32, #tpu.memory_space<vmem>>
        %dma_wait3A_114 = arith.constant 0 : i32
        %dma_wait3A_115 = tpu.memref_slice %arg6[%select_n3A_77, %mul3A_94, %dma_wait3A_114] : memref<2x16x128xi32, #tpu.memory_space<vmem>> -> memref<1x1x128xi32, #tpu.memory_space<vmem>>
        %dma_wait3A_116 = tpu.memref_squeeze %dma_wait3A_115 : memref<1x1x128xi32, #tpu.memory_space<vmem>> -> memref<128xi32, #tpu.memory_space<vmem>>
        %dma_wait3A_117 = arith.constant 0 : i32
        %dma_wait3A_118 = arith.constant 0 : i32
        %dma_wait3A_119 = tpu.memref_slice %arg2[%dma_wait3A_117, %dma_wait3A_118] : memref<40960x128xf32, #tpu.memory_space<hbm>> -> memref<40960x128xf32, #tpu.memory_space<hbm>>
        tpu.wait_indirect_dma semaphore(%arg10 : memref<!tpu.dma_semaphore, #tpu.memory_space<semaphore_mem>>) src(%dma_wait3A_119 : memref<40960x128xf32, #tpu.memory_space<hbm>>) dst(%dma_wait3A_113 : memref<128x128xf32, #tpu.memory_space<vmem>>)
        %add3A_120 = arith.addi %mul3A_98, %mul3A_94 : i32
        %run_scoped3A_121 = arith.constant 0 : i32
        "tpu.region"() ({
          %run_scoped3A_140 = tpu.sem_alloc : memref<!tpu.dma_semaphore, #tpu.memory_space<semaphore_mem>>
          %dma_start3A_141 = arith.constant 0 : i32
          %dma_start3A_142 = arith.constant 0 : i32
          %dma_start3A_143 = tpu.memref_slice %arg8[%run_scoped3A_121, %dma_start3A_141, %dma_start3A_142] : memref<2x128x128xf32, #tpu.memory_space<vmem>> -> memref<1x128x128xf32, #tpu.memory_space<vmem>>
          %dma_start3A_144 = tpu.memref_squeeze %dma_start3A_143 : memref<1x128x128xf32, #tpu.memory_space<vmem>> -> memref<128x128xf32, #tpu.memory_space<vmem>>
          %dma_start3A_145 = arith.constant 0 : i32
          %dma_start3A_146 = tpu.memref_slice %arg7[%add3A_120, %dma_start3A_145] : memref<80x128xi32, #tpu.memory_space<vmem>> -> memref<1x128xi32, #tpu.memory_space<vmem>>
          %dma_start3A_147 = tpu.memref_squeeze %dma_start3A_146 : memref<1x128xi32, #tpu.memory_space<vmem>> -> memref<128xi32, #tpu.memory_space<vmem>>
          %dma_start3A_148 = arith.constant 0 : i32
          %dma_start3A_149 = arith.constant 0 : i32
          %dma_start3A_150 = tpu.memref_slice %arg9[%dma_start3A_148, %dma_start3A_149] : memref<10240x128xf32, #tpu.memory_space<vmem_shared>> -> memref<10240x128xf32, #tpu.memory_space<vmem_shared>>
          tpu.enqueue_indirect_dma source(%dma_start3A_144 : memref<128x128xf32, #tpu.memory_space<vmem>>) target(%dma_start3A_150 : memref<10240x128xf32, #tpu.memory_space<vmem_shared>>) offsets(%dma_start3A_147 : memref<128xi32, #tpu.memory_space<vmem>>) semaphore(%run_scoped3A_140 : memref<!tpu.dma_semaphore, #tpu.memory_space<semaphore_mem>>) {add = true}
          %dma_wait3A_151 = arith.constant 0 : i32
          %dma_wait3A_152 = arith.constant 0 : i32
          %dma_wait3A_153 = tpu.memref_slice %arg8[%run_scoped3A_121, %dma_wait3A_151, %dma_wait3A_152] : memref<2x128x128xf32, #tpu.memory_space<vmem>> -> memref<1x128x128xf32, #tpu.memory_space<vmem>>
          %dma_wait3A_154 = tpu.memref_squeeze %dma_wait3A_153 : memref<1x128x128xf32, #tpu.memory_space<vmem>> -> memref<128x128xf32, #tpu.memory_space<vmem>>
          %dma_wait3A_155 = arith.constant 0 : i32
          %dma_wait3A_156 = tpu.memref_slice %arg7[%add3A_120, %dma_wait3A_155] : memref<80x128xi32, #tpu.memory_space<vmem>> -> memref<1x128xi32, #tpu.memory_space<vmem>>
          %dma_wait3A_157 = tpu.memref_squeeze %dma_wait3A_156 : memref<1x128xi32, #tpu.memory_space<vmem>> -> memref<128xi32, #tpu.memory_space<vmem>>
          %dma_wait3A_158 = arith.constant 0 : i32
          %dma_wait3A_159 = arith.constant 0 : i32
          %dma_wait3A_160 = tpu.memref_slice %arg9[%dma_wait3A_158, %dma_wait3A_159] : memref<10240x128xf32, #tpu.memory_space<vmem_shared>> -> memref<10240x128xf32, #tpu.memory_space<vmem_shared>>
          tpu.wait_indirect_dma semaphore(%run_scoped3A_140 : memref<!tpu.dma_semaphore, #tpu.memory_space<semaphore_mem>>) src(%dma_wait3A_154 : memref<128x128xf32, #tpu.memory_space<vmem>>) dst(%dma_wait3A_160 : memref<10240x128xf32, #tpu.memory_space<vmem_shared>>)
          tpu.yield
        }) : () -> ()
        %lt3A_122 = arith.constant 7 : i32
        %lt3A_123 = arith.cmpi slt, %scan3A_92, %lt3A_122 : i32
        %convert_element_type3A_124 = arith.extui %lt3A_123 : i1 to i32
        %cond3A_125 = arith.constant 0 : i32
        %cond3A_126 = arith.cmpi ne, %convert_element_type3A_124, %cond3A_125 : i32
        scf.if %cond3A_126 {
          %add3A_140 = arith.constant 2 : i32
          %add3A_141 = arith.addi %mul3A_94, %add3A_140 : i32
          %dma_start3A_142 = arith.constant 0 : i32
          %dma_start3A_143 = arith.constant 0 : i32
          %dma_start3A_144 = arith.constant 0 : i32
          %dma_start3A_145 = tpu.memref_slice %arg8[%dma_start3A_142, %dma_start3A_143, %dma_start3A_144] : memref<2x128x128xf32, #tpu.memory_space<vmem>> -> memref<1x128x128xf32, #tpu.memory_space<vmem>>
          %dma_start3A_146 = tpu.memref_squeeze %dma_start3A_145 : memref<1x128x128xf32, #tpu.memory_space<vmem>> -> memref<128x128xf32, #tpu.memory_space<vmem>>
          %dma_start3A_147 = arith.constant 0 : i32
          %dma_start3A_148 = tpu.memref_slice %arg6[%select_n3A_77, %add3A_141, %dma_start3A_147] : memref<2x16x128xi32, #tpu.memory_space<vmem>> -> memref<1x1x128xi32, #tpu.memory_space<vmem>>
          %dma_start3A_149 = tpu.memref_squeeze %dma_start3A_148 : memref<1x1x128xi32, #tpu.memory_space<vmem>> -> memref<128xi32, #tpu.memory_space<vmem>>
          %dma_start3A_150 = arith.constant 0 : i32
          %dma_start3A_151 = arith.constant 0 : i32
          %dma_start3A_152 = tpu.memref_slice %arg2[%dma_start3A_150, %dma_start3A_151] : memref<40960x128xf32, #tpu.memory_space<hbm>> -> memref<40960x128xf32, #tpu.memory_space<hbm>>
          tpu.enqueue_indirect_dma source(%dma_start3A_152 : memref<40960x128xf32, #tpu.memory_space<hbm>>) target(%dma_start3A_146 : memref<128x128xf32, #tpu.memory_space<vmem>>) offsets(%dma_start3A_149 : memref<128xi32, #tpu.memory_space<vmem>>) semaphore(%arg10 : memref<!tpu.dma_semaphore, #tpu.memory_space<semaphore_mem>>)
        } else {
        }
        %dma_wait3A_127 = arith.constant 1 : i32
        %dma_wait3A_128 = arith.constant 0 : i32
        %dma_wait3A_129 = arith.constant 0 : i32
        %dma_wait3A_130 = tpu.memref_slice %arg8[%dma_wait3A_127, %dma_wait3A_128, %dma_wait3A_129] : memref<2x128x128xf32, #tpu.memory_space<vmem>> -> memref<1x128x128xf32, #tpu.memory_space<vmem>>
        %dma_wait3A_131 = tpu.memref_squeeze %dma_wait3A_130 : memref<1x128x128xf32, #tpu.memory_space<vmem>> -> memref<128x128xf32, #tpu.memory_space<vmem>>
        %dma_wait3A_132 = arith.constant 0 : i32
        %dma_wait3A_133 = tpu.memref_slice %arg6[%select_n3A_77, %add3A_96, %dma_wait3A_132] : memref<2x16x128xi32, #tpu.memory_space<vmem>> -> memref<1x1x128xi32, #tpu.memory_space<vmem>>
        %dma_wait3A_134 = tpu.memref_squeeze %dma_wait3A_133 : memref<1x1x128xi32, #tpu.memory_space<vmem>> -> memref<128xi32, #tpu.memory_space<vmem>>
        %dma_wait3A_135 = arith.constant 0 : i32
        %dma_wait3A_136 = arith.constant 0 : i32
        %dma_wait3A_137 = tpu.memref_slice %arg2[%dma_wait3A_135, %dma_wait3A_136] : memref<40960x128xf32, #tpu.memory_space<hbm>> -> memref<40960x128xf32, #tpu.memory_space<hbm>>
        tpu.wait_indirect_dma semaphore(%arg11 : memref<!tpu.dma_semaphore, #tpu.memory_space<semaphore_mem>>) src(%dma_wait3A_137 : memref<40960x128xf32, #tpu.memory_space<hbm>>) dst(%dma_wait3A_131 : memref<128x128xf32, #tpu.memory_space<vmem>>)
        %add3A_138 = arith.addi %mul3A_98, %add3A_96 : i32
        %run_scoped3A_139 = arith.constant 1 : i32
        "tpu.region"() ({
          %run_scoped3A_140 = tpu.sem_alloc : memref<!tpu.dma_semaphore, #tpu.memory_space<semaphore_mem>>
          %dma_start3A_141 = arith.constant 0 : i32
          %dma_start3A_142 = arith.constant 0 : i32
          %dma_start3A_143 = tpu.memref_slice %arg8[%run_scoped3A_139, %dma_start3A_141, %dma_start3A_142] : memref<2x128x128xf32, #tpu.memory_space<vmem>> -> memref<1x128x128xf32, #tpu.memory_space<vmem>>
          %dma_start3A_144 = tpu.memref_squeeze %dma_start3A_143 : memref<1x128x128xf32, #tpu.memory_space<vmem>> -> memref<128x128xf32, #tpu.memory_space<vmem>>
          %dma_start3A_145 = arith.constant 0 : i32
          %dma_start3A_146 = tpu.memref_slice %arg7[%add3A_138, %dma_start3A_145] : memref<80x128xi32, #tpu.memory_space<vmem>> -> memref<1x128xi32, #tpu.memory_space<vmem>>
          %dma_start3A_147 = tpu.memref_squeeze %dma_start3A_146 : memref<1x128xi32, #tpu.memory_space<vmem>> -> memref<128xi32, #tpu.memory_space<vmem>>
          %dma_start3A_148 = arith.constant 0 : i32
          %dma_start3A_149 = arith.constant 0 : i32
          %dma_start3A_150 = tpu.memref_slice %arg9[%dma_start3A_148, %dma_start3A_149] : memref<10240x128xf32, #tpu.memory_space<vmem_shared>> -> memref<10240x128xf32, #tpu.memory_space<vmem_shared>>
          tpu.enqueue_indirect_dma source(%dma_start3A_144 : memref<128x128xf32, #tpu.memory_space<vmem>>) target(%dma_start3A_150 : memref<10240x128xf32, #tpu.memory_space<vmem_shared>>) offsets(%dma_start3A_147 : memref<128xi32, #tpu.memory_space<vmem>>) semaphore(%run_scoped3A_140 : memref<!tpu.dma_semaphore, #tpu.memory_space<semaphore_mem>>) {add = true}
          %dma_wait3A_151 = arith.constant 0 : i32
          %dma_wait3A_152 = arith.constant 0 : i32
          %dma_wait3A_153 = tpu.memref_slice %arg8[%run_scoped3A_139, %dma_wait3A_151, %dma_wait3A_152] : memref<2x128x128xf32, #tpu.memory_space<vmem>> -> memref<1x128x128xf32, #tpu.memory_space<vmem>>
          %dma_wait3A_154 = tpu.memref_squeeze %dma_wait3A_153 : memref<1x128x128xf32, #tpu.memory_space<vmem>> -> memref<128x128xf32, #tpu.memory_space<vmem>>
          %dma_wait3A_155 = arith.constant 0 : i32
          %dma_wait3A_156 = tpu.memref_slice %arg7[%add3A_138, %dma_wait3A_155] : memref<80x128xi32, #tpu.memory_space<vmem>> -> memref<1x128xi32, #tpu.memory_space<vmem>>
          %dma_wait3A_157 = tpu.memref_squeeze %dma_wait3A_156 : memref<1x128xi32, #tpu.memory_space<vmem>> -> memref<128xi32, #tpu.memory_space<vmem>>
          %dma_wait3A_158 = arith.constant 0 : i32
          %dma_wait3A_159 = arith.constant 0 : i32
          %dma_wait3A_160 = tpu.memref_slice %arg9[%dma_wait3A_158, %dma_wait3A_159] : memref<10240x128xf32, #tpu.memory_space<vmem_shared>> -> memref<10240x128xf32, #tpu.memory_space<vmem_shared>>
          tpu.wait_indirect_dma semaphore(%run_scoped3A_140 : memref<!tpu.dma_semaphore, #tpu.memory_space<semaphore_mem>>) src(%dma_wait3A_154 : memref<128x128xf32, #tpu.memory_space<vmem>>) dst(%dma_wait3A_160 : memref<10240x128xf32, #tpu.memory_space<vmem_shared>>)
          tpu.yield
        }) : () -> ()
      }
      %scan3A_86 = arith.constant 8 : i32
      %lt3A_87 = arith.constant 4 : i32
      %lt3A_88 = arith.cmpi slt, %scan3A_68, %lt3A_87 : i32
      %convert_element_type3A_89 = arith.extui %lt3A_88 : i1 to i32
      %cond3A_90 = arith.constant 0 : i32
      %cond3A_91 = arith.cmpi ne, %convert_element_type3A_89, %cond3A_90 : i32
      scf.if %cond3A_91 {
        %add3A_92 = arith.constant 1 : i32
        %add3A_93 = arith.addi %scan3A_68, %add3A_92 : i32
        %mul3A_94 = arith.constant 16 : i32
        %mul3A_95 = arith.muli %add3A_93, %mul3A_94 : i32
        %sub3A = arith.constant 1 : i32
        %sub3A_96 = arith.subi %sub3A, %select_n3A_77 : i32
        %dma_wait3A = arith.constant 0 : i32
        %dma_wait3A_97 = arith.constant 0 : i32
        %dma_wait3A_98 = tpu.memref_slice %arg6[%sub3A_96, %dma_wait3A, %dma_wait3A_97] : memref<2x16x128xi32, #tpu.memory_space<vmem>> -> memref<1x16x128xi32, #tpu.memory_space<vmem>>
        %dma_wait3A_99 = tpu.memref_squeeze %dma_wait3A_98 : memref<1x16x128xi32, #tpu.memory_space<vmem>> -> memref<16x128xi32, #tpu.memory_space<vmem>>
        %dma_wait3A_100 = arith.constant 0 : i32
        %dma_wait3A_101 = tpu.memref_slice %arg3[%add3A_34, %arg1, %mul3A_95, %dma_wait3A_100] : memref<4x16x80x128xi32, #tpu.memory_space<hbm>> -> memref<1x1x16x128xi32, #tpu.memory_space<hbm>>
        %dma_wait3A_102 = tpu.memref_squeeze %dma_wait3A_101 : memref<1x1x16x128xi32, #tpu.memory_space<hbm>> -> memref<16x128xi32, #tpu.memory_space<hbm>>
        %dma_wait3A_103 = arith.constant 0 : i32
        %dma_wait3A_104 = arith.constant 0 : i32
        %dma_wait3A_105 = tpu.memref_slice %arg6[%sub3A_96, %dma_wait3A_103, %dma_wait3A_104] : memref<2x16x128xi32, #tpu.memory_space<vmem>> -> memref<1x16x128xi32, #tpu.memory_space<vmem>>
        %dma_wait3A_106 = tpu.memref_squeeze %dma_wait3A_105 : memref<1x16x128xi32, #tpu.memory_space<vmem>> -> memref<16x128xi32, #tpu.memory_space<vmem>>
        %dma_wait3A_107 = arith.constant 0 : i32
        %dma_wait3A_108 = tpu.memref_slice %arg3[%add3A_34, %arg1, %mul3A_95, %dma_wait3A_107] : memref<4x16x80x128xi32, #tpu.memory_space<hbm>> -> memref<1x1x16x128xi32, #tpu.memory_space<hbm>>
        %dma_wait3A_109 = tpu.memref_squeeze %dma_wait3A_108 : memref<1x1x16x128xi32, #tpu.memory_space<hbm>> -> memref<16x128xi32, #tpu.memory_space<hbm>>
        tpu.wait_dma2 semaphore(%arg12 : memref<!tpu.dma_semaphore, #tpu.memory_space<semaphore_mem>>) src(%dma_wait3A_109 : memref<16x128xi32, #tpu.memory_space<hbm>>) dst(%dma_wait3A_106 : memref<16x128xi32, #tpu.memory_space<vmem>>)
        %sub3A_110 = arith.constant 1 : i32
        %sub3A_111 = arith.subi %sub3A_110, %select_n3A_77 : i32
        %dma_start3A_112 = arith.constant 0 : i32
        %dma_start3A_113 = arith.constant 0 : i32
        %dma_start3A_114 = arith.constant 0 : i32
        %dma_start3A_115 = arith.constant 0 : i32
        %dma_start3A_116 = tpu.memref_slice %arg8[%dma_start3A_113, %dma_start3A_114, %dma_start3A_115] : memref<2x128x128xf32, #tpu.memory_space<vmem>> -> memref<1x128x128xf32, #tpu.memory_space<vmem>>
        %dma_start3A_117 = tpu.memref_squeeze %dma_start3A_116 : memref<1x128x128xf32, #tpu.memory_space<vmem>> -> memref<128x128xf32, #tpu.memory_space<vmem>>
        %dma_start3A_118 = arith.constant 0 : i32
        %dma_start3A_119 = tpu.memref_slice %arg6[%sub3A_111, %dma_start3A_112, %dma_start3A_118] : memref<2x16x128xi32, #tpu.memory_space<vmem>> -> memref<1x1x128xi32, #tpu.memory_space<vmem>>
        %dma_start3A_120 = tpu.memref_squeeze %dma_start3A_119 : memref<1x1x128xi32, #tpu.memory_space<vmem>> -> memref<128xi32, #tpu.memory_space<vmem>>
        %dma_start3A_121 = arith.constant 0 : i32
        %dma_start3A_122 = arith.constant 0 : i32
        %dma_start3A_123 = tpu.memref_slice %arg2[%dma_start3A_121, %dma_start3A_122] : memref<40960x128xf32, #tpu.memory_space<hbm>> -> memref<40960x128xf32, #tpu.memory_space<hbm>>
        tpu.enqueue_indirect_dma source(%dma_start3A_123 : memref<40960x128xf32, #tpu.memory_space<hbm>>) target(%dma_start3A_117 : memref<128x128xf32, #tpu.memory_space<vmem>>) offsets(%dma_start3A_120 : memref<128xi32, #tpu.memory_space<vmem>>) semaphore(%arg10 : memref<!tpu.dma_semaphore, #tpu.memory_space<semaphore_mem>>)
      } else {
      }
    }
    %scan3A_62 = arith.constant 5 : i32
    %barrier3A_63 = arith.constant 0 : index
    tpu.barrier barrier_id(%barrier3A_63)
    %mul3A_64 = arith.constant 640 : i32
    %mul3A_65 = arith.muli %arg1, %mul3A_64 : i32
    %mul3A_66 = arith.constant 640 : i32
    %mul3A_67 = arith.muli %arg1, %mul3A_66 : i32
    "tpu.region"() ({
      %run_scoped3A_68 = tpu.sem_alloc : memref<!tpu.dma_semaphore, #tpu.memory_space<semaphore_mem>>
      %dma_start3A_69 = arith.constant 0 : i32
      %dma_start3A_70 = tpu.memref_slice %arg5[%add3A_34, %mul3A_67, %dma_start3A_69] : memref<4x10240x128xf32, #tpu.memory_space<hbm>> -> memref<1x640x128xf32, #tpu.memory_space<hbm>>
      %dma_start3A_71 = tpu.memref_squeeze %dma_start3A_70 : memref<1x640x128xf32, #tpu.memory_space<hbm>> -> memref<640x128xf32, #tpu.memory_space<hbm>>
      %dma_start3A_72 = arith.constant 0 : i32
      %dma_start3A_73 = tpu.memref_slice %arg9[%mul3A_65, %dma_start3A_72] : memref<10240x128xf32, #tpu.memory_space<vmem_shared>> -> memref<640x128xf32, #tpu.memory_space<vmem_shared>>
      tpu.enqueue_dma source(%dma_start3A_73 : memref<640x128xf32, #tpu.memory_space<vmem_shared>>) target(%dma_start3A_71 : memref<640x128xf32, #tpu.memory_space<hbm>>) target_semaphore(%run_scoped3A_68 : memref<!tpu.dma_semaphore, #tpu.memory_space<semaphore_mem>>)
      %dma_wait3A = arith.constant 0 : i32
      %dma_wait3A_74 = tpu.memref_slice %arg5[%add3A_34, %mul3A_67, %dma_wait3A] : memref<4x10240x128xf32, #tpu.memory_space<hbm>> -> memref<1x640x128xf32, #tpu.memory_space<hbm>>
      %dma_wait3A_75 = tpu.memref_squeeze %dma_wait3A_74 : memref<1x640x128xf32, #tpu.memory_space<hbm>> -> memref<640x128xf32, #tpu.memory_space<hbm>>
      %dma_wait3A_76 = arith.constant 0 : i32
      %dma_wait3A_77 = tpu.memref_slice %arg9[%mul3A_65, %dma_wait3A_76] : memref<10240x128xf32, #tpu.memory_space<vmem_shared>> -> memref<640x128xf32, #tpu.memory_space<vmem_shared>>
      tpu.wait_dma2 semaphore(%run_scoped3A_68 : memref<!tpu.dma_semaphore, #tpu.memory_space<semaphore_mem>>) src(%dma_wait3A_77 : memref<640x128xf32, #tpu.memory_space<vmem_shared>>) dst(%dma_wait3A_75 : memref<640x128xf32, #tpu.memory_space<hbm>>)
      tpu.yield
    }) : () -> ()
    return
  }
}

#map = affine_map<(d0, d1) -> (0, 0, 0)>
#map1 = affine_map<(d0, d1) -> (0)>
#map2 = affine_map<(d0, d1) -> (0, 0)>
module attributes {stable_mosaic.version = 14 : i64} {
  func.func @deg_kernel(%arg0: i32, %arg1: i32, %arg2: memref<16x80x128xi32, #tpu.memory_space<hbm>>, %arg3: memref<128xf32, #tpu.memory_space<hbm>>, %arg4: memref<640xf32, #tpu.memory_space<hbm>>, %arg5: memref<2x10240xf32, #tpu.memory_space<hbm>>, %arg6: memref<80x128xi32, #tpu.memory_space<vmem>>, %arg7: memref<128xf32, #tpu.memory_space<vmem>>, %arg8: memref<10240xf32, #tpu.memory_space<vmem_shared>>) attributes {dimension_semantics = [#tpu.dimension_semantics<core_parallel>, #tpu.dimension_semantics<subcore_parallel>], iteration_bounds = array<i64: 2, 16>, scalar_prefetch = 0 : i64, scratch_operands = 3 : i64, tpu.core_type = #tpu.core_type<sc_vector_subcore>, window_params = [{transform_indices = #map}, {transform_indices = #map1}, {transform_indices = #map1}, {transform_indices = #map2}]} {
    "tpu.region"() ({
      %run_scoped3A = tpu.sem_alloc : memref<!tpu.dma_semaphore, #tpu.memory_space<semaphore_mem>>
      %dma_start3A = arith.constant 0 : i32
      %dma_start3A_19 = arith.constant 0 : i32
      %dma_start3A_20 = tpu.memref_slice %arg2[%arg1, %dma_start3A, %dma_start3A_19] : memref<16x80x128xi32, #tpu.memory_space<hbm>> -> memref<1x80x128xi32, #tpu.memory_space<hbm>>
      %dma_start3A_21 = tpu.memref_squeeze %dma_start3A_20 : memref<1x80x128xi32, #tpu.memory_space<hbm>> -> memref<80x128xi32, #tpu.memory_space<hbm>>
      %dma_start3A_22 = arith.constant 0 : i32
      %dma_start3A_23 = arith.constant 0 : i32
      %dma_start3A_24 = tpu.memref_slice %arg2[%arg1, %dma_start3A_22, %dma_start3A_23] : memref<16x80x128xi32, #tpu.memory_space<hbm>> -> memref<1x80x128xi32, #tpu.memory_space<hbm>>
      %dma_start3A_25 = tpu.memref_squeeze %dma_start3A_24 : memref<1x80x128xi32, #tpu.memory_space<hbm>> -> memref<80x128xi32, #tpu.memory_space<hbm>>
      tpu.enqueue_dma source(%dma_start3A_25 : memref<80x128xi32, #tpu.memory_space<hbm>>) target(%arg6 : memref<80x128xi32, #tpu.memory_space<vmem>>) target_semaphore(%run_scoped3A : memref<!tpu.dma_semaphore, #tpu.memory_space<semaphore_mem>>)
      %dma_wait3A = arith.constant 0 : i32
      %dma_wait3A_26 = arith.constant 0 : i32
      %dma_wait3A_27 = tpu.memref_slice %arg2[%arg1, %dma_wait3A, %dma_wait3A_26] : memref<16x80x128xi32, #tpu.memory_space<hbm>> -> memref<1x80x128xi32, #tpu.memory_space<hbm>>
      %dma_wait3A_28 = tpu.memref_squeeze %dma_wait3A_27 : memref<1x80x128xi32, #tpu.memory_space<hbm>> -> memref<80x128xi32, #tpu.memory_space<hbm>>
      %dma_wait3A_29 = arith.constant 0 : i32
      %dma_wait3A_30 = arith.constant 0 : i32
      %dma_wait3A_31 = tpu.memref_slice %arg2[%arg1, %dma_wait3A_29, %dma_wait3A_30] : memref<16x80x128xi32, #tpu.memory_space<hbm>> -> memref<1x80x128xi32, #tpu.memory_space<hbm>>
      %dma_wait3A_32 = tpu.memref_squeeze %dma_wait3A_31 : memref<1x80x128xi32, #tpu.memory_space<hbm>> -> memref<80x128xi32, #tpu.memory_space<hbm>>
      tpu.wait_dma2 semaphore(%run_scoped3A : memref<!tpu.dma_semaphore, #tpu.memory_space<semaphore_mem>>) src(%dma_wait3A_32 : memref<80x128xi32, #tpu.memory_space<hbm>>) dst(%arg6 : memref<80x128xi32, #tpu.memory_space<vmem>>)
      tpu.yield
    }) : () -> ()
    "tpu.region"() ({
      %run_scoped3A = tpu.sem_alloc : memref<!tpu.dma_semaphore, #tpu.memory_space<semaphore_mem>>
      tpu.enqueue_dma source(%arg3 : memref<128xf32, #tpu.memory_space<hbm>>) target(%arg7 : memref<128xf32, #tpu.memory_space<vmem>>) target_semaphore(%run_scoped3A : memref<!tpu.dma_semaphore, #tpu.memory_space<semaphore_mem>>)
      tpu.wait_dma2 semaphore(%run_scoped3A : memref<!tpu.dma_semaphore, #tpu.memory_space<semaphore_mem>>) src(%arg3 : memref<128xf32, #tpu.memory_space<hbm>>) dst(%arg7 : memref<128xf32, #tpu.memory_space<vmem>>)
      tpu.yield
    }) : () -> ()
    %mul3A = arith.constant 640 : i32
    %mul3A_0 = arith.muli %arg1, %mul3A : i32
    "tpu.region"() ({
      %run_scoped3A = tpu.sem_alloc : memref<!tpu.dma_semaphore, #tpu.memory_space<semaphore_mem>>
      %dma_start3A = tpu.memref_slice %arg8[%mul3A_0] : memref<10240xf32, #tpu.memory_space<vmem_shared>> -> memref<640xf32, #tpu.memory_space<vmem_shared>>
      tpu.enqueue_dma source(%arg4 : memref<640xf32, #tpu.memory_space<hbm>>) target(%dma_start3A : memref<640xf32, #tpu.memory_space<vmem_shared>>) target_semaphore(%run_scoped3A : memref<!tpu.dma_semaphore, #tpu.memory_space<semaphore_mem>>)
      %dma_wait3A = tpu.memref_slice %arg8[%mul3A_0] : memref<10240xf32, #tpu.memory_space<vmem_shared>> -> memref<640xf32, #tpu.memory_space<vmem_shared>>
      tpu.wait_dma2 semaphore(%run_scoped3A : memref<!tpu.dma_semaphore, #tpu.memory_space<semaphore_mem>>) src(%arg4 : memref<640xf32, #tpu.memory_space<hbm>>) dst(%dma_wait3A : memref<640xf32, #tpu.memory_space<vmem_shared>>)
      tpu.yield
    }) : () -> ()
    %barrier3A = arith.constant 0 : index
    tpu.barrier barrier_id(%barrier3A)
    %mul3A_1 = arith.constant 40 : i32
    %mul3A_2 = arith.muli %arg0, %mul3A_1 : i32
    %add3A = arith.constant 1 : i32
    %add3A_3 = arith.addi %arg0, %add3A : i32
    %mul3A_4 = arith.constant 40 : i32
    %mul3A_5 = arith.muli %add3A_3, %mul3A_4 : i32
    %while3A = arith.constant 0 : i32
    %while3A_6 = arith.subi %mul3A_5, %mul3A_2 : i32
    %while3A_7 = arith.addi %mul3A_2, %while3A_6 : i32
    %while3A_8 = arith.constant 1 : i32
    %while3A_9 = arith.divsi %while3A_6, %while3A_8 : i32
    %while3A_10 = arith.muli %while3A_9, %while3A_8 : i32
    %while3A_11 = arith.addi %mul3A_2, %while3A_10 : i32
    %while3A_12 = arith.constant 1 : i32
    scf.for %while3A_19 = %mul3A_2 to %while3A_11 step %while3A_12  : i32 {
      "tpu.region"() ({
        %run_scoped3A = tpu.sem_alloc : memref<!tpu.dma_semaphore, #tpu.memory_space<semaphore_mem>>
        %dma_start3A = arith.constant 0 : i32
        %dma_start3A_20 = tpu.memref_slice %arg6[%while3A_19, %dma_start3A] : memref<80x128xi32, #tpu.memory_space<vmem>> -> memref<1x128xi32, #tpu.memory_space<vmem>>
        %dma_start3A_21 = tpu.memref_squeeze %dma_start3A_20 : memref<1x128xi32, #tpu.memory_space<vmem>> -> memref<128xi32, #tpu.memory_space<vmem>>
        %dma_start3A_22 = arith.constant 0 : i32
        %dma_start3A_23 = tpu.memref_slice %arg8[%dma_start3A_22] : memref<10240xf32, #tpu.memory_space<vmem_shared>> -> memref<10240xf32, #tpu.memory_space<vmem_shared>>
        tpu.enqueue_indirect_dma source(%arg7 : memref<128xf32, #tpu.memory_space<vmem>>) target(%dma_start3A_23 : memref<10240xf32, #tpu.memory_space<vmem_shared>>) offsets(%dma_start3A_21 : memref<128xi32, #tpu.memory_space<vmem>>) semaphore(%run_scoped3A : memref<!tpu.dma_semaphore, #tpu.memory_space<semaphore_mem>>) {add = true}
        %dma_wait3A = arith.constant 0 : i32
        %dma_wait3A_24 = tpu.memref_slice %arg6[%while3A_19, %dma_wait3A] : memref<80x128xi32, #tpu.memory_space<vmem>> -> memref<1x128xi32, #tpu.memory_space<vmem>>
        %dma_wait3A_25 = tpu.memref_squeeze %dma_wait3A_24 : memref<1x128xi32, #tpu.memory_space<vmem>> -> memref<128xi32, #tpu.memory_space<vmem>>
        %dma_wait3A_26 = arith.constant 0 : i32
        %dma_wait3A_27 = tpu.memref_slice %arg8[%dma_wait3A_26] : memref<10240xf32, #tpu.memory_space<vmem_shared>> -> memref<10240xf32, #tpu.memory_space<vmem_shared>>
        tpu.wait_indirect_dma semaphore(%run_scoped3A : memref<!tpu.dma_semaphore, #tpu.memory_space<semaphore_mem>>) src(%arg7 : memref<128xf32, #tpu.memory_space<vmem>>) dst(%dma_wait3A_27 : memref<10240xf32, #tpu.memory_space<vmem_shared>>)
        tpu.yield
      }) : () -> ()
    }
    %while3A_13 = arith.constant 1 : i32
    scf.for %while3A_19 = %while3A_11 to %while3A_7 step %while3A_13  : i32 {
      "tpu.region"() ({
        %run_scoped3A = tpu.sem_alloc : memref<!tpu.dma_semaphore, #tpu.memory_space<semaphore_mem>>
        %dma_start3A = arith.constant 0 : i32
        %dma_start3A_20 = tpu.memref_slice %arg6[%while3A_19, %dma_start3A] : memref<80x128xi32, #tpu.memory_space<vmem>> -> memref<1x128xi32, #tpu.memory_space<vmem>>
        %dma_start3A_21 = tpu.memref_squeeze %dma_start3A_20 : memref<1x128xi32, #tpu.memory_space<vmem>> -> memref<128xi32, #tpu.memory_space<vmem>>
        %dma_start3A_22 = arith.constant 0 : i32
        %dma_start3A_23 = tpu.memref_slice %arg8[%dma_start3A_22] : memref<10240xf32, #tpu.memory_space<vmem_shared>> -> memref<10240xf32, #tpu.memory_space<vmem_shared>>
        tpu.enqueue_indirect_dma source(%arg7 : memref<128xf32, #tpu.memory_space<vmem>>) target(%dma_start3A_23 : memref<10240xf32, #tpu.memory_space<vmem_shared>>) offsets(%dma_start3A_21 : memref<128xi32, #tpu.memory_space<vmem>>) semaphore(%run_scoped3A : memref<!tpu.dma_semaphore, #tpu.memory_space<semaphore_mem>>) {add = true}
        %dma_wait3A = arith.constant 0 : i32
        %dma_wait3A_24 = tpu.memref_slice %arg6[%while3A_19, %dma_wait3A] : memref<80x128xi32, #tpu.memory_space<vmem>> -> memref<1x128xi32, #tpu.memory_space<vmem>>
        %dma_wait3A_25 = tpu.memref_squeeze %dma_wait3A_24 : memref<1x128xi32, #tpu.memory_space<vmem>> -> memref<128xi32, #tpu.memory_space<vmem>>
        %dma_wait3A_26 = arith.constant 0 : i32
        %dma_wait3A_27 = tpu.memref_slice %arg8[%dma_wait3A_26] : memref<10240xf32, #tpu.memory_space<vmem_shared>> -> memref<10240xf32, #tpu.memory_space<vmem_shared>>
        tpu.wait_indirect_dma semaphore(%run_scoped3A : memref<!tpu.dma_semaphore, #tpu.memory_space<semaphore_mem>>) src(%arg7 : memref<128xf32, #tpu.memory_space<vmem>>) dst(%dma_wait3A_27 : memref<10240xf32, #tpu.memory_space<vmem_shared>>)
        tpu.yield
      }) : () -> ()
    }
    %barrier3A_14 = arith.constant 0 : index
    tpu.barrier barrier_id(%barrier3A_14)
    %mul3A_15 = arith.constant 640 : i32
    %mul3A_16 = arith.muli %arg1, %mul3A_15 : i32
    %mul3A_17 = arith.constant 640 : i32
    %mul3A_18 = arith.muli %arg1, %mul3A_17 : i32
    "tpu.region"() ({
      %run_scoped3A = tpu.sem_alloc : memref<!tpu.dma_semaphore, #tpu.memory_space<semaphore_mem>>
      %dma_start3A = tpu.memref_slice %arg5[%arg0, %mul3A_18] : memref<2x10240xf32, #tpu.memory_space<hbm>> -> memref<1x640xf32, #tpu.memory_space<hbm>>
      %dma_start3A_19 = tpu.memref_squeeze %dma_start3A : memref<1x640xf32, #tpu.memory_space<hbm>> -> memref<640xf32, #tpu.memory_space<hbm>>
      %dma_start3A_20 = tpu.memref_slice %arg8[%mul3A_16] : memref<10240xf32, #tpu.memory_space<vmem_shared>> -> memref<640xf32, #tpu.memory_space<vmem_shared>>
      tpu.enqueue_dma source(%dma_start3A_20 : memref<640xf32, #tpu.memory_space<vmem_shared>>) target(%dma_start3A_19 : memref<640xf32, #tpu.memory_space<hbm>>) target_semaphore(%run_scoped3A : memref<!tpu.dma_semaphore, #tpu.memory_space<semaphore_mem>>)
      %dma_wait3A = tpu.memref_slice %arg5[%arg0, %mul3A_18] : memref<2x10240xf32, #tpu.memory_space<hbm>> -> memref<1x640xf32, #tpu.memory_space<hbm>>
      %dma_wait3A_21 = tpu.memref_squeeze %dma_wait3A : memref<1x640xf32, #tpu.memory_space<hbm>> -> memref<640xf32, #tpu.memory_space<hbm>>
      %dma_wait3A_22 = tpu.memref_slice %arg8[%mul3A_16] : memref<10240xf32, #tpu.memory_space<vmem_shared>> -> memref<640xf32, #tpu.memory_space<vmem_shared>>
      tpu.wait_dma2 semaphore(%run_scoped3A : memref<!tpu.dma_semaphore, #tpu.memory_space<semaphore_mem>>) src(%dma_wait3A_22 : memref<640xf32, #tpu.memory_space<vmem_shared>>) dst(%dma_wait3A_21 : memref<640xf32, #tpu.memory_space<hbm>>)
      tpu.yield
    }) : () -> ()
    return
  }
}

#map = affine_map<(d0, d1) -> (0, 0)>
#map1 = affine_map<(d0, d1) -> (0, 0, 0, 0)>
#map2 = affine_map<(d0, d1) -> (0, 0, 0)>
module attributes {stable_mosaic.version = 14 : i64} {
  func.func @agg_kernel(%arg0: i32, %arg1: i32, %arg2: memref<20480x128xf32, #tpu.memory_space<hbm>>, %arg3: memref<2x16x80x128xi32, #tpu.memory_space<hbm>>, %arg4: memref<16x80x128xi32, #tpu.memory_space<hbm>>, %arg5: memref<2x10240x128xf32, #tpu.memory_space<hbm>>, %arg6: memref<2x16x128xi32, #tpu.memory_space<vmem>>, %arg7: memref<80x128xi32, #tpu.memory_space<vmem>>, %arg8: memref<2x128x128xf32, #tpu.memory_space<vmem>>, %arg9: memref<10240x128xf32, #tpu.memory_space<vmem_shared>>, %arg10: memref<!tpu.dma_semaphore, #tpu.memory_space<semaphore_mem>>, %arg11: memref<!tpu.dma_semaphore, #tpu.memory_space<semaphore_mem>>, %arg12: memref<!tpu.dma_semaphore, #tpu.memory_space<semaphore_mem>>) attributes {dimension_semantics = [#tpu.dimension_semantics<core_parallel>, #tpu.dimension_semantics<subcore_parallel>], iteration_bounds = array<i64: 2, 16>, scalar_prefetch = 0 : i64, scratch_operands = 7 : i64, tpu.core_type = #tpu.core_type<sc_vector_subcore>, window_params = [{transform_indices = #map}, {transform_indices = #map1}, {transform_indices = #map2}, {transform_indices = #map2}]} {
    "tpu.region"() ({
      %run_scoped3A_31 = tpu.sem_alloc : memref<!tpu.dma_semaphore, #tpu.memory_space<semaphore_mem>>
      %dma_start3A_32 = arith.constant 0 : i32
      %dma_start3A_33 = arith.constant 0 : i32
      %dma_start3A_34 = tpu.memref_slice %arg4[%arg1, %dma_start3A_32, %dma_start3A_33] : memref<16x80x128xi32, #tpu.memory_space<hbm>> -> memref<1x80x128xi32, #tpu.memory_space<hbm>>
      %dma_start3A_35 = tpu.memref_squeeze %dma_start3A_34 : memref<1x80x128xi32, #tpu.memory_space<hbm>> -> memref<80x128xi32, #tpu.memory_space<hbm>>
      %dma_start3A_36 = arith.constant 0 : i32
      %dma_start3A_37 = arith.constant 0 : i32
      %dma_start3A_38 = tpu.memref_slice %arg4[%arg1, %dma_start3A_36, %dma_start3A_37] : memref<16x80x128xi32, #tpu.memory_space<hbm>> -> memref<1x80x128xi32, #tpu.memory_space<hbm>>
      %dma_start3A_39 = tpu.memref_squeeze %dma_start3A_38 : memref<1x80x128xi32, #tpu.memory_space<hbm>> -> memref<80x128xi32, #tpu.memory_space<hbm>>
      tpu.enqueue_dma source(%dma_start3A_39 : memref<80x128xi32, #tpu.memory_space<hbm>>) target(%arg7 : memref<80x128xi32, #tpu.memory_space<vmem>>) target_semaphore(%run_scoped3A_31 : memref<!tpu.dma_semaphore, #tpu.memory_space<semaphore_mem>>)
      %dma_wait3A = arith.constant 0 : i32
      %dma_wait3A_40 = arith.constant 0 : i32
      %dma_wait3A_41 = tpu.memref_slice %arg4[%arg1, %dma_wait3A, %dma_wait3A_40] : memref<16x80x128xi32, #tpu.memory_space<hbm>> -> memref<1x80x128xi32, #tpu.memory_space<hbm>>
      %dma_wait3A_42 = tpu.memref_squeeze %dma_wait3A_41 : memref<1x80x128xi32, #tpu.memory_space<hbm>> -> memref<80x128xi32, #tpu.memory_space<hbm>>
      %dma_wait3A_43 = arith.constant 0 : i32
      %dma_wait3A_44 = arith.constant 0 : i32
      %dma_wait3A_45 = tpu.memref_slice %arg4[%arg1, %dma_wait3A_43, %dma_wait3A_44] : memref<16x80x128xi32, #tpu.memory_space<hbm>> -> memref<1x80x128xi32, #tpu.memory_space<hbm>>
      %dma_wait3A_46 = tpu.memref_squeeze %dma_wait3A_45 : memref<1x80x128xi32, #tpu.memory_space<hbm>> -> memref<80x128xi32, #tpu.memory_space<hbm>>
      tpu.wait_dma2 semaphore(%run_scoped3A_31 : memref<!tpu.dma_semaphore, #tpu.memory_space<semaphore_mem>>) src(%dma_wait3A_46 : memref<80x128xi32, #tpu.memory_space<hbm>>) dst(%arg7 : memref<80x128xi32, #tpu.memory_space<vmem>>)
      tpu.yield
    }) : () -> ()
    %mul3A = arith.constant 1 : i32
    %mul3A_0 = arith.muli %arg0, %mul3A : i32
    %add3A = arith.constant 0 : i32
    %add3A_1 = arith.addi %mul3A_0, %add3A : i32
    %mul3A_2 = arith.constant 10240 : i32
    %mul3A_3 = arith.muli %add3A_1, %mul3A_2 : i32
    %mul3A_4 = arith.constant 640 : i32
    %mul3A_5 = arith.muli %arg1, %mul3A_4 : i32
    %add3A_6 = arith.addi %mul3A_3, %mul3A_5 : i32
    %mul3A_7 = arith.constant 640 : i32
    %mul3A_8 = arith.muli %arg1, %mul3A_7 : i32
    "tpu.region"() ({
      %run_scoped3A_31 = tpu.sem_alloc : memref<!tpu.dma_semaphore, #tpu.memory_space<semaphore_mem>>
      %dma_start3A_32 = arith.constant 0 : i32
      %dma_start3A_33 = tpu.memref_slice %arg9[%mul3A_8, %dma_start3A_32] : memref<10240x128xf32, #tpu.memory_space<vmem_shared>> -> memref<640x128xf32, #tpu.memory_space<vmem_shared>>
      %dma_start3A_34 = arith.constant 0 : i32
      %dma_start3A_35 = tpu.memref_slice %arg2[%add3A_6, %dma_start3A_34] : memref<20480x128xf32, #tpu.memory_space<hbm>> -> memref<640x128xf32, #tpu.memory_space<hbm>>
      tpu.enqueue_dma source(%dma_start3A_35 : memref<640x128xf32, #tpu.memory_space<hbm>>) target(%dma_start3A_33 : memref<640x128xf32, #tpu.memory_space<vmem_shared>>) target_semaphore(%run_scoped3A_31 : memref<!tpu.dma_semaphore, #tpu.memory_space<semaphore_mem>>)
      %dma_wait3A = arith.constant 0 : i32
      %dma_wait3A_36 = tpu.memref_slice %arg9[%mul3A_8, %dma_wait3A] : memref<10240x128xf32, #tpu.memory_space<vmem_shared>> -> memref<640x128xf32, #tpu.memory_space<vmem_shared>>
      %dma_wait3A_37 = arith.constant 0 : i32
      %dma_wait3A_38 = tpu.memref_slice %arg2[%add3A_6, %dma_wait3A_37] : memref<20480x128xf32, #tpu.memory_space<hbm>> -> memref<640x128xf32, #tpu.memory_space<hbm>>
      tpu.wait_dma2 semaphore(%run_scoped3A_31 : memref<!tpu.dma_semaphore, #tpu.memory_space<semaphore_mem>>) src(%dma_wait3A_38 : memref<640x128xf32, #tpu.memory_space<hbm>>) dst(%dma_wait3A_36 : memref<640x128xf32, #tpu.memory_space<vmem_shared>>)
      tpu.yield
    }) : () -> ()
    %run_scoped3A = arith.constant 0 : i32
    "tpu.region"() ({
      %run_scoped3A_31 = tpu.sem_alloc : memref<!tpu.dma_semaphore, #tpu.memory_space<semaphore_mem>>
      %dma_start3A_32 = arith.constant 0 : i32
      %dma_start3A_33 = arith.constant 0 : i32
      %dma_start3A_34 = tpu.memref_slice %arg6[%run_scoped3A, %dma_start3A_32, %dma_start3A_33] : memref<2x16x128xi32, #tpu.memory_space<vmem>> -> memref<1x16x128xi32, #tpu.memory_space<vmem>>
      %dma_start3A_35 = tpu.memref_squeeze %dma_start3A_34 : memref<1x16x128xi32, #tpu.memory_space<vmem>> -> memref<16x128xi32, #tpu.memory_space<vmem>>
      %dma_start3A_36 = arith.constant 0 : i32
      %dma_start3A_37 = arith.constant 0 : i32
      %dma_start3A_38 = tpu.memref_slice %arg3[%add3A_1, %arg1, %dma_start3A_36, %dma_start3A_37] : memref<2x16x80x128xi32, #tpu.memory_space<hbm>> -> memref<1x1x16x128xi32, #tpu.memory_space<hbm>>
      %dma_start3A_39 = tpu.memref_squeeze %dma_start3A_38 : memref<1x1x16x128xi32, #tpu.memory_space<hbm>> -> memref<16x128xi32, #tpu.memory_space<hbm>>
      %dma_start3A_40 = arith.constant 0 : i32
      %dma_start3A_41 = arith.constant 0 : i32
      %dma_start3A_42 = tpu.memref_slice %arg6[%run_scoped3A, %dma_start3A_40, %dma_start3A_41] : memref<2x16x128xi32, #tpu.memory_space<vmem>> -> memref<1x16x128xi32, #tpu.memory_space<vmem>>
      %dma_start3A_43 = tpu.memref_squeeze %dma_start3A_42 : memref<1x16x128xi32, #tpu.memory_space<vmem>> -> memref<16x128xi32, #tpu.memory_space<vmem>>
      %dma_start3A_44 = arith.constant 0 : i32
      %dma_start3A_45 = arith.constant 0 : i32
      %dma_start3A_46 = tpu.memref_slice %arg3[%add3A_1, %arg1, %dma_start3A_44, %dma_start3A_45] : memref<2x16x80x128xi32, #tpu.memory_space<hbm>> -> memref<1x1x16x128xi32, #tpu.memory_space<hbm>>
      %dma_start3A_47 = tpu.memref_squeeze %dma_start3A_46 : memref<1x1x16x128xi32, #tpu.memory_space<hbm>> -> memref<16x128xi32, #tpu.memory_space<hbm>>
      tpu.enqueue_dma source(%dma_start3A_47 : memref<16x128xi32, #tpu.memory_space<hbm>>) target(%dma_start3A_43 : memref<16x128xi32, #tpu.memory_space<vmem>>) target_semaphore(%run_scoped3A_31 : memref<!tpu.dma_semaphore, #tpu.memory_space<semaphore_mem>>)
      %dma_wait3A = arith.constant 0 : i32
      %dma_wait3A_48 = arith.constant 0 : i32
      %dma_wait3A_49 = tpu.memref_slice %arg6[%run_scoped3A, %dma_wait3A, %dma_wait3A_48] : memref<2x16x128xi32, #tpu.memory_space<vmem>> -> memref<1x16x128xi32, #tpu.memory_space<vmem>>
      %dma_wait3A_50 = tpu.memref_squeeze %dma_wait3A_49 : memref<1x16x128xi32, #tpu.memory_space<vmem>> -> memref<16x128xi32, #tpu.memory_space<vmem>>
      %dma_wait3A_51 = arith.constant 0 : i32
      %dma_wait3A_52 = arith.constant 0 : i32
      %dma_wait3A_53 = tpu.memref_slice %arg3[%add3A_1, %arg1, %dma_wait3A_51, %dma_wait3A_52] : memref<2x16x80x128xi32, #tpu.memory_space<hbm>> -> memref<1x1x16x128xi32, #tpu.memory_space<hbm>>
      %dma_wait3A_54 = tpu.memref_squeeze %dma_wait3A_53 : memref<1x1x16x128xi32, #tpu.memory_space<hbm>> -> memref<16x128xi32, #tpu.memory_space<hbm>>
      %dma_wait3A_55 = arith.constant 0 : i32
      %dma_wait3A_56 = arith.constant 0 : i32
      %dma_wait3A_57 = tpu.memref_slice %arg6[%run_scoped3A, %dma_wait3A_55, %dma_wait3A_56] : memref<2x16x128xi32, #tpu.memory_space<vmem>> -> memref<1x16x128xi32, #tpu.memory_space<vmem>>
      %dma_wait3A_58 = tpu.memref_squeeze %dma_wait3A_57 : memref<1x16x128xi32, #tpu.memory_space<vmem>> -> memref<16x128xi32, #tpu.memory_space<vmem>>
      %dma_wait3A_59 = arith.constant 0 : i32
      %dma_wait3A_60 = arith.constant 0 : i32
      %dma_wait3A_61 = tpu.memref_slice %arg3[%add3A_1, %arg1, %dma_wait3A_59, %dma_wait3A_60] : memref<2x16x80x128xi32, #tpu.memory_space<hbm>> -> memref<1x1x16x128xi32, #tpu.memory_space<hbm>>
      %dma_wait3A_62 = tpu.memref_squeeze %dma_wait3A_61 : memref<1x1x16x128xi32, #tpu.memory_space<hbm>> -> memref<16x128xi32, #tpu.memory_space<hbm>>
      tpu.wait_dma2 semaphore(%run_scoped3A_31 : memref<!tpu.dma_semaphore, #tpu.memory_space<semaphore_mem>>) src(%dma_wait3A_62 : memref<16x128xi32, #tpu.memory_space<hbm>>) dst(%dma_wait3A_58 : memref<16x128xi32, #tpu.memory_space<vmem>>)
      tpu.yield
    }) : () -> ()
    %barrier3A = arith.constant 0 : index
    tpu.barrier barrier_id(%barrier3A)
    %dma_start3A = arith.constant 0 : i32
    %dma_start3A_9 = arith.constant 0 : i32
    %dma_start3A_10 = arith.constant 0 : i32
    %dma_start3A_11 = arith.constant 0 : i32
    %dma_start3A_12 = arith.constant 0 : i32
    %dma_start3A_13 = tpu.memref_slice %arg8[%dma_start3A_10, %dma_start3A_11, %dma_start3A_12] : memref<2x128x128xf32, #tpu.memory_space<vmem>> -> memref<1x128x128xf32, #tpu.memory_space<vmem>>
    %dma_start3A_14 = tpu.memref_squeeze %dma_start3A_13 : memref<1x128x128xf32, #tpu.memory_space<vmem>> -> memref<128x128xf32, #tpu.memory_space<vmem>>
    %dma_start3A_15 = arith.constant 0 : i32
    %dma_start3A_16 = tpu.memref_slice %arg6[%dma_start3A, %dma_start3A_9, %dma_start3A_15] : memref<2x16x128xi32, #tpu.memory_space<vmem>> -> memref<1x1x128xi32, #tpu.memory_space<vmem>>
    %dma_start3A_17 = tpu.memref_squeeze %dma_start3A_16 : memref<1x1x128xi32, #tpu.memory_space<vmem>> -> memref<128xi32, #tpu.memory_space<vmem>>
    %dma_start3A_18 = arith.constant 0 : i32
    %dma_start3A_19 = arith.constant 0 : i32
    %dma_start3A_20 = tpu.memref_slice %arg2[%dma_start3A_18, %dma_start3A_19] : memref<20480x128xf32, #tpu.memory_space<hbm>> -> memref<20480x128xf32, #tpu.memory_space<hbm>>
    tpu.enqueue_indirect_dma source(%dma_start3A_20 : memref<20480x128xf32, #tpu.memory_space<hbm>>) target(%dma_start3A_14 : memref<128x128xf32, #tpu.memory_space<vmem>>) offsets(%dma_start3A_17 : memref<128xi32, #tpu.memory_space<vmem>>) semaphore(%arg10 : memref<!tpu.dma_semaphore, #tpu.memory_space<semaphore_mem>>)
    %scan3A = arith.constant 0 : i32
    %scan3A_21 = arith.constant 0 : i32
    %scan3A_22 = arith.constant 5 : i32
    %scan3A_23 = arith.addi %scan3A_21, %scan3A_22 : i32
    %scan3A_24 = arith.constant 1 : i32
    scf.for %scan3A_31 = %scan3A_21 to %scan3A_23 step %scan3A_24  : i32 {
      %jit3A = arith.constant 2 : i32
      %eq3A = arith.constant 0 : i32
      %eq3A_32 = arith.cmpi eq, %jit3A, %eq3A : i32
      %jit3A_33 = arith.constant 1 : i32
      %select_n3A = arith.select %eq3A_32, %jit3A_33, %jit3A : i32
      %rem3A = arith.remsi %scan3A_31, %select_n3A : i32
      %ne3A = arith.constant 0 : i32
      %ne3A_34 = arith.cmpi ne, %rem3A, %ne3A : i32
      %lt3A = arith.constant 0 : i32
      %lt3A_35 = arith.cmpi slt, %rem3A, %lt3A : i32
      %lt3A_36 = arith.constant 0 : i32
      %lt3A_37 = arith.cmpi slt, %select_n3A, %lt3A_36 : i32
      %ne3A_38 = arith.xori %lt3A_35, %lt3A_37 : i1
      %and3A = arith.andi %ne3A_38, %ne3A_34 : i1
      %add3A_39 = arith.addi %rem3A, %select_n3A : i32
      %select_n3A_40 = arith.select %and3A, %add3A_39, %rem3A : i32
      %lt3A_41 = arith.constant 4 : i32
      %lt3A_42 = arith.cmpi slt, %scan3A_31, %lt3A_41 : i32
      %convert_element_type3A = arith.extui %lt3A_42 : i1 to i32
      %cond3A = arith.constant 0 : i32
      %cond3A_43 = arith.cmpi ne, %convert_element_type3A, %cond3A : i32
      scf.if %cond3A_43 {
        %add3A_55 = arith.constant 1 : i32
        %add3A_56 = arith.addi %scan3A_31, %add3A_55 : i32
        %mul3A_57 = arith.constant 16 : i32
        %mul3A_58 = arith.muli %add3A_56, %mul3A_57 : i32
        %sub3A = arith.constant 1 : i32
        %sub3A_59 = arith.subi %sub3A, %select_n3A_40 : i32
        %dma_start3A_60 = arith.constant 0 : i32
        %dma_start3A_61 = arith.constant 0 : i32
        %dma_start3A_62 = tpu.memref_slice %arg6[%sub3A_59, %dma_start3A_60, %dma_start3A_61] : memref<2x16x128xi32, #tpu.memory_space<vmem>> -> memref<1x16x128xi32, #tpu.memory_space<vmem>>
        %dma_start3A_63 = tpu.memref_squeeze %dma_start3A_62 : memref<1x16x128xi32, #tpu.memory_space<vmem>> -> memref<16x128xi32, #tpu.memory_space<vmem>>
        %dma_start3A_64 = arith.constant 0 : i32
        %dma_start3A_65 = tpu.memref_slice %arg3[%add3A_1, %arg1, %mul3A_58, %dma_start3A_64] : memref<2x16x80x128xi32, #tpu.memory_space<hbm>> -> memref<1x1x16x128xi32, #tpu.memory_space<hbm>>
        %dma_start3A_66 = tpu.memref_squeeze %dma_start3A_65 : memref<1x1x16x128xi32, #tpu.memory_space<hbm>> -> memref<16x128xi32, #tpu.memory_space<hbm>>
        %dma_start3A_67 = arith.constant 0 : i32
        %dma_start3A_68 = arith.constant 0 : i32
        %dma_start3A_69 = tpu.memref_slice %arg6[%sub3A_59, %dma_start3A_67, %dma_start3A_68] : memref<2x16x128xi32, #tpu.memory_space<vmem>> -> memref<1x16x128xi32, #tpu.memory_space<vmem>>
        %dma_start3A_70 = tpu.memref_squeeze %dma_start3A_69 : memref<1x16x128xi32, #tpu.memory_space<vmem>> -> memref<16x128xi32, #tpu.memory_space<vmem>>
        %dma_start3A_71 = arith.constant 0 : i32
        %dma_start3A_72 = tpu.memref_slice %arg3[%add3A_1, %arg1, %mul3A_58, %dma_start3A_71] : memref<2x16x80x128xi32, #tpu.memory_space<hbm>> -> memref<1x1x16x128xi32, #tpu.memory_space<hbm>>
        %dma_start3A_73 = tpu.memref_squeeze %dma_start3A_72 : memref<1x1x16x128xi32, #tpu.memory_space<hbm>> -> memref<16x128xi32, #tpu.memory_space<hbm>>
        tpu.enqueue_dma source(%dma_start3A_73 : memref<16x128xi32, #tpu.memory_space<hbm>>) target(%dma_start3A_70 : memref<16x128xi32, #tpu.memory_space<vmem>>) target_semaphore(%arg12 : memref<!tpu.dma_semaphore, #tpu.memory_space<semaphore_mem>>)
      } else {
      }
      %scan3A_44 = arith.constant 0 : i32
      %scan3A_45 = arith.constant 0 : i32
      %scan3A_46 = arith.constant 8 : i32
      %scan3A_47 = arith.addi %scan3A_45, %scan3A_46 : i32
      %scan3A_48 = arith.constant 1 : i32
      scf.for %scan3A_55 = %scan3A_45 to %scan3A_47 step %scan3A_48  : i32 {
        %mul3A_56 = arith.constant 2 : i32
        %mul3A_57 = arith.muli %mul3A_56, %scan3A_55 : i32
        %add3A_58 = arith.constant 1 : i32
        %add3A_59 = arith.addi %mul3A_57, %add3A_58 : i32
        %mul3A_60 = arith.constant 16 : i32
        %mul3A_61 = arith.muli %scan3A_31, %mul3A_60 : i32
        %dma_start3A_62 = arith.constant 1 : i32
        %dma_start3A_63 = arith.constant 0 : i32
        %dma_start3A_64 = arith.constant 0 : i32
        %dma_start3A_65 = tpu.memref_slice %arg8[%dma_start3A_62, %dma_start3A_63, %dma_start3A_64] : memref<2x128x128xf32, #tpu.memory_space<vmem>> -> memref<1x128x128xf32, #tpu.memory_space<vmem>>
        %dma_start3A_66 = tpu.memref_squeeze %dma_start3A_65 : memref<1x128x128xf32, #tpu.memory_space<vmem>> -> memref<128x128xf32, #tpu.memory_space<vmem>>
        %dma_start3A_67 = arith.constant 0 : i32
        %dma_start3A_68 = tpu.memref_slice %arg6[%select_n3A_40, %add3A_59, %dma_start3A_67] : memref<2x16x128xi32, #tpu.memory_space<vmem>> -> memref<1x1x128xi32, #tpu.memory_space<vmem>>
        %dma_start3A_69 = tpu.memref_squeeze %dma_start3A_68 : memref<1x1x128xi32, #tpu.memory_space<vmem>> -> memref<128xi32, #tpu.memory_space<vmem>>
        %dma_start3A_70 = arith.constant 0 : i32
        %dma_start3A_71 = arith.constant 0 : i32
        %dma_start3A_72 = tpu.memref_slice %arg2[%dma_start3A_70, %dma_start3A_71] : memref<20480x128xf32, #tpu.memory_space<hbm>> -> memref<20480x128xf32, #tpu.memory_space<hbm>>
        tpu.enqueue_indirect_dma source(%dma_start3A_72 : memref<20480x128xf32, #tpu.memory_space<hbm>>) target(%dma_start3A_66 : memref<128x128xf32, #tpu.memory_space<vmem>>) offsets(%dma_start3A_69 : memref<128xi32, #tpu.memory_space<vmem>>) semaphore(%arg11 : memref<!tpu.dma_semaphore, #tpu.memory_space<semaphore_mem>>)
        %dma_wait3A = arith.constant 0 : i32
        %dma_wait3A_73 = arith.constant 0 : i32
        %dma_wait3A_74 = arith.constant 0 : i32
        %dma_wait3A_75 = tpu.memref_slice %arg8[%dma_wait3A, %dma_wait3A_73, %dma_wait3A_74] : memref<2x128x128xf32, #tpu.memory_space<vmem>> -> memref<1x128x128xf32, #tpu.memory_space<vmem>>
        %dma_wait3A_76 = tpu.memref_squeeze %dma_wait3A_75 : memref<1x128x128xf32, #tpu.memory_space<vmem>> -> memref<128x128xf32, #tpu.memory_space<vmem>>
        %dma_wait3A_77 = arith.constant 0 : i32
        %dma_wait3A_78 = tpu.memref_slice %arg6[%select_n3A_40, %mul3A_57, %dma_wait3A_77] : memref<2x16x128xi32, #tpu.memory_space<vmem>> -> memref<1x1x128xi32, #tpu.memory_space<vmem>>
        %dma_wait3A_79 = tpu.memref_squeeze %dma_wait3A_78 : memref<1x1x128xi32, #tpu.memory_space<vmem>> -> memref<128xi32, #tpu.memory_space<vmem>>
        %dma_wait3A_80 = arith.constant 0 : i32
        %dma_wait3A_81 = arith.constant 0 : i32
        %dma_wait3A_82 = tpu.memref_slice %arg2[%dma_wait3A_80, %dma_wait3A_81] : memref<20480x128xf32, #tpu.memory_space<hbm>> -> memref<20480x128xf32, #tpu.memory_space<hbm>>
        tpu.wait_indirect_dma semaphore(%arg10 : memref<!tpu.dma_semaphore, #tpu.memory_space<semaphore_mem>>) src(%dma_wait3A_82 : memref<20480x128xf32, #tpu.memory_space<hbm>>) dst(%dma_wait3A_76 : memref<128x128xf32, #tpu.memory_space<vmem>>)
        %add3A_83 = arith.addi %mul3A_61, %mul3A_57 : i32
        %run_scoped3A_84 = arith.constant 0 : i32
        "tpu.region"() ({
          %run_scoped3A_103 = tpu.sem_alloc : memref<!tpu.dma_semaphore, #tpu.memory_space<semaphore_mem>>
          %dma_start3A_104 = arith.constant 0 : i32
          %dma_start3A_105 = arith.constant 0 : i32
          %dma_start3A_106 = tpu.memref_slice %arg8[%run_scoped3A_84, %dma_start3A_104, %dma_start3A_105] : memref<2x128x128xf32, #tpu.memory_space<vmem>> -> memref<1x128x128xf32, #tpu.memory_space<vmem>>
          %dma_start3A_107 = tpu.memref_squeeze %dma_start3A_106 : memref<1x128x128xf32, #tpu.memory_space<vmem>> -> memref<128x128xf32, #tpu.memory_space<vmem>>
          %dma_start3A_108 = arith.constant 0 : i32
          %dma_start3A_109 = tpu.memref_slice %arg7[%add3A_83, %dma_start3A_108] : memref<80x128xi32, #tpu.memory_space<vmem>> -> memref<1x128xi32, #tpu.memory_space<vmem>>
          %dma_start3A_110 = tpu.memref_squeeze %dma_start3A_109 : memref<1x128xi32, #tpu.memory_space<vmem>> -> memref<128xi32, #tpu.memory_space<vmem>>
          %dma_start3A_111 = arith.constant 0 : i32
          %dma_start3A_112 = arith.constant 0 : i32
          %dma_start3A_113 = tpu.memref_slice %arg9[%dma_start3A_111, %dma_start3A_112] : memref<10240x128xf32, #tpu.memory_space<vmem_shared>> -> memref<10240x128xf32, #tpu.memory_space<vmem_shared>>
          tpu.enqueue_indirect_dma source(%dma_start3A_107 : memref<128x128xf32, #tpu.memory_space<vmem>>) target(%dma_start3A_113 : memref<10240x128xf32, #tpu.memory_space<vmem_shared>>) offsets(%dma_start3A_110 : memref<128xi32, #tpu.memory_space<vmem>>) semaphore(%run_scoped3A_103 : memref<!tpu.dma_semaphore, #tpu.memory_space<semaphore_mem>>) {add = true}
          %dma_wait3A_114 = arith.constant 0 : i32
          %dma_wait3A_115 = arith.constant 0 : i32
          %dma_wait3A_116 = tpu.memref_slice %arg8[%run_scoped3A_84, %dma_wait3A_114, %dma_wait3A_115] : memref<2x128x128xf32, #tpu.memory_space<vmem>> -> memref<1x128x128xf32, #tpu.memory_space<vmem>>
          %dma_wait3A_117 = tpu.memref_squeeze %dma_wait3A_116 : memref<1x128x128xf32, #tpu.memory_space<vmem>> -> memref<128x128xf32, #tpu.memory_space<vmem>>
          %dma_wait3A_118 = arith.constant 0 : i32
          %dma_wait3A_119 = tpu.memref_slice %arg7[%add3A_83, %dma_wait3A_118] : memref<80x128xi32, #tpu.memory_space<vmem>> -> memref<1x128xi32, #tpu.memory_space<vmem>>
          %dma_wait3A_120 = tpu.memref_squeeze %dma_wait3A_119 : memref<1x128xi32, #tpu.memory_space<vmem>> -> memref<128xi32, #tpu.memory_space<vmem>>
          %dma_wait3A_121 = arith.constant 0 : i32
          %dma_wait3A_122 = arith.constant 0 : i32
          %dma_wait3A_123 = tpu.memref_slice %arg9[%dma_wait3A_121, %dma_wait3A_122] : memref<10240x128xf32, #tpu.memory_space<vmem_shared>> -> memref<10240x128xf32, #tpu.memory_space<vmem_shared>>
          tpu.wait_indirect_dma semaphore(%run_scoped3A_103 : memref<!tpu.dma_semaphore, #tpu.memory_space<semaphore_mem>>) src(%dma_wait3A_117 : memref<128x128xf32, #tpu.memory_space<vmem>>) dst(%dma_wait3A_123 : memref<10240x128xf32, #tpu.memory_space<vmem_shared>>)
          tpu.yield
        }) : () -> ()
        %lt3A_85 = arith.constant 7 : i32
        %lt3A_86 = arith.cmpi slt, %scan3A_55, %lt3A_85 : i32
        %convert_element_type3A_87 = arith.extui %lt3A_86 : i1 to i32
        %cond3A_88 = arith.constant 0 : i32
        %cond3A_89 = arith.cmpi ne, %convert_element_type3A_87, %cond3A_88 : i32
        scf.if %cond3A_89 {
          %add3A_103 = arith.constant 2 : i32
          %add3A_104 = arith.addi %mul3A_57, %add3A_103 : i32
          %dma_start3A_105 = arith.constant 0 : i32
          %dma_start3A_106 = arith.constant 0 : i32
          %dma_start3A_107 = arith.constant 0 : i32
          %dma_start3A_108 = tpu.memref_slice %arg8[%dma_start3A_105, %dma_start3A_106, %dma_start3A_107] : memref<2x128x128xf32, #tpu.memory_space<vmem>> -> memref<1x128x128xf32, #tpu.memory_space<vmem>>
          %dma_start3A_109 = tpu.memref_squeeze %dma_start3A_108 : memref<1x128x128xf32, #tpu.memory_space<vmem>> -> memref<128x128xf32, #tpu.memory_space<vmem>>
          %dma_start3A_110 = arith.constant 0 : i32
          %dma_start3A_111 = tpu.memref_slice %arg6[%select_n3A_40, %add3A_104, %dma_start3A_110] : memref<2x16x128xi32, #tpu.memory_space<vmem>> -> memref<1x1x128xi32, #tpu.memory_space<vmem>>
          %dma_start3A_112 = tpu.memref_squeeze %dma_start3A_111 : memref<1x1x128xi32, #tpu.memory_space<vmem>> -> memref<128xi32, #tpu.memory_space<vmem>>
          %dma_start3A_113 = arith.constant 0 : i32
          %dma_start3A_114 = arith.constant 0 : i32
          %dma_start3A_115 = tpu.memref_slice %arg2[%dma_start3A_113, %dma_start3A_114] : memref<20480x128xf32, #tpu.memory_space<hbm>> -> memref<20480x128xf32, #tpu.memory_space<hbm>>
          tpu.enqueue_indirect_dma source(%dma_start3A_115 : memref<20480x128xf32, #tpu.memory_space<hbm>>) target(%dma_start3A_109 : memref<128x128xf32, #tpu.memory_space<vmem>>) offsets(%dma_start3A_112 : memref<128xi32, #tpu.memory_space<vmem>>) semaphore(%arg10 : memref<!tpu.dma_semaphore, #tpu.memory_space<semaphore_mem>>)
        } else {
        }
        %dma_wait3A_90 = arith.constant 1 : i32
        %dma_wait3A_91 = arith.constant 0 : i32
        %dma_wait3A_92 = arith.constant 0 : i32
        %dma_wait3A_93 = tpu.memref_slice %arg8[%dma_wait3A_90, %dma_wait3A_91, %dma_wait3A_92] : memref<2x128x128xf32, #tpu.memory_space<vmem>> -> memref<1x128x128xf32, #tpu.memory_space<vmem>>
        %dma_wait3A_94 = tpu.memref_squeeze %dma_wait3A_93 : memref<1x128x128xf32, #tpu.memory_space<vmem>> -> memref<128x128xf32, #tpu.memory_space<vmem>>
        %dma_wait3A_95 = arith.constant 0 : i32
        %dma_wait3A_96 = tpu.memref_slice %arg6[%select_n3A_40, %add3A_59, %dma_wait3A_95] : memref<2x16x128xi32, #tpu.memory_space<vmem>> -> memref<1x1x128xi32, #tpu.memory_space<vmem>>
        %dma_wait3A_97 = tpu.memref_squeeze %dma_wait3A_96 : memref<1x1x128xi32, #tpu.memory_space<vmem>> -> memref<128xi32, #tpu.memory_space<vmem>>
        %dma_wait3A_98 = arith.constant 0 : i32
        %dma_wait3A_99 = arith.constant 0 : i32
        %dma_wait3A_100 = tpu.memref_slice %arg2[%dma_wait3A_98, %dma_wait3A_99] : memref<20480x128xf32, #tpu.memory_space<hbm>> -> memref<20480x128xf32, #tpu.memory_space<hbm>>
        tpu.wait_indirect_dma semaphore(%arg11 : memref<!tpu.dma_semaphore, #tpu.memory_space<semaphore_mem>>) src(%dma_wait3A_100 : memref<20480x128xf32, #tpu.memory_space<hbm>>) dst(%dma_wait3A_94 : memref<128x128xf32, #tpu.memory_space<vmem>>)
        %add3A_101 = arith.addi %mul3A_61, %add3A_59 : i32
        %run_scoped3A_102 = arith.constant 1 : i32
        "tpu.region"() ({
          %run_scoped3A_103 = tpu.sem_alloc : memref<!tpu.dma_semaphore, #tpu.memory_space<semaphore_mem>>
          %dma_start3A_104 = arith.constant 0 : i32
          %dma_start3A_105 = arith.constant 0 : i32
          %dma_start3A_106 = tpu.memref_slice %arg8[%run_scoped3A_102, %dma_start3A_104, %dma_start3A_105] : memref<2x128x128xf32, #tpu.memory_space<vmem>> -> memref<1x128x128xf32, #tpu.memory_space<vmem>>
          %dma_start3A_107 = tpu.memref_squeeze %dma_start3A_106 : memref<1x128x128xf32, #tpu.memory_space<vmem>> -> memref<128x128xf32, #tpu.memory_space<vmem>>
          %dma_start3A_108 = arith.constant 0 : i32
          %dma_start3A_109 = tpu.memref_slice %arg7[%add3A_101, %dma_start3A_108] : memref<80x128xi32, #tpu.memory_space<vmem>> -> memref<1x128xi32, #tpu.memory_space<vmem>>
          %dma_start3A_110 = tpu.memref_squeeze %dma_start3A_109 : memref<1x128xi32, #tpu.memory_space<vmem>> -> memref<128xi32, #tpu.memory_space<vmem>>
          %dma_start3A_111 = arith.constant 0 : i32
          %dma_start3A_112 = arith.constant 0 : i32
          %dma_start3A_113 = tpu.memref_slice %arg9[%dma_start3A_111, %dma_start3A_112] : memref<10240x128xf32, #tpu.memory_space<vmem_shared>> -> memref<10240x128xf32, #tpu.memory_space<vmem_shared>>
          tpu.enqueue_indirect_dma source(%dma_start3A_107 : memref<128x128xf32, #tpu.memory_space<vmem>>) target(%dma_start3A_113 : memref<10240x128xf32, #tpu.memory_space<vmem_shared>>) offsets(%dma_start3A_110 : memref<128xi32, #tpu.memory_space<vmem>>) semaphore(%run_scoped3A_103 : memref<!tpu.dma_semaphore, #tpu.memory_space<semaphore_mem>>) {add = true}
          %dma_wait3A_114 = arith.constant 0 : i32
          %dma_wait3A_115 = arith.constant 0 : i32
          %dma_wait3A_116 = tpu.memref_slice %arg8[%run_scoped3A_102, %dma_wait3A_114, %dma_wait3A_115] : memref<2x128x128xf32, #tpu.memory_space<vmem>> -> memref<1x128x128xf32, #tpu.memory_space<vmem>>
          %dma_wait3A_117 = tpu.memref_squeeze %dma_wait3A_116 : memref<1x128x128xf32, #tpu.memory_space<vmem>> -> memref<128x128xf32, #tpu.memory_space<vmem>>
          %dma_wait3A_118 = arith.constant 0 : i32
          %dma_wait3A_119 = tpu.memref_slice %arg7[%add3A_101, %dma_wait3A_118] : memref<80x128xi32, #tpu.memory_space<vmem>> -> memref<1x128xi32, #tpu.memory_space<vmem>>
          %dma_wait3A_120 = tpu.memref_squeeze %dma_wait3A_119 : memref<1x128xi32, #tpu.memory_space<vmem>> -> memref<128xi32, #tpu.memory_space<vmem>>
          %dma_wait3A_121 = arith.constant 0 : i32
          %dma_wait3A_122 = arith.constant 0 : i32
          %dma_wait3A_123 = tpu.memref_slice %arg9[%dma_wait3A_121, %dma_wait3A_122] : memref<10240x128xf32, #tpu.memory_space<vmem_shared>> -> memref<10240x128xf32, #tpu.memory_space<vmem_shared>>
          tpu.wait_indirect_dma semaphore(%run_scoped3A_103 : memref<!tpu.dma_semaphore, #tpu.memory_space<semaphore_mem>>) src(%dma_wait3A_117 : memref<128x128xf32, #tpu.memory_space<vmem>>) dst(%dma_wait3A_123 : memref<10240x128xf32, #tpu.memory_space<vmem_shared>>)
          tpu.yield
        }) : () -> ()
      }
      %scan3A_49 = arith.constant 8 : i32
      %lt3A_50 = arith.constant 4 : i32
      %lt3A_51 = arith.cmpi slt, %scan3A_31, %lt3A_50 : i32
      %convert_element_type3A_52 = arith.extui %lt3A_51 : i1 to i32
      %cond3A_53 = arith.constant 0 : i32
      %cond3A_54 = arith.cmpi ne, %convert_element_type3A_52, %cond3A_53 : i32
      scf.if %cond3A_54 {
        %add3A_55 = arith.constant 1 : i32
        %add3A_56 = arith.addi %scan3A_31, %add3A_55 : i32
        %mul3A_57 = arith.constant 16 : i32
        %mul3A_58 = arith.muli %add3A_56, %mul3A_57 : i32
        %sub3A = arith.constant 1 : i32
        %sub3A_59 = arith.subi %sub3A, %select_n3A_40 : i32
        %dma_wait3A = arith.constant 0 : i32
        %dma_wait3A_60 = arith.constant 0 : i32
        %dma_wait3A_61 = tpu.memref_slice %arg6[%sub3A_59, %dma_wait3A, %dma_wait3A_60] : memref<2x16x128xi32, #tpu.memory_space<vmem>> -> memref<1x16x128xi32, #tpu.memory_space<vmem>>
        %dma_wait3A_62 = tpu.memref_squeeze %dma_wait3A_61 : memref<1x16x128xi32, #tpu.memory_space<vmem>> -> memref<16x128xi32, #tpu.memory_space<vmem>>
        %dma_wait3A_63 = arith.constant 0 : i32
        %dma_wait3A_64 = tpu.memref_slice %arg3[%add3A_1, %arg1, %mul3A_58, %dma_wait3A_63] : memref<2x16x80x128xi32, #tpu.memory_space<hbm>> -> memref<1x1x16x128xi32, #tpu.memory_space<hbm>>
        %dma_wait3A_65 = tpu.memref_squeeze %dma_wait3A_64 : memref<1x1x16x128xi32, #tpu.memory_space<hbm>> -> memref<16x128xi32, #tpu.memory_space<hbm>>
        %dma_wait3A_66 = arith.constant 0 : i32
        %dma_wait3A_67 = arith.constant 0 : i32
        %dma_wait3A_68 = tpu.memref_slice %arg6[%sub3A_59, %dma_wait3A_66, %dma_wait3A_67] : memref<2x16x128xi32, #tpu.memory_space<vmem>> -> memref<1x16x128xi32, #tpu.memory_space<vmem>>
        %dma_wait3A_69 = tpu.memref_squeeze %dma_wait3A_68 : memref<1x16x128xi32, #tpu.memory_space<vmem>> -> memref<16x128xi32, #tpu.memory_space<vmem>>
        %dma_wait3A_70 = arith.constant 0 : i32
        %dma_wait3A_71 = tpu.memref_slice %arg3[%add3A_1, %arg1, %mul3A_58, %dma_wait3A_70] : memref<2x16x80x128xi32, #tpu.memory_space<hbm>> -> memref<1x1x16x128xi32, #tpu.memory_space<hbm>>
        %dma_wait3A_72 = tpu.memref_squeeze %dma_wait3A_71 : memref<1x1x16x128xi32, #tpu.memory_space<hbm>> -> memref<16x128xi32, #tpu.memory_space<hbm>>
        tpu.wait_dma2 semaphore(%arg12 : memref<!tpu.dma_semaphore, #tpu.memory_space<semaphore_mem>>) src(%dma_wait3A_72 : memref<16x128xi32, #tpu.memory_space<hbm>>) dst(%dma_wait3A_69 : memref<16x128xi32, #tpu.memory_space<vmem>>)
        %sub3A_73 = arith.constant 1 : i32
        %sub3A_74 = arith.subi %sub3A_73, %select_n3A_40 : i32
        %dma_start3A_75 = arith.constant 0 : i32
        %dma_start3A_76 = arith.constant 0 : i32
        %dma_start3A_77 = arith.constant 0 : i32
        %dma_start3A_78 = arith.constant 0 : i32
        %dma_start3A_79 = tpu.memref_slice %arg8[%dma_start3A_76, %dma_start3A_77, %dma_start3A_78] : memref<2x128x128xf32, #tpu.memory_space<vmem>> -> memref<1x128x128xf32, #tpu.memory_space<vmem>>
        %dma_start3A_80 = tpu.memref_squeeze %dma_start3A_79 : memref<1x128x128xf32, #tpu.memory_space<vmem>> -> memref<128x128xf32, #tpu.memory_space<vmem>>
        %dma_start3A_81 = arith.constant 0 : i32
        %dma_start3A_82 = tpu.memref_slice %arg6[%sub3A_74, %dma_start3A_75, %dma_start3A_81] : memref<2x16x128xi32, #tpu.memory_space<vmem>> -> memref<1x1x128xi32, #tpu.memory_space<vmem>>
        %dma_start3A_83 = tpu.memref_squeeze %dma_start3A_82 : memref<1x1x128xi32, #tpu.memory_space<vmem>> -> memref<128xi32, #tpu.memory_space<vmem>>
        %dma_start3A_84 = arith.constant 0 : i32
        %dma_start3A_85 = arith.constant 0 : i32
        %dma_start3A_86 = tpu.memref_slice %arg2[%dma_start3A_84, %dma_start3A_85] : memref<20480x128xf32, #tpu.memory_space<hbm>> -> memref<20480x128xf32, #tpu.memory_space<hbm>>
        tpu.enqueue_indirect_dma source(%dma_start3A_86 : memref<20480x128xf32, #tpu.memory_space<hbm>>) target(%dma_start3A_80 : memref<128x128xf32, #tpu.memory_space<vmem>>) offsets(%dma_start3A_83 : memref<128xi32, #tpu.memory_space<vmem>>) semaphore(%arg10 : memref<!tpu.dma_semaphore, #tpu.memory_space<semaphore_mem>>)
      } else {
      }
    }
    %scan3A_25 = arith.constant 5 : i32
    %barrier3A_26 = arith.constant 0 : index
    tpu.barrier barrier_id(%barrier3A_26)
    %mul3A_27 = arith.constant 640 : i32
    %mul3A_28 = arith.muli %arg1, %mul3A_27 : i32
    %mul3A_29 = arith.constant 640 : i32
    %mul3A_30 = arith.muli %arg1, %mul3A_29 : i32
    "tpu.region"() ({
      %run_scoped3A_31 = tpu.sem_alloc : memref<!tpu.dma_semaphore, #tpu.memory_space<semaphore_mem>>
      %dma_start3A_32 = arith.constant 0 : i32
      %dma_start3A_33 = tpu.memref_slice %arg5[%add3A_1, %mul3A_30, %dma_start3A_32] : memref<2x10240x128xf32, #tpu.memory_space<hbm>> -> memref<1x640x128xf32, #tpu.memory_space<hbm>>
      %dma_start3A_34 = tpu.memref_squeeze %dma_start3A_33 : memref<1x640x128xf32, #tpu.memory_space<hbm>> -> memref<640x128xf32, #tpu.memory_space<hbm>>
      %dma_start3A_35 = arith.constant 0 : i32
      %dma_start3A_36 = tpu.memref_slice %arg9[%mul3A_28, %dma_start3A_35] : memref<10240x128xf32, #tpu.memory_space<vmem_shared>> -> memref<640x128xf32, #tpu.memory_space<vmem_shared>>
      tpu.enqueue_dma source(%dma_start3A_36 : memref<640x128xf32, #tpu.memory_space<vmem_shared>>) target(%dma_start3A_34 : memref<640x128xf32, #tpu.memory_space<hbm>>) target_semaphore(%run_scoped3A_31 : memref<!tpu.dma_semaphore, #tpu.memory_space<semaphore_mem>>)
      %dma_wait3A = arith.constant 0 : i32
      %dma_wait3A_37 = tpu.memref_slice %arg5[%add3A_1, %mul3A_30, %dma_wait3A] : memref<2x10240x128xf32, #tpu.memory_space<hbm>> -> memref<1x640x128xf32, #tpu.memory_space<hbm>>
      %dma_wait3A_38 = tpu.memref_squeeze %dma_wait3A_37 : memref<1x640x128xf32, #tpu.memory_space<hbm>> -> memref<640x128xf32, #tpu.memory_space<hbm>>
      %dma_wait3A_39 = arith.constant 0 : i32
      %dma_wait3A_40 = tpu.memref_slice %arg9[%mul3A_28, %dma_wait3A_39] : memref<10240x128xf32, #tpu.memory_space<vmem_shared>> -> memref<640x128xf32, #tpu.memory_space<vmem_shared>>
      tpu.wait_dma2 semaphore(%run_scoped3A_31 : memref<!tpu.dma_semaphore, #tpu.memory_space<semaphore_mem>>) src(%dma_wait3A_40 : memref<640x128xf32, #tpu.memory_space<vmem_shared>>) dst(%dma_wait3A_38 : memref<640x128xf32, #tpu.memory_space<hbm>>)
      tpu.yield
    }) : () -> ()
    return
  }
}

#map = affine_map<(d0, d1) -> (0, 0)>
#map1 = affine_map<(d0, d1) -> (0, 0, 0, 0)>
#map2 = affine_map<(d0, d1) -> (0, 0, 0)>
module attributes {stable_mosaic.version = 14 : i64} {
  func.func @agg_kernel(%arg0: i32, %arg1: i32, %arg2: memref<40960x128xf32, #tpu.memory_space<hbm>>, %arg3: memref<4x16x80x128xi32, #tpu.memory_space<hbm>>, %arg4: memref<16x80x128xi32, #tpu.memory_space<hbm>>, %arg5: memref<4x10240x128xf32, #tpu.memory_space<hbm>>, %arg6: memref<2x16x128xi32, #tpu.memory_space<vmem>>, %arg7: memref<80x128xi32, #tpu.memory_space<vmem>>, %arg8: memref<2x128x128xf32, #tpu.memory_space<vmem>>, %arg9: memref<10240x128xf32, #tpu.memory_space<vmem_shared>>, %arg10: memref<!tpu.dma_semaphore, #tpu.memory_space<semaphore_mem>>, %arg11: memref<!tpu.dma_semaphore, #tpu.memory_space<semaphore_mem>>, %arg12: memref<!tpu.dma_semaphore, #tpu.memory_space<semaphore_mem>>) attributes {dimension_semantics = [#tpu.dimension_semantics<core_parallel>, #tpu.dimension_semantics<subcore_parallel>], iteration_bounds = array<i64: 2, 16>, scalar_prefetch = 0 : i64, scratch_operands = 7 : i64, tpu.core_type = #tpu.core_type<sc_vector_subcore>, window_params = [{transform_indices = #map}, {transform_indices = #map1}, {transform_indices = #map2}, {transform_indices = #map2}]} {
    "tpu.region"() ({
      %run_scoped3A_68 = tpu.sem_alloc : memref<!tpu.dma_semaphore, #tpu.memory_space<semaphore_mem>>
      %dma_start3A_69 = arith.constant 0 : i32
      %dma_start3A_70 = arith.constant 0 : i32
      %dma_start3A_71 = tpu.memref_slice %arg4[%arg1, %dma_start3A_69, %dma_start3A_70] : memref<16x80x128xi32, #tpu.memory_space<hbm>> -> memref<1x80x128xi32, #tpu.memory_space<hbm>>
      %dma_start3A_72 = tpu.memref_squeeze %dma_start3A_71 : memref<1x80x128xi32, #tpu.memory_space<hbm>> -> memref<80x128xi32, #tpu.memory_space<hbm>>
      %dma_start3A_73 = arith.constant 0 : i32
      %dma_start3A_74 = arith.constant 0 : i32
      %dma_start3A_75 = tpu.memref_slice %arg4[%arg1, %dma_start3A_73, %dma_start3A_74] : memref<16x80x128xi32, #tpu.memory_space<hbm>> -> memref<1x80x128xi32, #tpu.memory_space<hbm>>
      %dma_start3A_76 = tpu.memref_squeeze %dma_start3A_75 : memref<1x80x128xi32, #tpu.memory_space<hbm>> -> memref<80x128xi32, #tpu.memory_space<hbm>>
      tpu.enqueue_dma source(%dma_start3A_76 : memref<80x128xi32, #tpu.memory_space<hbm>>) target(%arg7 : memref<80x128xi32, #tpu.memory_space<vmem>>) target_semaphore(%run_scoped3A_68 : memref<!tpu.dma_semaphore, #tpu.memory_space<semaphore_mem>>)
      %dma_wait3A = arith.constant 0 : i32
      %dma_wait3A_77 = arith.constant 0 : i32
      %dma_wait3A_78 = tpu.memref_slice %arg4[%arg1, %dma_wait3A, %dma_wait3A_77] : memref<16x80x128xi32, #tpu.memory_space<hbm>> -> memref<1x80x128xi32, #tpu.memory_space<hbm>>
      %dma_wait3A_79 = tpu.memref_squeeze %dma_wait3A_78 : memref<1x80x128xi32, #tpu.memory_space<hbm>> -> memref<80x128xi32, #tpu.memory_space<hbm>>
      %dma_wait3A_80 = arith.constant 0 : i32
      %dma_wait3A_81 = arith.constant 0 : i32
      %dma_wait3A_82 = tpu.memref_slice %arg4[%arg1, %dma_wait3A_80, %dma_wait3A_81] : memref<16x80x128xi32, #tpu.memory_space<hbm>> -> memref<1x80x128xi32, #tpu.memory_space<hbm>>
      %dma_wait3A_83 = tpu.memref_squeeze %dma_wait3A_82 : memref<1x80x128xi32, #tpu.memory_space<hbm>> -> memref<80x128xi32, #tpu.memory_space<hbm>>
      tpu.wait_dma2 semaphore(%run_scoped3A_68 : memref<!tpu.dma_semaphore, #tpu.memory_space<semaphore_mem>>) src(%dma_wait3A_83 : memref<80x128xi32, #tpu.memory_space<hbm>>) dst(%arg7 : memref<80x128xi32, #tpu.memory_space<vmem>>)
      tpu.yield
    }) : () -> ()
    %mul3A = arith.constant 2 : i32
    %mul3A_0 = arith.muli %arg0, %mul3A : i32
    %add3A = arith.constant 0 : i32
    %add3A_1 = arith.addi %mul3A_0, %add3A : i32
    %mul3A_2 = arith.constant 10240 : i32
    %mul3A_3 = arith.muli %add3A_1, %mul3A_2 : i32
    %mul3A_4 = arith.constant 640 : i32
    %mul3A_5 = arith.muli %arg1, %mul3A_4 : i32
    %add3A_6 = arith.addi %mul3A_3, %mul3A_5 : i32
    %mul3A_7 = arith.constant 640 : i32
    %mul3A_8 = arith.muli %arg1, %mul3A_7 : i32
    "tpu.region"() ({
      %run_scoped3A_68 = tpu.sem_alloc : memref<!tpu.dma_semaphore, #tpu.memory_space<semaphore_mem>>
      %dma_start3A_69 = arith.constant 0 : i32
      %dma_start3A_70 = tpu.memref_slice %arg9[%mul3A_8, %dma_start3A_69] : memref<10240x128xf32, #tpu.memory_space<vmem_shared>> -> memref<640x128xf32, #tpu.memory_space<vmem_shared>>
      %dma_start3A_71 = arith.constant 0 : i32
      %dma_start3A_72 = tpu.memref_slice %arg2[%add3A_6, %dma_start3A_71] : memref<40960x128xf32, #tpu.memory_space<hbm>> -> memref<640x128xf32, #tpu.memory_space<hbm>>
      tpu.enqueue_dma source(%dma_start3A_72 : memref<640x128xf32, #tpu.memory_space<hbm>>) target(%dma_start3A_70 : memref<640x128xf32, #tpu.memory_space<vmem_shared>>) target_semaphore(%run_scoped3A_68 : memref<!tpu.dma_semaphore, #tpu.memory_space<semaphore_mem>>)
      %dma_wait3A = arith.constant 0 : i32
      %dma_wait3A_73 = tpu.memref_slice %arg9[%mul3A_8, %dma_wait3A] : memref<10240x128xf32, #tpu.memory_space<vmem_shared>> -> memref<640x128xf32, #tpu.memory_space<vmem_shared>>
      %dma_wait3A_74 = arith.constant 0 : i32
      %dma_wait3A_75 = tpu.memref_slice %arg2[%add3A_6, %dma_wait3A_74] : memref<40960x128xf32, #tpu.memory_space<hbm>> -> memref<640x128xf32, #tpu.memory_space<hbm>>
      tpu.wait_dma2 semaphore(%run_scoped3A_68 : memref<!tpu.dma_semaphore, #tpu.memory_space<semaphore_mem>>) src(%dma_wait3A_75 : memref<640x128xf32, #tpu.memory_space<hbm>>) dst(%dma_wait3A_73 : memref<640x128xf32, #tpu.memory_space<vmem_shared>>)
      tpu.yield
    }) : () -> ()
    %run_scoped3A = arith.constant 0 : i32
    "tpu.region"() ({
      %run_scoped3A_68 = tpu.sem_alloc : memref<!tpu.dma_semaphore, #tpu.memory_space<semaphore_mem>>
      %dma_start3A_69 = arith.constant 0 : i32
      %dma_start3A_70 = arith.constant 0 : i32
      %dma_start3A_71 = tpu.memref_slice %arg6[%run_scoped3A, %dma_start3A_69, %dma_start3A_70] : memref<2x16x128xi32, #tpu.memory_space<vmem>> -> memref<1x16x128xi32, #tpu.memory_space<vmem>>
      %dma_start3A_72 = tpu.memref_squeeze %dma_start3A_71 : memref<1x16x128xi32, #tpu.memory_space<vmem>> -> memref<16x128xi32, #tpu.memory_space<vmem>>
      %dma_start3A_73 = arith.constant 0 : i32
      %dma_start3A_74 = arith.constant 0 : i32
      %dma_start3A_75 = tpu.memref_slice %arg3[%add3A_1, %arg1, %dma_start3A_73, %dma_start3A_74] : memref<4x16x80x128xi32, #tpu.memory_space<hbm>> -> memref<1x1x16x128xi32, #tpu.memory_space<hbm>>
      %dma_start3A_76 = tpu.memref_squeeze %dma_start3A_75 : memref<1x1x16x128xi32, #tpu.memory_space<hbm>> -> memref<16x128xi32, #tpu.memory_space<hbm>>
      %dma_start3A_77 = arith.constant 0 : i32
      %dma_start3A_78 = arith.constant 0 : i32
      %dma_start3A_79 = tpu.memref_slice %arg6[%run_scoped3A, %dma_start3A_77, %dma_start3A_78] : memref<2x16x128xi32, #tpu.memory_space<vmem>> -> memref<1x16x128xi32, #tpu.memory_space<vmem>>
      %dma_start3A_80 = tpu.memref_squeeze %dma_start3A_79 : memref<1x16x128xi32, #tpu.memory_space<vmem>> -> memref<16x128xi32, #tpu.memory_space<vmem>>
      %dma_start3A_81 = arith.constant 0 : i32
      %dma_start3A_82 = arith.constant 0 : i32
      %dma_start3A_83 = tpu.memref_slice %arg3[%add3A_1, %arg1, %dma_start3A_81, %dma_start3A_82] : memref<4x16x80x128xi32, #tpu.memory_space<hbm>> -> memref<1x1x16x128xi32, #tpu.memory_space<hbm>>
      %dma_start3A_84 = tpu.memref_squeeze %dma_start3A_83 : memref<1x1x16x128xi32, #tpu.memory_space<hbm>> -> memref<16x128xi32, #tpu.memory_space<hbm>>
      tpu.enqueue_dma source(%dma_start3A_84 : memref<16x128xi32, #tpu.memory_space<hbm>>) target(%dma_start3A_80 : memref<16x128xi32, #tpu.memory_space<vmem>>) target_semaphore(%run_scoped3A_68 : memref<!tpu.dma_semaphore, #tpu.memory_space<semaphore_mem>>)
      %dma_wait3A = arith.constant 0 : i32
      %dma_wait3A_85 = arith.constant 0 : i32
      %dma_wait3A_86 = tpu.memref_slice %arg6[%run_scoped3A, %dma_wait3A, %dma_wait3A_85] : memref<2x16x128xi32, #tpu.memory_space<vmem>> -> memref<1x16x128xi32, #tpu.memory_space<vmem>>
      %dma_wait3A_87 = tpu.memref_squeeze %dma_wait3A_86 : memref<1x16x128xi32, #tpu.memory_space<vmem>> -> memref<16x128xi32, #tpu.memory_space<vmem>>
      %dma_wait3A_88 = arith.constant 0 : i32
      %dma_wait3A_89 = arith.constant 0 : i32
      %dma_wait3A_90 = tpu.memref_slice %arg3[%add3A_1, %arg1, %dma_wait3A_88, %dma_wait3A_89] : memref<4x16x80x128xi32, #tpu.memory_space<hbm>> -> memref<1x1x16x128xi32, #tpu.memory_space<hbm>>
      %dma_wait3A_91 = tpu.memref_squeeze %dma_wait3A_90 : memref<1x1x16x128xi32, #tpu.memory_space<hbm>> -> memref<16x128xi32, #tpu.memory_space<hbm>>
      %dma_wait3A_92 = arith.constant 0 : i32
      %dma_wait3A_93 = arith.constant 0 : i32
      %dma_wait3A_94 = tpu.memref_slice %arg6[%run_scoped3A, %dma_wait3A_92, %dma_wait3A_93] : memref<2x16x128xi32, #tpu.memory_space<vmem>> -> memref<1x16x128xi32, #tpu.memory_space<vmem>>
      %dma_wait3A_95 = tpu.memref_squeeze %dma_wait3A_94 : memref<1x16x128xi32, #tpu.memory_space<vmem>> -> memref<16x128xi32, #tpu.memory_space<vmem>>
      %dma_wait3A_96 = arith.constant 0 : i32
      %dma_wait3A_97 = arith.constant 0 : i32
      %dma_wait3A_98 = tpu.memref_slice %arg3[%add3A_1, %arg1, %dma_wait3A_96, %dma_wait3A_97] : memref<4x16x80x128xi32, #tpu.memory_space<hbm>> -> memref<1x1x16x128xi32, #tpu.memory_space<hbm>>
      %dma_wait3A_99 = tpu.memref_squeeze %dma_wait3A_98 : memref<1x1x16x128xi32, #tpu.memory_space<hbm>> -> memref<16x128xi32, #tpu.memory_space<hbm>>
      tpu.wait_dma2 semaphore(%run_scoped3A_68 : memref<!tpu.dma_semaphore, #tpu.memory_space<semaphore_mem>>) src(%dma_wait3A_99 : memref<16x128xi32, #tpu.memory_space<hbm>>) dst(%dma_wait3A_95 : memref<16x128xi32, #tpu.memory_space<vmem>>)
      tpu.yield
    }) : () -> ()
    %barrier3A = arith.constant 0 : index
    tpu.barrier barrier_id(%barrier3A)
    %dma_start3A = arith.constant 0 : i32
    %dma_start3A_9 = arith.constant 0 : i32
    %dma_start3A_10 = arith.constant 0 : i32
    %dma_start3A_11 = arith.constant 0 : i32
    %dma_start3A_12 = arith.constant 0 : i32
    %dma_start3A_13 = tpu.memref_slice %arg8[%dma_start3A_10, %dma_start3A_11, %dma_start3A_12] : memref<2x128x128xf32, #tpu.memory_space<vmem>> -> memref<1x128x128xf32, #tpu.memory_space<vmem>>
    %dma_start3A_14 = tpu.memref_squeeze %dma_start3A_13 : memref<1x128x128xf32, #tpu.memory_space<vmem>> -> memref<128x128xf32, #tpu.memory_space<vmem>>
    %dma_start3A_15 = arith.constant 0 : i32
    %dma_start3A_16 = tpu.memref_slice %arg6[%dma_start3A, %dma_start3A_9, %dma_start3A_15] : memref<2x16x128xi32, #tpu.memory_space<vmem>> -> memref<1x1x128xi32, #tpu.memory_space<vmem>>
    %dma_start3A_17 = tpu.memref_squeeze %dma_start3A_16 : memref<1x1x128xi32, #tpu.memory_space<vmem>> -> memref<128xi32, #tpu.memory_space<vmem>>
    %dma_start3A_18 = arith.constant 0 : i32
    %dma_start3A_19 = arith.constant 0 : i32
    %dma_start3A_20 = tpu.memref_slice %arg2[%dma_start3A_18, %dma_start3A_19] : memref<40960x128xf32, #tpu.memory_space<hbm>> -> memref<40960x128xf32, #tpu.memory_space<hbm>>
    tpu.enqueue_indirect_dma source(%dma_start3A_20 : memref<40960x128xf32, #tpu.memory_space<hbm>>) target(%dma_start3A_14 : memref<128x128xf32, #tpu.memory_space<vmem>>) offsets(%dma_start3A_17 : memref<128xi32, #tpu.memory_space<vmem>>) semaphore(%arg10 : memref<!tpu.dma_semaphore, #tpu.memory_space<semaphore_mem>>)
    %scan3A = arith.constant 0 : i32
    %scan3A_21 = arith.constant 0 : i32
    %scan3A_22 = arith.constant 5 : i32
    %scan3A_23 = arith.addi %scan3A_21, %scan3A_22 : i32
    %scan3A_24 = arith.constant 1 : i32
    scf.for %scan3A_68 = %scan3A_21 to %scan3A_23 step %scan3A_24  : i32 {
      %jit3A = arith.constant 2 : i32
      %eq3A = arith.constant 0 : i32
      %eq3A_69 = arith.cmpi eq, %jit3A, %eq3A : i32
      %jit3A_70 = arith.constant 1 : i32
      %select_n3A = arith.select %eq3A_69, %jit3A_70, %jit3A : i32
      %rem3A = arith.remsi %scan3A_68, %select_n3A : i32
      %ne3A = arith.constant 0 : i32
      %ne3A_71 = arith.cmpi ne, %rem3A, %ne3A : i32
      %lt3A = arith.constant 0 : i32
      %lt3A_72 = arith.cmpi slt, %rem3A, %lt3A : i32
      %lt3A_73 = arith.constant 0 : i32
      %lt3A_74 = arith.cmpi slt, %select_n3A, %lt3A_73 : i32
      %ne3A_75 = arith.xori %lt3A_72, %lt3A_74 : i1
      %and3A = arith.andi %ne3A_75, %ne3A_71 : i1
      %add3A_76 = arith.addi %rem3A, %select_n3A : i32
      %select_n3A_77 = arith.select %and3A, %add3A_76, %rem3A : i32
      %lt3A_78 = arith.constant 4 : i32
      %lt3A_79 = arith.cmpi slt, %scan3A_68, %lt3A_78 : i32
      %convert_element_type3A = arith.extui %lt3A_79 : i1 to i32
      %cond3A = arith.constant 0 : i32
      %cond3A_80 = arith.cmpi ne, %convert_element_type3A, %cond3A : i32
      scf.if %cond3A_80 {
        %add3A_92 = arith.constant 1 : i32
        %add3A_93 = arith.addi %scan3A_68, %add3A_92 : i32
        %mul3A_94 = arith.constant 16 : i32
        %mul3A_95 = arith.muli %add3A_93, %mul3A_94 : i32
        %sub3A = arith.constant 1 : i32
        %sub3A_96 = arith.subi %sub3A, %select_n3A_77 : i32
        %dma_start3A_97 = arith.constant 0 : i32
        %dma_start3A_98 = arith.constant 0 : i32
        %dma_start3A_99 = tpu.memref_slice %arg6[%sub3A_96, %dma_start3A_97, %dma_start3A_98] : memref<2x16x128xi32, #tpu.memory_space<vmem>> -> memref<1x16x128xi32, #tpu.memory_space<vmem>>
        %dma_start3A_100 = tpu.memref_squeeze %dma_start3A_99 : memref<1x16x128xi32, #tpu.memory_space<vmem>> -> memref<16x128xi32, #tpu.memory_space<vmem>>
        %dma_start3A_101 = arith.constant 0 : i32
        %dma_start3A_102 = tpu.memref_slice %arg3[%add3A_1, %arg1, %mul3A_95, %dma_start3A_101] : memref<4x16x80x128xi32, #tpu.memory_space<hbm>> -> memref<1x1x16x128xi32, #tpu.memory_space<hbm>>
        %dma_start3A_103 = tpu.memref_squeeze %dma_start3A_102 : memref<1x1x16x128xi32, #tpu.memory_space<hbm>> -> memref<16x128xi32, #tpu.memory_space<hbm>>
        %dma_start3A_104 = arith.constant 0 : i32
        %dma_start3A_105 = arith.constant 0 : i32
        %dma_start3A_106 = tpu.memref_slice %arg6[%sub3A_96, %dma_start3A_104, %dma_start3A_105] : memref<2x16x128xi32, #tpu.memory_space<vmem>> -> memref<1x16x128xi32, #tpu.memory_space<vmem>>
        %dma_start3A_107 = tpu.memref_squeeze %dma_start3A_106 : memref<1x16x128xi32, #tpu.memory_space<vmem>> -> memref<16x128xi32, #tpu.memory_space<vmem>>
        %dma_start3A_108 = arith.constant 0 : i32
        %dma_start3A_109 = tpu.memref_slice %arg3[%add3A_1, %arg1, %mul3A_95, %dma_start3A_108] : memref<4x16x80x128xi32, #tpu.memory_space<hbm>> -> memref<1x1x16x128xi32, #tpu.memory_space<hbm>>
        %dma_start3A_110 = tpu.memref_squeeze %dma_start3A_109 : memref<1x1x16x128xi32, #tpu.memory_space<hbm>> -> memref<16x128xi32, #tpu.memory_space<hbm>>
        tpu.enqueue_dma source(%dma_start3A_110 : memref<16x128xi32, #tpu.memory_space<hbm>>) target(%dma_start3A_107 : memref<16x128xi32, #tpu.memory_space<vmem>>) target_semaphore(%arg12 : memref<!tpu.dma_semaphore, #tpu.memory_space<semaphore_mem>>)
      } else {
      }
      %scan3A_81 = arith.constant 0 : i32
      %scan3A_82 = arith.constant 0 : i32
      %scan3A_83 = arith.constant 8 : i32
      %scan3A_84 = arith.addi %scan3A_82, %scan3A_83 : i32
      %scan3A_85 = arith.constant 1 : i32
      scf.for %scan3A_92 = %scan3A_82 to %scan3A_84 step %scan3A_85  : i32 {
        %mul3A_93 = arith.constant 2 : i32
        %mul3A_94 = arith.muli %mul3A_93, %scan3A_92 : i32
        %add3A_95 = arith.constant 1 : i32
        %add3A_96 = arith.addi %mul3A_94, %add3A_95 : i32
        %mul3A_97 = arith.constant 16 : i32
        %mul3A_98 = arith.muli %scan3A_68, %mul3A_97 : i32
        %dma_start3A_99 = arith.constant 1 : i32
        %dma_start3A_100 = arith.constant 0 : i32
        %dma_start3A_101 = arith.constant 0 : i32
        %dma_start3A_102 = tpu.memref_slice %arg8[%dma_start3A_99, %dma_start3A_100, %dma_start3A_101] : memref<2x128x128xf32, #tpu.memory_space<vmem>> -> memref<1x128x128xf32, #tpu.memory_space<vmem>>
        %dma_start3A_103 = tpu.memref_squeeze %dma_start3A_102 : memref<1x128x128xf32, #tpu.memory_space<vmem>> -> memref<128x128xf32, #tpu.memory_space<vmem>>
        %dma_start3A_104 = arith.constant 0 : i32
        %dma_start3A_105 = tpu.memref_slice %arg6[%select_n3A_77, %add3A_96, %dma_start3A_104] : memref<2x16x128xi32, #tpu.memory_space<vmem>> -> memref<1x1x128xi32, #tpu.memory_space<vmem>>
        %dma_start3A_106 = tpu.memref_squeeze %dma_start3A_105 : memref<1x1x128xi32, #tpu.memory_space<vmem>> -> memref<128xi32, #tpu.memory_space<vmem>>
        %dma_start3A_107 = arith.constant 0 : i32
        %dma_start3A_108 = arith.constant 0 : i32
        %dma_start3A_109 = tpu.memref_slice %arg2[%dma_start3A_107, %dma_start3A_108] : memref<40960x128xf32, #tpu.memory_space<hbm>> -> memref<40960x128xf32, #tpu.memory_space<hbm>>
        tpu.enqueue_indirect_dma source(%dma_start3A_109 : memref<40960x128xf32, #tpu.memory_space<hbm>>) target(%dma_start3A_103 : memref<128x128xf32, #tpu.memory_space<vmem>>) offsets(%dma_start3A_106 : memref<128xi32, #tpu.memory_space<vmem>>) semaphore(%arg11 : memref<!tpu.dma_semaphore, #tpu.memory_space<semaphore_mem>>)
        %dma_wait3A = arith.constant 0 : i32
        %dma_wait3A_110 = arith.constant 0 : i32
        %dma_wait3A_111 = arith.constant 0 : i32
        %dma_wait3A_112 = tpu.memref_slice %arg8[%dma_wait3A, %dma_wait3A_110, %dma_wait3A_111] : memref<2x128x128xf32, #tpu.memory_space<vmem>> -> memref<1x128x128xf32, #tpu.memory_space<vmem>>
        %dma_wait3A_113 = tpu.memref_squeeze %dma_wait3A_112 : memref<1x128x128xf32, #tpu.memory_space<vmem>> -> memref<128x128xf32, #tpu.memory_space<vmem>>
        %dma_wait3A_114 = arith.constant 0 : i32
        %dma_wait3A_115 = tpu.memref_slice %arg6[%select_n3A_77, %mul3A_94, %dma_wait3A_114] : memref<2x16x128xi32, #tpu.memory_space<vmem>> -> memref<1x1x128xi32, #tpu.memory_space<vmem>>
        %dma_wait3A_116 = tpu.memref_squeeze %dma_wait3A_115 : memref<1x1x128xi32, #tpu.memory_space<vmem>> -> memref<128xi32, #tpu.memory_space<vmem>>
        %dma_wait3A_117 = arith.constant 0 : i32
        %dma_wait3A_118 = arith.constant 0 : i32
        %dma_wait3A_119 = tpu.memref_slice %arg2[%dma_wait3A_117, %dma_wait3A_118] : memref<40960x128xf32, #tpu.memory_space<hbm>> -> memref<40960x128xf32, #tpu.memory_space<hbm>>
        tpu.wait_indirect_dma semaphore(%arg10 : memref<!tpu.dma_semaphore, #tpu.memory_space<semaphore_mem>>) src(%dma_wait3A_119 : memref<40960x128xf32, #tpu.memory_space<hbm>>) dst(%dma_wait3A_113 : memref<128x128xf32, #tpu.memory_space<vmem>>)
        %add3A_120 = arith.addi %mul3A_98, %mul3A_94 : i32
        %run_scoped3A_121 = arith.constant 0 : i32
        "tpu.region"() ({
          %run_scoped3A_140 = tpu.sem_alloc : memref<!tpu.dma_semaphore, #tpu.memory_space<semaphore_mem>>
          %dma_start3A_141 = arith.constant 0 : i32
          %dma_start3A_142 = arith.constant 0 : i32
          %dma_start3A_143 = tpu.memref_slice %arg8[%run_scoped3A_121, %dma_start3A_141, %dma_start3A_142] : memref<2x128x128xf32, #tpu.memory_space<vmem>> -> memref<1x128x128xf32, #tpu.memory_space<vmem>>
          %dma_start3A_144 = tpu.memref_squeeze %dma_start3A_143 : memref<1x128x128xf32, #tpu.memory_space<vmem>> -> memref<128x128xf32, #tpu.memory_space<vmem>>
          %dma_start3A_145 = arith.constant 0 : i32
          %dma_start3A_146 = tpu.memref_slice %arg7[%add3A_120, %dma_start3A_145] : memref<80x128xi32, #tpu.memory_space<vmem>> -> memref<1x128xi32, #tpu.memory_space<vmem>>
          %dma_start3A_147 = tpu.memref_squeeze %dma_start3A_146 : memref<1x128xi32, #tpu.memory_space<vmem>> -> memref<128xi32, #tpu.memory_space<vmem>>
          %dma_start3A_148 = arith.constant 0 : i32
          %dma_start3A_149 = arith.constant 0 : i32
          %dma_start3A_150 = tpu.memref_slice %arg9[%dma_start3A_148, %dma_start3A_149] : memref<10240x128xf32, #tpu.memory_space<vmem_shared>> -> memref<10240x128xf32, #tpu.memory_space<vmem_shared>>
          tpu.enqueue_indirect_dma source(%dma_start3A_144 : memref<128x128xf32, #tpu.memory_space<vmem>>) target(%dma_start3A_150 : memref<10240x128xf32, #tpu.memory_space<vmem_shared>>) offsets(%dma_start3A_147 : memref<128xi32, #tpu.memory_space<vmem>>) semaphore(%run_scoped3A_140 : memref<!tpu.dma_semaphore, #tpu.memory_space<semaphore_mem>>) {add = true}
          %dma_wait3A_151 = arith.constant 0 : i32
          %dma_wait3A_152 = arith.constant 0 : i32
          %dma_wait3A_153 = tpu.memref_slice %arg8[%run_scoped3A_121, %dma_wait3A_151, %dma_wait3A_152] : memref<2x128x128xf32, #tpu.memory_space<vmem>> -> memref<1x128x128xf32, #tpu.memory_space<vmem>>
          %dma_wait3A_154 = tpu.memref_squeeze %dma_wait3A_153 : memref<1x128x128xf32, #tpu.memory_space<vmem>> -> memref<128x128xf32, #tpu.memory_space<vmem>>
          %dma_wait3A_155 = arith.constant 0 : i32
          %dma_wait3A_156 = tpu.memref_slice %arg7[%add3A_120, %dma_wait3A_155] : memref<80x128xi32, #tpu.memory_space<vmem>> -> memref<1x128xi32, #tpu.memory_space<vmem>>
          %dma_wait3A_157 = tpu.memref_squeeze %dma_wait3A_156 : memref<1x128xi32, #tpu.memory_space<vmem>> -> memref<128xi32, #tpu.memory_space<vmem>>
          %dma_wait3A_158 = arith.constant 0 : i32
          %dma_wait3A_159 = arith.constant 0 : i32
          %dma_wait3A_160 = tpu.memref_slice %arg9[%dma_wait3A_158, %dma_wait3A_159] : memref<10240x128xf32, #tpu.memory_space<vmem_shared>> -> memref<10240x128xf32, #tpu.memory_space<vmem_shared>>
          tpu.wait_indirect_dma semaphore(%run_scoped3A_140 : memref<!tpu.dma_semaphore, #tpu.memory_space<semaphore_mem>>) src(%dma_wait3A_154 : memref<128x128xf32, #tpu.memory_space<vmem>>) dst(%dma_wait3A_160 : memref<10240x128xf32, #tpu.memory_space<vmem_shared>>)
          tpu.yield
        }) : () -> ()
        %lt3A_122 = arith.constant 7 : i32
        %lt3A_123 = arith.cmpi slt, %scan3A_92, %lt3A_122 : i32
        %convert_element_type3A_124 = arith.extui %lt3A_123 : i1 to i32
        %cond3A_125 = arith.constant 0 : i32
        %cond3A_126 = arith.cmpi ne, %convert_element_type3A_124, %cond3A_125 : i32
        scf.if %cond3A_126 {
          %add3A_140 = arith.constant 2 : i32
          %add3A_141 = arith.addi %mul3A_94, %add3A_140 : i32
          %dma_start3A_142 = arith.constant 0 : i32
          %dma_start3A_143 = arith.constant 0 : i32
          %dma_start3A_144 = arith.constant 0 : i32
          %dma_start3A_145 = tpu.memref_slice %arg8[%dma_start3A_142, %dma_start3A_143, %dma_start3A_144] : memref<2x128x128xf32, #tpu.memory_space<vmem>> -> memref<1x128x128xf32, #tpu.memory_space<vmem>>
          %dma_start3A_146 = tpu.memref_squeeze %dma_start3A_145 : memref<1x128x128xf32, #tpu.memory_space<vmem>> -> memref<128x128xf32, #tpu.memory_space<vmem>>
          %dma_start3A_147 = arith.constant 0 : i32
          %dma_start3A_148 = tpu.memref_slice %arg6[%select_n3A_77, %add3A_141, %dma_start3A_147] : memref<2x16x128xi32, #tpu.memory_space<vmem>> -> memref<1x1x128xi32, #tpu.memory_space<vmem>>
          %dma_start3A_149 = tpu.memref_squeeze %dma_start3A_148 : memref<1x1x128xi32, #tpu.memory_space<vmem>> -> memref<128xi32, #tpu.memory_space<vmem>>
          %dma_start3A_150 = arith.constant 0 : i32
          %dma_start3A_151 = arith.constant 0 : i32
          %dma_start3A_152 = tpu.memref_slice %arg2[%dma_start3A_150, %dma_start3A_151] : memref<40960x128xf32, #tpu.memory_space<hbm>> -> memref<40960x128xf32, #tpu.memory_space<hbm>>
          tpu.enqueue_indirect_dma source(%dma_start3A_152 : memref<40960x128xf32, #tpu.memory_space<hbm>>) target(%dma_start3A_146 : memref<128x128xf32, #tpu.memory_space<vmem>>) offsets(%dma_start3A_149 : memref<128xi32, #tpu.memory_space<vmem>>) semaphore(%arg10 : memref<!tpu.dma_semaphore, #tpu.memory_space<semaphore_mem>>)
        } else {
        }
        %dma_wait3A_127 = arith.constant 1 : i32
        %dma_wait3A_128 = arith.constant 0 : i32
        %dma_wait3A_129 = arith.constant 0 : i32
        %dma_wait3A_130 = tpu.memref_slice %arg8[%dma_wait3A_127, %dma_wait3A_128, %dma_wait3A_129] : memref<2x128x128xf32, #tpu.memory_space<vmem>> -> memref<1x128x128xf32, #tpu.memory_space<vmem>>
        %dma_wait3A_131 = tpu.memref_squeeze %dma_wait3A_130 : memref<1x128x128xf32, #tpu.memory_space<vmem>> -> memref<128x128xf32, #tpu.memory_space<vmem>>
        %dma_wait3A_132 = arith.constant 0 : i32
        %dma_wait3A_133 = tpu.memref_slice %arg6[%select_n3A_77, %add3A_96, %dma_wait3A_132] : memref<2x16x128xi32, #tpu.memory_space<vmem>> -> memref<1x1x128xi32, #tpu.memory_space<vmem>>
        %dma_wait3A_134 = tpu.memref_squeeze %dma_wait3A_133 : memref<1x1x128xi32, #tpu.memory_space<vmem>> -> memref<128xi32, #tpu.memory_space<vmem>>
        %dma_wait3A_135 = arith.constant 0 : i32
        %dma_wait3A_136 = arith.constant 0 : i32
        %dma_wait3A_137 = tpu.memref_slice %arg2[%dma_wait3A_135, %dma_wait3A_136] : memref<40960x128xf32, #tpu.memory_space<hbm>> -> memref<40960x128xf32, #tpu.memory_space<hbm>>
        tpu.wait_indirect_dma semaphore(%arg11 : memref<!tpu.dma_semaphore, #tpu.memory_space<semaphore_mem>>) src(%dma_wait3A_137 : memref<40960x128xf32, #tpu.memory_space<hbm>>) dst(%dma_wait3A_131 : memref<128x128xf32, #tpu.memory_space<vmem>>)
        %add3A_138 = arith.addi %mul3A_98, %add3A_96 : i32
        %run_scoped3A_139 = arith.constant 1 : i32
        "tpu.region"() ({
          %run_scoped3A_140 = tpu.sem_alloc : memref<!tpu.dma_semaphore, #tpu.memory_space<semaphore_mem>>
          %dma_start3A_141 = arith.constant 0 : i32
          %dma_start3A_142 = arith.constant 0 : i32
          %dma_start3A_143 = tpu.memref_slice %arg8[%run_scoped3A_139, %dma_start3A_141, %dma_start3A_142] : memref<2x128x128xf32, #tpu.memory_space<vmem>> -> memref<1x128x128xf32, #tpu.memory_space<vmem>>
          %dma_start3A_144 = tpu.memref_squeeze %dma_start3A_143 : memref<1x128x128xf32, #tpu.memory_space<vmem>> -> memref<128x128xf32, #tpu.memory_space<vmem>>
          %dma_start3A_145 = arith.constant 0 : i32
          %dma_start3A_146 = tpu.memref_slice %arg7[%add3A_138, %dma_start3A_145] : memref<80x128xi32, #tpu.memory_space<vmem>> -> memref<1x128xi32, #tpu.memory_space<vmem>>
          %dma_start3A_147 = tpu.memref_squeeze %dma_start3A_146 : memref<1x128xi32, #tpu.memory_space<vmem>> -> memref<128xi32, #tpu.memory_space<vmem>>
          %dma_start3A_148 = arith.constant 0 : i32
          %dma_start3A_149 = arith.constant 0 : i32
          %dma_start3A_150 = tpu.memref_slice %arg9[%dma_start3A_148, %dma_start3A_149] : memref<10240x128xf32, #tpu.memory_space<vmem_shared>> -> memref<10240x128xf32, #tpu.memory_space<vmem_shared>>
          tpu.enqueue_indirect_dma source(%dma_start3A_144 : memref<128x128xf32, #tpu.memory_space<vmem>>) target(%dma_start3A_150 : memref<10240x128xf32, #tpu.memory_space<vmem_shared>>) offsets(%dma_start3A_147 : memref<128xi32, #tpu.memory_space<vmem>>) semaphore(%run_scoped3A_140 : memref<!tpu.dma_semaphore, #tpu.memory_space<semaphore_mem>>) {add = true}
          %dma_wait3A_151 = arith.constant 0 : i32
          %dma_wait3A_152 = arith.constant 0 : i32
          %dma_wait3A_153 = tpu.memref_slice %arg8[%run_scoped3A_139, %dma_wait3A_151, %dma_wait3A_152] : memref<2x128x128xf32, #tpu.memory_space<vmem>> -> memref<1x128x128xf32, #tpu.memory_space<vmem>>
          %dma_wait3A_154 = tpu.memref_squeeze %dma_wait3A_153 : memref<1x128x128xf32, #tpu.memory_space<vmem>> -> memref<128x128xf32, #tpu.memory_space<vmem>>
          %dma_wait3A_155 = arith.constant 0 : i32
          %dma_wait3A_156 = tpu.memref_slice %arg7[%add3A_138, %dma_wait3A_155] : memref<80x128xi32, #tpu.memory_space<vmem>> -> memref<1x128xi32, #tpu.memory_space<vmem>>
          %dma_wait3A_157 = tpu.memref_squeeze %dma_wait3A_156 : memref<1x128xi32, #tpu.memory_space<vmem>> -> memref<128xi32, #tpu.memory_space<vmem>>
          %dma_wait3A_158 = arith.constant 0 : i32
          %dma_wait3A_159 = arith.constant 0 : i32
          %dma_wait3A_160 = tpu.memref_slice %arg9[%dma_wait3A_158, %dma_wait3A_159] : memref<10240x128xf32, #tpu.memory_space<vmem_shared>> -> memref<10240x128xf32, #tpu.memory_space<vmem_shared>>
          tpu.wait_indirect_dma semaphore(%run_scoped3A_140 : memref<!tpu.dma_semaphore, #tpu.memory_space<semaphore_mem>>) src(%dma_wait3A_154 : memref<128x128xf32, #tpu.memory_space<vmem>>) dst(%dma_wait3A_160 : memref<10240x128xf32, #tpu.memory_space<vmem_shared>>)
          tpu.yield
        }) : () -> ()
      }
      %scan3A_86 = arith.constant 8 : i32
      %lt3A_87 = arith.constant 4 : i32
      %lt3A_88 = arith.cmpi slt, %scan3A_68, %lt3A_87 : i32
      %convert_element_type3A_89 = arith.extui %lt3A_88 : i1 to i32
      %cond3A_90 = arith.constant 0 : i32
      %cond3A_91 = arith.cmpi ne, %convert_element_type3A_89, %cond3A_90 : i32
      scf.if %cond3A_91 {
        %add3A_92 = arith.constant 1 : i32
        %add3A_93 = arith.addi %scan3A_68, %add3A_92 : i32
        %mul3A_94 = arith.constant 16 : i32
        %mul3A_95 = arith.muli %add3A_93, %mul3A_94 : i32
        %sub3A = arith.constant 1 : i32
        %sub3A_96 = arith.subi %sub3A, %select_n3A_77 : i32
        %dma_wait3A = arith.constant 0 : i32
        %dma_wait3A_97 = arith.constant 0 : i32
        %dma_wait3A_98 = tpu.memref_slice %arg6[%sub3A_96, %dma_wait3A, %dma_wait3A_97] : memref<2x16x128xi32, #tpu.memory_space<vmem>> -> memref<1x16x128xi32, #tpu.memory_space<vmem>>
        %dma_wait3A_99 = tpu.memref_squeeze %dma_wait3A_98 : memref<1x16x128xi32, #tpu.memory_space<vmem>> -> memref<16x128xi32, #tpu.memory_space<vmem>>
        %dma_wait3A_100 = arith.constant 0 : i32
        %dma_wait3A_101 = tpu.memref_slice %arg3[%add3A_1, %arg1, %mul3A_95, %dma_wait3A_100] : memref<4x16x80x128xi32, #tpu.memory_space<hbm>> -> memref<1x1x16x128xi32, #tpu.memory_space<hbm>>
        %dma_wait3A_102 = tpu.memref_squeeze %dma_wait3A_101 : memref<1x1x16x128xi32, #tpu.memory_space<hbm>> -> memref<16x128xi32, #tpu.memory_space<hbm>>
        %dma_wait3A_103 = arith.constant 0 : i32
        %dma_wait3A_104 = arith.constant 0 : i32
        %dma_wait3A_105 = tpu.memref_slice %arg6[%sub3A_96, %dma_wait3A_103, %dma_wait3A_104] : memref<2x16x128xi32, #tpu.memory_space<vmem>> -> memref<1x16x128xi32, #tpu.memory_space<vmem>>
        %dma_wait3A_106 = tpu.memref_squeeze %dma_wait3A_105 : memref<1x16x128xi32, #tpu.memory_space<vmem>> -> memref<16x128xi32, #tpu.memory_space<vmem>>
        %dma_wait3A_107 = arith.constant 0 : i32
        %dma_wait3A_108 = tpu.memref_slice %arg3[%add3A_1, %arg1, %mul3A_95, %dma_wait3A_107] : memref<4x16x80x128xi32, #tpu.memory_space<hbm>> -> memref<1x1x16x128xi32, #tpu.memory_space<hbm>>
        %dma_wait3A_109 = tpu.memref_squeeze %dma_wait3A_108 : memref<1x1x16x128xi32, #tpu.memory_space<hbm>> -> memref<16x128xi32, #tpu.memory_space<hbm>>
        tpu.wait_dma2 semaphore(%arg12 : memref<!tpu.dma_semaphore, #tpu.memory_space<semaphore_mem>>) src(%dma_wait3A_109 : memref<16x128xi32, #tpu.memory_space<hbm>>) dst(%dma_wait3A_106 : memref<16x128xi32, #tpu.memory_space<vmem>>)
        %sub3A_110 = arith.constant 1 : i32
        %sub3A_111 = arith.subi %sub3A_110, %select_n3A_77 : i32
        %dma_start3A_112 = arith.constant 0 : i32
        %dma_start3A_113 = arith.constant 0 : i32
        %dma_start3A_114 = arith.constant 0 : i32
        %dma_start3A_115 = arith.constant 0 : i32
        %dma_start3A_116 = tpu.memref_slice %arg8[%dma_start3A_113, %dma_start3A_114, %dma_start3A_115] : memref<2x128x128xf32, #tpu.memory_space<vmem>> -> memref<1x128x128xf32, #tpu.memory_space<vmem>>
        %dma_start3A_117 = tpu.memref_squeeze %dma_start3A_116 : memref<1x128x128xf32, #tpu.memory_space<vmem>> -> memref<128x128xf32, #tpu.memory_space<vmem>>
        %dma_start3A_118 = arith.constant 0 : i32
        %dma_start3A_119 = tpu.memref_slice %arg6[%sub3A_111, %dma_start3A_112, %dma_start3A_118] : memref<2x16x128xi32, #tpu.memory_space<vmem>> -> memref<1x1x128xi32, #tpu.memory_space<vmem>>
        %dma_start3A_120 = tpu.memref_squeeze %dma_start3A_119 : memref<1x1x128xi32, #tpu.memory_space<vmem>> -> memref<128xi32, #tpu.memory_space<vmem>>
        %dma_start3A_121 = arith.constant 0 : i32
        %dma_start3A_122 = arith.constant 0 : i32
        %dma_start3A_123 = tpu.memref_slice %arg2[%dma_start3A_121, %dma_start3A_122] : memref<40960x128xf32, #tpu.memory_space<hbm>> -> memref<40960x128xf32, #tpu.memory_space<hbm>>
        tpu.enqueue_indirect_dma source(%dma_start3A_123 : memref<40960x128xf32, #tpu.memory_space<hbm>>) target(%dma_start3A_117 : memref<128x128xf32, #tpu.memory_space<vmem>>) offsets(%dma_start3A_120 : memref<128xi32, #tpu.memory_space<vmem>>) semaphore(%arg10 : memref<!tpu.dma_semaphore, #tpu.memory_space<semaphore_mem>>)
      } else {
      }
    }
    %scan3A_25 = arith.constant 5 : i32
    %barrier3A_26 = arith.constant 0 : index
    tpu.barrier barrier_id(%barrier3A_26)
    %mul3A_27 = arith.constant 640 : i32
    %mul3A_28 = arith.muli %arg1, %mul3A_27 : i32
    %mul3A_29 = arith.constant 640 : i32
    %mul3A_30 = arith.muli %arg1, %mul3A_29 : i32
    "tpu.region"() ({
      %run_scoped3A_68 = tpu.sem_alloc : memref<!tpu.dma_semaphore, #tpu.memory_space<semaphore_mem>>
      %dma_start3A_69 = arith.constant 0 : i32
      %dma_start3A_70 = tpu.memref_slice %arg5[%add3A_1, %mul3A_30, %dma_start3A_69] : memref<4x10240x128xf32, #tpu.memory_space<hbm>> -> memref<1x640x128xf32, #tpu.memory_space<hbm>>
      %dma_start3A_71 = tpu.memref_squeeze %dma_start3A_70 : memref<1x640x128xf32, #tpu.memory_space<hbm>> -> memref<640x128xf32, #tpu.memory_space<hbm>>
      %dma_start3A_72 = arith.constant 0 : i32
      %dma_start3A_73 = tpu.memref_slice %arg9[%mul3A_28, %dma_start3A_72] : memref<10240x128xf32, #tpu.memory_space<vmem_shared>> -> memref<640x128xf32, #tpu.memory_space<vmem_shared>>
      tpu.enqueue_dma source(%dma_start3A_73 : memref<640x128xf32, #tpu.memory_space<vmem_shared>>) target(%dma_start3A_71 : memref<640x128xf32, #tpu.memory_space<hbm>>) target_semaphore(%run_scoped3A_68 : memref<!tpu.dma_semaphore, #tpu.memory_space<semaphore_mem>>)
      %dma_wait3A = arith.constant 0 : i32
      %dma_wait3A_74 = tpu.memref_slice %arg5[%add3A_1, %mul3A_30, %dma_wait3A] : memref<4x10240x128xf32, #tpu.memory_space<hbm>> -> memref<1x640x128xf32, #tpu.memory_space<hbm>>
      %dma_wait3A_75 = tpu.memref_squeeze %dma_wait3A_74 : memref<1x640x128xf32, #tpu.memory_space<hbm>> -> memref<640x128xf32, #tpu.memory_space<hbm>>
      %dma_wait3A_76 = arith.constant 0 : i32
      %dma_wait3A_77 = tpu.memref_slice %arg9[%mul3A_28, %dma_wait3A_76] : memref<10240x128xf32, #tpu.memory_space<vmem_shared>> -> memref<640x128xf32, #tpu.memory_space<vmem_shared>>
      tpu.wait_dma2 semaphore(%run_scoped3A_68 : memref<!tpu.dma_semaphore, #tpu.memory_space<semaphore_mem>>) src(%dma_wait3A_77 : memref<640x128xf32, #tpu.memory_space<vmem_shared>>) dst(%dma_wait3A_75 : memref<640x128xf32, #tpu.memory_space<hbm>>)
      tpu.yield
    }) : () -> ()
    %mul3A_31 = arith.constant 2 : i32
    %mul3A_32 = arith.muli %arg0, %mul3A_31 : i32
    %add3A_33 = arith.constant 1 : i32
    %add3A_34 = arith.addi %mul3A_32, %add3A_33 : i32
    %mul3A_35 = arith.constant 10240 : i32
    %mul3A_36 = arith.muli %add3A_34, %mul3A_35 : i32
    %mul3A_37 = arith.constant 640 : i32
    %mul3A_38 = arith.muli %arg1, %mul3A_37 : i32
    %add3A_39 = arith.addi %mul3A_36, %mul3A_38 : i32
    %mul3A_40 = arith.constant 640 : i32
    %mul3A_41 = arith.muli %arg1, %mul3A_40 : i32
    "tpu.region"() ({
      %run_scoped3A_68 = tpu.sem_alloc : memref<!tpu.dma_semaphore, #tpu.memory_space<semaphore_mem>>
      %dma_start3A_69 = arith.constant 0 : i32
      %dma_start3A_70 = tpu.memref_slice %arg9[%mul3A_41, %dma_start3A_69] : memref<10240x128xf32, #tpu.memory_space<vmem_shared>> -> memref<640x128xf32, #tpu.memory_space<vmem_shared>>
      %dma_start3A_71 = arith.constant 0 : i32
      %dma_start3A_72 = tpu.memref_slice %arg2[%add3A_39, %dma_start3A_71] : memref<40960x128xf32, #tpu.memory_space<hbm>> -> memref<640x128xf32, #tpu.memory_space<hbm>>
      tpu.enqueue_dma source(%dma_start3A_72 : memref<640x128xf32, #tpu.memory_space<hbm>>) target(%dma_start3A_70 : memref<640x128xf32, #tpu.memory_space<vmem_shared>>) target_semaphore(%run_scoped3A_68 : memref<!tpu.dma_semaphore, #tpu.memory_space<semaphore_mem>>)
      %dma_wait3A = arith.constant 0 : i32
      %dma_wait3A_73 = tpu.memref_slice %arg9[%mul3A_41, %dma_wait3A] : memref<10240x128xf32, #tpu.memory_space<vmem_shared>> -> memref<640x128xf32, #tpu.memory_space<vmem_shared>>
      %dma_wait3A_74 = arith.constant 0 : i32
      %dma_wait3A_75 = tpu.memref_slice %arg2[%add3A_39, %dma_wait3A_74] : memref<40960x128xf32, #tpu.memory_space<hbm>> -> memref<640x128xf32, #tpu.memory_space<hbm>>
      tpu.wait_dma2 semaphore(%run_scoped3A_68 : memref<!tpu.dma_semaphore, #tpu.memory_space<semaphore_mem>>) src(%dma_wait3A_75 : memref<640x128xf32, #tpu.memory_space<hbm>>) dst(%dma_wait3A_73 : memref<640x128xf32, #tpu.memory_space<vmem_shared>>)
      tpu.yield
    }) : () -> ()
    %run_scoped3A_42 = arith.constant 0 : i32
    "tpu.region"() ({
      %run_scoped3A_68 = tpu.sem_alloc : memref<!tpu.dma_semaphore, #tpu.memory_space<semaphore_mem>>
      %dma_start3A_69 = arith.constant 0 : i32
      %dma_start3A_70 = arith.constant 0 : i32
      %dma_start3A_71 = tpu.memref_slice %arg6[%run_scoped3A_42, %dma_start3A_69, %dma_start3A_70] : memref<2x16x128xi32, #tpu.memory_space<vmem>> -> memref<1x16x128xi32, #tpu.memory_space<vmem>>
      %dma_start3A_72 = tpu.memref_squeeze %dma_start3A_71 : memref<1x16x128xi32, #tpu.memory_space<vmem>> -> memref<16x128xi32, #tpu.memory_space<vmem>>
      %dma_start3A_73 = arith.constant 0 : i32
      %dma_start3A_74 = arith.constant 0 : i32
      %dma_start3A_75 = tpu.memref_slice %arg3[%add3A_34, %arg1, %dma_start3A_73, %dma_start3A_74] : memref<4x16x80x128xi32, #tpu.memory_space<hbm>> -> memref<1x1x16x128xi32, #tpu.memory_space<hbm>>
      %dma_start3A_76 = tpu.memref_squeeze %dma_start3A_75 : memref<1x1x16x128xi32, #tpu.memory_space<hbm>> -> memref<16x128xi32, #tpu.memory_space<hbm>>
      %dma_start3A_77 = arith.constant 0 : i32
      %dma_start3A_78 = arith.constant 0 : i32
      %dma_start3A_79 = tpu.memref_slice %arg6[%run_scoped3A_42, %dma_start3A_77, %dma_start3A_78] : memref<2x16x128xi32, #tpu.memory_space<vmem>> -> memref<1x16x128xi32, #tpu.memory_space<vmem>>
      %dma_start3A_80 = tpu.memref_squeeze %dma_start3A_79 : memref<1x16x128xi32, #tpu.memory_space<vmem>> -> memref<16x128xi32, #tpu.memory_space<vmem>>
      %dma_start3A_81 = arith.constant 0 : i32
      %dma_start3A_82 = arith.constant 0 : i32
      %dma_start3A_83 = tpu.memref_slice %arg3[%add3A_34, %arg1, %dma_start3A_81, %dma_start3A_82] : memref<4x16x80x128xi32, #tpu.memory_space<hbm>> -> memref<1x1x16x128xi32, #tpu.memory_space<hbm>>
      %dma_start3A_84 = tpu.memref_squeeze %dma_start3A_83 : memref<1x1x16x128xi32, #tpu.memory_space<hbm>> -> memref<16x128xi32, #tpu.memory_space<hbm>>
      tpu.enqueue_dma source(%dma_start3A_84 : memref<16x128xi32, #tpu.memory_space<hbm>>) target(%dma_start3A_80 : memref<16x128xi32, #tpu.memory_space<vmem>>) target_semaphore(%run_scoped3A_68 : memref<!tpu.dma_semaphore, #tpu.memory_space<semaphore_mem>>)
      %dma_wait3A = arith.constant 0 : i32
      %dma_wait3A_85 = arith.constant 0 : i32
      %dma_wait3A_86 = tpu.memref_slice %arg6[%run_scoped3A_42, %dma_wait3A, %dma_wait3A_85] : memref<2x16x128xi32, #tpu.memory_space<vmem>> -> memref<1x16x128xi32, #tpu.memory_space<vmem>>
      %dma_wait3A_87 = tpu.memref_squeeze %dma_wait3A_86 : memref<1x16x128xi32, #tpu.memory_space<vmem>> -> memref<16x128xi32, #tpu.memory_space<vmem>>
      %dma_wait3A_88 = arith.constant 0 : i32
      %dma_wait3A_89 = arith.constant 0 : i32
      %dma_wait3A_90 = tpu.memref_slice %arg3[%add3A_34, %arg1, %dma_wait3A_88, %dma_wait3A_89] : memref<4x16x80x128xi32, #tpu.memory_space<hbm>> -> memref<1x1x16x128xi32, #tpu.memory_space<hbm>>
      %dma_wait3A_91 = tpu.memref_squeeze %dma_wait3A_90 : memref<1x1x16x128xi32, #tpu.memory_space<hbm>> -> memref<16x128xi32, #tpu.memory_space<hbm>>
      %dma_wait3A_92 = arith.constant 0 : i32
      %dma_wait3A_93 = arith.constant 0 : i32
      %dma_wait3A_94 = tpu.memref_slice %arg6[%run_scoped3A_42, %dma_wait3A_92, %dma_wait3A_93] : memref<2x16x128xi32, #tpu.memory_space<vmem>> -> memref<1x16x128xi32, #tpu.memory_space<vmem>>
      %dma_wait3A_95 = tpu.memref_squeeze %dma_wait3A_94 : memref<1x16x128xi32, #tpu.memory_space<vmem>> -> memref<16x128xi32, #tpu.memory_space<vmem>>
      %dma_wait3A_96 = arith.constant 0 : i32
      %dma_wait3A_97 = arith.constant 0 : i32
      %dma_wait3A_98 = tpu.memref_slice %arg3[%add3A_34, %arg1, %dma_wait3A_96, %dma_wait3A_97] : memref<4x16x80x128xi32, #tpu.memory_space<hbm>> -> memref<1x1x16x128xi32, #tpu.memory_space<hbm>>
      %dma_wait3A_99 = tpu.memref_squeeze %dma_wait3A_98 : memref<1x1x16x128xi32, #tpu.memory_space<hbm>> -> memref<16x128xi32, #tpu.memory_space<hbm>>
      tpu.wait_dma2 semaphore(%run_scoped3A_68 : memref<!tpu.dma_semaphore, #tpu.memory_space<semaphore_mem>>) src(%dma_wait3A_99 : memref<16x128xi32, #tpu.memory_space<hbm>>) dst(%dma_wait3A_95 : memref<16x128xi32, #tpu.memory_space<vmem>>)
      tpu.yield
    }) : () -> ()
    %barrier3A_43 = arith.constant 0 : index
    tpu.barrier barrier_id(%barrier3A_43)
    %dma_start3A_44 = arith.constant 0 : i32
    %dma_start3A_45 = arith.constant 0 : i32
    %dma_start3A_46 = arith.constant 0 : i32
    %dma_start3A_47 = arith.constant 0 : i32
    %dma_start3A_48 = arith.constant 0 : i32
    %dma_start3A_49 = tpu.memref_slice %arg8[%dma_start3A_46, %dma_start3A_47, %dma_start3A_48] : memref<2x128x128xf32, #tpu.memory_space<vmem>> -> memref<1x128x128xf32, #tpu.memory_space<vmem>>
    %dma_start3A_50 = tpu.memref_squeeze %dma_start3A_49 : memref<1x128x128xf32, #tpu.memory_space<vmem>> -> memref<128x128xf32, #tpu.memory_space<vmem>>
    %dma_start3A_51 = arith.constant 0 : i32
    %dma_start3A_52 = tpu.memref_slice %arg6[%dma_start3A_44, %dma_start3A_45, %dma_start3A_51] : memref<2x16x128xi32, #tpu.memory_space<vmem>> -> memref<1x1x128xi32, #tpu.memory_space<vmem>>
    %dma_start3A_53 = tpu.memref_squeeze %dma_start3A_52 : memref<1x1x128xi32, #tpu.memory_space<vmem>> -> memref<128xi32, #tpu.memory_space<vmem>>
    %dma_start3A_54 = arith.constant 0 : i32
    %dma_start3A_55 = arith.constant 0 : i32
    %dma_start3A_56 = tpu.memref_slice %arg2[%dma_start3A_54, %dma_start3A_55] : memref<40960x128xf32, #tpu.memory_space<hbm>> -> memref<40960x128xf32, #tpu.memory_space<hbm>>
    tpu.enqueue_indirect_dma source(%dma_start3A_56 : memref<40960x128xf32, #tpu.memory_space<hbm>>) target(%dma_start3A_50 : memref<128x128xf32, #tpu.memory_space<vmem>>) offsets(%dma_start3A_53 : memref<128xi32, #tpu.memory_space<vmem>>) semaphore(%arg10 : memref<!tpu.dma_semaphore, #tpu.memory_space<semaphore_mem>>)
    %scan3A_57 = arith.constant 0 : i32
    %scan3A_58 = arith.constant 0 : i32
    %scan3A_59 = arith.constant 5 : i32
    %scan3A_60 = arith.addi %scan3A_58, %scan3A_59 : i32
    %scan3A_61 = arith.constant 1 : i32
    scf.for %scan3A_68 = %scan3A_58 to %scan3A_60 step %scan3A_61  : i32 {
      %jit3A = arith.constant 2 : i32
      %eq3A = arith.constant 0 : i32
      %eq3A_69 = arith.cmpi eq, %jit3A, %eq3A : i32
      %jit3A_70 = arith.constant 1 : i32
      %select_n3A = arith.select %eq3A_69, %jit3A_70, %jit3A : i32
      %rem3A = arith.remsi %scan3A_68, %select_n3A : i32
      %ne3A = arith.constant 0 : i32
      %ne3A_71 = arith.cmpi ne, %rem3A, %ne3A : i32
      %lt3A = arith.constant 0 : i32
      %lt3A_72 = arith.cmpi slt, %rem3A, %lt3A : i32
      %lt3A_73 = arith.constant 0 : i32
      %lt3A_74 = arith.cmpi slt, %select_n3A, %lt3A_73 : i32
      %ne3A_75 = arith.xori %lt3A_72, %lt3A_74 : i1
      %and3A = arith.andi %ne3A_75, %ne3A_71 : i1
      %add3A_76 = arith.addi %rem3A, %select_n3A : i32
      %select_n3A_77 = arith.select %and3A, %add3A_76, %rem3A : i32
      %lt3A_78 = arith.constant 4 : i32
      %lt3A_79 = arith.cmpi slt, %scan3A_68, %lt3A_78 : i32
      %convert_element_type3A = arith.extui %lt3A_79 : i1 to i32
      %cond3A = arith.constant 0 : i32
      %cond3A_80 = arith.cmpi ne, %convert_element_type3A, %cond3A : i32
      scf.if %cond3A_80 {
        %add3A_92 = arith.constant 1 : i32
        %add3A_93 = arith.addi %scan3A_68, %add3A_92 : i32
        %mul3A_94 = arith.constant 16 : i32
        %mul3A_95 = arith.muli %add3A_93, %mul3A_94 : i32
        %sub3A = arith.constant 1 : i32
        %sub3A_96 = arith.subi %sub3A, %select_n3A_77 : i32
        %dma_start3A_97 = arith.constant 0 : i32
        %dma_start3A_98 = arith.constant 0 : i32
        %dma_start3A_99 = tpu.memref_slice %arg6[%sub3A_96, %dma_start3A_97, %dma_start3A_98] : memref<2x16x128xi32, #tpu.memory_space<vmem>> -> memref<1x16x128xi32, #tpu.memory_space<vmem>>
        %dma_start3A_100 = tpu.memref_squeeze %dma_start3A_99 : memref<1x16x128xi32, #tpu.memory_space<vmem>> -> memref<16x128xi32, #tpu.memory_space<vmem>>
        %dma_start3A_101 = arith.constant 0 : i32
        %dma_start3A_102 = tpu.memref_slice %arg3[%add3A_34, %arg1, %mul3A_95, %dma_start3A_101] : memref<4x16x80x128xi32, #tpu.memory_space<hbm>> -> memref<1x1x16x128xi32, #tpu.memory_space<hbm>>
        %dma_start3A_103 = tpu.memref_squeeze %dma_start3A_102 : memref<1x1x16x128xi32, #tpu.memory_space<hbm>> -> memref<16x128xi32, #tpu.memory_space<hbm>>
        %dma_start3A_104 = arith.constant 0 : i32
        %dma_start3A_105 = arith.constant 0 : i32
        %dma_start3A_106 = tpu.memref_slice %arg6[%sub3A_96, %dma_start3A_104, %dma_start3A_105] : memref<2x16x128xi32, #tpu.memory_space<vmem>> -> memref<1x16x128xi32, #tpu.memory_space<vmem>>
        %dma_start3A_107 = tpu.memref_squeeze %dma_start3A_106 : memref<1x16x128xi32, #tpu.memory_space<vmem>> -> memref<16x128xi32, #tpu.memory_space<vmem>>
        %dma_start3A_108 = arith.constant 0 : i32
        %dma_start3A_109 = tpu.memref_slice %arg3[%add3A_34, %arg1, %mul3A_95, %dma_start3A_108] : memref<4x16x80x128xi32, #tpu.memory_space<hbm>> -> memref<1x1x16x128xi32, #tpu.memory_space<hbm>>
        %dma_start3A_110 = tpu.memref_squeeze %dma_start3A_109 : memref<1x1x16x128xi32, #tpu.memory_space<hbm>> -> memref<16x128xi32, #tpu.memory_space<hbm>>
        tpu.enqueue_dma source(%dma_start3A_110 : memref<16x128xi32, #tpu.memory_space<hbm>>) target(%dma_start3A_107 : memref<16x128xi32, #tpu.memory_space<vmem>>) target_semaphore(%arg12 : memref<!tpu.dma_semaphore, #tpu.memory_space<semaphore_mem>>)
      } else {
      }
      %scan3A_81 = arith.constant 0 : i32
      %scan3A_82 = arith.constant 0 : i32
      %scan3A_83 = arith.constant 8 : i32
      %scan3A_84 = arith.addi %scan3A_82, %scan3A_83 : i32
      %scan3A_85 = arith.constant 1 : i32
      scf.for %scan3A_92 = %scan3A_82 to %scan3A_84 step %scan3A_85  : i32 {
        %mul3A_93 = arith.constant 2 : i32
        %mul3A_94 = arith.muli %mul3A_93, %scan3A_92 : i32
        %add3A_95 = arith.constant 1 : i32
        %add3A_96 = arith.addi %mul3A_94, %add3A_95 : i32
        %mul3A_97 = arith.constant 16 : i32
        %mul3A_98 = arith.muli %scan3A_68, %mul3A_97 : i32
        %dma_start3A_99 = arith.constant 1 : i32
        %dma_start3A_100 = arith.constant 0 : i32
        %dma_start3A_101 = arith.constant 0 : i32
        %dma_start3A_102 = tpu.memref_slice %arg8[%dma_start3A_99, %dma_start3A_100, %dma_start3A_101] : memref<2x128x128xf32, #tpu.memory_space<vmem>> -> memref<1x128x128xf32, #tpu.memory_space<vmem>>
        %dma_start3A_103 = tpu.memref_squeeze %dma_start3A_102 : memref<1x128x128xf32, #tpu.memory_space<vmem>> -> memref<128x128xf32, #tpu.memory_space<vmem>>
        %dma_start3A_104 = arith.constant 0 : i32
        %dma_start3A_105 = tpu.memref_slice %arg6[%select_n3A_77, %add3A_96, %dma_start3A_104] : memref<2x16x128xi32, #tpu.memory_space<vmem>> -> memref<1x1x128xi32, #tpu.memory_space<vmem>>
        %dma_start3A_106 = tpu.memref_squeeze %dma_start3A_105 : memref<1x1x128xi32, #tpu.memory_space<vmem>> -> memref<128xi32, #tpu.memory_space<vmem>>
        %dma_start3A_107 = arith.constant 0 : i32
        %dma_start3A_108 = arith.constant 0 : i32
        %dma_start3A_109 = tpu.memref_slice %arg2[%dma_start3A_107, %dma_start3A_108] : memref<40960x128xf32, #tpu.memory_space<hbm>> -> memref<40960x128xf32, #tpu.memory_space<hbm>>
        tpu.enqueue_indirect_dma source(%dma_start3A_109 : memref<40960x128xf32, #tpu.memory_space<hbm>>) target(%dma_start3A_103 : memref<128x128xf32, #tpu.memory_space<vmem>>) offsets(%dma_start3A_106 : memref<128xi32, #tpu.memory_space<vmem>>) semaphore(%arg11 : memref<!tpu.dma_semaphore, #tpu.memory_space<semaphore_mem>>)
        %dma_wait3A = arith.constant 0 : i32
        %dma_wait3A_110 = arith.constant 0 : i32
        %dma_wait3A_111 = arith.constant 0 : i32
        %dma_wait3A_112 = tpu.memref_slice %arg8[%dma_wait3A, %dma_wait3A_110, %dma_wait3A_111] : memref<2x128x128xf32, #tpu.memory_space<vmem>> -> memref<1x128x128xf32, #tpu.memory_space<vmem>>
        %dma_wait3A_113 = tpu.memref_squeeze %dma_wait3A_112 : memref<1x128x128xf32, #tpu.memory_space<vmem>> -> memref<128x128xf32, #tpu.memory_space<vmem>>
        %dma_wait3A_114 = arith.constant 0 : i32
        %dma_wait3A_115 = tpu.memref_slice %arg6[%select_n3A_77, %mul3A_94, %dma_wait3A_114] : memref<2x16x128xi32, #tpu.memory_space<vmem>> -> memref<1x1x128xi32, #tpu.memory_space<vmem>>
        %dma_wait3A_116 = tpu.memref_squeeze %dma_wait3A_115 : memref<1x1x128xi32, #tpu.memory_space<vmem>> -> memref<128xi32, #tpu.memory_space<vmem>>
        %dma_wait3A_117 = arith.constant 0 : i32
        %dma_wait3A_118 = arith.constant 0 : i32
        %dma_wait3A_119 = tpu.memref_slice %arg2[%dma_wait3A_117, %dma_wait3A_118] : memref<40960x128xf32, #tpu.memory_space<hbm>> -> memref<40960x128xf32, #tpu.memory_space<hbm>>
        tpu.wait_indirect_dma semaphore(%arg10 : memref<!tpu.dma_semaphore, #tpu.memory_space<semaphore_mem>>) src(%dma_wait3A_119 : memref<40960x128xf32, #tpu.memory_space<hbm>>) dst(%dma_wait3A_113 : memref<128x128xf32, #tpu.memory_space<vmem>>)
        %add3A_120 = arith.addi %mul3A_98, %mul3A_94 : i32
        %run_scoped3A_121 = arith.constant 0 : i32
        "tpu.region"() ({
          %run_scoped3A_140 = tpu.sem_alloc : memref<!tpu.dma_semaphore, #tpu.memory_space<semaphore_mem>>
          %dma_start3A_141 = arith.constant 0 : i32
          %dma_start3A_142 = arith.constant 0 : i32
          %dma_start3A_143 = tpu.memref_slice %arg8[%run_scoped3A_121, %dma_start3A_141, %dma_start3A_142] : memref<2x128x128xf32, #tpu.memory_space<vmem>> -> memref<1x128x128xf32, #tpu.memory_space<vmem>>
          %dma_start3A_144 = tpu.memref_squeeze %dma_start3A_143 : memref<1x128x128xf32, #tpu.memory_space<vmem>> -> memref<128x128xf32, #tpu.memory_space<vmem>>
          %dma_start3A_145 = arith.constant 0 : i32
          %dma_start3A_146 = tpu.memref_slice %arg7[%add3A_120, %dma_start3A_145] : memref<80x128xi32, #tpu.memory_space<vmem>> -> memref<1x128xi32, #tpu.memory_space<vmem>>
          %dma_start3A_147 = tpu.memref_squeeze %dma_start3A_146 : memref<1x128xi32, #tpu.memory_space<vmem>> -> memref<128xi32, #tpu.memory_space<vmem>>
          %dma_start3A_148 = arith.constant 0 : i32
          %dma_start3A_149 = arith.constant 0 : i32
          %dma_start3A_150 = tpu.memref_slice %arg9[%dma_start3A_148, %dma_start3A_149] : memref<10240x128xf32, #tpu.memory_space<vmem_shared>> -> memref<10240x128xf32, #tpu.memory_space<vmem_shared>>
          tpu.enqueue_indirect_dma source(%dma_start3A_144 : memref<128x128xf32, #tpu.memory_space<vmem>>) target(%dma_start3A_150 : memref<10240x128xf32, #tpu.memory_space<vmem_shared>>) offsets(%dma_start3A_147 : memref<128xi32, #tpu.memory_space<vmem>>) semaphore(%run_scoped3A_140 : memref<!tpu.dma_semaphore, #tpu.memory_space<semaphore_mem>>) {add = true}
          %dma_wait3A_151 = arith.constant 0 : i32
          %dma_wait3A_152 = arith.constant 0 : i32
          %dma_wait3A_153 = tpu.memref_slice %arg8[%run_scoped3A_121, %dma_wait3A_151, %dma_wait3A_152] : memref<2x128x128xf32, #tpu.memory_space<vmem>> -> memref<1x128x128xf32, #tpu.memory_space<vmem>>
          %dma_wait3A_154 = tpu.memref_squeeze %dma_wait3A_153 : memref<1x128x128xf32, #tpu.memory_space<vmem>> -> memref<128x128xf32, #tpu.memory_space<vmem>>
          %dma_wait3A_155 = arith.constant 0 : i32
          %dma_wait3A_156 = tpu.memref_slice %arg7[%add3A_120, %dma_wait3A_155] : memref<80x128xi32, #tpu.memory_space<vmem>> -> memref<1x128xi32, #tpu.memory_space<vmem>>
          %dma_wait3A_157 = tpu.memref_squeeze %dma_wait3A_156 : memref<1x128xi32, #tpu.memory_space<vmem>> -> memref<128xi32, #tpu.memory_space<vmem>>
          %dma_wait3A_158 = arith.constant 0 : i32
          %dma_wait3A_159 = arith.constant 0 : i32
          %dma_wait3A_160 = tpu.memref_slice %arg9[%dma_wait3A_158, %dma_wait3A_159] : memref<10240x128xf32, #tpu.memory_space<vmem_shared>> -> memref<10240x128xf32, #tpu.memory_space<vmem_shared>>
          tpu.wait_indirect_dma semaphore(%run_scoped3A_140 : memref<!tpu.dma_semaphore, #tpu.memory_space<semaphore_mem>>) src(%dma_wait3A_154 : memref<128x128xf32, #tpu.memory_space<vmem>>) dst(%dma_wait3A_160 : memref<10240x128xf32, #tpu.memory_space<vmem_shared>>)
          tpu.yield
        }) : () -> ()
        %lt3A_122 = arith.constant 7 : i32
        %lt3A_123 = arith.cmpi slt, %scan3A_92, %lt3A_122 : i32
        %convert_element_type3A_124 = arith.extui %lt3A_123 : i1 to i32
        %cond3A_125 = arith.constant 0 : i32
        %cond3A_126 = arith.cmpi ne, %convert_element_type3A_124, %cond3A_125 : i32
        scf.if %cond3A_126 {
          %add3A_140 = arith.constant 2 : i32
          %add3A_141 = arith.addi %mul3A_94, %add3A_140 : i32
          %dma_start3A_142 = arith.constant 0 : i32
          %dma_start3A_143 = arith.constant 0 : i32
          %dma_start3A_144 = arith.constant 0 : i32
          %dma_start3A_145 = tpu.memref_slice %arg8[%dma_start3A_142, %dma_start3A_143, %dma_start3A_144] : memref<2x128x128xf32, #tpu.memory_space<vmem>> -> memref<1x128x128xf32, #tpu.memory_space<vmem>>
          %dma_start3A_146 = tpu.memref_squeeze %dma_start3A_145 : memref<1x128x128xf32, #tpu.memory_space<vmem>> -> memref<128x128xf32, #tpu.memory_space<vmem>>
          %dma_start3A_147 = arith.constant 0 : i32
          %dma_start3A_148 = tpu.memref_slice %arg6[%select_n3A_77, %add3A_141, %dma_start3A_147] : memref<2x16x128xi32, #tpu.memory_space<vmem>> -> memref<1x1x128xi32, #tpu.memory_space<vmem>>
          %dma_start3A_149 = tpu.memref_squeeze %dma_start3A_148 : memref<1x1x128xi32, #tpu.memory_space<vmem>> -> memref<128xi32, #tpu.memory_space<vmem>>
          %dma_start3A_150 = arith.constant 0 : i32
          %dma_start3A_151 = arith.constant 0 : i32
          %dma_start3A_152 = tpu.memref_slice %arg2[%dma_start3A_150, %dma_start3A_151] : memref<40960x128xf32, #tpu.memory_space<hbm>> -> memref<40960x128xf32, #tpu.memory_space<hbm>>
          tpu.enqueue_indirect_dma source(%dma_start3A_152 : memref<40960x128xf32, #tpu.memory_space<hbm>>) target(%dma_start3A_146 : memref<128x128xf32, #tpu.memory_space<vmem>>) offsets(%dma_start3A_149 : memref<128xi32, #tpu.memory_space<vmem>>) semaphore(%arg10 : memref<!tpu.dma_semaphore, #tpu.memory_space<semaphore_mem>>)
        } else {
        }
        %dma_wait3A_127 = arith.constant 1 : i32
        %dma_wait3A_128 = arith.constant 0 : i32
        %dma_wait3A_129 = arith.constant 0 : i32
        %dma_wait3A_130 = tpu.memref_slice %arg8[%dma_wait3A_127, %dma_wait3A_128, %dma_wait3A_129] : memref<2x128x128xf32, #tpu.memory_space<vmem>> -> memref<1x128x128xf32, #tpu.memory_space<vmem>>
        %dma_wait3A_131 = tpu.memref_squeeze %dma_wait3A_130 : memref<1x128x128xf32, #tpu.memory_space<vmem>> -> memref<128x128xf32, #tpu.memory_space<vmem>>
        %dma_wait3A_132 = arith.constant 0 : i32
        %dma_wait3A_133 = tpu.memref_slice %arg6[%select_n3A_77, %add3A_96, %dma_wait3A_132] : memref<2x16x128xi32, #tpu.memory_space<vmem>> -> memref<1x1x128xi32, #tpu.memory_space<vmem>>
        %dma_wait3A_134 = tpu.memref_squeeze %dma_wait3A_133 : memref<1x1x128xi32, #tpu.memory_space<vmem>> -> memref<128xi32, #tpu.memory_space<vmem>>
        %dma_wait3A_135 = arith.constant 0 : i32
        %dma_wait3A_136 = arith.constant 0 : i32
        %dma_wait3A_137 = tpu.memref_slice %arg2[%dma_wait3A_135, %dma_wait3A_136] : memref<40960x128xf32, #tpu.memory_space<hbm>> -> memref<40960x128xf32, #tpu.memory_space<hbm>>
        tpu.wait_indirect_dma semaphore(%arg11 : memref<!tpu.dma_semaphore, #tpu.memory_space<semaphore_mem>>) src(%dma_wait3A_137 : memref<40960x128xf32, #tpu.memory_space<hbm>>) dst(%dma_wait3A_131 : memref<128x128xf32, #tpu.memory_space<vmem>>)
        %add3A_138 = arith.addi %mul3A_98, %add3A_96 : i32
        %run_scoped3A_139 = arith.constant 1 : i32
        "tpu.region"() ({
          %run_scoped3A_140 = tpu.sem_alloc : memref<!tpu.dma_semaphore, #tpu.memory_space<semaphore_mem>>
          %dma_start3A_141 = arith.constant 0 : i32
          %dma_start3A_142 = arith.constant 0 : i32
          %dma_start3A_143 = tpu.memref_slice %arg8[%run_scoped3A_139, %dma_start3A_141, %dma_start3A_142] : memref<2x128x128xf32, #tpu.memory_space<vmem>> -> memref<1x128x128xf32, #tpu.memory_space<vmem>>
          %dma_start3A_144 = tpu.memref_squeeze %dma_start3A_143 : memref<1x128x128xf32, #tpu.memory_space<vmem>> -> memref<128x128xf32, #tpu.memory_space<vmem>>
          %dma_start3A_145 = arith.constant 0 : i32
          %dma_start3A_146 = tpu.memref_slice %arg7[%add3A_138, %dma_start3A_145] : memref<80x128xi32, #tpu.memory_space<vmem>> -> memref<1x128xi32, #tpu.memory_space<vmem>>
          %dma_start3A_147 = tpu.memref_squeeze %dma_start3A_146 : memref<1x128xi32, #tpu.memory_space<vmem>> -> memref<128xi32, #tpu.memory_space<vmem>>
          %dma_start3A_148 = arith.constant 0 : i32
          %dma_start3A_149 = arith.constant 0 : i32
          %dma_start3A_150 = tpu.memref_slice %arg9[%dma_start3A_148, %dma_start3A_149] : memref<10240x128xf32, #tpu.memory_space<vmem_shared>> -> memref<10240x128xf32, #tpu.memory_space<vmem_shared>>
          tpu.enqueue_indirect_dma source(%dma_start3A_144 : memref<128x128xf32, #tpu.memory_space<vmem>>) target(%dma_start3A_150 : memref<10240x128xf32, #tpu.memory_space<vmem_shared>>) offsets(%dma_start3A_147 : memref<128xi32, #tpu.memory_space<vmem>>) semaphore(%run_scoped3A_140 : memref<!tpu.dma_semaphore, #tpu.memory_space<semaphore_mem>>) {add = true}
          %dma_wait3A_151 = arith.constant 0 : i32
          %dma_wait3A_152 = arith.constant 0 : i32
          %dma_wait3A_153 = tpu.memref_slice %arg8[%run_scoped3A_139, %dma_wait3A_151, %dma_wait3A_152] : memref<2x128x128xf32, #tpu.memory_space<vmem>> -> memref<1x128x128xf32, #tpu.memory_space<vmem>>
          %dma_wait3A_154 = tpu.memref_squeeze %dma_wait3A_153 : memref<1x128x128xf32, #tpu.memory_space<vmem>> -> memref<128x128xf32, #tpu.memory_space<vmem>>
          %dma_wait3A_155 = arith.constant 0 : i32
          %dma_wait3A_156 = tpu.memref_slice %arg7[%add3A_138, %dma_wait3A_155] : memref<80x128xi32, #tpu.memory_space<vmem>> -> memref<1x128xi32, #tpu.memory_space<vmem>>
          %dma_wait3A_157 = tpu.memref_squeeze %dma_wait3A_156 : memref<1x128xi32, #tpu.memory_space<vmem>> -> memref<128xi32, #tpu.memory_space<vmem>>
          %dma_wait3A_158 = arith.constant 0 : i32
          %dma_wait3A_159 = arith.constant 0 : i32
          %dma_wait3A_160 = tpu.memref_slice %arg9[%dma_wait3A_158, %dma_wait3A_159] : memref<10240x128xf32, #tpu.memory_space<vmem_shared>> -> memref<10240x128xf32, #tpu.memory_space<vmem_shared>>
          tpu.wait_indirect_dma semaphore(%run_scoped3A_140 : memref<!tpu.dma_semaphore, #tpu.memory_space<semaphore_mem>>) src(%dma_wait3A_154 : memref<128x128xf32, #tpu.memory_space<vmem>>) dst(%dma_wait3A_160 : memref<10240x128xf32, #tpu.memory_space<vmem_shared>>)
          tpu.yield
        }) : () -> ()
      }
      %scan3A_86 = arith.constant 8 : i32
      %lt3A_87 = arith.constant 4 : i32
      %lt3A_88 = arith.cmpi slt, %scan3A_68, %lt3A_87 : i32
      %convert_element_type3A_89 = arith.extui %lt3A_88 : i1 to i32
      %cond3A_90 = arith.constant 0 : i32
      %cond3A_91 = arith.cmpi ne, %convert_element_type3A_89, %cond3A_90 : i32
      scf.if %cond3A_91 {
        %add3A_92 = arith.constant 1 : i32
        %add3A_93 = arith.addi %scan3A_68, %add3A_92 : i32
        %mul3A_94 = arith.constant 16 : i32
        %mul3A_95 = arith.muli %add3A_93, %mul3A_94 : i32
        %sub3A = arith.constant 1 : i32
        %sub3A_96 = arith.subi %sub3A, %select_n3A_77 : i32
        %dma_wait3A = arith.constant 0 : i32
        %dma_wait3A_97 = arith.constant 0 : i32
        %dma_wait3A_98 = tpu.memref_slice %arg6[%sub3A_96, %dma_wait3A, %dma_wait3A_97] : memref<2x16x128xi32, #tpu.memory_space<vmem>> -> memref<1x16x128xi32, #tpu.memory_space<vmem>>
        %dma_wait3A_99 = tpu.memref_squeeze %dma_wait3A_98 : memref<1x16x128xi32, #tpu.memory_space<vmem>> -> memref<16x128xi32, #tpu.memory_space<vmem>>
        %dma_wait3A_100 = arith.constant 0 : i32
        %dma_wait3A_101 = tpu.memref_slice %arg3[%add3A_34, %arg1, %mul3A_95, %dma_wait3A_100] : memref<4x16x80x128xi32, #tpu.memory_space<hbm>> -> memref<1x1x16x128xi32, #tpu.memory_space<hbm>>
        %dma_wait3A_102 = tpu.memref_squeeze %dma_wait3A_101 : memref<1x1x16x128xi32, #tpu.memory_space<hbm>> -> memref<16x128xi32, #tpu.memory_space<hbm>>
        %dma_wait3A_103 = arith.constant 0 : i32
        %dma_wait3A_104 = arith.constant 0 : i32
        %dma_wait3A_105 = tpu.memref_slice %arg6[%sub3A_96, %dma_wait3A_103, %dma_wait3A_104] : memref<2x16x128xi32, #tpu.memory_space<vmem>> -> memref<1x16x128xi32, #tpu.memory_space<vmem>>
        %dma_wait3A_106 = tpu.memref_squeeze %dma_wait3A_105 : memref<1x16x128xi32, #tpu.memory_space<vmem>> -> memref<16x128xi32, #tpu.memory_space<vmem>>
        %dma_wait3A_107 = arith.constant 0 : i32
        %dma_wait3A_108 = tpu.memref_slice %arg3[%add3A_34, %arg1, %mul3A_95, %dma_wait3A_107] : memref<4x16x80x128xi32, #tpu.memory_space<hbm>> -> memref<1x1x16x128xi32, #tpu.memory_space<hbm>>
        %dma_wait3A_109 = tpu.memref_squeeze %dma_wait3A_108 : memref<1x1x16x128xi32, #tpu.memory_space<hbm>> -> memref<16x128xi32, #tpu.memory_space<hbm>>
        tpu.wait_dma2 semaphore(%arg12 : memref<!tpu.dma_semaphore, #tpu.memory_space<semaphore_mem>>) src(%dma_wait3A_109 : memref<16x128xi32, #tpu.memory_space<hbm>>) dst(%dma_wait3A_106 : memref<16x128xi32, #tpu.memory_space<vmem>>)
        %sub3A_110 = arith.constant 1 : i32
        %sub3A_111 = arith.subi %sub3A_110, %select_n3A_77 : i32
        %dma_start3A_112 = arith.constant 0 : i32
        %dma_start3A_113 = arith.constant 0 : i32
        %dma_start3A_114 = arith.constant 0 : i32
        %dma_start3A_115 = arith.constant 0 : i32
        %dma_start3A_116 = tpu.memref_slice %arg8[%dma_start3A_113, %dma_start3A_114, %dma_start3A_115] : memref<2x128x128xf32, #tpu.memory_space<vmem>> -> memref<1x128x128xf32, #tpu.memory_space<vmem>>
        %dma_start3A_117 = tpu.memref_squeeze %dma_start3A_116 : memref<1x128x128xf32, #tpu.memory_space<vmem>> -> memref<128x128xf32, #tpu.memory_space<vmem>>
        %dma_start3A_118 = arith.constant 0 : i32
        %dma_start3A_119 = tpu.memref_slice %arg6[%sub3A_111, %dma_start3A_112, %dma_start3A_118] : memref<2x16x128xi32, #tpu.memory_space<vmem>> -> memref<1x1x128xi32, #tpu.memory_space<vmem>>
        %dma_start3A_120 = tpu.memref_squeeze %dma_start3A_119 : memref<1x1x128xi32, #tpu.memory_space<vmem>> -> memref<128xi32, #tpu.memory_space<vmem>>
        %dma_start3A_121 = arith.constant 0 : i32
        %dma_start3A_122 = arith.constant 0 : i32
        %dma_start3A_123 = tpu.memref_slice %arg2[%dma_start3A_121, %dma_start3A_122] : memref<40960x128xf32, #tpu.memory_space<hbm>> -> memref<40960x128xf32, #tpu.memory_space<hbm>>
        tpu.enqueue_indirect_dma source(%dma_start3A_123 : memref<40960x128xf32, #tpu.memory_space<hbm>>) target(%dma_start3A_117 : memref<128x128xf32, #tpu.memory_space<vmem>>) offsets(%dma_start3A_120 : memref<128xi32, #tpu.memory_space<vmem>>) semaphore(%arg10 : memref<!tpu.dma_semaphore, #tpu.memory_space<semaphore_mem>>)
      } else {
      }
    }
    %scan3A_62 = arith.constant 5 : i32
    %barrier3A_63 = arith.constant 0 : index
    tpu.barrier barrier_id(%barrier3A_63)
    %mul3A_64 = arith.constant 640 : i32
    %mul3A_65 = arith.muli %arg1, %mul3A_64 : i32
    %mul3A_66 = arith.constant 640 : i32
    %mul3A_67 = arith.muli %arg1, %mul3A_66 : i32
    "tpu.region"() ({
      %run_scoped3A_68 = tpu.sem_alloc : memref<!tpu.dma_semaphore, #tpu.memory_space<semaphore_mem>>
      %dma_start3A_69 = arith.constant 0 : i32
      %dma_start3A_70 = tpu.memref_slice %arg5[%add3A_34, %mul3A_67, %dma_start3A_69] : memref<4x10240x128xf32, #tpu.memory_space<hbm>> -> memref<1x640x128xf32, #tpu.memory_space<hbm>>
      %dma_start3A_71 = tpu.memref_squeeze %dma_start3A_70 : memref<1x640x128xf32, #tpu.memory_space<hbm>> -> memref<640x128xf32, #tpu.memory_space<hbm>>
      %dma_start3A_72 = arith.constant 0 : i32
      %dma_start3A_73 = tpu.memref_slice %arg9[%mul3A_65, %dma_start3A_72] : memref<10240x128xf32, #tpu.memory_space<vmem_shared>> -> memref<640x128xf32, #tpu.memory_space<vmem_shared>>
      tpu.enqueue_dma source(%dma_start3A_73 : memref<640x128xf32, #tpu.memory_space<vmem_shared>>) target(%dma_start3A_71 : memref<640x128xf32, #tpu.memory_space<hbm>>) target_semaphore(%run_scoped3A_68 : memref<!tpu.dma_semaphore, #tpu.memory_space<semaphore_mem>>)
      %dma_wait3A = arith.constant 0 : i32
      %dma_wait3A_74 = tpu.memref_slice %arg5[%add3A_34, %mul3A_67, %dma_wait3A] : memref<4x10240x128xf32, #tpu.memory_space<hbm>> -> memref<1x640x128xf32, #tpu.memory_space<hbm>>
      %dma_wait3A_75 = tpu.memref_squeeze %dma_wait3A_74 : memref<1x640x128xf32, #tpu.memory_space<hbm>> -> memref<640x128xf32, #tpu.memory_space<hbm>>
      %dma_wait3A_76 = arith.constant 0 : i32
      %dma_wait3A_77 = tpu.memref_slice %arg9[%mul3A_65, %dma_wait3A_76] : memref<10240x128xf32, #tpu.memory_space<vmem_shared>> -> memref<640x128xf32, #tpu.memory_space<vmem_shared>>
      tpu.wait_dma2 semaphore(%run_scoped3A_68 : memref<!tpu.dma_semaphore, #tpu.memory_space<semaphore_mem>>) src(%dma_wait3A_77 : memref<640x128xf32, #tpu.memory_space<vmem_shared>>) dst(%dma_wait3A_75 : memref<640x128xf32, #tpu.memory_space<hbm>>)
      tpu.yield
    }) : () -> ()
    return
  }
}

module attributes {stable_mosaic.version = 14 : i64} {
  func.func @body(%arg0: i32, %arg1: i32, %arg2: memref<2x512x1xf32, #tpu.memory_space<vmem>>, %arg3: memref<512x128xf32, #tpu.memory_space<vmem>>, %arg4: memref<1x512x128xf32, #tpu.memory_space<vmem>>, %arg5: memref<512x1xf32, #tpu.memory_space<vmem>>) attributes {dimension_semantics = [#tpu.dimension_semantics<arbitrary>, #tpu.dimension_semantics<arbitrary>], iteration_bounds = array<i64: 20, 2>, scalar_prefetch = 0 : i64, scratch_operands = 0 : i64, tpu.core_type = #tpu.core_type<tc>, window_params = [{transform_indices = @transform_0, window_bounds = array<i64: 2, 512, 1>}, {transform_indices = @transform_1, window_bounds = array<i64: 512, 128>}, {transform_indices = @transform_2, window_bounds = array<i64: 1, 512, 128>}, {transform_indices = @transform_3, window_bounds = array<i64: 512, 1>}]} {
    %get3A = arith.constant 0 : index
    %get3A_0 = arith.constant 0 : index
    %get3A_1 = arith.constant 0 : index
    %get3A_2 = vector.load %arg2[%get3A, %get3A_0, %get3A_1] : memref<2x512x1xf32, #tpu.memory_space<vmem>>, vector<1x512x1xf32>
    %get3A_3 = vector.shape_cast %get3A_2 : vector<1x512x1xf32> to vector<512x1xf32>
    %get3A_4 = arith.constant 1 : index
    %get3A_5 = arith.constant 0 : index
    %get3A_6 = arith.constant 0 : index
    %get3A_7 = vector.load %arg2[%get3A_4, %get3A_5, %get3A_6] : memref<2x512x1xf32, #tpu.memory_space<vmem>>, vector<1x512x1xf32>
    %get3A_8 = vector.shape_cast %get3A_7 : vector<1x512x1xf32> to vector<512x1xf32>
    %add3A = arith.addf %get3A_3, %get3A_8 : vector<512x1xf32>
    %add3A_9 = arith.constant 1.000000e+00 : f32
    %add3A_10 = vector.broadcast %add3A_9 : f32 to vector<512x1xf32>
    %add3A_11 = arith.addf %add3A, %add3A_10 : vector<512x1xf32>
    %rsqrt3A = math.rsqrt %add3A_11 : vector<512x1xf32>
    %get3A_12 = arith.constant 0 : index
    %get3A_13 = arith.constant 0 : index
    %get3A_14 = vector.load %arg3[%get3A_12, %get3A_13] : memref<512x128xf32, #tpu.memory_space<vmem>>, vector<512x128xf32>
    %broadcast_in_dim3A = vector.shape_cast %rsqrt3A : vector<512x1xf32> to vector<512x1xf32>
    %broadcast_in_dim3A_15 = vector.broadcast %broadcast_in_dim3A : vector<512x1xf32> to vector<512x128xf32>
    %mul3A = arith.mulf %get3A_14, %broadcast_in_dim3A_15 : vector<512x128xf32>
    %swap3A = arith.constant 0 : index
    %swap3A_16 = arith.constant 0 : index
    %swap3A_17 = arith.constant 0 : index
    %swap3A_18 = vector.load %arg4[%swap3A, %swap3A_16, %swap3A_17] : memref<1x512x128xf32, #tpu.memory_space<vmem>>, vector<1x512x128xf32>
    %swap3A_19 = vector.shape_cast %swap3A_18 : vector<1x512x128xf32> to vector<512x128xf32>
    %swap3A_20 = vector.shape_cast %mul3A : vector<512x128xf32> to vector<1x512x128xf32>
    tpu.vector_store %arg4[%swap3A, %swap3A_16, %swap3A_17], %swap3A_20 {strides = array<i32>} : memref<1x512x128xf32, #tpu.memory_space<vmem>>, vector<1x512x128xf32>,
    %eq3A = arith.constant 0 : i32
    %eq3A_21 = arith.cmpi eq, %arg1, %eq3A : i32
    %convert_element_type3A = arith.extui %eq3A_21 : i1 to i32
    %cond3A = arith.constant 0 : i32
    %cond3A_22 = arith.cmpi ne, %convert_element_type3A, %cond3A : i32
    scf.if %cond3A_22 {
      %swap3A_23 = arith.constant 0 : index
      %swap3A_24 = arith.constant 0 : index
      %swap3A_25 = vector.load %arg5[%swap3A_23, %swap3A_24] : memref<512x1xf32, #tpu.memory_space<vmem>>, vector<512x1xf32>
      tpu.vector_store %arg5[%swap3A_23, %swap3A_24], %rsqrt3A {strides = array<i32>} : memref<512x1xf32, #tpu.memory_space<vmem>>, vector<512x1xf32>,
    } else {
    }
    return
  }
  func.func @transform_0(%arg0: i32, %arg1: i32) -> (i32, i32, i32) {
    %c0_i32 = arith.constant 0 : i32
    %c0_i32_0 = arith.constant 0 : i32
    %c0_i32_1 = arith.constant 0 : i32
    return %c0_i32, %arg0, %c0_i32_0 : i32, i32, i32
  }
  func.func @transform_1(%arg0: i32, %arg1: i32) -> (i32, i32) {
    %c0_i32 = arith.constant 0 : i32
    return %arg0, %arg1 : i32, i32
  }
  func.func @transform_2(%arg0: i32, %arg1: i32) -> (i32, i32, i32) {
    %c0_i32 = arith.constant 0 : i32
    %c0_i32_0 = arith.constant 0 : i32
    return %arg1, %arg0, %c0_i32 : i32, i32, i32
  }
  func.func @transform_3(%arg0: i32, %arg1: i32) -> (i32, i32) {
    %c0_i32 = arith.constant 0 : i32
    %c0_i32_0 = arith.constant 0 : i32
    return %arg0, %c0_i32 : i32, i32
  }
}

module attributes {stable_mosaic.version = 14 : i64} {
  func.func @body(%arg0: i32, %arg1: memref<2x512x128xf32, #tpu.memory_space<vmem>>, %arg2: memref<512x1xf32, #tpu.memory_space<vmem>>, %arg3: memref<256x512xbf16, #tpu.memory_space<vmem>>, %arg4: memref<1x512xf32, #tpu.memory_space<vmem>>, %arg5: memref<4x512x128xf32, #tpu.memory_space<vmem>>) attributes {dimension_semantics = [#tpu.dimension_semantics<arbitrary>], iteration_bounds = array<i64: 20>, scalar_prefetch = 0 : i64, scratch_operands = 0 : i64, tpu.core_type = #tpu.core_type<tc>, window_params = [{transform_indices = @transform_0, window_bounds = array<i64: 2, 512, 128>}, {transform_indices = @transform_1, window_bounds = array<i64: 512, 1>}, {pipeline_mode = #tpu.pipeline_mode<synchronous>, transform_indices = @transform_2, window_bounds = array<i64: 256, 512>}, {pipeline_mode = #tpu.pipeline_mode<synchronous>, transform_indices = @transform_3, window_bounds = array<i64: 1, 512>}, {transform_indices = @transform_4, window_bounds = array<i64: 4, 512, 128>}]} {
    %get3A = arith.constant 0 : index
    %get3A_0 = arith.constant 0 : index
    %get3A_1 = vector.load %arg2[%get3A, %get3A_0] : memref<512x1xf32, #tpu.memory_space<vmem>>, vector<512x1xf32>
    %broadcast_in_dim3A = vector.shape_cast %get3A_1 : vector<512x1xf32> to vector<512x1xf32>
    %broadcast_in_dim3A_2 = vector.broadcast %broadcast_in_dim3A : vector<512x1xf32> to vector<512x128xf32>
    %broadcast_in_dim3A_3 = arith.constant 0.000000e+00 : f32
    %broadcast_in_dim3A_4 = vector.broadcast %broadcast_in_dim3A_3 : f32 to vector<512x512xf32>
    %get3A_5 = arith.constant 0 : index
    %get3A_6 = arith.constant 0 : index
    %get3A_7 = arith.constant 0 : index
    %get3A_8 = vector.load %arg1[%get3A_5, %get3A_6, %get3A_7] : memref<2x512x128xf32, #tpu.memory_space<vmem>>, vector<1x512x128xf32>
    %get3A_9 = vector.shape_cast %get3A_8 : vector<1x512x128xf32> to vector<512x128xf32>
    %mul3A = arith.mulf %get3A_9, %broadcast_in_dim3A_2 : vector<512x128xf32>
    %convert_element_type3A = arith.truncf %mul3A : vector<512x128xf32> to vector<512x128xbf16>
    %get3A_10 = arith.constant 0 : index
    %get3A_11 = arith.constant 0 : index
    %get3A_12 = vector.load %arg3[%get3A_10, %get3A_11] : memref<256x512xbf16, #tpu.memory_space<vmem>>, vector<128x512xbf16>
    %dot_general3A = arith.constant dense<0.000000e+00> : vector<512x512xf32>
    %dot_general3A_13 = tpu.matmul %convert_element_type3A, %get3A_12, %dot_general3A {dimension_numbers = #tpu.dot_dimension_numbers<[1], [0], [0], [1], [0, 0, 1, 1], [], []>, transpose_lhs_hint = false} : vector<512x128xbf16>, vector<128x512xbf16>, vector<512x512xf32> -> vector<512x512xf32>
    %add3A = arith.addf %broadcast_in_dim3A_4, %dot_general3A_13 : vector<512x512xf32>
    %get3A_14 = arith.constant 1 : index
    %get3A_15 = arith.constant 0 : index
    %get3A_16 = arith.constant 0 : index
    %get3A_17 = vector.load %arg1[%get3A_14, %get3A_15, %get3A_16] : memref<2x512x128xf32, #tpu.memory_space<vmem>>, vector<1x512x128xf32>
    %get3A_18 = vector.shape_cast %get3A_17 : vector<1x512x128xf32> to vector<512x128xf32>
    %mul3A_19 = arith.mulf %get3A_18, %broadcast_in_dim3A_2 : vector<512x128xf32>
    %convert_element_type3A_20 = arith.truncf %mul3A_19 : vector<512x128xf32> to vector<512x128xbf16>
    %get3A_21 = arith.constant 128 : index
    %get3A_22 = arith.constant 0 : index
    %get3A_23 = vector.load %arg3[%get3A_21, %get3A_22] : memref<256x512xbf16, #tpu.memory_space<vmem>>, vector<128x512xbf16>
    %dot_general3A_24 = arith.constant dense<0.000000e+00> : vector<512x512xf32>
    %dot_general3A_25 = tpu.matmul %convert_element_type3A_20, %get3A_23, %dot_general3A_24 {dimension_numbers = #tpu.dot_dimension_numbers<[1], [0], [0], [1], [0, 0, 1, 1], [], []>, transpose_lhs_hint = false} : vector<512x128xbf16>, vector<128x512xbf16>, vector<512x512xf32> -> vector<512x512xf32>
    %add3A_26 = arith.addf %add3A, %dot_general3A_25 : vector<512x512xf32>
    %get3A_27 = arith.constant 0 : index
    %get3A_28 = arith.constant 0 : index
    %get3A_29 = vector.load %arg4[%get3A_27, %get3A_28] : memref<1x512xf32, #tpu.memory_space<vmem>>, vector<1x512xf32>
    %add3A_30 = vector.broadcast %get3A_29 : vector<1x512xf32> to vector<512x512xf32>
    %add3A_31 = arith.addf %add3A_26, %add3A_30 : vector<512x512xf32>
    %max3A = arith.constant 0.000000e+00 : f32
    %max3A_32 = vector.broadcast %max3A : f32 to vector<512x512xf32>
    %max3A_33 = arith.maximumf %add3A_31, %max3A_32 : vector<512x512xf32>
    %slice3A = vector.extract_strided_slice %max3A_33 {offsets = [0, 0], sizes = [512, 128], strides = [1, 1]} : vector<512x512xf32> to vector<512x128xf32>
    %mul3A_34 = arith.mulf %slice3A, %broadcast_in_dim3A_2 : vector<512x128xf32>
    %swap3A = arith.constant 0 : index
    %swap3A_35 = arith.constant 0 : index
    %swap3A_36 = arith.constant 0 : index
    %swap3A_37 = vector.load %arg5[%swap3A, %swap3A_35, %swap3A_36] : memref<4x512x128xf32, #tpu.memory_space<vmem>>, vector<1x512x128xf32>
    %swap3A_38 = vector.shape_cast %swap3A_37 : vector<1x512x128xf32> to vector<512x128xf32>
    %swap3A_39 = vector.shape_cast %mul3A_34 : vector<512x128xf32> to vector<1x512x128xf32>
    tpu.vector_store %arg5[%swap3A, %swap3A_35, %swap3A_36], %swap3A_39 {strides = array<i32>} : memref<4x512x128xf32, #tpu.memory_space<vmem>>, vector<1x512x128xf32>,
    %slice3A_40 = vector.extract_strided_slice %max3A_33 {offsets = [0, 128], sizes = [512, 128], strides = [1, 1]} : vector<512x512xf32> to vector<512x128xf32>
    %mul3A_41 = arith.mulf %slice3A_40, %broadcast_in_dim3A_2 : vector<512x128xf32>
    %swap3A_42 = arith.constant 1 : index
    %swap3A_43 = arith.constant 0 : index
    %swap3A_44 = arith.constant 0 : index
    %swap3A_45 = vector.load %arg5[%swap3A_42, %swap3A_43, %swap3A_44] : memref<4x512x128xf32, #tpu.memory_space<vmem>>, vector<1x512x128xf32>
    %swap3A_46 = vector.shape_cast %swap3A_45 : vector<1x512x128xf32> to vector<512x128xf32>
    %swap3A_47 = vector.shape_cast %mul3A_41 : vector<512x128xf32> to vector<1x512x128xf32>
    tpu.vector_store %arg5[%swap3A_42, %swap3A_43, %swap3A_44], %swap3A_47 {strides = array<i32>} : memref<4x512x128xf32, #tpu.memory_space<vmem>>, vector<1x512x128xf32>,
    %slice3A_48 = vector.extract_strided_slice %max3A_33 {offsets = [0, 256], sizes = [512, 128], strides = [1, 1]} : vector<512x512xf32> to vector<512x128xf32>
    %mul3A_49 = arith.mulf %slice3A_48, %broadcast_in_dim3A_2 : vector<512x128xf32>
    %swap3A_50 = arith.constant 2 : index
    %swap3A_51 = arith.constant 0 : index
    %swap3A_52 = arith.constant 0 : index
    %swap3A_53 = vector.load %arg5[%swap3A_50, %swap3A_51, %swap3A_52] : memref<4x512x128xf32, #tpu.memory_space<vmem>>, vector<1x512x128xf32>
    %swap3A_54 = vector.shape_cast %swap3A_53 : vector<1x512x128xf32> to vector<512x128xf32>
    %swap3A_55 = vector.shape_cast %mul3A_49 : vector<512x128xf32> to vector<1x512x128xf32>
    tpu.vector_store %arg5[%swap3A_50, %swap3A_51, %swap3A_52], %swap3A_55 {strides = array<i32>} : memref<4x512x128xf32, #tpu.memory_space<vmem>>, vector<1x512x128xf32>,
    %slice3A_56 = vector.extract_strided_slice %max3A_33 {offsets = [0, 384], sizes = [512, 128], strides = [1, 1]} : vector<512x512xf32> to vector<512x128xf32>
    %mul3A_57 = arith.mulf %slice3A_56, %broadcast_in_dim3A_2 : vector<512x128xf32>
    %swap3A_58 = arith.constant 3 : index
    %swap3A_59 = arith.constant 0 : index
    %swap3A_60 = arith.constant 0 : index
    %swap3A_61 = vector.load %arg5[%swap3A_58, %swap3A_59, %swap3A_60] : memref<4x512x128xf32, #tpu.memory_space<vmem>>, vector<1x512x128xf32>
    %swap3A_62 = vector.shape_cast %swap3A_61 : vector<1x512x128xf32> to vector<512x128xf32>
    %swap3A_63 = vector.shape_cast %mul3A_57 : vector<512x128xf32> to vector<1x512x128xf32>
    tpu.vector_store %arg5[%swap3A_58, %swap3A_59, %swap3A_60], %swap3A_63 {strides = array<i32>} : memref<4x512x128xf32, #tpu.memory_space<vmem>>, vector<1x512x128xf32>,
    return
  }
  func.func @transform_0(%arg0: i32) -> (i32, i32, i32) {
    %c0_i32 = arith.constant 0 : i32
    %c0_i32_0 = arith.constant 0 : i32
    %c0_i32_1 = arith.constant 0 : i32
    return %c0_i32, %arg0, %c0_i32_0 : i32, i32, i32
  }
  func.func @transform_1(%arg0: i32) -> (i32, i32) {
    %c0_i32 = arith.constant 0 : i32
    %c0_i32_0 = arith.constant 0 : i32
    return %arg0, %c0_i32 : i32, i32
  }
  func.func @transform_2(%arg0: i32) -> (i32, i32) {
    %c0_i32 = arith.constant 0 : i32
    %c0_i32_0 = arith.constant 0 : i32
    %c0_i32_1 = arith.constant 0 : i32
    return %c0_i32, %c0_i32_0 : i32, i32
  }
  func.func @transform_3(%arg0: i32) -> (i32, i32) {
    %c0_i32 = arith.constant 0 : i32
    %c0_i32_0 = arith.constant 0 : i32
    %c0_i32_1 = arith.constant 0 : i32
    return %c0_i32, %c0_i32_0 : i32, i32
  }
  func.func @transform_4(%arg0: i32) -> (i32, i32, i32) {
    %c0_i32 = arith.constant 0 : i32
    %c0_i32_0 = arith.constant 0 : i32
    %c0_i32_1 = arith.constant 0 : i32
    return %c0_i32, %arg0, %c0_i32_0 : i32, i32, i32
  }
}

module attributes {stable_mosaic.version = 14 : i64} {
  func.func @body(%arg0: i32, %arg1: memref<4x512x128xf32, #tpu.memory_space<vmem>>, %arg2: memref<512x1xf32, #tpu.memory_space<vmem>>, %arg3: memref<512x512xbf16, #tpu.memory_space<vmem>>, %arg4: memref<1x512xf32, #tpu.memory_space<vmem>>, %arg5: memref<4x512x128xf32, #tpu.memory_space<vmem>>) attributes {dimension_semantics = [#tpu.dimension_semantics<arbitrary>], iteration_bounds = array<i64: 20>, scalar_prefetch = 0 : i64, scratch_operands = 0 : i64, tpu.core_type = #tpu.core_type<tc>, window_params = [{transform_indices = @transform_0, window_bounds = array<i64: 4, 512, 128>}, {transform_indices = @transform_1, window_bounds = array<i64: 512, 1>}, {pipeline_mode = #tpu.pipeline_mode<synchronous>, transform_indices = @transform_2, window_bounds = array<i64: 512, 512>}, {pipeline_mode = #tpu.pipeline_mode<synchronous>, transform_indices = @transform_3, window_bounds = array<i64: 1, 512>}, {transform_indices = @transform_4, window_bounds = array<i64: 4, 512, 128>}]} {
    %get3A = arith.constant 0 : index
    %get3A_0 = arith.constant 0 : index
    %get3A_1 = vector.load %arg2[%get3A, %get3A_0] : memref<512x1xf32, #tpu.memory_space<vmem>>, vector<512x1xf32>
    %broadcast_in_dim3A = vector.shape_cast %get3A_1 : vector<512x1xf32> to vector<512x1xf32>
    %broadcast_in_dim3A_2 = vector.broadcast %broadcast_in_dim3A : vector<512x1xf32> to vector<512x128xf32>
    %broadcast_in_dim3A_3 = arith.constant 0.000000e+00 : f32
    %broadcast_in_dim3A_4 = vector.broadcast %broadcast_in_dim3A_3 : f32 to vector<512x512xf32>
    %get3A_5 = arith.constant 0 : index
    %get3A_6 = arith.constant 0 : index
    %get3A_7 = arith.constant 0 : index
    %get3A_8 = vector.load %arg1[%get3A_5, %get3A_6, %get3A_7] : memref<4x512x128xf32, #tpu.memory_space<vmem>>, vector<1x512x128xf32>
    %get3A_9 = vector.shape_cast %get3A_8 : vector<1x512x128xf32> to vector<512x128xf32>
    %mul3A = arith.mulf %get3A_9, %broadcast_in_dim3A_2 : vector<512x128xf32>
    %convert_element_type3A = arith.truncf %mul3A : vector<512x128xf32> to vector<512x128xbf16>
    %get3A_10 = arith.constant 0 : index
    %get3A_11 = arith.constant 0 : index
    %get3A_12 = vector.load %arg3[%get3A_10, %get3A_11] : memref<512x512xbf16, #tpu.memory_space<vmem>>, vector<128x512xbf16>
    %dot_general3A = arith.constant dense<0.000000e+00> : vector<512x512xf32>
    %dot_general3A_13 = tpu.matmul %convert_element_type3A, %get3A_12, %dot_general3A {dimension_numbers = #tpu.dot_dimension_numbers<[1], [0], [0], [1], [0, 0, 1, 1], [], []>, transpose_lhs_hint = false} : vector<512x128xbf16>, vector<128x512xbf16>, vector<512x512xf32> -> vector<512x512xf32>
    %add3A = arith.addf %broadcast_in_dim3A_4, %dot_general3A_13 : vector<512x512xf32>
    %get3A_14 = arith.constant 1 : index
    %get3A_15 = arith.constant 0 : index
    %get3A_16 = arith.constant 0 : index
    %get3A_17 = vector.load %arg1[%get3A_14, %get3A_15, %get3A_16] : memref<4x512x128xf32, #tpu.memory_space<vmem>>, vector<1x512x128xf32>
    %get3A_18 = vector.shape_cast %get3A_17 : vector<1x512x128xf32> to vector<512x128xf32>
    %mul3A_19 = arith.mulf %get3A_18, %broadcast_in_dim3A_2 : vector<512x128xf32>
    %convert_element_type3A_20 = arith.truncf %mul3A_19 : vector<512x128xf32> to vector<512x128xbf16>
    %get3A_21 = arith.constant 128 : index
    %get3A_22 = arith.constant 0 : index
    %get3A_23 = vector.load %arg3[%get3A_21, %get3A_22] : memref<512x512xbf16, #tpu.memory_space<vmem>>, vector<128x512xbf16>
    %dot_general3A_24 = arith.constant dense<0.000000e+00> : vector<512x512xf32>
    %dot_general3A_25 = tpu.matmul %convert_element_type3A_20, %get3A_23, %dot_general3A_24 {dimension_numbers = #tpu.dot_dimension_numbers<[1], [0], [0], [1], [0, 0, 1, 1], [], []>, transpose_lhs_hint = false} : vector<512x128xbf16>, vector<128x512xbf16>, vector<512x512xf32> -> vector<512x512xf32>
    %add3A_26 = arith.addf %add3A, %dot_general3A_25 : vector<512x512xf32>
    %get3A_27 = arith.constant 2 : index
    %get3A_28 = arith.constant 0 : index
    %get3A_29 = arith.constant 0 : index
    %get3A_30 = vector.load %arg1[%get3A_27, %get3A_28, %get3A_29] : memref<4x512x128xf32, #tpu.memory_space<vmem>>, vector<1x512x128xf32>
    %get3A_31 = vector.shape_cast %get3A_30 : vector<1x512x128xf32> to vector<512x128xf32>
    %mul3A_32 = arith.mulf %get3A_31, %broadcast_in_dim3A_2 : vector<512x128xf32>
    %convert_element_type3A_33 = arith.truncf %mul3A_32 : vector<512x128xf32> to vector<512x128xbf16>
    %get3A_34 = arith.constant 256 : index
    %get3A_35 = arith.constant 0 : index
    %get3A_36 = vector.load %arg3[%get3A_34, %get3A_35] : memref<512x512xbf16, #tpu.memory_space<vmem>>, vector<128x512xbf16>
    %dot_general3A_37 = arith.constant dense<0.000000e+00> : vector<512x512xf32>
    %dot_general3A_38 = tpu.matmul %convert_element_type3A_33, %get3A_36, %dot_general3A_37 {dimension_numbers = #tpu.dot_dimension_numbers<[1], [0], [0], [1], [0, 0, 1, 1], [], []>, transpose_lhs_hint = false} : vector<512x128xbf16>, vector<128x512xbf16>, vector<512x512xf32> -> vector<512x512xf32>
    %add3A_39 = arith.addf %add3A_26, %dot_general3A_38 : vector<512x512xf32>
    %get3A_40 = arith.constant 3 : index
    %get3A_41 = arith.constant 0 : index
    %get3A_42 = arith.constant 0 : index
    %get3A_43 = vector.load %arg1[%get3A_40, %get3A_41, %get3A_42] : memref<4x512x128xf32, #tpu.memory_space<vmem>>, vector<1x512x128xf32>
    %get3A_44 = vector.shape_cast %get3A_43 : vector<1x512x128xf32> to vector<512x128xf32>
    %mul3A_45 = arith.mulf %get3A_44, %broadcast_in_dim3A_2 : vector<512x128xf32>
    %convert_element_type3A_46 = arith.truncf %mul3A_45 : vector<512x128xf32> to vector<512x128xbf16>
    %get3A_47 = arith.constant 384 : index
    %get3A_48 = arith.constant 0 : index
    %get3A_49 = vector.load %arg3[%get3A_47, %get3A_48] : memref<512x512xbf16, #tpu.memory_space<vmem>>, vector<128x512xbf16>
    %dot_general3A_50 = arith.constant dense<0.000000e+00> : vector<512x512xf32>
    %dot_general3A_51 = tpu.matmul %convert_element_type3A_46, %get3A_49, %dot_general3A_50 {dimension_numbers = #tpu.dot_dimension_numbers<[1], [0], [0], [1], [0, 0, 1, 1], [], []>, transpose_lhs_hint = false} : vector<512x128xbf16>, vector<128x512xbf16>, vector<512x512xf32> -> vector<512x512xf32>
    %add3A_52 = arith.addf %add3A_39, %dot_general3A_51 : vector<512x512xf32>
    %get3A_53 = arith.constant 0 : index
    %get3A_54 = arith.constant 0 : index
    %get3A_55 = vector.load %arg4[%get3A_53, %get3A_54] : memref<1x512xf32, #tpu.memory_space<vmem>>, vector<1x512xf32>
    %add3A_56 = vector.broadcast %get3A_55 : vector<1x512xf32> to vector<512x512xf32>
    %add3A_57 = arith.addf %add3A_52, %add3A_56 : vector<512x512xf32>
    %max3A = arith.constant 0.000000e+00 : f32
    %max3A_58 = vector.broadcast %max3A : f32 to vector<512x512xf32>
    %max3A_59 = arith.maximumf %add3A_57, %max3A_58 : vector<512x512xf32>
    %slice3A = vector.extract_strided_slice %max3A_59 {offsets = [0, 0], sizes = [512, 128], strides = [1, 1]} : vector<512x512xf32> to vector<512x128xf32>
    %mul3A_60 = arith.mulf %slice3A, %broadcast_in_dim3A_2 : vector<512x128xf32>
    %swap3A = arith.constant 0 : index
    %swap3A_61 = arith.constant 0 : index
    %swap3A_62 = arith.constant 0 : index
    %swap3A_63 = vector.load %arg5[%swap3A, %swap3A_61, %swap3A_62] : memref<4x512x128xf32, #tpu.memory_space<vmem>>, vector<1x512x128xf32>
    %swap3A_64 = vector.shape_cast %swap3A_63 : vector<1x512x128xf32> to vector<512x128xf32>
    %swap3A_65 = vector.shape_cast %mul3A_60 : vector<512x128xf32> to vector<1x512x128xf32>
    tpu.vector_store %arg5[%swap3A, %swap3A_61, %swap3A_62], %swap3A_65 {strides = array<i32>} : memref<4x512x128xf32, #tpu.memory_space<vmem>>, vector<1x512x128xf32>,
    %slice3A_66 = vector.extract_strided_slice %max3A_59 {offsets = [0, 128], sizes = [512, 128], strides = [1, 1]} : vector<512x512xf32> to vector<512x128xf32>
    %mul3A_67 = arith.mulf %slice3A_66, %broadcast_in_dim3A_2 : vector<512x128xf32>
    %swap3A_68 = arith.constant 1 : index
    %swap3A_69 = arith.constant 0 : index
    %swap3A_70 = arith.constant 0 : index
    %swap3A_71 = vector.load %arg5[%swap3A_68, %swap3A_69, %swap3A_70] : memref<4x512x128xf32, #tpu.memory_space<vmem>>, vector<1x512x128xf32>
    %swap3A_72 = vector.shape_cast %swap3A_71 : vector<1x512x128xf32> to vector<512x128xf32>
    %swap3A_73 = vector.shape_cast %mul3A_67 : vector<512x128xf32> to vector<1x512x128xf32>
    tpu.vector_store %arg5[%swap3A_68, %swap3A_69, %swap3A_70], %swap3A_73 {strides = array<i32>} : memref<4x512x128xf32, #tpu.memory_space<vmem>>, vector<1x512x128xf32>,
    %slice3A_74 = vector.extract_strided_slice %max3A_59 {offsets = [0, 256], sizes = [512, 128], strides = [1, 1]} : vector<512x512xf32> to vector<512x128xf32>
    %mul3A_75 = arith.mulf %slice3A_74, %broadcast_in_dim3A_2 : vector<512x128xf32>
    %swap3A_76 = arith.constant 2 : index
    %swap3A_77 = arith.constant 0 : index
    %swap3A_78 = arith.constant 0 : index
    %swap3A_79 = vector.load %arg5[%swap3A_76, %swap3A_77, %swap3A_78] : memref<4x512x128xf32, #tpu.memory_space<vmem>>, vector<1x512x128xf32>
    %swap3A_80 = vector.shape_cast %swap3A_79 : vector<1x512x128xf32> to vector<512x128xf32>
    %swap3A_81 = vector.shape_cast %mul3A_75 : vector<512x128xf32> to vector<1x512x128xf32>
    tpu.vector_store %arg5[%swap3A_76, %swap3A_77, %swap3A_78], %swap3A_81 {strides = array<i32>} : memref<4x512x128xf32, #tpu.memory_space<vmem>>, vector<1x512x128xf32>,
    %slice3A_82 = vector.extract_strided_slice %max3A_59 {offsets = [0, 384], sizes = [512, 128], strides = [1, 1]} : vector<512x512xf32> to vector<512x128xf32>
    %mul3A_83 = arith.mulf %slice3A_82, %broadcast_in_dim3A_2 : vector<512x128xf32>
    %swap3A_84 = arith.constant 3 : index
    %swap3A_85 = arith.constant 0 : index
    %swap3A_86 = arith.constant 0 : index
    %swap3A_87 = vector.load %arg5[%swap3A_84, %swap3A_85, %swap3A_86] : memref<4x512x128xf32, #tpu.memory_space<vmem>>, vector<1x512x128xf32>
    %swap3A_88 = vector.shape_cast %swap3A_87 : vector<1x512x128xf32> to vector<512x128xf32>
    %swap3A_89 = vector.shape_cast %mul3A_83 : vector<512x128xf32> to vector<1x512x128xf32>
    tpu.vector_store %arg5[%swap3A_84, %swap3A_85, %swap3A_86], %swap3A_89 {strides = array<i32>} : memref<4x512x128xf32, #tpu.memory_space<vmem>>, vector<1x512x128xf32>,
    return
  }
  func.func @transform_0(%arg0: i32) -> (i32, i32, i32) {
    %c0_i32 = arith.constant 0 : i32
    %c0_i32_0 = arith.constant 0 : i32
    %c0_i32_1 = arith.constant 0 : i32
    return %c0_i32, %arg0, %c0_i32_0 : i32, i32, i32
  }
  func.func @transform_1(%arg0: i32) -> (i32, i32) {
    %c0_i32 = arith.constant 0 : i32
    %c0_i32_0 = arith.constant 0 : i32
    return %arg0, %c0_i32 : i32, i32
  }
  func.func @transform_2(%arg0: i32) -> (i32, i32) {
    %c0_i32 = arith.constant 0 : i32
    %c0_i32_0 = arith.constant 0 : i32
    %c0_i32_1 = arith.constant 0 : i32
    return %c0_i32, %c0_i32_0 : i32, i32
  }
  func.func @transform_3(%arg0: i32) -> (i32, i32) {
    %c0_i32 = arith.constant 0 : i32
    %c0_i32_0 = arith.constant 0 : i32
    %c0_i32_1 = arith.constant 0 : i32
    return %c0_i32, %c0_i32_0 : i32, i32
  }
  func.func @transform_4(%arg0: i32) -> (i32, i32, i32) {
    %c0_i32 = arith.constant 0 : i32
    %c0_i32_0 = arith.constant 0 : i32
    %c0_i32_1 = arith.constant 0 : i32
    return %c0_i32, %arg0, %c0_i32_0 : i32, i32, i32
  }
}

module attributes {stable_mosaic.version = 14 : i64} {
  func.func @body(%arg0: i32, %arg1: memref<4x512x128xf32, #tpu.memory_space<vmem>>, %arg2: memref<512x1xf32, #tpu.memory_space<vmem>>, %arg3: memref<512x512xbf16, #tpu.memory_space<vmem>>, %arg4: memref<1x512xf32, #tpu.memory_space<vmem>>, %arg5: memref<512x512xbf16, #tpu.memory_space<vmem>>, %arg6: memref<1x512xf32, #tpu.memory_space<vmem>>, %arg7: memref<512x512xf32, #tpu.memory_space<vmem>>) attributes {dimension_semantics = [#tpu.dimension_semantics<arbitrary>], iteration_bounds = array<i64: 20>, scalar_prefetch = 0 : i64, scratch_operands = 0 : i64, tpu.core_type = #tpu.core_type<tc>, window_params = [{transform_indices = @transform_0, window_bounds = array<i64: 4, 512, 128>}, {transform_indices = @transform_1, window_bounds = array<i64: 512, 1>}, {pipeline_mode = #tpu.pipeline_mode<synchronous>, transform_indices = @transform_2, window_bounds = array<i64: 512, 512>}, {pipeline_mode = #tpu.pipeline_mode<synchronous>, transform_indices = @transform_3, window_bounds = array<i64: 1, 512>}, {pipeline_mode = #tpu.pipeline_mode<synchronous>, transform_indices = @transform_4, window_bounds = array<i64: 512, 512>}, {pipeline_mode = #tpu.pipeline_mode<synchronous>, transform_indices = @transform_5, window_bounds = array<i64: 1, 512>}, {transform_indices = @transform_6, window_bounds = array<i64: 512, 512>}]} {
    %get3A = arith.constant 0 : index
    %get3A_0 = arith.constant 0 : index
    %get3A_1 = vector.load %arg2[%get3A, %get3A_0] : memref<512x1xf32, #tpu.memory_space<vmem>>, vector<512x1xf32>
    %broadcast_in_dim3A = vector.shape_cast %get3A_1 : vector<512x1xf32> to vector<512x1xf32>
    %broadcast_in_dim3A_2 = vector.broadcast %broadcast_in_dim3A : vector<512x1xf32> to vector<512x128xf32>
    %broadcast_in_dim3A_3 = arith.constant 0.000000e+00 : f32
    %broadcast_in_dim3A_4 = vector.broadcast %broadcast_in_dim3A_3 : f32 to vector<512x512xf32>
    %get3A_5 = arith.constant 0 : index
    %get3A_6 = arith.constant 0 : index
    %get3A_7 = arith.constant 0 : index
    %get3A_8 = vector.load %arg1[%get3A_5, %get3A_6, %get3A_7] : memref<4x512x128xf32, #tpu.memory_space<vmem>>, vector<1x512x128xf32>
    %get3A_9 = vector.shape_cast %get3A_8 : vector<1x512x128xf32> to vector<512x128xf32>
    %mul3A = arith.mulf %get3A_9, %broadcast_in_dim3A_2 : vector<512x128xf32>
    %convert_element_type3A = arith.truncf %mul3A : vector<512x128xf32> to vector<512x128xbf16>
    %get3A_10 = arith.constant 0 : index
    %get3A_11 = arith.constant 0 : index
    %get3A_12 = vector.load %arg3[%get3A_10, %get3A_11] : memref<512x512xbf16, #tpu.memory_space<vmem>>, vector<128x512xbf16>
    %dot_general3A = arith.constant dense<0.000000e+00> : vector<512x512xf32>
    %dot_general3A_13 = tpu.matmul %convert_element_type3A, %get3A_12, %dot_general3A {dimension_numbers = #tpu.dot_dimension_numbers<[1], [0], [0], [1], [0, 0, 1, 1], [], []>, transpose_lhs_hint = false} : vector<512x128xbf16>, vector<128x512xbf16>, vector<512x512xf32> -> vector<512x512xf32>
    %add3A = arith.addf %broadcast_in_dim3A_4, %dot_general3A_13 : vector<512x512xf32>
    %get3A_14 = arith.constant 1 : index
    %get3A_15 = arith.constant 0 : index
    %get3A_16 = arith.constant 0 : index
    %get3A_17 = vector.load %arg1[%get3A_14, %get3A_15, %get3A_16] : memref<4x512x128xf32, #tpu.memory_space<vmem>>, vector<1x512x128xf32>
    %get3A_18 = vector.shape_cast %get3A_17 : vector<1x512x128xf32> to vector<512x128xf32>
    %mul3A_19 = arith.mulf %get3A_18, %broadcast_in_dim3A_2 : vector<512x128xf32>
    %convert_element_type3A_20 = arith.truncf %mul3A_19 : vector<512x128xf32> to vector<512x128xbf16>
    %get3A_21 = arith.constant 128 : index
    %get3A_22 = arith.constant 0 : index
    %get3A_23 = vector.load %arg3[%get3A_21, %get3A_22] : memref<512x512xbf16, #tpu.memory_space<vmem>>, vector<128x512xbf16>
    %dot_general3A_24 = arith.constant dense<0.000000e+00> : vector<512x512xf32>
    %dot_general3A_25 = tpu.matmul %convert_element_type3A_20, %get3A_23, %dot_general3A_24 {dimension_numbers = #tpu.dot_dimension_numbers<[1], [0], [0], [1], [0, 0, 1, 1], [], []>, transpose_lhs_hint = false} : vector<512x128xbf16>, vector<128x512xbf16>, vector<512x512xf32> -> vector<512x512xf32>
    %add3A_26 = arith.addf %add3A, %dot_general3A_25 : vector<512x512xf32>
    %get3A_27 = arith.constant 2 : index
    %get3A_28 = arith.constant 0 : index
    %get3A_29 = arith.constant 0 : index
    %get3A_30 = vector.load %arg1[%get3A_27, %get3A_28, %get3A_29] : memref<4x512x128xf32, #tpu.memory_space<vmem>>, vector<1x512x128xf32>
    %get3A_31 = vector.shape_cast %get3A_30 : vector<1x512x128xf32> to vector<512x128xf32>
    %mul3A_32 = arith.mulf %get3A_31, %broadcast_in_dim3A_2 : vector<512x128xf32>
    %convert_element_type3A_33 = arith.truncf %mul3A_32 : vector<512x128xf32> to vector<512x128xbf16>
    %get3A_34 = arith.constant 256 : index
    %get3A_35 = arith.constant 0 : index
    %get3A_36 = vector.load %arg3[%get3A_34, %get3A_35] : memref<512x512xbf16, #tpu.memory_space<vmem>>, vector<128x512xbf16>
    %dot_general3A_37 = arith.constant dense<0.000000e+00> : vector<512x512xf32>
    %dot_general3A_38 = tpu.matmul %convert_element_type3A_33, %get3A_36, %dot_general3A_37 {dimension_numbers = #tpu.dot_dimension_numbers<[1], [0], [0], [1], [0, 0, 1, 1], [], []>, transpose_lhs_hint = false} : vector<512x128xbf16>, vector<128x512xbf16>, vector<512x512xf32> -> vector<512x512xf32>
    %add3A_39 = arith.addf %add3A_26, %dot_general3A_38 : vector<512x512xf32>
    %get3A_40 = arith.constant 3 : index
    %get3A_41 = arith.constant 0 : index
    %get3A_42 = arith.constant 0 : index
    %get3A_43 = vector.load %arg1[%get3A_40, %get3A_41, %get3A_42] : memref<4x512x128xf32, #tpu.memory_space<vmem>>, vector<1x512x128xf32>
    %get3A_44 = vector.shape_cast %get3A_43 : vector<1x512x128xf32> to vector<512x128xf32>
    %mul3A_45 = arith.mulf %get3A_44, %broadcast_in_dim3A_2 : vector<512x128xf32>
    %convert_element_type3A_46 = arith.truncf %mul3A_45 : vector<512x128xf32> to vector<512x128xbf16>
    %get3A_47 = arith.constant 384 : index
    %get3A_48 = arith.constant 0 : index
    %get3A_49 = vector.load %arg3[%get3A_47, %get3A_48] : memref<512x512xbf16, #tpu.memory_space<vmem>>, vector<128x512xbf16>
    %dot_general3A_50 = arith.constant dense<0.000000e+00> : vector<512x512xf32>
    %dot_general3A_51 = tpu.matmul %convert_element_type3A_46, %get3A_49, %dot_general3A_50 {dimension_numbers = #tpu.dot_dimension_numbers<[1], [0], [0], [1], [0, 0, 1, 1], [], []>, transpose_lhs_hint = false} : vector<512x128xbf16>, vector<128x512xbf16>, vector<512x512xf32> -> vector<512x512xf32>
    %add3A_52 = arith.addf %add3A_39, %dot_general3A_51 : vector<512x512xf32>
    %get3A_53 = arith.constant 0 : index
    %get3A_54 = arith.constant 0 : index
    %get3A_55 = vector.load %arg4[%get3A_53, %get3A_54] : memref<1x512xf32, #tpu.memory_space<vmem>>, vector<1x512xf32>
    %add3A_56 = vector.broadcast %get3A_55 : vector<1x512xf32> to vector<512x512xf32>
    %add3A_57 = arith.addf %add3A_52, %add3A_56 : vector<512x512xf32>
    %max3A = arith.constant 0.000000e+00 : f32
    %max3A_58 = vector.broadcast %max3A : f32 to vector<512x512xf32>
    %max3A_59 = arith.maximumf %add3A_57, %max3A_58 : vector<512x512xf32>
    %convert_element_type3A_60 = arith.truncf %max3A_59 : vector<512x512xf32> to vector<512x512xbf16>
    %get3A_61 = arith.constant 0 : index
    %get3A_62 = arith.constant 0 : index
    %get3A_63 = vector.load %arg5[%get3A_61, %get3A_62] : memref<512x512xbf16, #tpu.memory_space<vmem>>, vector<512x512xbf16>
    %dot_general3A_64 = arith.constant dense<0.000000e+00> : vector<512x512xf32>
    %dot_general3A_65 = tpu.matmul %convert_element_type3A_60, %get3A_63, %dot_general3A_64 {dimension_numbers = #tpu.dot_dimension_numbers<[1], [0], [0], [1], [0, 0, 1, 1], [], []>, transpose_lhs_hint = false} : vector<512x512xbf16>, vector<512x512xbf16>, vector<512x512xf32> -> vector<512x512xf32>
    %get3A_66 = arith.constant 0 : index
    %get3A_67 = arith.constant 0 : index
    %get3A_68 = vector.load %arg6[%get3A_66, %get3A_67] : memref<1x512xf32, #tpu.memory_space<vmem>>, vector<1x512xf32>
    %add3A_69 = vector.broadcast %get3A_68 : vector<1x512xf32> to vector<512x512xf32>
    %add3A_70 = arith.addf %dot_general3A_65, %add3A_69 : vector<512x512xf32>
    %swap3A = arith.constant 0 : index
    %swap3A_71 = arith.constant 0 : index
    %swap3A_72 = vector.load %arg7[%swap3A, %swap3A_71] : memref<512x512xf32, #tpu.memory_space<vmem>>, vector<512x512xf32>
    tpu.vector_store %arg7[%swap3A, %swap3A_71], %add3A_70 {strides = array<i32>} : memref<512x512xf32, #tpu.memory_space<vmem>>, vector<512x512xf32>,
    return
  }
  func.func @transform_0(%arg0: i32) -> (i32, i32, i32) {
    %c0_i32 = arith.constant 0 : i32
    %c0_i32_0 = arith.constant 0 : i32
    %c0_i32_1 = arith.constant 0 : i32
    return %c0_i32, %arg0, %c0_i32_0 : i32, i32, i32
  }
  func.func @transform_1(%arg0: i32) -> (i32, i32) {
    %c0_i32 = arith.constant 0 : i32
    %c0_i32_0 = arith.constant 0 : i32
    return %arg0, %c0_i32 : i32, i32
  }
  func.func @transform_2(%arg0: i32) -> (i32, i32) {
    %c0_i32 = arith.constant 0 : i32
    %c0_i32_0 = arith.constant 0 : i32
    %c0_i32_1 = arith.constant 0 : i32
    return %c0_i32, %c0_i32_0 : i32, i32
  }
  func.func @transform_3(%arg0: i32) -> (i32, i32) {
    %c0_i32 = arith.constant 0 : i32
    %c0_i32_0 = arith.constant 0 : i32
    %c0_i32_1 = arith.constant 0 : i32
    return %c0_i32, %c0_i32_0 : i32, i32
  }
  func.func @transform_4(%arg0: i32) -> (i32, i32) {
    %c0_i32 = arith.constant 0 : i32
    %c0_i32_0 = arith.constant 0 : i32
    %c0_i32_1 = arith.constant 0 : i32
    return %c0_i32, %c0_i32_0 : i32, i32
  }
  func.func @transform_5(%arg0: i32) -> (i32, i32) {
    %c0_i32 = arith.constant 0 : i32
    %c0_i32_0 = arith.constant 0 : i32
    %c0_i32_1 = arith.constant 0 : i32
    return %c0_i32, %c0_i32_0 : i32, i32
  }
  func.func @transform_6(%arg0: i32) -> (i32, i32) {
    %c0_i32 = arith.constant 0 : i32
    %c0_i32_0 = arith.constant 0 : i32
    return %arg0, %c0_i32 : i32, i32
  }
}

</mosaic_0001>

<sc_bundles>
// kernel: kernel.10.cloned.1.call-start
scs
__scs_entry_jumppad:
0x0: {  	(pc) =	sbr.rel $0x88, $3  }
0x1: {  	(tag) =	ssettag $0x0;
	lr =	simm.s32 $0x1  }
0x2: {  	[smem:$0x3F97] =	sst lr;
	_ =	strace $0xD0000000  }
0x3: {  	_ = 	snop  }
0x4: {  	_ = 	snop  }
0x5: {  	_ = 	snop  }
0x6: {  	_ = 	snop  }
0x7: {  	_ = 	snop  }
__scs_overlays_trampoline_lowered:
0x8: {  	[smem:$0x3FA6] =	sst s0  }
0x9: {  	[smem:$0x3FA7] =	sst s1  }
0xa: {  	[smem:$0x3FA8] =	sst s2  }
0xb: {  	[smem:$0x3FA9] =	sst s3  }
0xc: {  	[smem:$0x3FAA] =	sst s4  }
0xd: {  	[smem:$0x3FAB] =	sst s5  }
0xe: {  	[smem:$0x3FAC] =	sst s6  }
0xf: {  	[smem:$0x3FAD] =	sst s7  }
0x10: {  	[smem:$0x3FAE] =	sst s8  }
0x11: {  	[smem:$0x3FAF] =	sst s9;
	s0 =	simm.s32 @!p0 $0x0  }
0x12: {  	s1 =	sld [smem:$0x3F95];
	s0 =	simm.s32 @p0 $0x1  }
0x13: {  	[smem:$0x3FB0] =	sst s0;
	s0 =	simm.s32 @!p1 $0x0  }
0x14: {  	s2 =	sld [smem:$0x3F94];
	s0 =	simm.s32 @p1 $0x1  }
0x15: {  	[smem:$0x3FB1] =	sst s0;
	s0 =	simm.s32 @!p2 $0x0  }
0x16: {  	s3 =	sld [smem:$0x3FDB];
	s0 =	simm.s32 @p2 $0x1  }
0x17: {  	s4 =	simm.s32 $0x1BF5;
	[smem:$0x3FB3] =	sst s0  }
0x18: {  	s0 =	sld [smem:$0x3F96];
	_ =	swait.ge [sflag:s4], $0x0  }
0x19: {  	s7 =	sld [smem:$0x3F97]  }
0x1a: {  	s8 =	sadd.s32 $0xFFFFE003, lr  }
0x1b: {  	s9 =	sadd.s32 $0xFFFFFEF7, lr;
	s5 =	simm.s32 $0xFFFFFFFF;
	p2 =	slt.u32 s8, $0xFFFFF086  }
0x1c: {  	p1 =	slt.u32 s9, $0xF7A;
	s5 =	simm.s32 @!p2 $0x0  }
0x1d: {  	s5 =	simm.s32 @p1 $0x1;
	p0 =	seq.s32 s7, s2  }
0x1e: {  	s7 =	smul.u32 @!p0 $0xF7A, s2;
	p2 =	seq.s32 @!p0 s5, $0x0  }
0x1f: {  	s9 =	smul.u32 $0xF7A, s1;
	s8 =	simm.s32 @!p0 $0x1BF5;
	p2 =	por !p2, p0  }
0x20: {  	[sflag:s8] =	ssyncset.s32 @!p0 $0xFFFFF086;
	s6 =	sadd.s32 @!p0 s3, s7;
	s7 =	simm.s32 @!p0 $0x108  }
0x21: {  	s3 =	sadd.s32 s3, s9;
	s6 =	sadd.s32 @!p0 $0x88, s6;
	s7 =	simm.s32 @p2 $0x1082  }
0x22: {  	[simem:s7], [sflag:s8] =	dma.local @!p0 [hbm:s6], $0xF7A  }
0x23: {  	s9 =	sor.u32 $0xD0000000, s2;
	s6 =	simm.s32 $0x108;
	_ =	swait.ge @!p0 [sflag:s8], $0x0  }
0x24: {  	s3 =	sadd.s32 $0x88, s3;
	s6 =	simm.s32 @!p1 $0x1082;
	[sflag:s4] =	ssyncset.s32 $0xFFFFF086  }
0x25: {  	[simem:s6], [sflag:s4] =	dma.local [hbm:s3], $0xF7A  }
0x26: {  	[smem:$0x3F97] =	sst s1;
	(tag) =	ssettag s2;
	_ =	strace s9  }
0x27: {  	s1 =	sld [smem:$0x3FA7]  }
0x28: {  	s2 =	sld [smem:$0x3FA8]  }
0x29: {  	s4 =	sld [smem:$0x3FAA]  }
0x2a: {  	p0 =	seq.s32 s5, $0x0;
	s5 =	sld [smem:$0x3FAB]  }
0x2b: {  	s6 =	sld [smem:$0x3FAC]  }
0x2c: {  	s7 =	sld [smem:$0x3FAD]  }
0x2d: {  	s3 =	simm.s32 $0x108;
	s8 =	sld [smem:$0x3FAE]  }
0x2e: {  	s3 =	simm.s32 @!p0 $0x1082;
	s9 =	sld [smem:$0x3FAF]  }
0x2f: {  	lr =	sadd.s32 s0, s3;
	s0 =	sld [smem:$0x3FA6]  }
0x30: {  	s3 =	sld [smem:$0x3FA9]  }
0x31: {  	[smem:$0x3FB2] =	sst s10  }
0x32: {  	s10 =	sld [smem:$0x3FB0];
	_ =	sdelay $0x3  }
0x33: {  	p0 =	seq.s32 s10, $0x1;
	s10 =	sld [smem:$0x3FB2];
	_ =	sdelay $0x3  }
0x34: {  	[smem:$0x3FB2] =	sst s10  }
0x35: {  	s10 =	sld [smem:$0x3FB1];
	_ =	sdelay $0x3  }
0x36: {  	p1 =	seq.s32 s10, $0x1;
	s10 =	sld [smem:$0x3FB2];
	_ =	sdelay $0x3  }
0x37: {  	[smem:$0x3FB2] =	sst s10  }
0x38: {  	s10 =	sld [smem:$0x3FB3]  }
0x39: {  	_ = 	snop;
	(pc) =	sbr.ind lr, $3  }
0x3a: {  	_ = 	snop  }
0x3b: {  	_ = 	snop  }
0x3c: {  	p2 =	seq.s32 s10, $0x1;
	s10 =	sld [smem:$0x3FB2]  }
0x3d: {  	_ =	shalt  }
0x3e: {  	_ =	shalt  }
0x3f: {  	_ =	shalt  }
0x40: {  	_ =	shalt  }
0x41: {  	_ =	shalt  }
0x42: {  	_ =	shalt  }
0x43: {  	_ =	shalt  }
0x44: {  	_ =	shalt  }
0x45: {  	_ =	shalt  }
0x46: {  	_ =	shalt  }
0x47: {  	_ =	shalt  }
0x48: {  	_ =	shalt  }
0x49: {  	_ =	shalt  }
0x4a: {  	_ =	shalt  }
0x4b: {  	_ =	shalt  }
0x4c: {  	_ =	shalt  }
0x4d: {  	_ =	shalt  }
0x4e: {  	_ =	shalt  }
0x4f: {  	_ =	shalt  }
0x50: {  	_ =	shalt  }
0x51: {  	_ =	shalt  }
0x52: {  	_ =	shalt  }
0x53: {  	_ =	shalt  }
0x54: {  	_ =	shalt  }
0x55: {  	_ =	shalt  }
0x56: {  	_ =	shalt  }
0x57: {  	_ =	shalt  }
0x58: {  	_ =	shalt  }
0x59: {  	_ =	shalt  }
0x5a: {  	_ =	shalt  }
0x5b: {  	_ =	shalt  }
0x5c: {  	_ =	shalt  }
0x5d: {  	_ =	shalt  }
0x5e: {  	_ =	shalt  }
0x5f: {  	_ =	shalt  }
0x60: {  	_ =	shalt  }
0x61: {  	_ =	shalt  }
0x62: {  	_ =	shalt  }
0x63: {  	_ =	shalt  }
0x64: {  	_ =	shalt  }
0x65: {  	_ =	shalt  }
0x66: {  	_ =	shalt  }
0x67: {  	_ =	shalt  }
0x68: {  	_ =	shalt  }
0x69: {  	_ =	shalt  }
0x6a: {  	_ =	shalt  }
0x6b: {  	_ =	shalt  }
0x6c: {  	_ =	shalt  }
0x6d: {  	_ =	shalt  }
0x6e: {  	_ =	shalt  }
0x6f: {  	_ =	shalt  }
0x70: {  	_ =	shalt  }
0x71: {  	_ =	shalt  }
0x72: {  	_ =	shalt  }
0x73: {  	_ =	shalt  }
0x74: {  	_ =	shalt  }
0x75: {  	_ =	shalt  }
0x76: {  	_ =	shalt  }
0x77: {  	_ =	shalt  }
0x78: {  	_ =	shalt  }
0x79: {  	_ =	shalt  }
0x7a: {  	_ =	shalt  }
0x7b: {  	_ =	shalt  }
0x7c: {  	_ =	shalt  }
0x7d: {  	_ =	shalt  }
0x7e: {  	_ =	shalt  }
0x7f: {  	_ =	shalt  }
0x80: {  	_ =	shalt  }
0x81: {  	_ =	shalt  }
0x82: {  	_ =	shalt  }
0x83: {  	_ =	shalt  }
0x84: {  	_ =	shalt  }
0x85: {  	_ =	shalt  }
0x86: {  	_ =	shalt  }
0x87: {  	_ =	shalt  }
.Lfunc_end0:
.L_simem_size_0:
called_computation_lowered:
.L_overlay_start_0:
0x88: {  	s2 =	sld [smem:$0x3FD9]  }
0x89: {  	s3 =	sld [smem:$0x3FFE];
	_ =	sdelay $0x1  }
0x8a: {  	s1 =	srdreg.scid  }
0x8b: {  	s0 =	sand.u32 $0x1, s1  }
0x8c: {  	s17 =	sshll.u32 s0, $0xA;
	s2 =	sadd.s32 s3, s2  }
0x8d: {  	s2 =	sadd.s32 s2, s17  }
0x8e: {  	[smem:$0x3FBE] =	sst s2  }
0x8f: {  	_ = 	snop  }
0x90: {  	s2 =	sld [smem:$0x3FD0];
	(tm) =	ssettm $0x1  }
0x91: {  	s18 =	sld [smem:$0x3FFB];
	_ =	sdelay $0x3  }
0x92: {  	_ =	strace s18  }
0x93: {  	s3 =	sld [smem:$0x3FFC];
	_ =	sdelay $0x3  }
0x94: {  	_ =	strace s3  }
0x95: {  	s3 =	sld [smem:$0x3FFD];
	_ =	sdelay $0x3  }
0x96: {  	_ =	strace s3  }
0x97: {  	_ =	strace $0x8FFFFFFF  }
0x98: {  	s19 =	sld [smem:$0x3FDB];
	_ =	sdelay $0x1  }
0x99: {  	s4 =	simm.s32 $_scs_section_size  }
0x9a: {  	s5 =	simm.s32 $_size__tile_overlayer_lowered;
	s6 =	simm.s32 $_tile_overlayer_lowered  }
0x9b: {  	s22 =	simm.s32 $0x1BFF;
	s21 =	sshll.u32 s6, $0x1;
	s3 =	sadd.s32 s4, s19  }
0x9c: {  	s7 =	simm.s32 $0x0;
	s20 =	sshll.u32 s5, $0x1;
	s5 =	sadd.s32 s21, s3  }
0x9d: {  	[timem:s7], [sflag:s22] =	dma.local [hbm:s5], s20  }
0x9e: {  	_ =	swait.ge [sflag:s22], s20  }
0x9f: {  	s4 =	ssub.s32 $0x0, s20;
	[sflag:s22] =	ssyncset.done $0x0  }
0xa0: {  	[sflag:s22] =	ssyncadd.s32 s4;
	_ =	sdelay $0x1  }
0xa1: {  	s23 =	simm.s32 $0x1B8B  }
0xa2: {  	_ =	swait.ge [sflag:s23], $0x1  }
0xa3: {  	[sflag:s23] =	ssyncset.done $0x0  }
0xa4: {  	s25 =	simm.s32 $0x1B8E;
	s24 =	sld [smem:$0x3FFE];
	[sflag:s23] =	ssyncadd.s32 $0xFFFFFFFF  }
0xa5: {  	s26 =	simm.s32 $execute0_lowered;
	[smem:$0x3FD2] =	sst s25  }
0xa6: {  	s5 =	sshll.u32 s26, $0x1;
	_ =	strace $0x80000046;
	[dreg:$0x1] =	wrdreg $0xFFFFFFFF  }
0xa7: {  	s28 =	simm.s32 $_size_execute0_lowered;
	s3 =	sadd.s32 s3, s5;
	[dreg:$0x0] =	wrdreg $0x0  }
0xa8: {  	s5 =	sshll.u32 s28, $0x1;
	[dreg:$0x2] =	wrdreg s3  }
0xa9: {  	[dreg:$0x3] =	wrdreg s5  }
0xaa: {  	[dreg:$0x4] =	wrdreg $0xC0  }
0xab: {  	_ =	task [dreg:s7], $0x5FFFF  }
0xac: {  	[dreg:$0x1] =	wrdreg $0xFFFFFFFF  }
0xad: {  	[dreg:$0x0] =	wrdreg $0x60  }
0xae: {  	[dreg:$0x2] =	wrdreg s24  }
0xaf: {  	[dreg:$0x3] =	wrdreg s2  }
0xb0: {  	[dreg:$0x4] =	wrdreg $0x28800  }
0xb1: {  	[dreg:$0x5] =	wrdreg $0x9  }
0xb2: {  	_ =	task.clear_ibuf [dreg:s7], $0x6FFFF;
	_ =	strace $0x90000046  }
0xb3: {  	s29 =	simm.s32 $0x9;
	_ =	strace $0x80000048  }
0xb4: {  	_ =	swait.ge [sflag:s29], $0x1  }
0xb5: {  	[sflag:s29] =	ssyncadd.s32 $0xFFFFFFFF  }
0xb6: {  	_ =	strace $0x90000048  }
0xb7: {  	_ =	sfence  }
0xb8: {  	s30 =	sld [smem:$0x0];
	_ =	sdelay $0x2  }
0xb9: {  	s31 =	sshll.u32 s1, $0xD;
	s1 =	sshrl.u32 s1, $0x2  }
0xba: {  	s3 =	sand.u32 $0x4000, s31;
	s1 =	sadd.s32 s1, s30  }
0xbb: {  	s0 =	sor.u32 s3, s0;
	s1 =	sshll.u32 s1, $0x11  }
0xbc: {  	s0 =	sor.u32 s1, s0  }
0xbd: {  	s0 =	sadd.s32 $0x8F2B, s0  }
0xbe: {  	[sflag:s0] =	ssyncadd.remote.s32 $0x1  }
0xbf: {  	_ =	sfence.sel $0xFFFF  }
0xc0: {  	[dreg:$0x0] =	wrdreg $0xFFFFFFFF;
	(pc) =	sbr.abs _section_cstart, $3  }
0xc1: {  	[dreg:$0x1] =	wrdreg $0xFFFFFFFF  }
0xc2: {  	_ =	task.clear_ibuf [dreg:s7], $0x2FFFF;
	_ =	strace $0x9FFFFFFF  }
0xc3: {  	(tm) =	ssettm $0x7FFFFFFF  }
tec
execute0_lowered:
.L_overlay_start_1:
0x0: {  	(tag) =	ssettag $0x1  }
0x1: {  	s6 =	rddreg [dreg:$0x0]  }
0x2: {  	s2 =	rddreg [dreg:$0x1]  }
0x3: {  	s3 =	rddreg [dreg:$0x2]  }
0x4: {  	s0 =	rddreg [dreg:$0x3]  }
0x5: {  	s1 =	stileid.u32;
	s5 =	srdreg.scid;
	s4 =	simm.s32 $0x0  }
0x6: {  	s14 =	simm.s32 $0x80;
	s15 =	simm.s32 $0x20;
	s16 =	simm.s32 $0x10  }
0x7: {  	s17 =	simm.s32 $0x0;
	s7 =	smul.u32 $0x500, s1;
	s8 =	sand.u32 $0x1, s5  }
0x8: {  	[smem:$0x7FF] =	sst s4;
	s10 =	smul.u32 $0xA00, s1;
	s31 =	sshll.u32 s1, $0x6  }
0x9: {  	s5 =	sshll.u32 s8, $0x7;
	_ =	strace $0x80000047;
	s29 =	ssub.s32 $0x2, s8  }
0xa: {  	s12 =	smul.u32 $0x5000, s8;
	s5 =	sor.u32 s5, s7;
	s7 =	sadd.s32 s7, s6  }
0xb: {  	s11 =	sshrl.u32 s29, $0x1;
	s10 =	sshrl.u32 s10, $0x2;
	s9 =	sshrl.u32 s5, $0x3  }
0xc: {  	s5 =	sadd.s32 $0x7000, s6;
	s30 =	ssub.s32 s29, s11;
	s13 =	sadd.s32 s10, s3  }
0xd: {  	s10 =	simm.s32 $0x1;
	s11 =	simm.s32 $0x2800;
	s9 =	sadd.s32 s9, s6  }
0xe: {  	s6 =	sadd.s32 $0x2000, s7;
	s8 =	smax.u32 s30, $0x1;
	s13 =	sshrl.u32 s13, $0x3  }
0xf: {  	s7 =	sadd.s32 $0x7200, s9;
	s9 =	sshrl.u32 s12, $0x2;
	s12 =	sor.u32 $0x1C01, s31  }
.LBB2_1:
0x10: {  	[tilespmem:s4], [sflag:$0x1] =	stream.linear.gather [hbm4b:s6+s4], $0x2800, $0x38;
	[tilespmem:$0x2B00] =	vst v63  }
0x11: {  	_ =	swait.ge [sflag:s10], $0x2800  }
0x12: {  	[sflag:s10] =	ssyncset.done $0x0  }
0x13: {  	[sflag:s10] =	ssyncadd.s32 $0xFFFFD800  }
0x14: {  	[tilespmem:s11], [sflag:$0x1] =	stream.linear.gather [hbm4b:s5+s4], $0x80, $0x38;
	[tilespmem:$0x2B00] =	vst v63  }
0x15: {  	_ =	swait.ge [sflag:s10], $0x80  }
0x16: {  	[sflag:s10] =	ssyncset.done $0x0  }
0x17: {  	[sflag:s10] =	ssyncadd.s32 $0xFFFFFF80  }
0x18: {  	[spmem:s13], [sflag:s12] =	dma.local [hbm:s2], $0x50  }
0x19: {  	_ =	swait.ge [sflag:s10], $0x50  }
0x1a: {  	[sflag:s10] =	ssyncset.done $0x0  }
0x1b: {  	[sflag:s10] =	ssyncadd.s32 $0xFFFFFFB0  }
0x1c: {  	s18 =	sadd.s32 $0x0, s9;
	[bflag:$0x0] =	sbarrier.arrive $0xFFFF  }
0x1d: {  	[spmem:s3] =	stream.indirect.scatter.add.f32 [tilespmem:s11], [sflag:$0x1], $0x1, s18, s14, $0xb8;
	[tilespmem:$0x2B00] =	vst v63  }
0x1e: {  	s18 =	simm.s32 $0x200;
	_ =	swait.ge [sflag:s10], $0x80  }
.LBB2_2:
0x1f: {  	s19 =	sshra.s32 s18, $0x2;
	[sflag:s10] =	ssyncset.done $0x0;
	p0 =	sne.s32 s18, $0x4E00  }
.Ltmp0:
0x20: {  	s19 =	sadd.s32 s19, s9;
	[sflag:s10] =	ssyncadd.s32 $0xFFFFFF80;
	(pc) =	sbr.rel @p0 .LBB2_2-.Ltmp0, $3  }
0x21: {  	[spmem:s3] =	stream.indirect.scatter.add.f32 [tilespmem:s11], [sflag:$0x1], $0x1, s19, s14, $0xb8;
	[tilespmem:$0x2B00] =	vst v63  }
0x22: {  	s18 =	sadd.s32 $0x200, s18;
	_ =	sdelay $0x1  }
0x23: {  	_ =	swait.ge [sflag:s10], $0x80  }
0x24: {  	[sflag:s10] =	ssyncset.done $0x0;
	s17 =	sadd.s32 $0x1, s17  }
0x25: {  	[sflag:s10] =	ssyncadd.s32 $0xFFFFFF80;
	p0 =	sne.s32 s17, s8  }
.Ltmp1:
0x26: {  	[bflag:$0x0] =	sbarrier.arrive $0xFFFF;
	(pc) =	sbr.rel @p0 .LBB2_1-.Ltmp1, $4  }
0x27: {  	[hbm:s7@s15], [sflag:s12] =	dma.strided [spmem:s13@s16], $0x50, s10, $0x10   }
0x28: {  	_ =	swait.ge [sflag:s10], $0x50  }
0x29: {  	[sflag:s10] =	ssyncset.done $0x0  }
0x2a: {  	[sflag:s10] =	ssyncadd.s32 $0xFFFFFFB0  }
0x2b: {  	_ =	sfence.sel $0x180000  }
0x2c: {  	[bflag:$0x0] =	sbarrier.arrive $0xFFFF  }
0x2d: {  	p0 =	sne.s32 s1, $0x0;
	_ =	strace $0x90000047  }
0x2e: {  	s0 =	sadd.s32 @!p0 $0x100000, s0;
	[bflag:$0x2] =	sbarrier.arrive $0xFFFF  }
0x2f: {  	[sflag:s0] =	ssyncadd.tile.s32 @!p0 $0x1;
	_ =	shalt  }
.Lfunc_end2:
_tile_overlayer_lowered:
.L_overlay_start_2:
0x30: {  	(tag) =	ssettag $0x2  }
0x31: {  	s0 =	rddreg [dreg:$0x0];
	s2 =	stileid.u32  }
0x32: {  	s1 =	rddreg [dreg:$0x1];
	p0 =	sne.s32 s2, $0x0  }
0x33: {  	s3 =	rddreg [dreg:$0x2];
	[bflag:$0x3] =	sbarrier.arrive $0xFFFF;
	s2 =	simm.s32 @!p0 $0x1C01  }
0x34: {  	[timem:s3], [sflag:s2] =	dma.local @!p0 [hbm:s0], s1  }
0x35: {  	s0 =	simm.s32 @!p0 $0x1  }
0x36: {  	_ =	swait.ge @!p0 [sflag:s0], s1  }
0x37: {  	s1 =	ssub.s32 @!p0 $0x0, s1;
	[sflag:s0] =	ssyncset.done @!p0 $0x0  }
0x38: {  	[sflag:s0] =	ssyncadd.s32 @!p0 s1  }
0x39: {  	[bflag:$0x3] =	sbarrier.arrive $0xFFFF  }
0x3a: {  	_ =	shalt  }

// kernel: kernel.13.cloned.1.call-start
scs
__scs_entry_jumppad:
0x0: {  	(pc) =	sbr.rel $0x88, $3  }
0x1: {  	(tag) =	ssettag $0x0;
	lr =	simm.s32 $0x1  }
0x2: {  	[smem:$0x3F97] =	sst lr;
	_ =	strace $0xD0000000  }
0x3: {  	_ = 	snop  }
0x4: {  	_ = 	snop  }
0x5: {  	_ = 	snop  }
0x6: {  	_ = 	snop  }
0x7: {  	_ = 	snop  }
__scs_overlays_trampoline_lowered:
0x8: {  	[smem:$0x3FA6] =	sst s0  }
0x9: {  	[smem:$0x3FA7] =	sst s1  }
0xa: {  	[smem:$0x3FA8] =	sst s2  }
0xb: {  	[smem:$0x3FA9] =	sst s3  }
0xc: {  	[smem:$0x3FAA] =	sst s4  }
0xd: {  	[smem:$0x3FAB] =	sst s5  }
0xe: {  	[smem:$0x3FAC] =	sst s6  }
0xf: {  	[smem:$0x3FAD] =	sst s7  }
0x10: {  	[smem:$0x3FAE] =	sst s8  }
0x11: {  	[smem:$0x3FAF] =	sst s9;
	s0 =	simm.s32 @!p0 $0x0  }
0x12: {  	s1 =	sld [smem:$0x3F95];
	s0 =	simm.s32 @p0 $0x1  }
0x13: {  	[smem:$0x3FB0] =	sst s0;
	s0 =	simm.s32 @!p1 $0x0  }
0x14: {  	s2 =	sld [smem:$0x3F94];
	s0 =	simm.s32 @p1 $0x1  }
0x15: {  	[smem:$0x3FB1] =	sst s0;
	s0 =	simm.s32 @!p2 $0x0  }
0x16: {  	s3 =	sld [smem:$0x3FDB];
	s0 =	simm.s32 @p2 $0x1  }
0x17: {  	s4 =	simm.s32 $0x1BF5;
	[smem:$0x3FB3] =	sst s0  }
0x18: {  	s0 =	sld [smem:$0x3F96];
	_ =	swait.ge [sflag:s4], $0x0  }
0x19: {  	s7 =	sld [smem:$0x3F97]  }
0x1a: {  	s8 =	sadd.s32 $0xFFFFE003, lr  }
0x1b: {  	s9 =	sadd.s32 $0xFFFFFEF7, lr;
	s5 =	simm.s32 $0xFFFFFFFF;
	p2 =	slt.u32 s8, $0xFFFFF086  }
0x1c: {  	p1 =	slt.u32 s9, $0xF7A;
	s5 =	simm.s32 @!p2 $0x0  }
0x1d: {  	s5 =	simm.s32 @p1 $0x1;
	p0 =	seq.s32 s7, s2  }
0x1e: {  	s7 =	smul.u32 @!p0 $0xF7A, s2;
	p2 =	seq.s32 @!p0 s5, $0x0  }
0x1f: {  	s9 =	smul.u32 $0xF7A, s1;
	s8 =	simm.s32 @!p0 $0x1BF5;
	p2 =	por !p2, p0  }
0x20: {  	[sflag:s8] =	ssyncset.s32 @!p0 $0xFFFFF086;
	s6 =	sadd.s32 @!p0 s3, s7;
	s7 =	simm.s32 @!p0 $0x108  }
0x21: {  	s3 =	sadd.s32 s3, s9;
	s6 =	sadd.s32 @!p0 $0x88, s6;
	s7 =	simm.s32 @p2 $0x1082  }
0x22: {  	[simem:s7], [sflag:s8] =	dma.local @!p0 [hbm:s6], $0xF7A  }
0x23: {  	s9 =	sor.u32 $0xD0000000, s2;
	s6 =	simm.s32 $0x108;
	_ =	swait.ge @!p0 [sflag:s8], $0x0  }
0x24: {  	s3 =	sadd.s32 $0x88, s3;
	s6 =	simm.s32 @!p1 $0x1082;
	[sflag:s4] =	ssyncset.s32 $0xFFFFF086  }
0x25: {  	[simem:s6], [sflag:s4] =	dma.local [hbm:s3], $0xF7A  }
0x26: {  	[smem:$0x3F97] =	sst s1;
	(tag) =	ssettag s2;
	_ =	strace s9  }
0x27: {  	s1 =	sld [smem:$0x3FA7]  }
0x28: {  	s2 =	sld [smem:$0x3FA8]  }
0x29: {  	s4 =	sld [smem:$0x3FAA]  }
0x2a: {  	p0 =	seq.s32 s5, $0x0;
	s5 =	sld [smem:$0x3FAB]  }
0x2b: {  	s6 =	sld [smem:$0x3FAC]  }
0x2c: {  	s7 =	sld [smem:$0x3FAD]  }
0x2d: {  	s3 =	simm.s32 $0x108;
	s8 =	sld [smem:$0x3FAE]  }
0x2e: {  	s3 =	simm.s32 @!p0 $0x1082;
	s9 =	sld [smem:$0x3FAF]  }
0x2f: {  	lr =	sadd.s32 s0, s3;
	s0 =	sld [smem:$0x3FA6]  }
0x30: {  	s3 =	sld [smem:$0x3FA9]  }
0x31: {  	[smem:$0x3FB2] =	sst s10  }
0x32: {  	s10 =	sld [smem:$0x3FB0];
	_ =	sdelay $0x3  }
0x33: {  	p0 =	seq.s32 s10, $0x1;
	s10 =	sld [smem:$0x3FB2];
	_ =	sdelay $0x3  }
0x34: {  	[smem:$0x3FB2] =	sst s10  }
0x35: {  	s10 =	sld [smem:$0x3FB1];
	_ =	sdelay $0x3  }
0x36: {  	p1 =	seq.s32 s10, $0x1;
	s10 =	sld [smem:$0x3FB2];
	_ =	sdelay $0x3  }
0x37: {  	[smem:$0x3FB2] =	sst s10  }
0x38: {  	s10 =	sld [smem:$0x3FB3]  }
0x39: {  	_ = 	snop;
	(pc) =	sbr.ind lr, $3  }
0x3a: {  	_ = 	snop  }
0x3b: {  	_ = 	snop  }
0x3c: {  	p2 =	seq.s32 s10, $0x1;
	s10 =	sld [smem:$0x3FB2]  }
0x3d: {  	_ =	shalt  }
0x3e: {  	_ =	shalt  }
0x3f: {  	_ =	shalt  }
0x40: {  	_ =	shalt  }
0x41: {  	_ =	shalt  }
0x42: {  	_ =	shalt  }
0x43: {  	_ =	shalt  }
0x44: {  	_ =	shalt  }
0x45: {  	_ =	shalt  }
0x46: {  	_ =	shalt  }
0x47: {  	_ =	shalt  }
0x48: {  	_ =	shalt  }
0x49: {  	_ =	shalt  }
0x4a: {  	_ =	shalt  }
0x4b: {  	_ =	shalt  }
0x4c: {  	_ =	shalt  }
0x4d: {  	_ =	shalt  }
0x4e: {  	_ =	shalt  }
0x4f: {  	_ =	shalt  }
0x50: {  	_ =	shalt  }
0x51: {  	_ =	shalt  }
0x52: {  	_ =	shalt  }
0x53: {  	_ =	shalt  }
0x54: {  	_ =	shalt  }
0x55: {  	_ =	shalt  }
0x56: {  	_ =	shalt  }
0x57: {  	_ =	shalt  }
0x58: {  	_ =	shalt  }
0x59: {  	_ =	shalt  }
0x5a: {  	_ =	shalt  }
0x5b: {  	_ =	shalt  }
0x5c: {  	_ =	shalt  }
0x5d: {  	_ =	shalt  }
0x5e: {  	_ =	shalt  }
0x5f: {  	_ =	shalt  }
0x60: {  	_ =	shalt  }
0x61: {  	_ =	shalt  }
0x62: {  	_ =	shalt  }
0x63: {  	_ =	shalt  }
0x64: {  	_ =	shalt  }
0x65: {  	_ =	shalt  }
0x66: {  	_ =	shalt  }
0x67: {  	_ =	shalt  }
0x68: {  	_ =	shalt  }
0x69: {  	_ =	shalt  }
0x6a: {  	_ =	shalt  }
0x6b: {  	_ =	shalt  }
0x6c: {  	_ =	shalt  }
0x6d: {  	_ =	shalt  }
0x6e: {  	_ =	shalt  }
0x6f: {  	_ =	shalt  }
0x70: {  	_ =	shalt  }
0x71: {  	_ =	shalt  }
0x72: {  	_ =	shalt  }
0x73: {  	_ =	shalt  }
0x74: {  	_ =	shalt  }
0x75: {  	_ =	shalt  }
0x76: {  	_ =	shalt  }
0x77: {  	_ =	shalt  }
0x78: {  	_ =	shalt  }
0x79: {  	_ =	shalt  }
0x7a: {  	_ =	shalt  }
0x7b: {  	_ =	shalt  }
0x7c: {  	_ =	shalt  }
0x7d: {  	_ =	shalt  }
0x7e: {  	_ =	shalt  }
0x7f: {  	_ =	shalt  }
0x80: {  	_ =	shalt  }
0x81: {  	_ =	shalt  }
0x82: {  	_ =	shalt  }
0x83: {  	_ =	shalt  }
0x84: {  	_ =	shalt  }
0x85: {  	_ =	shalt  }
0x86: {  	_ =	shalt  }
0x87: {  	_ =	shalt  }
.Lfunc_end0:
.L_simem_size_0:
called_computation.1_lowered:
.L_overlay_start_0:
0x88: {  	s2 =	sld [smem:$0x3FD9]  }
0x89: {  	s3 =	sld [smem:$0x3FFE];
	_ =	sdelay $0x1  }
0x8a: {  	s1 =	srdreg.scid  }
0x8b: {  	s0 =	sand.u32 $0x1, s1  }
0x8c: {  	s17 =	sshll.u32 s0, $0xA;
	s2 =	sadd.s32 s3, s2  }
0x8d: {  	s2 =	sadd.s32 s2, s17  }
0x8e: {  	[smem:$0x3FBE] =	sst s2  }
0x8f: {  	_ = 	snop  }
0x90: {  	s2 =	sld [smem:$0x3FD0];
	(tm) =	ssettm $0x1  }
0x91: {  	s18 =	sld [smem:$0x3FFB];
	_ =	sdelay $0x3  }
0x92: {  	_ =	strace s18  }
0x93: {  	s3 =	sld [smem:$0x3FFC];
	_ =	sdelay $0x3  }
0x94: {  	_ =	strace s3  }
0x95: {  	s3 =	sld [smem:$0x3FFD];
	_ =	sdelay $0x3  }
0x96: {  	_ =	strace s3  }
0x97: {  	_ =	strace $0x8FFFFFFF  }
0x98: {  	s19 =	sld [smem:$0x3FDB];
	_ =	sdelay $0x1  }
0x99: {  	s4 =	simm.s32 $_scs_section_size  }
0x9a: {  	s5 =	simm.s32 $_size__tile_overlayer_lowered;
	s6 =	simm.s32 $_tile_overlayer_lowered  }
0x9b: {  	s22 =	simm.s32 $0x1BFF;
	s21 =	sshll.u32 s6, $0x1;
	s3 =	sadd.s32 s4, s19  }
0x9c: {  	s7 =	simm.s32 $0x0;
	s20 =	sshll.u32 s5, $0x1;
	s5 =	sadd.s32 s21, s3  }
0x9d: {  	[timem:s7], [sflag:s22] =	dma.local [hbm:s5], s20  }
0x9e: {  	_ =	swait.ge [sflag:s22], s20  }
0x9f: {  	s4 =	ssub.s32 $0x0, s20;
	[sflag:s22] =	ssyncset.done $0x0  }
0xa0: {  	[sflag:s22] =	ssyncadd.s32 s4;
	_ =	sdelay $0x1  }
0xa1: {  	s23 =	simm.s32 $0x1B8B  }
0xa2: {  	_ =	swait.ge [sflag:s23], $0x1  }
0xa3: {  	[sflag:s23] =	ssyncset.done $0x0  }
0xa4: {  	s25 =	simm.s32 $0x1B8E;
	s24 =	sld [smem:$0x3FFE];
	[sflag:s23] =	ssyncadd.s32 $0xFFFFFFFF  }
0xa5: {  	s26 =	simm.s32 $execute0_lowered;
	[smem:$0x3FD2] =	sst s25  }
0xa6: {  	s5 =	sshll.u32 s26, $0x1;
	_ =	strace $0x80000049;
	[dreg:$0x1] =	wrdreg $0xFFFFFFFF  }
0xa7: {  	s28 =	simm.s32 $_size_execute0_lowered;
	s3 =	sadd.s32 s3, s5;
	[dreg:$0x0] =	wrdreg $0x0  }
0xa8: {  	s5 =	sshll.u32 s28, $0x1;
	[dreg:$0x2] =	wrdreg s3  }
0xa9: {  	[dreg:$0x3] =	wrdreg s5  }
0xaa: {  	[dreg:$0x4] =	wrdreg $0xC0  }
0xab: {  	_ =	task [dreg:s7], $0x5FFFF  }
0xac: {  	[dreg:$0x1] =	wrdreg $0xFFFFFFFF  }
0xad: {  	[dreg:$0x0] =	wrdreg $0x60  }
0xae: {  	[dreg:$0x2] =	wrdreg s2  }
0xaf: {  	[dreg:$0x3] =	wrdreg s24  }
0xb0: {  	[dreg:$0x4] =	wrdreg $0xB8000  }
0xb1: {  	[dreg:$0x5] =	wrdreg $0x9  }
0xb2: {  	_ =	task.clear_ibuf [dreg:s7], $0x6FFFF;
	_ =	strace $0x90000049  }
0xb3: {  	s29 =	simm.s32 $0x9;
	_ =	strace $0x8000004B  }
0xb4: {  	_ =	swait.ge [sflag:s29], $0x1  }
0xb5: {  	[sflag:s29] =	ssyncadd.s32 $0xFFFFFFFF  }
0xb6: {  	_ =	strace $0x9000004B  }
0xb7: {  	_ =	sfence  }
0xb8: {  	s30 =	sld [smem:$0x0];
	_ =	sdelay $0x2  }
0xb9: {  	s31 =	sshll.u32 s1, $0xD;
	s1 =	sshrl.u32 s1, $0x2  }
0xba: {  	s3 =	sand.u32 $0x4000, s31;
	s1 =	sadd.s32 s1, s30  }
0xbb: {  	s0 =	sor.u32 s3, s0;
	s1 =	sshll.u32 s1, $0x11  }
0xbc: {  	s0 =	sor.u32 s1, s0  }
0xbd: {  	s0 =	sadd.s32 $0x8F2B, s0  }
0xbe: {  	[sflag:s0] =	ssyncadd.remote.s32 $0x1  }
0xbf: {  	_ =	sfence.sel $0xFFFF  }
0xc0: {  	[dreg:$0x0] =	wrdreg $0xFFFFFFFF;
	(pc) =	sbr.abs _section_cstart, $3  }
0xc1: {  	[dreg:$0x1] =	wrdreg $0xFFFFFFFF  }
0xc2: {  	_ =	task.clear_ibuf [dreg:s7], $0x2FFFF;
	_ =	strace $0x9FFFFFFF  }
0xc3: {  	(tm) =	ssettm $0x7FFFFFFF  }
tec
execute0_lowered:
.L_overlay_start_1:
0x0: {  	(tag) =	ssettag $0x1  }
0x1: {  	s1 =	rddreg [dreg:$0x0]  }
0x2: {  	s6 =	rddreg [dreg:$0x1];
	s0 =	stileid.u32  }
0x3: {  	s2 =	srdreg.scid;
	s3 =	rddreg [dreg:$0x2]  }
0x4: {  	s4 =	simm.s32 $0x0;
	s16 =	simm.s32 $0x80;
	s17 =	simm.s32 $0x3800  }
0x5: {  	s18 =	simm.s32 $0x7800;
	s19 =	simm.s32 $0x1;
	s20 =	simm.s32 $0x2  }
0x6: {  	s21 =	simm.s32 $0x3;
	s22 =	simm.s32 $0x0;
	s7 =	smul.u32 $0x2800, s0  }
0x7: {  	s8 =	sand.u32 $0x1, s2;
	s2 =	rddreg [dreg:$0x3];
	s11 =	smul.u32 $0x14000, s0  }
0x8: {  	[smem:$0x7FF] =	sst s4;
	s5 =	sadd.s32 $0x57C00, s6;
	s13 =	smul.u32 $0x50000, s0  }
0x9: {  	s14 =	sshll.u32 s0, $0x6;
	s9 =	smul.u32 $0x140000, s8;
	_ =	strace $0x8000004A  }
0xa: {  	s29 =	ssub.s32 $0x2, s8;
	s8 =	smul.u32 $0x28000, s8;
	s14 =	sor.u32 $0x1C04, s14  }
0xb: {  	s10 =	sshrl.u32 s7, $0x3;
	s12 =	sshrl.u32 s29, $0x1;
	s31 =	sshrl.u32 s13, $0x2  }
0xc: {  	s13 =	simm.s32 $0x4;
	s10 =	sadd.s32 s10, s6;
	s9 =	sadd.s32 s11, s9  }
.Ltmp0:
0xd: {  	s11 =	ssub.s32 s29, s12;
	s30 =	sadd.s32 s7, s8;
	(pc) =	sbr.rel .LBB2_1-.Ltmp0, $4  }
0xe: {  	s15 =	sadd.s32 s31, s3;
	s12 =	simm.s32 $0x1000;
	s9 =	sshrl.u32 s9, $0x3  }
0xf: {  	s8 =	sshrl.u32 s30, $0x3;
	s7 =	sadd.s32 s1, s30;
	s15 =	sshrl.u32 s15, $0x3  }
0x10: {  	s9 =	sadd.s32 s9, s6;
	s6 =	sadd.s32 $0x2000, s10;
	s8 =	sadd.s32 s5, s8  }
0x11: {  	s10 =	smax.u32 s11, $0x1;
	s11 =	sadd.s32 $0x800, s30;
	s9 =	sadd.s32 $0x7000, s9  }
.LBB2_4:
0x12: {  	s22 =	sadd.s32 $0x1, s22  }
0x13: {  	p0 =	sne.s32 s22, s10  }
.Ltmp1:
0x14: {  	[bflag:$0x0] =	sbarrier.arrive $0xFFFF;
	(pc) =	sbr.rel @!p0 .LBB2_5-.Ltmp1, $4  }
0x15: {  	[hbm:s9], [sflag:s14] =	dma.local [spmem:s15], $0x2800  }
0x16: {  	_ =	swait.ge [sflag:s13], $0x2800  }
0x17: {  	[sflag:s13] =	ssyncset.done $0x0  }
0x18: {  	[sflag:s13] =	ssyncadd.s32 $0xFFFFD800  }
.LBB2_1:
0x19: {  	[tilespmem:s12], [sflag:$0x4] =	stream.linear.gather [hbm4b:s6+s4], $0x2800, $0x38;
	[tilespmem:$0x1F800] =	vst v63  }
0x1a: {  	_ =	swait.ge [sflag:s13], $0x2800  }
0x1b: {  	[sflag:s13] =	ssyncset.done $0x0  }
0x1c: {  	[sflag:s13] =	ssyncadd.s32 $0xFFFFD800  }
0x1d: {  	[spmem:s15], [sflag:s14] =	dma.local [hbm:s7], $0x2800  }
0x1e: {  	_ =	swait.ge [sflag:s13], $0x2800  }
0x1f: {  	[sflag:s13] =	ssyncset.done $0x0  }
0x20: {  	[sflag:s13] =	ssyncadd.s32 $0xFFFFD800  }
0x21: {  	[tilespmem:s4], [sflag:$0x4] =	stream.linear.gather [hbm4b:s8+s4], $0x800, $0x38;
	[tilespmem:$0x1F800] =	vst v63  }
0x22: {  	_ =	swait.ge [sflag:s13], $0x800  }
0x23: {  	[sflag:s13] =	ssyncset.done $0x0  }
0x24: {  	s23 =	simm.s32 $0x0;
	[sflag:s13] =	ssyncadd.s32 $0xFFFFF800  }
0x25: {  	s24 =	smov.u32 s11;
	s25 =	simm.s32 $0x0;
	[bflag:$0x0] =	sbarrier.arrive $0xFFFF  }
0x26: {  	[tilespmem:s17], [sflag:$0x1] =	stream.indirect.gather [hbm4b:s1+s16], $0x80, s4, s16, $0xb8;
	[tilespmem:$0x1F800] =	vst v63  }
.LBB2_2:
0x27: {  	s26 =	sand.u32 $0x1, s25;
	p0 =	seq.s32 s23, $0x8000  }
0x28: {  	s28 =	sshll.u32 @!p0 s26, $0xB;
	s29 =	sshrl.u32 @!p0 s24, $0x3;
	s30 =	simm.s32 @!p0 $0x0  }
0x29: {  	s26 =	sshll.u32 s26, $0xB;
	s28 =	sxor.u32 @!p0 $0x800, s28;
	s29 =	sadd.s32 @!p0 s5, s29  }
0x2a: {  	[tilespmem:s28], [sflag:$0x3] =	stream.linear.gather @!p0 [hbm4b:s29+s30], $0x800, $0x38;
	[tilespmem:$0x1F800] =	vst v63  }
0x2b: {  	s30 =	sor.u32 $0x80, s26  }
0x2c: {  	[tilespmem:s18], [sflag:$0x2] =	stream.indirect.gather [hbm4b:s1+s16], $0x80, s30, s16, $0xb8;
	[tilespmem:$0x1F800] =	vst v63  }
0x2d: {  	_ =	swait.ge [sflag:s19], $0x4000  }
0x2e: {  	s28 =	sshra.s32 s23, $0x2;
	[sflag:s19] =	ssyncset.done $0x0  }
0x2f: {  	s31 =	sadd.s32 $0x1000, s28;
	[sflag:s19] =	ssyncadd.s32 $0xFFFFC000  }
0x30: {  	[spmem:s3] =	stream.indirect.scatter.add.f32 [tilespmem:s17], [sflag:$0x4], $0x80, s31, s16, $0xb8;
	[tilespmem:$0x1F800] =	vst v63  }
0x31: {  	_ =	swait.ge [sflag:s13], $0x4000  }
0x32: {  	[sflag:s13] =	ssyncset.done $0x0  }
0x33: {  	s30 =	sor.u32 $0x100, s26;
	[sflag:s13] =	ssyncadd.s32 $0xFFFFC000  }
0x34: {  	[tilespmem:s17], [sflag:$0x1] =	stream.indirect.gather [hbm4b:s1+s16], $0x80, s30, s16, $0xb8;
	[tilespmem:$0x1F800] =	vst v63  }
0x35: {  	_ =	swait.ge [sflag:s20], $0x4000  }
0x36: {  	[sflag:s20] =	ssyncset.done $0x0  }
0x37: {  	s31 =	sadd.s32 $0x1080, s28;
	[sflag:s20] =	ssyncadd.s32 $0xFFFFC000  }
0x38: {  	[spmem:s3] =	stream.indirect.scatter.add.f32 [tilespmem:s18], [sflag:$0x4], $0x80, s31, s16, $0xb8;
	[tilespmem:$0x1F800] =	vst v63  }
0x39: {  	_ =	swait.ge [sflag:s13], $0x4000  }
0x3a: {  	[sflag:s13] =	ssyncset.done $0x0  }
0x3b: {  	s30 =	sor.u32 $0x180, s26;
	[sflag:s13] =	ssyncadd.s32 $0xFFFFC000  }
0x3c: {  	[tilespmem:s18], [sflag:$0x2] =	stream.indirect.gather [hbm4b:s1+s16], $0x80, s30, s16, $0xb8;
	[tilespmem:$0x1F800] =	vst v63  }
0x3d: {  	_ =	swait.ge [sflag:s19], $0x4000  }
0x3e: {  	[sflag:s19] =	ssyncset.done $0x0  }
0x3f: {  	s31 =	sadd.s32 $0x1100, s28;
	[sflag:s19] =	ssyncadd.s32 $0xFFFFC000  }
0x40: {  	[spmem:s3] =	stream.indirect.scatter.add.f32 [tilespmem:s17], [sflag:$0x4], $0x80, s31, s16, $0xb8;
	[tilespmem:$0x1F800] =	vst v63  }
0x41: {  	_ =	swait.ge [sflag:s13], $0x4000  }
0x42: {  	[sflag:s13] =	ssyncset.done $0x0  }
0x43: {  	s30 =	sor.u32 $0x200, s26;
	[sflag:s13] =	ssyncadd.s32 $0xFFFFC000  }
0x44: {  	[tilespmem:s17], [sflag:$0x1] =	stream.indirect.gather [hbm4b:s1+s16], $0x80, s30, s16, $0xb8;
	[tilespmem:$0x1F800] =	vst v63  }
0x45: {  	_ =	swait.ge [sflag:s20], $0x4000  }
0x46: {  	[sflag:s20] =	ssyncset.done $0x0  }
0x47: {  	s31 =	sadd.s32 $0x1180, s28;
	[sflag:s20] =	ssyncadd.s32 $0xFFFFC000  }
0x48: {  	[spmem:s3] =	stream.indirect.scatter.add.f32 [tilespmem:s18], [sflag:$0x4], $0x80, s31, s16, $0xb8;
	[tilespmem:$0x1F800] =	vst v63  }
0x49: {  	_ =	swait.ge [sflag:s13], $0x4000  }
0x4a: {  	[sflag:s13] =	ssyncset.done $0x0  }
0x4b: {  	s30 =	sor.u32 $0x280, s26;
	[sflag:s13] =	ssyncadd.s32 $0xFFFFC000  }
0x4c: {  	[tilespmem:s18], [sflag:$0x2] =	stream.indirect.gather [hbm4b:s1+s16], $0x80, s30, s16, $0xb8;
	[tilespmem:$0x1F800] =	vst v63  }
0x4d: {  	_ =	swait.ge [sflag:s19], $0x4000  }
0x4e: {  	[sflag:s19] =	ssyncset.done $0x0  }
0x4f: {  	s31 =	sadd.s32 $0x1200, s28;
	[sflag:s19] =	ssyncadd.s32 $0xFFFFC000  }
0x50: {  	[spmem:s3] =	stream.indirect.scatter.add.f32 [tilespmem:s17], [sflag:$0x4], $0x80, s31, s16, $0xb8;
	[tilespmem:$0x1F800] =	vst v63  }
0x51: {  	_ =	swait.ge [sflag:s13], $0x4000  }
0x52: {  	[sflag:s13] =	ssyncset.done $0x0  }
0x53: {  	s30 =	sor.u32 $0x300, s26;
	[sflag:s13] =	ssyncadd.s32 $0xFFFFC000  }
0x54: {  	[tilespmem:s17], [sflag:$0x1] =	stream.indirect.gather [hbm4b:s1+s16], $0x80, s30, s16, $0xb8;
	[tilespmem:$0x1F800] =	vst v63  }
0x55: {  	_ =	swait.ge [sflag:s20], $0x4000  }
0x56: {  	[sflag:s20] =	ssyncset.done $0x0  }
0x57: {  	s31 =	sadd.s32 $0x1280, s28;
	[sflag:s20] =	ssyncadd.s32 $0xFFFFC000  }
0x58: {  	[spmem:s3] =	stream.indirect.scatter.add.f32 [tilespmem:s18], [sflag:$0x4], $0x80, s31, s16, $0xb8;
	[tilespmem:$0x1F800] =	vst v63  }
0x59: {  	_ =	swait.ge [sflag:s13], $0x4000  }
0x5a: {  	[sflag:s13] =	ssyncset.done $0x0  }
0x5b: {  	s30 =	sor.u32 $0x380, s26;
	[sflag:s13] =	ssyncadd.s32 $0xFFFFC000  }
0x5c: {  	[tilespmem:s18], [sflag:$0x2] =	stream.indirect.gather [hbm4b:s1+s16], $0x80, s30, s16, $0xb8;
	[tilespmem:$0x1F800] =	vst v63  }
0x5d: {  	_ =	swait.ge [sflag:s19], $0x4000  }
0x5e: {  	[sflag:s19] =	ssyncset.done $0x0  }
0x5f: {  	s31 =	sadd.s32 $0x1300, s28;
	[sflag:s19] =	ssyncadd.s32 $0xFFFFC000  }
0x60: {  	[spmem:s3] =	stream.indirect.scatter.add.f32 [tilespmem:s17], [sflag:$0x4], $0x80, s31, s16, $0xb8;
	[tilespmem:$0x1F800] =	vst v63  }
0x61: {  	_ =	swait.ge [sflag:s13], $0x4000  }
0x62: {  	[sflag:s13] =	ssyncset.done $0x0  }
0x63: {  	s30 =	sor.u32 $0x400, s26;
	[sflag:s13] =	ssyncadd.s32 $0xFFFFC000  }
0x64: {  	[tilespmem:s17], [sflag:$0x1] =	stream.indirect.gather [hbm4b:s1+s16], $0x80, s30, s16, $0xb8;
	[tilespmem:$0x1F800] =	vst v63  }
0x65: {  	_ =	swait.ge [sflag:s20], $0x4000  }
0x66: {  	[sflag:s20] =	ssyncset.done $0x0  }
0x67: {  	s31 =	sadd.s32 $0x1380, s28;
	[sflag:s20] =	ssyncadd.s32 $0xFFFFC000  }
0x68: {  	[spmem:s3] =	stream.indirect.scatter.add.f32 [tilespmem:s18], [sflag:$0x4], $0x80, s31, s16, $0xb8;
	[tilespmem:$0x1F800] =	vst v63  }
0x69: {  	_ =	swait.ge [sflag:s13], $0x4000  }
0x6a: {  	[sflag:s13] =	ssyncset.done $0x0  }
0x6b: {  	s30 =	sor.u32 $0x480, s26;
	[sflag:s13] =	ssyncadd.s32 $0xFFFFC000  }
0x6c: {  	[tilespmem:s18], [sflag:$0x2] =	stream.indirect.gather [hbm4b:s1+s16], $0x80, s30, s16, $0xb8;
	[tilespmem:$0x1F800] =	vst v63  }
0x6d: {  	_ =	swait.ge [sflag:s19], $0x4000  }
0x6e: {  	[sflag:s19] =	ssyncset.done $0x0  }
0x6f: {  	s31 =	sadd.s32 $0x1400, s28;
	[sflag:s19] =	ssyncadd.s32 $0xFFFFC000  }
0x70: {  	[spmem:s3] =	stream.indirect.scatter.add.f32 [tilespmem:s17], [sflag:$0x4], $0x80, s31, s16, $0xb8;
	[tilespmem:$0x1F800] =	vst v63  }
0x71: {  	_ =	swait.ge [sflag:s13], $0x4000  }
0x72: {  	[sflag:s13] =	ssyncset.done $0x0  }
0x73: {  	s30 =	sor.u32 $0x500, s26;
	[sflag:s13] =	ssyncadd.s32 $0xFFFFC000  }
0x74: {  	[tilespmem:s17], [sflag:$0x1] =	stream.indirect.gather [hbm4b:s1+s16], $0x80, s30, s16, $0xb8;
	[tilespmem:$0x1F800] =	vst v63  }
0x75: {  	_ =	swait.ge [sflag:s20], $0x4000  }
0x76: {  	[sflag:s20] =	ssyncset.done $0x0  }
0x77: {  	s31 =	sadd.s32 $0x1480, s28;
	[sflag:s20] =	ssyncadd.s32 $0xFFFFC000  }
0x78: {  	[spmem:s3] =	stream.indirect.scatter.add.f32 [tilespmem:s18], [sflag:$0x4], $0x80, s31, s16, $0xb8;
	[tilespmem:$0x1F800] =	vst v63  }
0x79: {  	_ =	swait.ge [sflag:s13], $0x4000  }
0x7a: {  	[sflag:s13] =	ssyncset.done $0x0  }
0x7b: {  	s30 =	sor.u32 $0x580, s26;
	[sflag:s13] =	ssyncadd.s32 $0xFFFFC000  }
0x7c: {  	[tilespmem:s18], [sflag:$0x2] =	stream.indirect.gather [hbm4b:s1+s16], $0x80, s30, s16, $0xb8;
	[tilespmem:$0x1F800] =	vst v63  }
0x7d: {  	_ =	swait.ge [sflag:s19], $0x4000  }
0x7e: {  	[sflag:s19] =	ssyncset.done $0x0  }
0x7f: {  	s31 =	sadd.s32 $0x1500, s28;
	[sflag:s19] =	ssyncadd.s32 $0xFFFFC000  }
0x80: {  	[spmem:s3] =	stream.indirect.scatter.add.f32 [tilespmem:s17], [sflag:$0x4], $0x80, s31, s16, $0xb8;
	[tilespmem:$0x1F800] =	vst v63  }
0x81: {  	_ =	swait.ge [sflag:s13], $0x4000  }
0x82: {  	[sflag:s13] =	ssyncset.done $0x0  }
0x83: {  	s30 =	sor.u32 $0x600, s26;
	[sflag:s13] =	ssyncadd.s32 $0xFFFFC000  }
0x84: {  	[tilespmem:s17], [sflag:$0x1] =	stream.indirect.gather [hbm4b:s1+s16], $0x80, s30, s16, $0xb8;
	[tilespmem:$0x1F800] =	vst v63  }
0x85: {  	_ =	swait.ge [sflag:s20], $0x4000  }
0x86: {  	[sflag:s20] =	ssyncset.done $0x0  }
0x87: {  	s31 =	sadd.s32 $0x1580, s28;
	[sflag:s20] =	ssyncadd.s32 $0xFFFFC000  }
0x88: {  	[spmem:s3] =	stream.indirect.scatter.add.f32 [tilespmem:s18], [sflag:$0x4], $0x80, s31, s16, $0xb8;
	[tilespmem:$0x1F800] =	vst v63  }
0x89: {  	_ =	swait.ge [sflag:s13], $0x4000  }
0x8a: {  	[sflag:s13] =	ssyncset.done $0x0  }
0x8b: {  	s30 =	sor.u32 $0x680, s26;
	[sflag:s13] =	ssyncadd.s32 $0xFFFFC000  }
0x8c: {  	[tilespmem:s18], [sflag:$0x2] =	stream.indirect.gather [hbm4b:s1+s16], $0x80, s30, s16, $0xb8;
	[tilespmem:$0x1F800] =	vst v63  }
0x8d: {  	_ =	swait.ge [sflag:s19], $0x4000  }
0x8e: {  	[sflag:s19] =	ssyncset.done $0x0  }
0x8f: {  	s31 =	sadd.s32 $0x1600, s28;
	[sflag:s19] =	ssyncadd.s32 $0xFFFFC000  }
0x90: {  	[spmem:s3] =	stream.indirect.scatter.add.f32 [tilespmem:s17], [sflag:$0x4], $0x80, s31, s16, $0xb8;
	[tilespmem:$0x1F800] =	vst v63  }
0x91: {  	_ =	swait.ge [sflag:s13], $0x4000  }
0x92: {  	[sflag:s13] =	ssyncset.done $0x0  }
0x93: {  	s30 =	sor.u32 $0x700, s26;
	[sflag:s13] =	ssyncadd.s32 $0xFFFFC000  }
0x94: {  	[tilespmem:s17], [sflag:$0x1] =	stream.indirect.gather [hbm4b:s1+s16], $0x80, s30, s16, $0xb8;
	[tilespmem:$0x1F800] =	vst v63  }
0x95: {  	_ =	swait.ge [sflag:s20], $0x4000  }
0x96: {  	[sflag:s20] =	ssyncset.done $0x0  }
0x97: {  	s31 =	sadd.s32 $0x1680, s28;
	[sflag:s20] =	ssyncadd.s32 $0xFFFFC000  }
0x98: {  	[spmem:s3] =	stream.indirect.scatter.add.f32 [tilespmem:s18], [sflag:$0x4], $0x80, s31, s16, $0xb8;
	[tilespmem:$0x1F800] =	vst v63  }
0x99: {  	_ =	swait.ge [sflag:s13], $0x4000  }
0x9a: {  	[sflag:s13] =	ssyncset.done $0x0  }
0x9b: {  	s30 =	sor.u32 $0x780, s26;
	[sflag:s13] =	ssyncadd.s32 $0xFFFFC000  }
0x9c: {  	[tilespmem:s18], [sflag:$0x2] =	stream.indirect.gather [hbm4b:s1+s16], $0x80, s30, s16, $0xb8;
	[tilespmem:$0x1F800] =	vst v63  }
0x9d: {  	_ =	swait.ge [sflag:s19], $0x4000  }
0x9e: {  	[sflag:s19] =	ssyncset.done $0x0  }
0x9f: {  	s31 =	sadd.s32 $0x1700, s28;
	[sflag:s19] =	ssyncadd.s32 $0xFFFFC000  }
0xa0: {  	[spmem:s3] =	stream.indirect.scatter.add.f32 [tilespmem:s17], [sflag:$0x4], $0x80, s31, s16, $0xb8;
	[tilespmem:$0x1F800] =	vst v63  }
0xa1: {  	_ =	swait.ge [sflag:s13], $0x4000  }
0xa2: {  	[sflag:s13] =	ssyncset.done $0x0  }
0xa3: {  	[sflag:s13] =	ssyncadd.s32 $0xFFFFC000  }
0xa4: {  	_ =	swait.ge [sflag:s20], $0x4000  }
0xa5: {  	[sflag:s20] =	ssyncset.done $0x0  }
.Ltmp2:
0xa6: {  	s28 =	sadd.s32 $0x1780, s28;
	[sflag:s20] =	ssyncadd.s32 $0xFFFFC000;
	(pc) =	sbr.rel @p0 .LBB2_4-.Ltmp2, $4  }
0xa7: {  	[spmem:s3] =	stream.indirect.scatter.add.f32 [tilespmem:s18], [sflag:$0x4], $0x80, s28, s16, $0xb8;
	[tilespmem:$0x1F800] =	vst v63  }
0xa8: {  	_ =	swait.ge [sflag:s13], $0x4000  }
0xa9: {  	[sflag:s13] =	ssyncset.done $0x0  }
0xaa: {  	[sflag:s13] =	ssyncadd.s32 $0xFFFFC000  }
.Ltmp3:
0xab: {  	(pc) =	sbr.rel .LBB2_2-.Ltmp3, $4  }
0xac: {  	_ =	swait.ge [sflag:s21], $0x800  }
0xad: {  	s26 =	sxor.u32 $0x800, s26;
	s25 =	sadd.s32 $0x1, s25;
	[sflag:s21] =	ssyncset.done $0x0  }
0xae: {  	s24 =	sadd.s32 $0x800, s24;
	s23 =	sadd.s32 $0x2000, s23;
	[sflag:s21] =	ssyncadd.s32 $0xFFFFF800  }
0xaf: {  	[tilespmem:s17], [sflag:$0x1] =	stream.indirect.gather [hbm4b:s1+s16], $0x80, s26, s16, $0xb8;
	[tilespmem:$0x1F800] =	vst v63  }
.LBB2_5:
0xb0: {  	_ =	sfence.sel $0x180000  }
0xb1: {  	[bflag:$0x0] =	sbarrier.arrive $0xFFFF  }
0xb2: {  	p0 =	sne.s32 s0, $0x0;
	_ =	strace $0x9000004A  }
0xb3: {  	s0 =	sadd.s32 @!p0 $0x100000, s2;
	[bflag:$0x2] =	sbarrier.arrive $0xFFFF  }
0xb4: {  	[sflag:s0] =	ssyncadd.tile.s32 @!p0 $0x1;
	_ =	shalt  }
.Lfunc_end2:
_tile_overlayer_lowered:
.L_overlay_start_2:
0xb5: {  	(tag) =	ssettag $0x2  }
0xb6: {  	s0 =	rddreg [dreg:$0x0];
	s2 =	stileid.u32  }
0xb7: {  	s1 =	rddreg [dreg:$0x1];
	p0 =	sne.s32 s2, $0x0  }
0xb8: {  	s3 =	rddreg [dreg:$0x2];
	[bflag:$0x3] =	sbarrier.arrive $0xFFFF;
	s2 =	simm.s32 @!p0 $0x1C04  }
0xb9: {  	[timem:s3], [sflag:s2] =	dma.local @!p0 [hbm:s0], s1  }
0xba: {  	s0 =	simm.s32 @!p0 $0x4  }
0xbb: {  	_ =	swait.ge @!p0 [sflag:s0], s1  }
0xbc: {  	s1 =	ssub.s32 @!p0 $0x0, s1;
	[sflag:s0] =	ssyncset.done @!p0 $0x0  }
0xbd: {  	[sflag:s0] =	ssyncadd.s32 @!p0 s1  }
0xbe: {  	[bflag:$0x3] =	sbarrier.arrive $0xFFFF  }
0xbf: {  	_ =	shalt  }

// kernel: kernel.16.cloned.1.call-start
scs
__scs_entry_jumppad:
0x0: {  	(pc) =	sbr.rel $0x88, $3  }
0x1: {  	(tag) =	ssettag $0x0;
	lr =	simm.s32 $0x1  }
0x2: {  	[smem:$0x3F97] =	sst lr;
	_ =	strace $0xD0000000  }
0x3: {  	_ = 	snop  }
0x4: {  	_ = 	snop  }
0x5: {  	_ = 	snop  }
0x6: {  	_ = 	snop  }
0x7: {  	_ = 	snop  }
__scs_overlays_trampoline_lowered:
0x8: {  	[smem:$0x3FA6] =	sst s0  }
0x9: {  	[smem:$0x3FA7] =	sst s1  }
0xa: {  	[smem:$0x3FA8] =	sst s2  }
0xb: {  	[smem:$0x3FA9] =	sst s3  }
0xc: {  	[smem:$0x3FAA] =	sst s4  }
0xd: {  	[smem:$0x3FAB] =	sst s5  }
0xe: {  	[smem:$0x3FAC] =	sst s6  }
0xf: {  	[smem:$0x3FAD] =	sst s7  }
0x10: {  	[smem:$0x3FAE] =	sst s8  }
0x11: {  	[smem:$0x3FAF] =	sst s9;
	s0 =	simm.s32 @!p0 $0x0  }
0x12: {  	s1 =	sld [smem:$0x3F95];
	s0 =	simm.s32 @p0 $0x1  }
0x13: {  	[smem:$0x3FB0] =	sst s0;
	s0 =	simm.s32 @!p1 $0x0  }
0x14: {  	s2 =	sld [smem:$0x3F94];
	s0 =	simm.s32 @p1 $0x1  }
0x15: {  	[smem:$0x3FB1] =	sst s0;
	s0 =	simm.s32 @!p2 $0x0  }
0x16: {  	s3 =	sld [smem:$0x3FDB];
	s0 =	simm.s32 @p2 $0x1  }
0x17: {  	s4 =	simm.s32 $0x1BF5;
	[smem:$0x3FB3] =	sst s0  }
0x18: {  	s0 =	sld [smem:$0x3F96];
	_ =	swait.ge [sflag:s4], $0x0  }
0x19: {  	s7 =	sld [smem:$0x3F97]  }
0x1a: {  	s8 =	sadd.s32 $0xFFFFE003, lr  }
0x1b: {  	s9 =	sadd.s32 $0xFFFFFEF7, lr;
	s5 =	simm.s32 $0xFFFFFFFF;
	p2 =	slt.u32 s8, $0xFFFFF086  }
0x1c: {  	p1 =	slt.u32 s9, $0xF7A;
	s5 =	simm.s32 @!p2 $0x0  }
0x1d: {  	s5 =	simm.s32 @p1 $0x1;
	p0 =	seq.s32 s7, s2  }
0x1e: {  	s7 =	smul.u32 @!p0 $0xF7A, s2;
	p2 =	seq.s32 @!p0 s5, $0x0  }
0x1f: {  	s9 =	smul.u32 $0xF7A, s1;
	s8 =	simm.s32 @!p0 $0x1BF5;
	p2 =	por !p2, p0  }
0x20: {  	[sflag:s8] =	ssyncset.s32 @!p0 $0xFFFFF086;
	s6 =	sadd.s32 @!p0 s3, s7;
	s7 =	simm.s32 @!p0 $0x108  }
0x21: {  	s3 =	sadd.s32 s3, s9;
	s6 =	sadd.s32 @!p0 $0x88, s6;
	s7 =	simm.s32 @p2 $0x1082  }
0x22: {  	[simem:s7], [sflag:s8] =	dma.local @!p0 [hbm:s6], $0xF7A  }
0x23: {  	s9 =	sor.u32 $0xD0000000, s2;
	s6 =	simm.s32 $0x108;
	_ =	swait.ge @!p0 [sflag:s8], $0x0  }
0x24: {  	s3 =	sadd.s32 $0x88, s3;
	s6 =	simm.s32 @!p1 $0x1082;
	[sflag:s4] =	ssyncset.s32 $0xFFFFF086  }
0x25: {  	[simem:s6], [sflag:s4] =	dma.local [hbm:s3], $0xF7A  }
0x26: {  	[smem:$0x3F97] =	sst s1;
	(tag) =	ssettag s2;
	_ =	strace s9  }
0x27: {  	s1 =	sld [smem:$0x3FA7]  }
0x28: {  	s2 =	sld [smem:$0x3FA8]  }
0x29: {  	s4 =	sld [smem:$0x3FAA]  }
0x2a: {  	p0 =	seq.s32 s5, $0x0;
	s5 =	sld [smem:$0x3FAB]  }
0x2b: {  	s6 =	sld [smem:$0x3FAC]  }
0x2c: {  	s7 =	sld [smem:$0x3FAD]  }
0x2d: {  	s3 =	simm.s32 $0x108;
	s8 =	sld [smem:$0x3FAE]  }
0x2e: {  	s3 =	simm.s32 @!p0 $0x1082;
	s9 =	sld [smem:$0x3FAF]  }
0x2f: {  	lr =	sadd.s32 s0, s3;
	s0 =	sld [smem:$0x3FA6]  }
0x30: {  	s3 =	sld [smem:$0x3FA9]  }
0x31: {  	[smem:$0x3FB2] =	sst s10  }
0x32: {  	s10 =	sld [smem:$0x3FB0];
	_ =	sdelay $0x3  }
0x33: {  	p0 =	seq.s32 s10, $0x1;
	s10 =	sld [smem:$0x3FB2];
	_ =	sdelay $0x3  }
0x34: {  	[smem:$0x3FB2] =	sst s10  }
0x35: {  	s10 =	sld [smem:$0x3FB1];
	_ =	sdelay $0x3  }
0x36: {  	p1 =	seq.s32 s10, $0x1;
	s10 =	sld [smem:$0x3FB2];
	_ =	sdelay $0x3  }
0x37: {  	[smem:$0x3FB2] =	sst s10  }
0x38: {  	s10 =	sld [smem:$0x3FB3]  }
0x39: {  	_ = 	snop;
	(pc) =	sbr.ind lr, $3  }
0x3a: {  	_ = 	snop  }
0x3b: {  	_ = 	snop  }
0x3c: {  	p2 =	seq.s32 s10, $0x1;
	s10 =	sld [smem:$0x3FB2]  }
0x3d: {  	_ =	shalt  }
0x3e: {  	_ =	shalt  }
0x3f: {  	_ =	shalt  }
0x40: {  	_ =	shalt  }
0x41: {  	_ =	shalt  }
0x42: {  	_ =	shalt  }
0x43: {  	_ =	shalt  }
0x44: {  	_ =	shalt  }
0x45: {  	_ =	shalt  }
0x46: {  	_ =	shalt  }
0x47: {  	_ =	shalt  }
0x48: {  	_ =	shalt  }
0x49: {  	_ =	shalt  }
0x4a: {  	_ =	shalt  }
0x4b: {  	_ =	shalt  }
0x4c: {  	_ =	shalt  }
0x4d: {  	_ =	shalt  }
0x4e: {  	_ =	shalt  }
0x4f: {  	_ =	shalt  }
0x50: {  	_ =	shalt  }
0x51: {  	_ =	shalt  }
0x52: {  	_ =	shalt  }
0x53: {  	_ =	shalt  }
0x54: {  	_ =	shalt  }
0x55: {  	_ =	shalt  }
0x56: {  	_ =	shalt  }
0x57: {  	_ =	shalt  }
0x58: {  	_ =	shalt  }
0x59: {  	_ =	shalt  }
0x5a: {  	_ =	shalt  }
0x5b: {  	_ =	shalt  }
0x5c: {  	_ =	shalt  }
0x5d: {  	_ =	shalt  }
0x5e: {  	_ =	shalt  }
0x5f: {  	_ =	shalt  }
0x60: {  	_ =	shalt  }
0x61: {  	_ =	shalt  }
0x62: {  	_ =	shalt  }
0x63: {  	_ =	shalt  }
0x64: {  	_ =	shalt  }
0x65: {  	_ =	shalt  }
0x66: {  	_ =	shalt  }
0x67: {  	_ =	shalt  }
0x68: {  	_ =	shalt  }
0x69: {  	_ =	shalt  }
0x6a: {  	_ =	shalt  }
0x6b: {  	_ =	shalt  }
0x6c: {  	_ =	shalt  }
0x6d: {  	_ =	shalt  }
0x6e: {  	_ =	shalt  }
0x6f: {  	_ =	shalt  }
0x70: {  	_ =	shalt  }
0x71: {  	_ =	shalt  }
0x72: {  	_ =	shalt  }
0x73: {  	_ =	shalt  }
0x74: {  	_ =	shalt  }
0x75: {  	_ =	shalt  }
0x76: {  	_ =	shalt  }
0x77: {  	_ =	shalt  }
0x78: {  	_ =	shalt  }
0x79: {  	_ =	shalt  }
0x7a: {  	_ =	shalt  }
0x7b: {  	_ =	shalt  }
0x7c: {  	_ =	shalt  }
0x7d: {  	_ =	shalt  }
0x7e: {  	_ =	shalt  }
0x7f: {  	_ =	shalt  }
0x80: {  	_ =	shalt  }
0x81: {  	_ =	shalt  }
0x82: {  	_ =	shalt  }
0x83: {  	_ =	shalt  }
0x84: {  	_ =	shalt  }
0x85: {  	_ =	shalt  }
0x86: {  	_ =	shalt  }
0x87: {  	_ =	shalt  }
.Lfunc_end0:
.L_simem_size_0:
called_computation.2_lowered:
.L_overlay_start_0:
0x88: {  	s2 =	sld [smem:$0x3FD9]  }
0x89: {  	s3 =	sld [smem:$0x3FFE];
	_ =	sdelay $0x1  }
0x8a: {  	s1 =	srdreg.scid  }
0x8b: {  	s0 =	sand.u32 $0x1, s1  }
0x8c: {  	s16 =	sshll.u32 s0, $0xA;
	s2 =	sadd.s32 s3, s2  }
0x8d: {  	s2 =	sadd.s32 s2, s16  }
0x8e: {  	[smem:$0x3FBE] =	sst s2  }
0x8f: {  	_ = 	snop  }
0x90: {  	(tm) =	ssettm $0x1  }
0x91: {  	s17 =	sld [smem:$0x3FFB];
	_ =	sdelay $0x3  }
0x92: {  	_ =	strace s17  }
0x93: {  	s2 =	sld [smem:$0x3FFC];
	_ =	sdelay $0x3  }
0x94: {  	_ =	strace s2  }
0x95: {  	s2 =	sld [smem:$0x3FFD];
	_ =	sdelay $0x3  }
0x96: {  	_ =	strace s2  }
0x97: {  	_ =	strace $0x8FFFFFFF  }
0x98: {  	s18 =	sld [smem:$0x3FDB];
	_ =	sdelay $0x1  }
0x99: {  	s19 =	simm.s32 $_scs_section_size  }
0x9a: {  	s4 =	simm.s32 $_size__tile_overlayer_lowered;
	s5 =	simm.s32 $_tile_overlayer_lowered  }
0x9b: {  	s22 =	simm.s32 $0x1BFF;
	s21 =	sshll.u32 s5, $0x1;
	s2 =	sadd.s32 s19, s18  }
0x9c: {  	s6 =	simm.s32 $0x0;
	s20 =	sshll.u32 s4, $0x1;
	s4 =	sadd.s32 s21, s2  }
0x9d: {  	[timem:s6], [sflag:s22] =	dma.local [hbm:s4], s20  }
0x9e: {  	_ =	swait.ge [sflag:s22], s20  }
0x9f: {  	s3 =	ssub.s32 $0x0, s20;
	[sflag:s22] =	ssyncset.done $0x0  }
0xa0: {  	[sflag:s22] =	ssyncadd.s32 s3;
	_ =	sdelay $0x1  }
0xa1: {  	s23 =	simm.s32 $0x1B8B  }
0xa2: {  	_ =	swait.ge [sflag:s23], $0x1  }
0xa3: {  	[sflag:s23] =	ssyncset.done $0x0  }
0xa4: {  	s25 =	simm.s32 $0x1B8E;
	s24 =	sld [smem:$0x3FFE];
	[sflag:s23] =	ssyncadd.s32 $0xFFFFFFFF  }
0xa5: {  	s26 =	simm.s32 $execute0_lowered;
	[smem:$0x3FD2] =	sst s25  }
0xa6: {  	s4 =	sshll.u32 s26, $0x1;
	_ =	strace $0x8000004C;
	[dreg:$0x1] =	wrdreg $0xFFFFFFFF  }
0xa7: {  	s28 =	simm.s32 $_size_execute0_lowered;
	s2 =	sadd.s32 s2, s4;
	[dreg:$0x0] =	wrdreg $0x0  }
0xa8: {  	s4 =	sshll.u32 s28, $0x1;
	[dreg:$0x2] =	wrdreg s2  }
0xa9: {  	[dreg:$0x3] =	wrdreg s4  }
0xaa: {  	[dreg:$0x4] =	wrdreg $0xC0  }
0xab: {  	_ =	task [dreg:s6], $0x5FFFF  }
0xac: {  	[dreg:$0x1] =	wrdreg $0xFFFFFFFF  }
0xad: {  	[dreg:$0x0] =	wrdreg $0x60  }
0xae: {  	[dreg:$0x2] =	wrdreg s24  }
0xaf: {  	[dreg:$0x3] =	wrdreg $0xB8000  }
0xb0: {  	[dreg:$0x4] =	wrdreg $0x9  }
0xb1: {  	_ =	task.clear_ibuf [dreg:s6], $0x5FFFF;
	_ =	strace $0x9000004C  }
0xb2: {  	s29 =	simm.s32 $0x9;
	_ =	strace $0x8000004E  }
0xb3: {  	_ =	swait.ge [sflag:s29], $0x1  }
0xb4: {  	[sflag:s29] =	ssyncadd.s32 $0xFFFFFFFF  }
0xb5: {  	_ =	strace $0x9000004E  }
0xb6: {  	_ =	sfence  }
0xb7: {  	s30 =	sld [smem:$0x0];
	_ =	sdelay $0x2  }
0xb8: {  	s31 =	sshll.u32 s1, $0xD;
	s1 =	sshrl.u32 s1, $0x2  }
0xb9: {  	s3 =	sand.u32 $0x4000, s31;
	s1 =	sadd.s32 s1, s30  }
0xba: {  	s0 =	sor.u32 s3, s0;
	s1 =	sshll.u32 s1, $0x11  }
0xbb: {  	s0 =	sor.u32 s1, s0  }
0xbc: {  	s0 =	sadd.s32 $0x8F2B, s0  }
0xbd: {  	[sflag:s0] =	ssyncadd.remote.s32 $0x1  }
0xbe: {  	_ =	sfence.sel $0xFFFF  }
0xbf: {  	[dreg:$0x0] =	wrdreg $0xFFFFFFFF;
	(pc) =	sbr.abs _section_cstart, $3  }
0xc0: {  	[dreg:$0x1] =	wrdreg $0xFFFFFFFF  }
0xc1: {  	_ =	task.clear_ibuf [dreg:s6], $0x2FFFF;
	_ =	strace $0x9FFFFFFF  }
0xc2: {  	(tm) =	ssettm $0x7FFFFFFF  }
0xc3: {  	_ =	shalt  }
tec
execute0_lowered:
.L_overlay_start_1:
0x0: {  	(tag) =	ssettag $0x1  }
0x1: {  	s1 =	stileid.u32  }
0x2: {  	s11 =	smul.u32 $0x2800, s1  }
0x3: {  	s9 =	smul.u32 $0x280, s1  }
0x4: {  	s6 =	srdreg.scid;
	s12 =	smul.u32 $0x50000, s1  }
0x5: {  	s0 =	rddreg [dreg:$0x0];
	s7 =	sand.u32 $0x1, s6;
	s14 =	smul.u32 $0x14000, s1  }
0x6: {  	s2 =	rddreg [dreg:$0x1];
	s3 =	simm.s32 $0x0;
	s21 =	smul.u32 $0x5000, s7  }
0x7: {  	[smem:$0x7FF] =	sst s3;
	s4 =	sadd.s32 $0x75C00, s0;
	s23 =	smul.u32 $0x50000, s7  }
0x8: {  	s5 =	sadd.s32 $0x61C00, s0;
	s24 =	smul.u32 $0x280000, s7;
	s15 =	sshllo.u32 s7, $0x1  }
0x9: {  	s31 =	sshll.u32 s1, $0x6;
	_ =	strace $0x8000004D;
	s25 =	smul.u32 $0x2800, s15  }
0xa: {  	s8 =	ssub.s32 $0x2, s7;
	s20 =	sshrl.u32 s11, $0x3;
	s17 =	smul.u32 $0x28000, s15  }
0xb: {  	s10 =	sshrl.u32 s8, $0x1;
	s22 =	sshrl.u32 s12, $0x2;
	s15 =	smul.u32 $0x140000, s15  }
0xc: {  	s6 =	sadd.s32 s20, s0;
	s0 =	sadd.s32 $0x115C00, s0;
	s13 =	ssub.s32 s8, s10  }
0xd: {  	s19 =	sadd.s32 s22, s2;
	s8 =	sadd.s32 s9, s21;
	s16 =	sadd.s32 s11, s23  }
0xe: {  	s10 =	sadd.s32 s14, s24;
	s20 =	simm.s32 $0x80;
	s21 =	simm.s32 $0x3800  }
0xf: {  	s22 =	simm.s32 $0x7800;
	s23 =	simm.s32 $0x1;
	s24 =	simm.s32 $0x2  }
0x10: {  	s6 =	sadd.s32 $0x2000, s6;
	s8 =	sshll.u32 s8, $0x4;
	s12 =	sshrl.u32 s16, $0x3  }
0x11: {  	s10 =	sshrl.u32 s10, $0x3;
	s18 =	sadd.s32 s9, s25;
	s11 =	sadd.s32 s11, s17  }
0x12: {  	s28 =	sadd.s32 s14, s15;
	s29 =	sadd.s32 $0x28800, s16;
	s13 =	smax.u32 s13, $0x1  }
0x13: {  	s14 =	sadd.s32 $0x800, s16;
	s17 =	simm.s32 $0x4;
	s19 =	sshrl.u32 s19, $0x3  }
.Ltmp0:
0x14: {  	s25 =	simm.s32 $0x3;
	s7 =	sadd.s32 s4, s8;
	(pc) =	sbr.rel .LBB2_1-.Ltmp0, $4  }
0x15: {  	s8 =	sadd.s32 s5, s12;
	s9 =	sadd.s32 s0, s10;
	s26 =	sshll.u32 s18, $0x4  }
0x16: {  	s11 =	sshrl.u32 s11, $0x3;
	s12 =	sshrl.u32 s28, $0x3;
	s30 =	sshrl.u32 s29, $0x3  }
0x17: {  	s18 =	sor.u32 $0x1C04, s31;
	s10 =	sadd.s32 s4, s26;
	s11 =	sadd.s32 s5, s11  }
0x18: {  	s12 =	sadd.s32 s0, s12;
	s15 =	sadd.s32 s30, s5;
	s26 =	simm.s32 $0x0  }
.LBB2_7:
0x19: {  	s26 =	sadd.s32 $0x1, s26  }
0x1a: {  	p0 =	sne.s32 s26, s13  }
.Ltmp1:
0x1b: {  	[bflag:$0x0] =	sbarrier.arrive $0xFFFF;
	(pc) =	sbr.rel @!p0 .LBB2_8-.Ltmp1, $4  }
0x1c: {  	[hbm:s12], [sflag:s18] =	dma.local [spmem:s19], $0x2800  }
0x1d: {  	_ =	swait.ge [sflag:s17], $0x2800  }
0x1e: {  	[sflag:s17] =	ssyncset.done $0x0  }
0x1f: {  	[sflag:s17] =	ssyncadd.s32 $0xFFFFD800  }
.LBB2_1:
0x20: {  	s0 =	simm.s32 $0x1000  }
0x21: {  	[tilespmem:s0], [sflag:$0x4] =	stream.linear.gather [hbm4b:s6+s3], $0x2800, $0x38;
	[tilespmem:$0x1F800] =	vst v63  }
0x22: {  	_ =	swait.ge [sflag:s17], $0x2800  }
0x23: {  	[sflag:s17] =	ssyncset.done $0x0  }
0x24: {  	[sflag:s17] =	ssyncadd.s32 $0xFFFFD800  }
0x25: {  	[spmem:s19], [sflag:s18] =	dma.local [hbm:s7], $0x2800  }
0x26: {  	_ =	swait.ge [sflag:s17], $0x2800  }
0x27: {  	[sflag:s17] =	ssyncset.done $0x0  }
0x28: {  	[sflag:s17] =	ssyncadd.s32 $0xFFFFD800  }
0x29: {  	[tilespmem:s3], [sflag:$0x4] =	stream.linear.gather [hbm4b:s8+s3], $0x800, $0x38;
	[tilespmem:$0x1F800] =	vst v63  }
0x2a: {  	_ =	swait.ge [sflag:s17], $0x800  }
0x2b: {  	[sflag:s17] =	ssyncset.done $0x0  }
0x2c: {  	s28 =	simm.s32 $0x0;
	[sflag:s17] =	ssyncadd.s32 $0xFFFFF800  }
0x2d: {  	s29 =	smov.u32 s14;
	s30 =	simm.s32 $0x0;
	[bflag:$0x0] =	sbarrier.arrive $0xFFFF  }
0x2e: {  	[tilespmem:s21], [sflag:$0x1] =	stream.indirect.gather [hbm4b:s4+s20], $0x80, s3, s20, $0xb8;
	[tilespmem:$0x1F800] =	vst v63  }
.LBB2_2:
0x2f: {  	s0 =	sand.u32 $0x1, s30;
	p0 =	seq.s32 s28, $0x8000  }
0x30: {  	s31 =	sshll.u32 @!p0 s0, $0xB;
	s1 =	sshrl.u32 @!p0 s29, $0x3  }
0x31: {  	s16 =	simm.s32 @!p0 $0x0;
	s31 =	sxor.u32 @!p0 $0x800, s31;
	s1 =	sadd.s32 @!p0 s5, s1  }
0x32: {  	[tilespmem:s31], [sflag:$0x3] =	stream.linear.gather @!p0 [hbm4b:s1+s16], $0x800, $0x38;
	[tilespmem:$0x1F800] =	vst v63  }
0x33: {  	s31 =	sshll.u32 s0, $0xB  }
0x34: {  	s0 =	sor.u32 $0x80, s31  }
0x35: {  	[tilespmem:s22], [sflag:$0x2] =	stream.indirect.gather [hbm4b:s4+s20], $0x80, s0, s20, $0xb8;
	[tilespmem:$0x1F800] =	vst v63  }
0x36: {  	_ =	swait.ge [sflag:s23], $0x4000  }
0x37: {  	s0 =	sshra.s32 s28, $0x2;
	[sflag:s23] =	ssyncset.done $0x0  }
0x38: {  	s16 =	sadd.s32 $0x1000, s0;
	[sflag:s23] =	ssyncadd.s32 $0xFFFFC000  }
0x39: {  	[spmem:s2] =	stream.indirect.scatter.add.f32 [tilespmem:s21], [sflag:$0x4], $0x80, s16, s20, $0xb8;
	[tilespmem:$0x1F800] =	vst v63  }
0x3a: {  	_ =	swait.ge [sflag:s17], $0x4000  }
0x3b: {  	[sflag:s17] =	ssyncset.done $0x0  }
0x3c: {  	s16 =	sor.u32 $0x100, s31;
	[sflag:s17] =	ssyncadd.s32 $0xFFFFC000  }
0x3d: {  	[tilespmem:s21], [sflag:$0x1] =	stream.indirect.gather [hbm4b:s4+s20], $0x80, s16, s20, $0xb8;
	[tilespmem:$0x1F800] =	vst v63  }
0x3e: {  	_ =	swait.ge [sflag:s24], $0x4000  }
0x3f: {  	[sflag:s24] =	ssyncset.done $0x0  }
0x40: {  	s16 =	sadd.s32 $0x1080, s0;
	[sflag:s24] =	ssyncadd.s32 $0xFFFFC000  }
0x41: {  	[spmem:s2] =	stream.indirect.scatter.add.f32 [tilespmem:s22], [sflag:$0x4], $0x80, s16, s20, $0xb8;
	[tilespmem:$0x1F800] =	vst v63  }
0x42: {  	_ =	swait.ge [sflag:s17], $0x4000  }
0x43: {  	[sflag:s17] =	ssyncset.done $0x0  }
0x44: {  	s16 =	sor.u32 $0x180, s31;
	[sflag:s17] =	ssyncadd.s32 $0xFFFFC000  }
0x45: {  	[tilespmem:s22], [sflag:$0x2] =	stream.indirect.gather [hbm4b:s4+s20], $0x80, s16, s20, $0xb8;
	[tilespmem:$0x1F800] =	vst v63  }
0x46: {  	_ =	swait.ge [sflag:s23], $0x4000  }
0x47: {  	[sflag:s23] =	ssyncset.done $0x0  }
0x48: {  	s16 =	sadd.s32 $0x1100, s0;
	[sflag:s23] =	ssyncadd.s32 $0xFFFFC000  }
0x49: {  	[spmem:s2] =	stream.indirect.scatter.add.f32 [tilespmem:s21], [sflag:$0x4], $0x80, s16, s20, $0xb8;
	[tilespmem:$0x1F800] =	vst v63  }
0x4a: {  	_ =	swait.ge [sflag:s17], $0x4000  }
0x4b: {  	[sflag:s17] =	ssyncset.done $0x0  }
0x4c: {  	s16 =	sor.u32 $0x200, s31;
	[sflag:s17] =	ssyncadd.s32 $0xFFFFC000  }
0x4d: {  	[tilespmem:s21], [sflag:$0x1] =	stream.indirect.gather [hbm4b:s4+s20], $0x80, s16, s20, $0xb8;
	[tilespmem:$0x1F800] =	vst v63  }
0x4e: {  	_ =	swait.ge [sflag:s24], $0x4000  }
0x4f: {  	[sflag:s24] =	ssyncset.done $0x0  }
0x50: {  	s16 =	sadd.s32 $0x1180, s0;
	[sflag:s24] =	ssyncadd.s32 $0xFFFFC000  }
0x51: {  	[spmem:s2] =	stream.indirect.scatter.add.f32 [tilespmem:s22], [sflag:$0x4], $0x80, s16, s20, $0xb8;
	[tilespmem:$0x1F800] =	vst v63  }
0x52: {  	_ =	swait.ge [sflag:s17], $0x4000  }
0x53: {  	[sflag:s17] =	ssyncset.done $0x0  }
0x54: {  	s16 =	sor.u32 $0x280, s31;
	[sflag:s17] =	ssyncadd.s32 $0xFFFFC000  }
0x55: {  	[tilespmem:s22], [sflag:$0x2] =	stream.indirect.gather [hbm4b:s4+s20], $0x80, s16, s20, $0xb8;
	[tilespmem:$0x1F800] =	vst v63  }
0x56: {  	_ =	swait.ge [sflag:s23], $0x4000  }
0x57: {  	[sflag:s23] =	ssyncset.done $0x0  }
0x58: {  	s16 =	sadd.s32 $0x1200, s0;
	[sflag:s23] =	ssyncadd.s32 $0xFFFFC000  }
0x59: {  	[spmem:s2] =	stream.indirect.scatter.add.f32 [tilespmem:s21], [sflag:$0x4], $0x80, s16, s20, $0xb8;
	[tilespmem:$0x1F800] =	vst v63  }
0x5a: {  	_ =	swait.ge [sflag:s17], $0x4000  }
0x5b: {  	[sflag:s17] =	ssyncset.done $0x0  }
0x5c: {  	s16 =	sor.u32 $0x300, s31;
	[sflag:s17] =	ssyncadd.s32 $0xFFFFC000  }
0x5d: {  	[tilespmem:s21], [sflag:$0x1] =	stream.indirect.gather [hbm4b:s4+s20], $0x80, s16, s20, $0xb8;
	[tilespmem:$0x1F800] =	vst v63  }
0x5e: {  	_ =	swait.ge [sflag:s24], $0x4000  }
0x5f: {  	[sflag:s24] =	ssyncset.done $0x0  }
0x60: {  	s16 =	sadd.s32 $0x1280, s0;
	[sflag:s24] =	ssyncadd.s32 $0xFFFFC000  }
0x61: {  	[spmem:s2] =	stream.indirect.scatter.add.f32 [tilespmem:s22], [sflag:$0x4], $0x80, s16, s20, $0xb8;
	[tilespmem:$0x1F800] =	vst v63  }
0x62: {  	_ =	swait.ge [sflag:s17], $0x4000  }
0x63: {  	[sflag:s17] =	ssyncset.done $0x0  }
0x64: {  	s16 =	sor.u32 $0x380, s31;
	[sflag:s17] =	ssyncadd.s32 $0xFFFFC000  }
0x65: {  	[tilespmem:s22], [sflag:$0x2] =	stream.indirect.gather [hbm4b:s4+s20], $0x80, s16, s20, $0xb8;
	[tilespmem:$0x1F800] =	vst v63  }
0x66: {  	_ =	swait.ge [sflag:s23], $0x4000  }
0x67: {  	[sflag:s23] =	ssyncset.done $0x0  }
0x68: {  	s16 =	sadd.s32 $0x1300, s0;
	[sflag:s23] =	ssyncadd.s32 $0xFFFFC000  }
0x69: {  	[spmem:s2] =	stream.indirect.scatter.add.f32 [tilespmem:s21], [sflag:$0x4], $0x80, s16, s20, $0xb8;
	[tilespmem:$0x1F800] =	vst v63  }
0x6a: {  	_ =	swait.ge [sflag:s17], $0x4000  }
0x6b: {  	[sflag:s17] =	ssyncset.done $0x0  }
0x6c: {  	s16 =	sor.u32 $0x400, s31;
	[sflag:s17] =	ssyncadd.s32 $0xFFFFC000  }
0x6d: {  	[tilespmem:s21], [sflag:$0x1] =	stream.indirect.gather [hbm4b:s4+s20], $0x80, s16, s20, $0xb8;
	[tilespmem:$0x1F800] =	vst v63  }
0x6e: {  	_ =	swait.ge [sflag:s24], $0x4000  }
0x6f: {  	[sflag:s24] =	ssyncset.done $0x0  }
0x70: {  	s16 =	sadd.s32 $0x1380, s0;
	[sflag:s24] =	ssyncadd.s32 $0xFFFFC000  }
0x71: {  	[spmem:s2] =	stream.indirect.scatter.add.f32 [tilespmem:s22], [sflag:$0x4], $0x80, s16, s20, $0xb8;
	[tilespmem:$0x1F800] =	vst v63  }
0x72: {  	_ =	swait.ge [sflag:s17], $0x4000  }
0x73: {  	[sflag:s17] =	ssyncset.done $0x0  }
0x74: {  	s16 =	sor.u32 $0x480, s31;
	[sflag:s17] =	ssyncadd.s32 $0xFFFFC000  }
0x75: {  	[tilespmem:s22], [sflag:$0x2] =	stream.indirect.gather [hbm4b:s4+s20], $0x80, s16, s20, $0xb8;
	[tilespmem:$0x1F800] =	vst v63  }
0x76: {  	_ =	swait.ge [sflag:s23], $0x4000  }
0x77: {  	[sflag:s23] =	ssyncset.done $0x0  }
0x78: {  	s16 =	sadd.s32 $0x1400, s0;
	[sflag:s23] =	ssyncadd.s32 $0xFFFFC000  }
0x79: {  	[spmem:s2] =	stream.indirect.scatter.add.f32 [tilespmem:s21], [sflag:$0x4], $0x80, s16, s20, $0xb8;
	[tilespmem:$0x1F800] =	vst v63  }
0x7a: {  	_ =	swait.ge [sflag:s17], $0x4000  }
0x7b: {  	[sflag:s17] =	ssyncset.done $0x0  }
0x7c: {  	s16 =	sor.u32 $0x500, s31;
	[sflag:s17] =	ssyncadd.s32 $0xFFFFC000  }
0x7d: {  	[tilespmem:s21], [sflag:$0x1] =	stream.indirect.gather [hbm4b:s4+s20], $0x80, s16, s20, $0xb8;
	[tilespmem:$0x1F800] =	vst v63  }
0x7e: {  	_ =	swait.ge [sflag:s24], $0x4000  }
0x7f: {  	[sflag:s24] =	ssyncset.done $0x0  }
0x80: {  	s16 =	sadd.s32 $0x1480, s0;
	[sflag:s24] =	ssyncadd.s32 $0xFFFFC000  }
0x81: {  	[spmem:s2] =	stream.indirect.scatter.add.f32 [tilespmem:s22], [sflag:$0x4], $0x80, s16, s20, $0xb8;
	[tilespmem:$0x1F800] =	vst v63  }
0x82: {  	_ =	swait.ge [sflag:s17], $0x4000  }
0x83: {  	[sflag:s17] =	ssyncset.done $0x0  }
0x84: {  	s16 =	sor.u32 $0x580, s31;
	[sflag:s17] =	ssyncadd.s32 $0xFFFFC000  }
0x85: {  	[tilespmem:s22], [sflag:$0x2] =	stream.indirect.gather [hbm4b:s4+s20], $0x80, s16, s20, $0xb8;
	[tilespmem:$0x1F800] =	vst v63  }
0x86: {  	_ =	swait.ge [sflag:s23], $0x4000  }
0x87: {  	[sflag:s23] =	ssyncset.done $0x0  }
0x88: {  	s16 =	sadd.s32 $0x1500, s0;
	[sflag:s23] =	ssyncadd.s32 $0xFFFFC000  }
0x89: {  	[spmem:s2] =	stream.indirect.scatter.add.f32 [tilespmem:s21], [sflag:$0x4], $0x80, s16, s20, $0xb8;
	[tilespmem:$0x1F800] =	vst v63  }
0x8a: {  	_ =	swait.ge [sflag:s17], $0x4000  }
0x8b: {  	[sflag:s17] =	ssyncset.done $0x0  }
0x8c: {  	s16 =	sor.u32 $0x600, s31;
	[sflag:s17] =	ssyncadd.s32 $0xFFFFC000  }
0x8d: {  	[tilespmem:s21], [sflag:$0x1] =	stream.indirect.gather [hbm4b:s4+s20], $0x80, s16, s20, $0xb8;
	[tilespmem:$0x1F800] =	vst v63  }
0x8e: {  	_ =	swait.ge [sflag:s24], $0x4000  }
0x8f: {  	[sflag:s24] =	ssyncset.done $0x0  }
0x90: {  	s16 =	sadd.s32 $0x1580, s0;
	[sflag:s24] =	ssyncadd.s32 $0xFFFFC000  }
0x91: {  	[spmem:s2] =	stream.indirect.scatter.add.f32 [tilespmem:s22], [sflag:$0x4], $0x80, s16, s20, $0xb8;
	[tilespmem:$0x1F800] =	vst v63  }
0x92: {  	_ =	swait.ge [sflag:s17], $0x4000  }
0x93: {  	[sflag:s17] =	ssyncset.done $0x0  }
0x94: {  	s16 =	sor.u32 $0x680, s31;
	[sflag:s17] =	ssyncadd.s32 $0xFFFFC000  }
0x95: {  	[tilespmem:s22], [sflag:$0x2] =	stream.indirect.gather [hbm4b:s4+s20], $0x80, s16, s20, $0xb8;
	[tilespmem:$0x1F800] =	vst v63  }
0x96: {  	_ =	swait.ge [sflag:s23], $0x4000  }
0x97: {  	[sflag:s23] =	ssyncset.done $0x0  }
0x98: {  	s16 =	sadd.s32 $0x1600, s0;
	[sflag:s23] =	ssyncadd.s32 $0xFFFFC000  }
0x99: {  	[spmem:s2] =	stream.indirect.scatter.add.f32 [tilespmem:s21], [sflag:$0x4], $0x80, s16, s20, $0xb8;
	[tilespmem:$0x1F800] =	vst v63  }
0x9a: {  	_ =	swait.ge [sflag:s17], $0x4000  }
0x9b: {  	[sflag:s17] =	ssyncset.done $0x0  }
0x9c: {  	s16 =	sor.u32 $0x700, s31;
	[sflag:s17] =	ssyncadd.s32 $0xFFFFC000  }
0x9d: {  	[tilespmem:s21], [sflag:$0x1] =	stream.indirect.gather [hbm4b:s4+s20], $0x80, s16, s20, $0xb8;
	[tilespmem:$0x1F800] =	vst v63  }
0x9e: {  	_ =	swait.ge [sflag:s24], $0x4000  }
0x9f: {  	[sflag:s24] =	ssyncset.done $0x0  }
0xa0: {  	s16 =	sadd.s32 $0x1680, s0;
	[sflag:s24] =	ssyncadd.s32 $0xFFFFC000  }
0xa1: {  	[spmem:s2] =	stream.indirect.scatter.add.f32 [tilespmem:s22], [sflag:$0x4], $0x80, s16, s20, $0xb8;
	[tilespmem:$0x1F800] =	vst v63  }
0xa2: {  	_ =	swait.ge [sflag:s17], $0x4000  }
0xa3: {  	[sflag:s17] =	ssyncset.done $0x0  }
0xa4: {  	s16 =	sor.u32 $0x780, s31;
	[sflag:s17] =	ssyncadd.s32 $0xFFFFC000  }
0xa5: {  	[tilespmem:s22], [sflag:$0x2] =	stream.indirect.gather [hbm4b:s4+s20], $0x80, s16, s20, $0xb8;
	[tilespmem:$0x1F800] =	vst v63  }
0xa6: {  	_ =	swait.ge [sflag:s23], $0x4000  }
0xa7: {  	[sflag:s23] =	ssyncset.done $0x0  }
0xa8: {  	s16 =	sadd.s32 $0x1700, s0;
	[sflag:s23] =	ssyncadd.s32 $0xFFFFC000  }
0xa9: {  	[spmem:s2] =	stream.indirect.scatter.add.f32 [tilespmem:s21], [sflag:$0x4], $0x80, s16, s20, $0xb8;
	[tilespmem:$0x1F800] =	vst v63  }
0xaa: {  	_ =	swait.ge [sflag:s17], $0x4000  }
0xab: {  	[sflag:s17] =	ssyncset.done $0x0  }
0xac: {  	[sflag:s17] =	ssyncadd.s32 $0xFFFFC000  }
0xad: {  	_ =	swait.ge [sflag:s24], $0x4000  }
0xae: {  	[sflag:s24] =	ssyncset.done $0x0  }
.Ltmp2:
0xaf: {  	s0 =	sadd.s32 $0x1780, s0;
	[sflag:s24] =	ssyncadd.s32 $0xFFFFC000;
	(pc) =	sbr.rel @p0 .LBB2_4-.Ltmp2, $4  }
0xb0: {  	[spmem:s2] =	stream.indirect.scatter.add.f32 [tilespmem:s22], [sflag:$0x4], $0x80, s0, s20, $0xb8;
	[tilespmem:$0x1F800] =	vst v63  }
0xb1: {  	_ =	swait.ge [sflag:s17], $0x4000  }
0xb2: {  	[sflag:s17] =	ssyncset.done $0x0  }
0xb3: {  	[sflag:s17] =	ssyncadd.s32 $0xFFFFC000  }
.Ltmp3:
0xb4: {  	(pc) =	sbr.rel .LBB2_2-.Ltmp3, $4  }
0xb5: {  	_ =	swait.ge [sflag:s25], $0x800  }
0xb6: {  	s0 =	sxor.u32 $0x800, s31;
	s30 =	sadd.s32 $0x1, s30;
	[sflag:s25] =	ssyncset.done $0x0  }
0xb7: {  	s29 =	sadd.s32 $0x800, s29;
	s28 =	sadd.s32 $0x2000, s28;
	[sflag:s25] =	ssyncadd.s32 $0xFFFFF800  }
0xb8: {  	[tilespmem:s21], [sflag:$0x1] =	stream.indirect.gather [hbm4b:s4+s20], $0x80, s0, s20, $0xb8;
	[tilespmem:$0x1F800] =	vst v63  }
.LBB2_4:
0xb9: {  	[bflag:$0x0] =	sbarrier.arrive $0xFFFF  }
0xba: {  	[hbm:s9], [sflag:s18] =	dma.local [spmem:s19], $0x2800  }
0xbb: {  	_ =	swait.ge [sflag:s17], $0x2800  }
0xbc: {  	[sflag:s17] =	ssyncset.done $0x0  }
0xbd: {  	[sflag:s17] =	ssyncadd.s32 $0xFFFFD800  }
0xbe: {  	[spmem:s19], [sflag:s18] =	dma.local [hbm:s10], $0x2800  }
0xbf: {  	_ =	swait.ge [sflag:s17], $0x2800  }
0xc0: {  	[sflag:s17] =	ssyncset.done $0x0  }
0xc1: {  	s28 =	simm.s32 $0x0;
	[sflag:s17] =	ssyncadd.s32 $0xFFFFD800  }
0xc2: {  	[tilespmem:s28], [sflag:$0x4] =	stream.linear.gather [hbm4b:s11+s28], $0x800, $0x38;
	[tilespmem:$0x1F800] =	vst v63  }
0xc3: {  	_ =	swait.ge [sflag:s17], $0x800  }
0xc4: {  	[sflag:s17] =	ssyncset.done $0x0  }
0xc5: {  	[sflag:s17] =	ssyncadd.s32 $0xFFFFF800  }
0xc6: {  	s29 =	smov.u32 s15;
	s30 =	simm.s32 $0x0;
	[bflag:$0x0] =	sbarrier.arrive $0xFFFF  }
0xc7: {  	[tilespmem:s21], [sflag:$0x1] =	stream.indirect.gather [hbm4b:s4+s20], $0x80, s28, s20, $0xb8;
	[tilespmem:$0x1F800] =	vst v63  }
.LBB2_5:
0xc8: {  	s0 =	sand.u32 $0x1, s30;
	p0 =	seq.s32 s28, $0x8000  }
0xc9: {  	s1 =	sshll.u32 @!p0 s0, $0xB  }
0xca: {  	s16 =	simm.s32 @!p0 $0x0;
	s31 =	sshll.u32 s0, $0xB;
	s1 =	sxor.u32 @!p0 $0x800, s1  }
0xcb: {  	[tilespmem:s1], [sflag:$0x3] =	stream.linear.gather @!p0 [hbm4b:s29+s16], $0x800, $0x38;
	[tilespmem:$0x1F800] =	vst v63  }
0xcc: {  	s0 =	sor.u32 $0x80, s31  }
0xcd: {  	[tilespmem:s22], [sflag:$0x2] =	stream.indirect.gather [hbm4b:s4+s20], $0x80, s0, s20, $0xb8;
	[tilespmem:$0x1F800] =	vst v63  }
0xce: {  	_ =	swait.ge [sflag:s23], $0x4000  }
0xcf: {  	s0 =	sshra.s32 s28, $0x2;
	[sflag:s23] =	ssyncset.done $0x0  }
0xd0: {  	s16 =	sadd.s32 $0x1000, s0;
	[sflag:s23] =	ssyncadd.s32 $0xFFFFC000  }
0xd1: {  	[spmem:s2] =	stream.indirect.scatter.add.f32 [tilespmem:s21], [sflag:$0x4], $0x80, s16, s20, $0xb8;
	[tilespmem:$0x1F800] =	vst v63  }
0xd2: {  	_ =	swait.ge [sflag:s17], $0x4000  }
0xd3: {  	[sflag:s17] =	ssyncset.done $0x0  }
0xd4: {  	s16 =	sor.u32 $0x100, s31;
	[sflag:s17] =	ssyncadd.s32 $0xFFFFC000  }
0xd5: {  	[tilespmem:s21], [sflag:$0x1] =	stream.indirect.gather [hbm4b:s4+s20], $0x80, s16, s20, $0xb8;
	[tilespmem:$0x1F800] =	vst v63  }
0xd6: {  	_ =	swait.ge [sflag:s24], $0x4000  }
0xd7: {  	[sflag:s24] =	ssyncset.done $0x0  }
0xd8: {  	s16 =	sadd.s32 $0x1080, s0;
	[sflag:s24] =	ssyncadd.s32 $0xFFFFC000  }
0xd9: {  	[spmem:s2] =	stream.indirect.scatter.add.f32 [tilespmem:s22], [sflag:$0x4], $0x80, s16, s20, $0xb8;
	[tilespmem:$0x1F800] =	vst v63  }
0xda: {  	_ =	swait.ge [sflag:s17], $0x4000  }
0xdb: {  	[sflag:s17] =	ssyncset.done $0x0  }
0xdc: {  	s16 =	sor.u32 $0x180, s31;
	[sflag:s17] =	ssyncadd.s32 $0xFFFFC000  }
0xdd: {  	[tilespmem:s22], [sflag:$0x2] =	stream.indirect.gather [hbm4b:s4+s20], $0x80, s16, s20, $0xb8;
	[tilespmem:$0x1F800] =	vst v63  }
0xde: {  	_ =	swait.ge [sflag:s23], $0x4000  }
0xdf: {  	[sflag:s23] =	ssyncset.done $0x0  }
0xe0: {  	s16 =	sadd.s32 $0x1100, s0;
	[sflag:s23] =	ssyncadd.s32 $0xFFFFC000  }
0xe1: {  	[spmem:s2] =	stream.indirect.scatter.add.f32 [tilespmem:s21], [sflag:$0x4], $0x80, s16, s20, $0xb8;
	[tilespmem:$0x1F800] =	vst v63  }
0xe2: {  	_ =	swait.ge [sflag:s17], $0x4000  }
0xe3: {  	[sflag:s17] =	ssyncset.done $0x0  }
0xe4: {  	s16 =	sor.u32 $0x200, s31;
	[sflag:s17] =	ssyncadd.s32 $0xFFFFC000  }
0xe5: {  	[tilespmem:s21], [sflag:$0x1] =	stream.indirect.gather [hbm4b:s4+s20], $0x80, s16, s20, $0xb8;
	[tilespmem:$0x1F800] =	vst v63  }
0xe6: {  	_ =	swait.ge [sflag:s24], $0x4000  }
0xe7: {  	[sflag:s24] =	ssyncset.done $0x0  }
0xe8: {  	s16 =	sadd.s32 $0x1180, s0;
	[sflag:s24] =	ssyncadd.s32 $0xFFFFC000  }
0xe9: {  	[spmem:s2] =	stream.indirect.scatter.add.f32 [tilespmem:s22], [sflag:$0x4], $0x80, s16, s20, $0xb8;
	[tilespmem:$0x1F800] =	vst v63  }
0xea: {  	_ =	swait.ge [sflag:s17], $0x4000  }
0xeb: {  	[sflag:s17] =	ssyncset.done $0x0  }
0xec: {  	s16 =	sor.u32 $0x280, s31;
	[sflag:s17] =	ssyncadd.s32 $0xFFFFC000  }
0xed: {  	[tilespmem:s22], [sflag:$0x2] =	stream.indirect.gather [hbm4b:s4+s20], $0x80, s16, s20, $0xb8;
	[tilespmem:$0x1F800] =	vst v63  }
0xee: {  	_ =	swait.ge [sflag:s23], $0x4000  }
0xef: {  	[sflag:s23] =	ssyncset.done $0x0  }
0xf0: {  	s16 =	sadd.s32 $0x1200, s0;
	[sflag:s23] =	ssyncadd.s32 $0xFFFFC000  }
0xf1: {  	[spmem:s2] =	stream.indirect.scatter.add.f32 [tilespmem:s21], [sflag:$0x4], $0x80, s16, s20, $0xb8;
	[tilespmem:$0x1F800] =	vst v63  }
0xf2: {  	_ =	swait.ge [sflag:s17], $0x4000  }
0xf3: {  	[sflag:s17] =	ssyncset.done $0x0  }
0xf4: {  	s16 =	sor.u32 $0x300, s31;
	[sflag:s17] =	ssyncadd.s32 $0xFFFFC000  }
0xf5: {  	[tilespmem:s21], [sflag:$0x1] =	stream.indirect.gather [hbm4b:s4+s20], $0x80, s16, s20, $0xb8;
	[tilespmem:$0x1F800] =	vst v63  }
0xf6: {  	_ =	swait.ge [sflag:s24], $0x4000  }
0xf7: {  	[sflag:s24] =	ssyncset.done $0x0  }
0xf8: {  	s16 =	sadd.s32 $0x1280, s0;
	[sflag:s24] =	ssyncadd.s32 $0xFFFFC000  }
0xf9: {  	[spmem:s2] =	stream.indirect.scatter.add.f32 [tilespmem:s22], [sflag:$0x4], $0x80, s16, s20, $0xb8;
	[tilespmem:$0x1F800] =	vst v63  }
0xfa: {  	_ =	swait.ge [sflag:s17], $0x4000  }
0xfb: {  	[sflag:s17] =	ssyncset.done $0x0  }
0xfc: {  	s16 =	sor.u32 $0x380, s31;
	[sflag:s17] =	ssyncadd.s32 $0xFFFFC000  }
0xfd: {  	[tilespmem:s22], [sflag:$0x2] =	stream.indirect.gather [hbm4b:s4+s20], $0x80, s16, s20, $0xb8;
	[tilespmem:$0x1F800] =	vst v63  }
0xfe: {  	_ =	swait.ge [sflag:s23], $0x4000  }
0xff: {  	[sflag:s23] =	ssyncset.done $0x0  }
0x100: {  	s16 =	sadd.s32 $0x1300, s0;
	[sflag:s23] =	ssyncadd.s32 $0xFFFFC000  }
0x101: {  	[spmem:s2] =	stream.indirect.scatter.add.f32 [tilespmem:s21], [sflag:$0x4], $0x80, s16, s20, $0xb8;
	[tilespmem:$0x1F800] =	vst v63  }
0x102: {  	_ =	swait.ge [sflag:s17], $0x4000  }
0x103: {  	[sflag:s17] =	ssyncset.done $0x0  }
0x104: {  	s16 =	sor.u32 $0x400, s31;
	[sflag:s17] =	ssyncadd.s32 $0xFFFFC000  }
0x105: {  	[tilespmem:s21], [sflag:$0x1] =	stream.indirect.gather [hbm4b:s4+s20], $0x80, s16, s20, $0xb8;
	[tilespmem:$0x1F800] =	vst v63  }
0x106: {  	_ =	swait.ge [sflag:s24], $0x4000  }
0x107: {  	[sflag:s24] =	ssyncset.done $0x0  }
0x108: {  	s16 =	sadd.s32 $0x1380, s0;
	[sflag:s24] =	ssyncadd.s32 $0xFFFFC000  }
0x109: {  	[spmem:s2] =	stream.indirect.scatter.add.f32 [tilespmem:s22], [sflag:$0x4], $0x80, s16, s20, $0xb8;
	[tilespmem:$0x1F800] =	vst v63  }
0x10a: {  	_ =	swait.ge [sflag:s17], $0x4000  }
0x10b: {  	[sflag:s17] =	ssyncset.done $0x0  }
0x10c: {  	s16 =	sor.u32 $0x480, s31;
	[sflag:s17] =	ssyncadd.s32 $0xFFFFC000  }
0x10d: {  	[tilespmem:s22], [sflag:$0x2] =	stream.indirect.gather [hbm4b:s4+s20], $0x80, s16, s20, $0xb8;
	[tilespmem:$0x1F800] =	vst v63  }
0x10e: {  	_ =	swait.ge [sflag:s23], $0x4000  }
0x10f: {  	[sflag:s23] =	ssyncset.done $0x0  }
0x110: {  	s16 =	sadd.s32 $0x1400, s0;
	[sflag:s23] =	ssyncadd.s32 $0xFFFFC000  }
0x111: {  	[spmem:s2] =	stream.indirect.scatter.add.f32 [tilespmem:s21], [sflag:$0x4], $0x80, s16, s20, $0xb8;
	[tilespmem:$0x1F800] =	vst v63  }
0x112: {  	_ =	swait.ge [sflag:s17], $0x4000  }
0x113: {  	[sflag:s17] =	ssyncset.done $0x0  }
0x114: {  	s16 =	sor.u32 $0x500, s31;
	[sflag:s17] =	ssyncadd.s32 $0xFFFFC000  }
0x115: {  	[tilespmem:s21], [sflag:$0x1] =	stream.indirect.gather [hbm4b:s4+s20], $0x80, s16, s20, $0xb8;
	[tilespmem:$0x1F800] =	vst v63  }
0x116: {  	_ =	swait.ge [sflag:s24], $0x4000  }
0x117: {  	[sflag:s24] =	ssyncset.done $0x0  }
0x118: {  	s16 =	sadd.s32 $0x1480, s0;
	[sflag:s24] =	ssyncadd.s32 $0xFFFFC000  }
0x119: {  	[spmem:s2] =	stream.indirect.scatter.add.f32 [tilespmem:s22], [sflag:$0x4], $0x80, s16, s20, $0xb8;
	[tilespmem:$0x1F800] =	vst v63  }
0x11a: {  	_ =	swait.ge [sflag:s17], $0x4000  }
0x11b: {  	[sflag:s17] =	ssyncset.done $0x0  }
0x11c: {  	s16 =	sor.u32 $0x580, s31;
	[sflag:s17] =	ssyncadd.s32 $0xFFFFC000  }
0x11d: {  	[tilespmem:s22], [sflag:$0x2] =	stream.indirect.gather [hbm4b:s4+s20], $0x80, s16, s20, $0xb8;
	[tilespmem:$0x1F800] =	vst v63  }
0x11e: {  	_ =	swait.ge [sflag:s23], $0x4000  }
0x11f: {  	[sflag:s23] =	ssyncset.done $0x0  }
0x120: {  	s16 =	sadd.s32 $0x1500, s0;
	[sflag:s23] =	ssyncadd.s32 $0xFFFFC000  }
0x121: {  	[spmem:s2] =	stream.indirect.scatter.add.f32 [tilespmem:s21], [sflag:$0x4], $0x80, s16, s20, $0xb8;
	[tilespmem:$0x1F800] =	vst v63  }
0x122: {  	_ =	swait.ge [sflag:s17], $0x4000  }
0x123: {  	[sflag:s17] =	ssyncset.done $0x0  }
0x124: {  	s16 =	sor.u32 $0x600, s31;
	[sflag:s17] =	ssyncadd.s32 $0xFFFFC000  }
0x125: {  	[tilespmem:s21], [sflag:$0x1] =	stream.indirect.gather [hbm4b:s4+s20], $0x80, s16, s20, $0xb8;
	[tilespmem:$0x1F800] =	vst v63  }
0x126: {  	_ =	swait.ge [sflag:s24], $0x4000  }
0x127: {  	[sflag:s24] =	ssyncset.done $0x0  }
0x128: {  	s16 =	sadd.s32 $0x1580, s0;
	[sflag:s24] =	ssyncadd.s32 $0xFFFFC000  }
0x129: {  	[spmem:s2] =	stream.indirect.scatter.add.f32 [tilespmem:s22], [sflag:$0x4], $0x80, s16, s20, $0xb8;
	[tilespmem:$0x1F800] =	vst v63  }
0x12a: {  	_ =	swait.ge [sflag:s17], $0x4000  }
0x12b: {  	[sflag:s17] =	ssyncset.done $0x0  }
0x12c: {  	s16 =	sor.u32 $0x680, s31;
	[sflag:s17] =	ssyncadd.s32 $0xFFFFC000  }
0x12d: {  	[tilespmem:s22], [sflag:$0x2] =	stream.indirect.gather [hbm4b:s4+s20], $0x80, s16, s20, $0xb8;
	[tilespmem:$0x1F800] =	vst v63  }
0x12e: {  	_ =	swait.ge [sflag:s23], $0x4000  }
0x12f: {  	[sflag:s23] =	ssyncset.done $0x0  }
0x130: {  	s16 =	sadd.s32 $0x1600, s0;
	[sflag:s23] =	ssyncadd.s32 $0xFFFFC000  }
0x131: {  	[spmem:s2] =	stream.indirect.scatter.add.f32 [tilespmem:s21], [sflag:$0x4], $0x80, s16, s20, $0xb8;
	[tilespmem:$0x1F800] =	vst v63  }
0x132: {  	_ =	swait.ge [sflag:s17], $0x4000  }
0x133: {  	[sflag:s17] =	ssyncset.done $0x0  }
0x134: {  	s16 =	sor.u32 $0x700, s31;
	[sflag:s17] =	ssyncadd.s32 $0xFFFFC000  }
0x135: {  	[tilespmem:s21], [sflag:$0x1] =	stream.indirect.gather [hbm4b:s4+s20], $0x80, s16, s20, $0xb8;
	[tilespmem:$0x1F800] =	vst v63  }
0x136: {  	_ =	swait.ge [sflag:s24], $0x4000  }
0x137: {  	[sflag:s24] =	ssyncset.done $0x0  }
0x138: {  	s16 =	sadd.s32 $0x1680, s0;
	[sflag:s24] =	ssyncadd.s32 $0xFFFFC000  }
0x139: {  	[spmem:s2] =	stream.indirect.scatter.add.f32 [tilespmem:s22], [sflag:$0x4], $0x80, s16, s20, $0xb8;
	[tilespmem:$0x1F800] =	vst v63  }
0x13a: {  	_ =	swait.ge [sflag:s17], $0x4000  }
0x13b: {  	[sflag:s17] =	ssyncset.done $0x0  }
0x13c: {  	s16 =	sor.u32 $0x780, s31;
	[sflag:s17] =	ssyncadd.s32 $0xFFFFC000  }
0x13d: {  	[tilespmem:s22], [sflag:$0x2] =	stream.indirect.gather [hbm4b:s4+s20], $0x80, s16, s20, $0xb8;
	[tilespmem:$0x1F800] =	vst v63  }
0x13e: {  	_ =	swait.ge [sflag:s23], $0x4000  }
0x13f: {  	[sflag:s23] =	ssyncset.done $0x0  }
0x140: {  	s16 =	sadd.s32 $0x1700, s0;
	[sflag:s23] =	ssyncadd.s32 $0xFFFFC000  }
0x141: {  	[spmem:s2] =	stream.indirect.scatter.add.f32 [tilespmem:s21], [sflag:$0x4], $0x80, s16, s20, $0xb8;
	[tilespmem:$0x1F800] =	vst v63  }
0x142: {  	_ =	swait.ge [sflag:s17], $0x4000  }
0x143: {  	[sflag:s17] =	ssyncset.done $0x0  }
0x144: {  	[sflag:s17] =	ssyncadd.s32 $0xFFFFC000  }
0x145: {  	_ =	swait.ge [sflag:s24], $0x4000  }
0x146: {  	[sflag:s24] =	ssyncset.done $0x0  }
.Ltmp4:
0x147: {  	s0 =	sadd.s32 $0x1780, s0;
	[sflag:s24] =	ssyncadd.s32 $0xFFFFC000;
	(pc) =	sbr.rel @p0 .LBB2_7-.Ltmp4, $4  }
0x148: {  	[spmem:s2] =	stream.indirect.scatter.add.f32 [tilespmem:s22], [sflag:$0x4], $0x80, s0, s20, $0xb8;
	[tilespmem:$0x1F800] =	vst v63  }
0x149: {  	_ =	swait.ge [sflag:s17], $0x4000  }
0x14a: {  	[sflag:s17] =	ssyncset.done $0x0  }
0x14b: {  	[sflag:s17] =	ssyncadd.s32 $0xFFFFC000  }
.Ltmp5:
0x14c: {  	(pc) =	sbr.rel .LBB2_5-.Ltmp5, $4  }
0x14d: {  	_ =	swait.ge [sflag:s25], $0x800  }
0x14e: {  	s0 =	sxor.u32 $0x800, s31;
	s30 =	sadd.s32 $0x1, s30;
	[sflag:s25] =	ssyncset.done $0x0  }
0x14f: {  	s29 =	sadd.s32 $0x100, s29;
	s28 =	sadd.s32 $0x2000, s28;
	[sflag:s25] =	ssyncadd.s32 $0xFFFFF800  }
0x150: {  	[tilespmem:s21], [sflag:$0x1] =	stream.indirect.gather [hbm4b:s4+s20], $0x80, s0, s20, $0xb8;
	[tilespmem:$0x1F800] =	vst v63  }
.LBB2_8:
0x151: {  	_ =	sfence.sel $0x180000  }
0x152: {  	[bflag:$0x0] =	sbarrier.arrive $0xFFFF  }
0x153: {  	_ =	strace $0x9000004D  }
0x154: {  	s0 =	stileid.u32;
	[bflag:$0x2] =	sbarrier.arrive $0xFFFF  }
0x155: {  	p0 =	sne.s32 s0, $0x0;
	s0 =	rddreg [dreg:$0x2]  }
0x156: {  	s0 =	sadd.s32 @!p0 $0x100000, s0  }
0x157: {  	[sflag:s0] =	ssyncadd.tile.s32 @!p0 $0x1;
	_ =	shalt  }
.Lfunc_end2:
_tile_overlayer_lowered:
.L_overlay_start_2:
0x158: {  	(tag) =	ssettag $0x2  }
0x159: {  	s0 =	rddreg [dreg:$0x0];
	s2 =	stileid.u32  }
0x15a: {  	s1 =	rddreg [dreg:$0x1];
	p0 =	sne.s32 s2, $0x0  }
0x15b: {  	s3 =	rddreg [dreg:$0x2];
	[bflag:$0x3] =	sbarrier.arrive $0xFFFF;
	s2 =	simm.s32 @!p0 $0x1C04  }
0x15c: {  	[timem:s3], [sflag:s2] =	dma.local @!p0 [hbm:s0], s1  }
0x15d: {  	s0 =	simm.s32 @!p0 $0x4  }
0x15e: {  	_ =	swait.ge @!p0 [sflag:s0], s1  }
0x15f: {  	s1 =	ssub.s32 @!p0 $0x0, s1;
	[sflag:s0] =	ssyncset.done @!p0 $0x0  }
0x160: {  	[sflag:s0] =	ssyncadd.s32 @!p0 s1  }
0x161: {  	[bflag:$0x3] =	sbarrier.arrive $0xFFFF  }
0x162: {  	_ =	shalt  }

// kernel: kernel.19.cloned.1.call-start
scs
__scs_entry_jumppad:
0x0: {  	(pc) =	sbr.rel $0x88, $3  }
0x1: {  	(tag) =	ssettag $0x0;
	lr =	simm.s32 $0x1  }
0x2: {  	[smem:$0x3F97] =	sst lr;
	_ =	strace $0xD0000000  }
0x3: {  	_ = 	snop  }
0x4: {  	_ = 	snop  }
0x5: {  	_ = 	snop  }
0x6: {  	_ = 	snop  }
0x7: {  	_ = 	snop  }
__scs_overlays_trampoline_lowered:
0x8: {  	[smem:$0x3FA6] =	sst s0  }
0x9: {  	[smem:$0x3FA7] =	sst s1  }
0xa: {  	[smem:$0x3FA8] =	sst s2  }
0xb: {  	[smem:$0x3FA9] =	sst s3  }
0xc: {  	[smem:$0x3FAA] =	sst s4  }
0xd: {  	[smem:$0x3FAB] =	sst s5  }
0xe: {  	[smem:$0x3FAC] =	sst s6  }
0xf: {  	[smem:$0x3FAD] =	sst s7  }
0x10: {  	[smem:$0x3FAE] =	sst s8  }
0x11: {  	[smem:$0x3FAF] =	sst s9;
	s0 =	simm.s32 @!p0 $0x0  }
0x12: {  	s1 =	sld [smem:$0x3F95];
	s0 =	simm.s32 @p0 $0x1  }
0x13: {  	[smem:$0x3FB0] =	sst s0;
	s0 =	simm.s32 @!p1 $0x0  }
0x14: {  	s2 =	sld [smem:$0x3F94];
	s0 =	simm.s32 @p1 $0x1  }
0x15: {  	[smem:$0x3FB1] =	sst s0;
	s0 =	simm.s32 @!p2 $0x0  }
0x16: {  	s3 =	sld [smem:$0x3FDB];
	s0 =	simm.s32 @p2 $0x1  }
0x17: {  	s4 =	simm.s32 $0x1BF5;
	[smem:$0x3FB3] =	sst s0  }
0x18: {  	s0 =	sld [smem:$0x3F96];
	_ =	swait.ge [sflag:s4], $0x0  }
0x19: {  	s7 =	sld [smem:$0x3F97]  }
0x1a: {  	s8 =	sadd.s32 $0xFFFFE003, lr  }
0x1b: {  	s9 =	sadd.s32 $0xFFFFFEF7, lr;
	s5 =	simm.s32 $0xFFFFFFFF;
	p2 =	slt.u32 s8, $0xFFFFF086  }
0x1c: {  	p1 =	slt.u32 s9, $0xF7A;
	s5 =	simm.s32 @!p2 $0x0  }
0x1d: {  	s5 =	simm.s32 @p1 $0x1;
	p0 =	seq.s32 s7, s2  }
0x1e: {  	s7 =	smul.u32 @!p0 $0xF7A, s2;
	p2 =	seq.s32 @!p0 s5, $0x0  }
0x1f: {  	s9 =	smul.u32 $0xF7A, s1;
	s8 =	simm.s32 @!p0 $0x1BF5;
	p2 =	por !p2, p0  }
0x20: {  	[sflag:s8] =	ssyncset.s32 @!p0 $0xFFFFF086;
	s6 =	sadd.s32 @!p0 s3, s7;
	s7 =	simm.s32 @!p0 $0x108  }
0x21: {  	s3 =	sadd.s32 s3, s9;
	s6 =	sadd.s32 @!p0 $0x88, s6;
	s7 =	simm.s32 @p2 $0x1082  }
0x22: {  	[simem:s7], [sflag:s8] =	dma.local @!p0 [hbm:s6], $0xF7A  }
0x23: {  	s9 =	sor.u32 $0xD0000000, s2;
	s6 =	simm.s32 $0x108;
	_ =	swait.ge @!p0 [sflag:s8], $0x0  }
0x24: {  	s3 =	sadd.s32 $0x88, s3;
	s6 =	simm.s32 @!p1 $0x1082;
	[sflag:s4] =	ssyncset.s32 $0xFFFFF086  }
0x25: {  	[simem:s6], [sflag:s4] =	dma.local [hbm:s3], $0xF7A  }
0x26: {  	[smem:$0x3F97] =	sst s1;
	(tag) =	ssettag s2;
	_ =	strace s9  }
0x27: {  	s1 =	sld [smem:$0x3FA7]  }
0x28: {  	s2 =	sld [smem:$0x3FA8]  }
0x29: {  	s4 =	sld [smem:$0x3FAA]  }
0x2a: {  	p0 =	seq.s32 s5, $0x0;
	s5 =	sld [smem:$0x3FAB]  }
0x2b: {  	s6 =	sld [smem:$0x3FAC]  }
0x2c: {  	s7 =	sld [smem:$0x3FAD]  }
0x2d: {  	s3 =	simm.s32 $0x108;
	s8 =	sld [smem:$0x3FAE]  }
0x2e: {  	s3 =	simm.s32 @!p0 $0x1082;
	s9 =	sld [smem:$0x3FAF]  }
0x2f: {  	lr =	sadd.s32 s0, s3;
	s0 =	sld [smem:$0x3FA6]  }
0x30: {  	s3 =	sld [smem:$0x3FA9]  }
0x31: {  	[smem:$0x3FB2] =	sst s10  }
0x32: {  	s10 =	sld [smem:$0x3FB0];
	_ =	sdelay $0x3  }
0x33: {  	p0 =	seq.s32 s10, $0x1;
	s10 =	sld [smem:$0x3FB2];
	_ =	sdelay $0x3  }
0x34: {  	[smem:$0x3FB2] =	sst s10  }
0x35: {  	s10 =	sld [smem:$0x3FB1];
	_ =	sdelay $0x3  }
0x36: {  	p1 =	seq.s32 s10, $0x1;
	s10 =	sld [smem:$0x3FB2];
	_ =	sdelay $0x3  }
0x37: {  	[smem:$0x3FB2] =	sst s10  }
0x38: {  	s10 =	sld [smem:$0x3FB3]  }
0x39: {  	_ = 	snop;
	(pc) =	sbr.ind lr, $3  }
0x3a: {  	_ = 	snop  }
0x3b: {  	_ = 	snop  }
0x3c: {  	p2 =	seq.s32 s10, $0x1;
	s10 =	sld [smem:$0x3FB2]  }
0x3d: {  	_ =	shalt  }
0x3e: {  	_ =	shalt  }
0x3f: {  	_ =	shalt  }
0x40: {  	_ =	shalt  }
0x41: {  	_ =	shalt  }
0x42: {  	_ =	shalt  }
0x43: {  	_ =	shalt  }
0x44: {  	_ =	shalt  }
0x45: {  	_ =	shalt  }
0x46: {  	_ =	shalt  }
0x47: {  	_ =	shalt  }
0x48: {  	_ =	shalt  }
0x49: {  	_ =	shalt  }
0x4a: {  	_ =	shalt  }
0x4b: {  	_ =	shalt  }
0x4c: {  	_ =	shalt  }
0x4d: {  	_ =	shalt  }
0x4e: {  	_ =	shalt  }
0x4f: {  	_ =	shalt  }
0x50: {  	_ =	shalt  }
0x51: {  	_ =	shalt  }
0x52: {  	_ =	shalt  }
0x53: {  	_ =	shalt  }
0x54: {  	_ =	shalt  }
0x55: {  	_ =	shalt  }
0x56: {  	_ =	shalt  }
0x57: {  	_ =	shalt  }
0x58: {  	_ =	shalt  }
0x59: {  	_ =	shalt  }
0x5a: {  	_ =	shalt  }
0x5b: {  	_ =	shalt  }
0x5c: {  	_ =	shalt  }
0x5d: {  	_ =	shalt  }
0x5e: {  	_ =	shalt  }
0x5f: {  	_ =	shalt  }
0x60: {  	_ =	shalt  }
0x61: {  	_ =	shalt  }
0x62: {  	_ =	shalt  }
0x63: {  	_ =	shalt  }
0x64: {  	_ =	shalt  }
0x65: {  	_ =	shalt  }
0x66: {  	_ =	shalt  }
0x67: {  	_ =	shalt  }
0x68: {  	_ =	shalt  }
0x69: {  	_ =	shalt  }
0x6a: {  	_ =	shalt  }
0x6b: {  	_ =	shalt  }
0x6c: {  	_ =	shalt  }
0x6d: {  	_ =	shalt  }
0x6e: {  	_ =	shalt  }
0x6f: {  	_ =	shalt  }
0x70: {  	_ =	shalt  }
0x71: {  	_ =	shalt  }
0x72: {  	_ =	shalt  }
0x73: {  	_ =	shalt  }
0x74: {  	_ =	shalt  }
0x75: {  	_ =	shalt  }
0x76: {  	_ =	shalt  }
0x77: {  	_ =	shalt  }
0x78: {  	_ =	shalt  }
0x79: {  	_ =	shalt  }
0x7a: {  	_ =	shalt  }
0x7b: {  	_ =	shalt  }
0x7c: {  	_ =	shalt  }
0x7d: {  	_ =	shalt  }
0x7e: {  	_ =	shalt  }
0x7f: {  	_ =	shalt  }
0x80: {  	_ =	shalt  }
0x81: {  	_ =	shalt  }
0x82: {  	_ =	shalt  }
0x83: {  	_ =	shalt  }
0x84: {  	_ =	shalt  }
0x85: {  	_ =	shalt  }
0x86: {  	_ =	shalt  }
0x87: {  	_ =	shalt  }
.Lfunc_end0:
.L_simem_size_0:
called_computation.3_lowered:
.L_overlay_start_0:
0x88: {  	s2 =	sld [smem:$0x3FD9]  }
0x89: {  	s3 =	sld [smem:$0x3FFE];
	_ =	sdelay $0x1  }
0x8a: {  	s1 =	srdreg.scid  }
0x8b: {  	s0 =	sand.u32 $0x1, s1  }
0x8c: {  	s16 =	sshll.u32 s0, $0xA;
	s2 =	sadd.s32 s3, s2  }
0x8d: {  	s2 =	sadd.s32 s2, s16  }
0x8e: {  	[smem:$0x3FBE] =	sst s2  }
0x8f: {  	_ = 	snop  }
0x90: {  	(tm) =	ssettm $0x1  }
0x91: {  	s17 =	sld [smem:$0x3FFB];
	_ =	sdelay $0x3  }
0x92: {  	_ =	strace s17  }
0x93: {  	s2 =	sld [smem:$0x3FFC];
	_ =	sdelay $0x3  }
0x94: {  	_ =	strace s2  }
0x95: {  	s2 =	sld [smem:$0x3FFD];
	_ =	sdelay $0x3  }
0x96: {  	_ =	strace s2  }
0x97: {  	_ =	strace $0x8FFFFFFF  }
0x98: {  	s18 =	sld [smem:$0x3FDB];
	_ =	sdelay $0x1  }
0x99: {  	s19 =	simm.s32 $_scs_section_size  }
0x9a: {  	s4 =	simm.s32 $_size__tile_overlayer_lowered;
	s5 =	simm.s32 $_tile_overlayer_lowered  }
0x9b: {  	s22 =	simm.s32 $0x1BFF;
	s21 =	sshll.u32 s5, $0x1;
	s2 =	sadd.s32 s19, s18  }
0x9c: {  	s6 =	simm.s32 $0x0;
	s20 =	sshll.u32 s4, $0x1;
	s4 =	sadd.s32 s21, s2  }
0x9d: {  	[timem:s6], [sflag:s22] =	dma.local [hbm:s4], s20  }
0x9e: {  	_ =	swait.ge [sflag:s22], s20  }
0x9f: {  	s3 =	ssub.s32 $0x0, s20;
	[sflag:s22] =	ssyncset.done $0x0  }
0xa0: {  	[sflag:s22] =	ssyncadd.s32 s3;
	_ =	sdelay $0x1  }
0xa1: {  	s23 =	simm.s32 $0x1B8B  }
0xa2: {  	_ =	swait.ge [sflag:s23], $0x1  }
0xa3: {  	[sflag:s23] =	ssyncset.done $0x0  }
0xa4: {  	s25 =	simm.s32 $0x1B8E;
	s24 =	sld [smem:$0x3FFE];
	[sflag:s23] =	ssyncadd.s32 $0xFFFFFFFF  }
0xa5: {  	s26 =	simm.s32 $execute0_lowered;
	[smem:$0x3FD2] =	sst s25  }
0xa6: {  	s4 =	sshll.u32 s26, $0x1;
	_ =	strace $0x8000004F;
	[dreg:$0x1] =	wrdreg $0xFFFFFFFF  }
0xa7: {  	s28 =	simm.s32 $_size_execute0_lowered;
	s2 =	sadd.s32 s2, s4;
	[dreg:$0x0] =	wrdreg $0x0  }
0xa8: {  	s4 =	sshll.u32 s28, $0x1;
	[dreg:$0x2] =	wrdreg s2  }
0xa9: {  	[dreg:$0x3] =	wrdreg s4  }
0xaa: {  	[dreg:$0x4] =	wrdreg $0xC0  }
0xab: {  	_ =	task [dreg:s6], $0x5FFFF  }
0xac: {  	[dreg:$0x1] =	wrdreg $0xFFFFFFFF  }
0xad: {  	[dreg:$0x0] =	wrdreg $0x60  }
0xae: {  	[dreg:$0x2] =	wrdreg s24  }
0xaf: {  	[dreg:$0x3] =	wrdreg $0xB8000  }
0xb0: {  	[dreg:$0x4] =	wrdreg $0x9  }
0xb1: {  	_ =	task.clear_ibuf [dreg:s6], $0x5FFFF;
	_ =	strace $0x9000004F  }
0xb2: {  	s29 =	simm.s32 $0x9;
	_ =	strace $0x80000051  }
0xb3: {  	_ =	swait.ge [sflag:s29], $0x1  }
0xb4: {  	[sflag:s29] =	ssyncadd.s32 $0xFFFFFFFF  }
0xb5: {  	_ =	strace $0x90000051  }
0xb6: {  	_ =	sfence  }
0xb7: {  	s30 =	sld [smem:$0x0];
	_ =	sdelay $0x2  }
0xb8: {  	s31 =	sshll.u32 s1, $0xD;
	s1 =	sshrl.u32 s1, $0x2  }
0xb9: {  	s3 =	sand.u32 $0x4000, s31;
	s1 =	sadd.s32 s1, s30  }
0xba: {  	s0 =	sor.u32 s3, s0;
	s1 =	sshll.u32 s1, $0x11  }
0xbb: {  	s0 =	sor.u32 s1, s0  }
0xbc: {  	s0 =	sadd.s32 $0x8F2B, s0  }
0xbd: {  	[sflag:s0] =	ssyncadd.remote.s32 $0x1  }
0xbe: {  	_ =	sfence.sel $0xFFFF  }
0xbf: {  	[dreg:$0x0] =	wrdreg $0xFFFFFFFF;
	(pc) =	sbr.abs _section_cstart, $3  }
0xc0: {  	[dreg:$0x1] =	wrdreg $0xFFFFFFFF  }
0xc1: {  	_ =	task.clear_ibuf [dreg:s6], $0x2FFFF;
	_ =	strace $0x9FFFFFFF  }
0xc2: {  	(tm) =	ssettm $0x7FFFFFFF  }
0xc3: {  	_ =	shalt  }
tec
execute0_lowered:
.L_overlay_start_1:
0x0: {  	(tag) =	ssettag $0x1  }
0x1: {  	s1 =	stileid.u32  }
0x2: {  	s11 =	smul.u32 $0x2800, s1  }
0x3: {  	s9 =	smul.u32 $0x280, s1  }
0x4: {  	s6 =	srdreg.scid;
	s12 =	smul.u32 $0x50000, s1  }
0x5: {  	s0 =	rddreg [dreg:$0x0];
	s7 =	sand.u32 $0x1, s6;
	s14 =	smul.u32 $0x14000, s1  }
0x6: {  	s2 =	rddreg [dreg:$0x1];
	s3 =	simm.s32 $0x0;
	s21 =	smul.u32 $0x5000, s7  }
0x7: {  	[smem:$0x7FF] =	sst s3;
	s4 =	sadd.s32 $0x75C00, s0;
	s23 =	smul.u32 $0x50000, s7  }
0x8: {  	s5 =	sadd.s32 $0x61C00, s0;
	s24 =	smul.u32 $0x280000, s7;
	s15 =	sshllo.u32 s7, $0x1  }
0x9: {  	s31 =	sshll.u32 s1, $0x6;
	_ =	strace $0x80000050;
	s25 =	smul.u32 $0x2800, s15  }
0xa: {  	s8 =	ssub.s32 $0x2, s7;
	s20 =	sshrl.u32 s11, $0x3;
	s17 =	smul.u32 $0x28000, s15  }
0xb: {  	s10 =	sshrl.u32 s8, $0x1;
	s22 =	sshrl.u32 s12, $0x2;
	s15 =	smul.u32 $0x140000, s15  }
0xc: {  	s6 =	sadd.s32 s20, s0;
	s0 =	sadd.s32 $0x115C00, s0;
	s13 =	ssub.s32 s8, s10  }
0xd: {  	s19 =	sadd.s32 s22, s2;
	s8 =	sadd.s32 s9, s21;
	s16 =	sadd.s32 s11, s23  }
0xe: {  	s10 =	sadd.s32 s14, s24;
	s20 =	simm.s32 $0x80;
	s21 =	simm.s32 $0x3800  }
0xf: {  	s22 =	simm.s32 $0x7800;
	s23 =	simm.s32 $0x1;
	s24 =	simm.s32 $0x2  }
0x10: {  	s6 =	sadd.s32 $0x2000, s6;
	s8 =	sshll.u32 s8, $0x4;
	s12 =	sshrl.u32 s16, $0x3  }
0x11: {  	s10 =	sshrl.u32 s10, $0x3;
	s18 =	sadd.s32 s9, s25;
	s11 =	sadd.s32 s11, s17  }
0x12: {  	s28 =	sadd.s32 s14, s15;
	s29 =	sadd.s32 $0x28800, s16;
	s13 =	smax.u32 s13, $0x1  }
0x13: {  	s14 =	sadd.s32 $0x800, s16;
	s17 =	simm.s32 $0x4;
	s19 =	sshrl.u32 s19, $0x3  }
.Ltmp0:
0x14: {  	s25 =	simm.s32 $0x3;
	s7 =	sadd.s32 s4, s8;
	(pc) =	sbr.rel .LBB2_1-.Ltmp0, $4  }
0x15: {  	s8 =	sadd.s32 s5, s12;
	s9 =	sadd.s32 s0, s10;
	s26 =	sshll.u32 s18, $0x4  }
0x16: {  	s11 =	sshrl.u32 s11, $0x3;
	s12 =	sshrl.u32 s28, $0x3;
	s30 =	sshrl.u32 s29, $0x3  }
0x17: {  	s18 =	sor.u32 $0x1C04, s31;
	s10 =	sadd.s32 s4, s26;
	s11 =	sadd.s32 s5, s11  }
0x18: {  	s12 =	sadd.s32 s0, s12;
	s15 =	sadd.s32 s30, s5;
	s26 =	simm.s32 $0x0  }
.LBB2_7:
0x19: {  	s26 =	sadd.s32 $0x1, s26  }
0x1a: {  	p0 =	sne.s32 s26, s13  }
.Ltmp1:
0x1b: {  	[bflag:$0x0] =	sbarrier.arrive $0xFFFF;
	(pc) =	sbr.rel @!p0 .LBB2_8-.Ltmp1, $4  }
0x1c: {  	[hbm:s12], [sflag:s18] =	dma.local [spmem:s19], $0x2800  }
0x1d: {  	_ =	swait.ge [sflag:s17], $0x2800  }
0x1e: {  	[sflag:s17] =	ssyncset.done $0x0  }
0x1f: {  	[sflag:s17] =	ssyncadd.s32 $0xFFFFD800  }
.LBB2_1:
0x20: {  	s0 =	simm.s32 $0x1000  }
0x21: {  	[tilespmem:s0], [sflag:$0x4] =	stream.linear.gather [hbm4b:s6+s3], $0x2800, $0x38;
	[tilespmem:$0x1F800] =	vst v63  }
0x22: {  	_ =	swait.ge [sflag:s17], $0x2800  }
0x23: {  	[sflag:s17] =	ssyncset.done $0x0  }
0x24: {  	[sflag:s17] =	ssyncadd.s32 $0xFFFFD800  }
0x25: {  	[spmem:s19], [sflag:s18] =	dma.local [hbm:s7], $0x2800  }
0x26: {  	_ =	swait.ge [sflag:s17], $0x2800  }
0x27: {  	[sflag:s17] =	ssyncset.done $0x0  }
0x28: {  	[sflag:s17] =	ssyncadd.s32 $0xFFFFD800  }
0x29: {  	[tilespmem:s3], [sflag:$0x4] =	stream.linear.gather [hbm4b:s8+s3], $0x800, $0x38;
	[tilespmem:$0x1F800] =	vst v63  }
0x2a: {  	_ =	swait.ge [sflag:s17], $0x800  }
0x2b: {  	[sflag:s17] =	ssyncset.done $0x0  }
0x2c: {  	s28 =	simm.s32 $0x0;
	[sflag:s17] =	ssyncadd.s32 $0xFFFFF800  }
0x2d: {  	s29 =	smov.u32 s14;
	s30 =	simm.s32 $0x0;
	[bflag:$0x0] =	sbarrier.arrive $0xFFFF  }
0x2e: {  	[tilespmem:s21], [sflag:$0x1] =	stream.indirect.gather [hbm4b:s4+s20], $0x80, s3, s20, $0xb8;
	[tilespmem:$0x1F800] =	vst v63  }
.LBB2_2:
0x2f: {  	s0 =	sand.u32 $0x1, s30;
	p0 =	seq.s32 s28, $0x8000  }
0x30: {  	s31 =	sshll.u32 @!p0 s0, $0xB;
	s1 =	sshrl.u32 @!p0 s29, $0x3  }
0x31: {  	s16 =	simm.s32 @!p0 $0x0;
	s31 =	sxor.u32 @!p0 $0x800, s31;
	s1 =	sadd.s32 @!p0 s5, s1  }
0x32: {  	[tilespmem:s31], [sflag:$0x3] =	stream.linear.gather @!p0 [hbm4b:s1+s16], $0x800, $0x38;
	[tilespmem:$0x1F800] =	vst v63  }
0x33: {  	s31 =	sshll.u32 s0, $0xB  }
0x34: {  	s0 =	sor.u32 $0x80, s31  }
0x35: {  	[tilespmem:s22], [sflag:$0x2] =	stream.indirect.gather [hbm4b:s4+s20], $0x80, s0, s20, $0xb8;
	[tilespmem:$0x1F800] =	vst v63  }
0x36: {  	_ =	swait.ge [sflag:s23], $0x4000  }
0x37: {  	s0 =	sshra.s32 s28, $0x2;
	[sflag:s23] =	ssyncset.done $0x0  }
0x38: {  	s16 =	sadd.s32 $0x1000, s0;
	[sflag:s23] =	ssyncadd.s32 $0xFFFFC000  }
0x39: {  	[spmem:s2] =	stream.indirect.scatter.add.f32 [tilespmem:s21], [sflag:$0x4], $0x80, s16, s20, $0xb8;
	[tilespmem:$0x1F800] =	vst v63  }
0x3a: {  	_ =	swait.ge [sflag:s17], $0x4000  }
0x3b: {  	[sflag:s17] =	ssyncset.done $0x0  }
0x3c: {  	s16 =	sor.u32 $0x100, s31;
	[sflag:s17] =	ssyncadd.s32 $0xFFFFC000  }
0x3d: {  	[tilespmem:s21], [sflag:$0x1] =	stream.indirect.gather [hbm4b:s4+s20], $0x80, s16, s20, $0xb8;
	[tilespmem:$0x1F800] =	vst v63  }
0x3e: {  	_ =	swait.ge [sflag:s24], $0x4000  }
0x3f: {  	[sflag:s24] =	ssyncset.done $0x0  }
0x40: {  	s16 =	sadd.s32 $0x1080, s0;
	[sflag:s24] =	ssyncadd.s32 $0xFFFFC000  }
0x41: {  	[spmem:s2] =	stream.indirect.scatter.add.f32 [tilespmem:s22], [sflag:$0x4], $0x80, s16, s20, $0xb8;
	[tilespmem:$0x1F800] =	vst v63  }
0x42: {  	_ =	swait.ge [sflag:s17], $0x4000  }
0x43: {  	[sflag:s17] =	ssyncset.done $0x0  }
0x44: {  	s16 =	sor.u32 $0x180, s31;
	[sflag:s17] =	ssyncadd.s32 $0xFFFFC000  }
0x45: {  	[tilespmem:s22], [sflag:$0x2] =	stream.indirect.gather [hbm4b:s4+s20], $0x80, s16, s20, $0xb8;
	[tilespmem:$0x1F800] =	vst v63  }
0x46: {  	_ =	swait.ge [sflag:s23], $0x4000  }
0x47: {  	[sflag:s23] =	ssyncset.done $0x0  }
0x48: {  	s16 =	sadd.s32 $0x1100, s0;
	[sflag:s23] =	ssyncadd.s32 $0xFFFFC000  }
0x49: {  	[spmem:s2] =	stream.indirect.scatter.add.f32 [tilespmem:s21], [sflag:$0x4], $0x80, s16, s20, $0xb8;
	[tilespmem:$0x1F800] =	vst v63  }
0x4a: {  	_ =	swait.ge [sflag:s17], $0x4000  }
0x4b: {  	[sflag:s17] =	ssyncset.done $0x0  }
0x4c: {  	s16 =	sor.u32 $0x200, s31;
	[sflag:s17] =	ssyncadd.s32 $0xFFFFC000  }
0x4d: {  	[tilespmem:s21], [sflag:$0x1] =	stream.indirect.gather [hbm4b:s4+s20], $0x80, s16, s20, $0xb8;
	[tilespmem:$0x1F800] =	vst v63  }
0x4e: {  	_ =	swait.ge [sflag:s24], $0x4000  }
0x4f: {  	[sflag:s24] =	ssyncset.done $0x0  }
0x50: {  	s16 =	sadd.s32 $0x1180, s0;
	[sflag:s24] =	ssyncadd.s32 $0xFFFFC000  }
0x51: {  	[spmem:s2] =	stream.indirect.scatter.add.f32 [tilespmem:s22], [sflag:$0x4], $0x80, s16, s20, $0xb8;
	[tilespmem:$0x1F800] =	vst v63  }
0x52: {  	_ =	swait.ge [sflag:s17], $0x4000  }
0x53: {  	[sflag:s17] =	ssyncset.done $0x0  }
0x54: {  	s16 =	sor.u32 $0x280, s31;
	[sflag:s17] =	ssyncadd.s32 $0xFFFFC000  }
0x55: {  	[tilespmem:s22], [sflag:$0x2] =	stream.indirect.gather [hbm4b:s4+s20], $0x80, s16, s20, $0xb8;
	[tilespmem:$0x1F800] =	vst v63  }
0x56: {  	_ =	swait.ge [sflag:s23], $0x4000  }
0x57: {  	[sflag:s23] =	ssyncset.done $0x0  }
0x58: {  	s16 =	sadd.s32 $0x1200, s0;
	[sflag:s23] =	ssyncadd.s32 $0xFFFFC000  }
0x59: {  	[spmem:s2] =	stream.indirect.scatter.add.f32 [tilespmem:s21], [sflag:$0x4], $0x80, s16, s20, $0xb8;
	[tilespmem:$0x1F800] =	vst v63  }
0x5a: {  	_ =	swait.ge [sflag:s17], $0x4000  }
0x5b: {  	[sflag:s17] =	ssyncset.done $0x0  }
0x5c: {  	s16 =	sor.u32 $0x300, s31;
	[sflag:s17] =	ssyncadd.s32 $0xFFFFC000  }
0x5d: {  	[tilespmem:s21], [sflag:$0x1] =	stream.indirect.gather [hbm4b:s4+s20], $0x80, s16, s20, $0xb8;
	[tilespmem:$0x1F800] =	vst v63  }
0x5e: {  	_ =	swait.ge [sflag:s24], $0x4000  }
0x5f: {  	[sflag:s24] =	ssyncset.done $0x0  }
0x60: {  	s16 =	sadd.s32 $0x1280, s0;
	[sflag:s24] =	ssyncadd.s32 $0xFFFFC000  }
0x61: {  	[spmem:s2] =	stream.indirect.scatter.add.f32 [tilespmem:s22], [sflag:$0x4], $0x80, s16, s20, $0xb8;
	[tilespmem:$0x1F800] =	vst v63  }
0x62: {  	_ =	swait.ge [sflag:s17], $0x4000  }
0x63: {  	[sflag:s17] =	ssyncset.done $0x0  }
0x64: {  	s16 =	sor.u32 $0x380, s31;
	[sflag:s17] =	ssyncadd.s32 $0xFFFFC000  }
0x65: {  	[tilespmem:s22], [sflag:$0x2] =	stream.indirect.gather [hbm4b:s4+s20], $0x80, s16, s20, $0xb8;
	[tilespmem:$0x1F800] =	vst v63  }
0x66: {  	_ =	swait.ge [sflag:s23], $0x4000  }
0x67: {  	[sflag:s23] =	ssyncset.done $0x0  }
0x68: {  	s16 =	sadd.s32 $0x1300, s0;
	[sflag:s23] =	ssyncadd.s32 $0xFFFFC000  }
0x69: {  	[spmem:s2] =	stream.indirect.scatter.add.f32 [tilespmem:s21], [sflag:$0x4], $0x80, s16, s20, $0xb8;
	[tilespmem:$0x1F800] =	vst v63  }
0x6a: {  	_ =	swait.ge [sflag:s17], $0x4000  }
0x6b: {  	[sflag:s17] =	ssyncset.done $0x0  }
0x6c: {  	s16 =	sor.u32 $0x400, s31;
	[sflag:s17] =	ssyncadd.s32 $0xFFFFC000  }
0x6d: {  	[tilespmem:s21], [sflag:$0x1] =	stream.indirect.gather [hbm4b:s4+s20], $0x80, s16, s20, $0xb8;
	[tilespmem:$0x1F800] =	vst v63  }
0x6e: {  	_ =	swait.ge [sflag:s24], $0x4000  }
0x6f: {  	[sflag:s24] =	ssyncset.done $0x0  }
0x70: {  	s16 =	sadd.s32 $0x1380, s0;
	[sflag:s24] =	ssyncadd.s32 $0xFFFFC000  }
0x71: {  	[spmem:s2] =	stream.indirect.scatter.add.f32 [tilespmem:s22], [sflag:$0x4], $0x80, s16, s20, $0xb8;
	[tilespmem:$0x1F800] =	vst v63  }
0x72: {  	_ =	swait.ge [sflag:s17], $0x4000  }
0x73: {  	[sflag:s17] =	ssyncset.done $0x0  }
0x74: {  	s16 =	sor.u32 $0x480, s31;
	[sflag:s17] =	ssyncadd.s32 $0xFFFFC000  }
0x75: {  	[tilespmem:s22], [sflag:$0x2] =	stream.indirect.gather [hbm4b:s4+s20], $0x80, s16, s20, $0xb8;
	[tilespmem:$0x1F800] =	vst v63  }
0x76: {  	_ =	swait.ge [sflag:s23], $0x4000  }
0x77: {  	[sflag:s23] =	ssyncset.done $0x0  }
0x78: {  	s16 =	sadd.s32 $0x1400, s0;
	[sflag:s23] =	ssyncadd.s32 $0xFFFFC000  }
0x79: {  	[spmem:s2] =	stream.indirect.scatter.add.f32 [tilespmem:s21], [sflag:$0x4], $0x80, s16, s20, $0xb8;
	[tilespmem:$0x1F800] =	vst v63  }
0x7a: {  	_ =	swait.ge [sflag:s17], $0x4000  }
0x7b: {  	[sflag:s17] =	ssyncset.done $0x0  }
0x7c: {  	s16 =	sor.u32 $0x500, s31;
	[sflag:s17] =	ssyncadd.s32 $0xFFFFC000  }
0x7d: {  	[tilespmem:s21], [sflag:$0x1] =	stream.indirect.gather [hbm4b:s4+s20], $0x80, s16, s20, $0xb8;
	[tilespmem:$0x1F800] =	vst v63  }
0x7e: {  	_ =	swait.ge [sflag:s24], $0x4000  }
0x7f: {  	[sflag:s24] =	ssyncset.done $0x0  }
0x80: {  	s16 =	sadd.s32 $0x1480, s0;
	[sflag:s24] =	ssyncadd.s32 $0xFFFFC000  }
0x81: {  	[spmem:s2] =	stream.indirect.scatter.add.f32 [tilespmem:s22], [sflag:$0x4], $0x80, s16, s20, $0xb8;
	[tilespmem:$0x1F800] =	vst v63  }
0x82: {  	_ =	swait.ge [sflag:s17], $0x4000  }
0x83: {  	[sflag:s17] =	ssyncset.done $0x0  }
0x84: {  	s16 =	sor.u32 $0x580, s31;
	[sflag:s17] =	ssyncadd.s32 $0xFFFFC000  }
0x85: {  	[tilespmem:s22], [sflag:$0x2] =	stream.indirect.gather [hbm4b:s4+s20], $0x80, s16, s20, $0xb8;
	[tilespmem:$0x1F800] =	vst v63  }
0x86: {  	_ =	swait.ge [sflag:s23], $0x4000  }
0x87: {  	[sflag:s23] =	ssyncset.done $0x0  }
0x88: {  	s16 =	sadd.s32 $0x1500, s0;
	[sflag:s23] =	ssyncadd.s32 $0xFFFFC000  }
0x89: {  	[spmem:s2] =	stream.indirect.scatter.add.f32 [tilespmem:s21], [sflag:$0x4], $0x80, s16, s20, $0xb8;
	[tilespmem:$0x1F800] =	vst v63  }
0x8a: {  	_ =	swait.ge [sflag:s17], $0x4000  }
0x8b: {  	[sflag:s17] =	ssyncset.done $0x0  }
0x8c: {  	s16 =	sor.u32 $0x600, s31;
	[sflag:s17] =	ssyncadd.s32 $0xFFFFC000  }
0x8d: {  	[tilespmem:s21], [sflag:$0x1] =	stream.indirect.gather [hbm4b:s4+s20], $0x80, s16, s20, $0xb8;
	[tilespmem:$0x1F800] =	vst v63  }
0x8e: {  	_ =	swait.ge [sflag:s24], $0x4000  }
0x8f: {  	[sflag:s24] =	ssyncset.done $0x0  }
0x90: {  	s16 =	sadd.s32 $0x1580, s0;
	[sflag:s24] =	ssyncadd.s32 $0xFFFFC000  }
0x91: {  	[spmem:s2] =	stream.indirect.scatter.add.f32 [tilespmem:s22], [sflag:$0x4], $0x80, s16, s20, $0xb8;
	[tilespmem:$0x1F800] =	vst v63  }
0x92: {  	_ =	swait.ge [sflag:s17], $0x4000  }
0x93: {  	[sflag:s17] =	ssyncset.done $0x0  }
0x94: {  	s16 =	sor.u32 $0x680, s31;
	[sflag:s17] =	ssyncadd.s32 $0xFFFFC000  }
0x95: {  	[tilespmem:s22], [sflag:$0x2] =	stream.indirect.gather [hbm4b:s4+s20], $0x80, s16, s20, $0xb8;
	[tilespmem:$0x1F800] =	vst v63  }
0x96: {  	_ =	swait.ge [sflag:s23], $0x4000  }
0x97: {  	[sflag:s23] =	ssyncset.done $0x0  }
0x98: {  	s16 =	sadd.s32 $0x1600, s0;
	[sflag:s23] =	ssyncadd.s32 $0xFFFFC000  }
0x99: {  	[spmem:s2] =	stream.indirect.scatter.add.f32 [tilespmem:s21], [sflag:$0x4], $0x80, s16, s20, $0xb8;
	[tilespmem:$0x1F800] =	vst v63  }
0x9a: {  	_ =	swait.ge [sflag:s17], $0x4000  }
0x9b: {  	[sflag:s17] =	ssyncset.done $0x0  }
0x9c: {  	s16 =	sor.u32 $0x700, s31;
	[sflag:s17] =	ssyncadd.s32 $0xFFFFC000  }
0x9d: {  	[tilespmem:s21], [sflag:$0x1] =	stream.indirect.gather [hbm4b:s4+s20], $0x80, s16, s20, $0xb8;
	[tilespmem:$0x1F800] =	vst v63  }
0x9e: {  	_ =	swait.ge [sflag:s24], $0x4000  }
0x9f: {  	[sflag:s24] =	ssyncset.done $0x0  }
0xa0: {  	s16 =	sadd.s32 $0x1680, s0;
	[sflag:s24] =	ssyncadd.s32 $0xFFFFC000  }
0xa1: {  	[spmem:s2] =	stream.indirect.scatter.add.f32 [tilespmem:s22], [sflag:$0x4], $0x80, s16, s20, $0xb8;
	[tilespmem:$0x1F800] =	vst v63  }
0xa2: {  	_ =	swait.ge [sflag:s17], $0x4000  }
0xa3: {  	[sflag:s17] =	ssyncset.done $0x0  }
0xa4: {  	s16 =	sor.u32 $0x780, s31;
	[sflag:s17] =	ssyncadd.s32 $0xFFFFC000  }
0xa5: {  	[tilespmem:s22], [sflag:$0x2] =	stream.indirect.gather [hbm4b:s4+s20], $0x80, s16, s20, $0xb8;
	[tilespmem:$0x1F800] =	vst v63  }
0xa6: {  	_ =	swait.ge [sflag:s23], $0x4000  }
0xa7: {  	[sflag:s23] =	ssyncset.done $0x0  }
0xa8: {  	s16 =	sadd.s32 $0x1700, s0;
	[sflag:s23] =	ssyncadd.s32 $0xFFFFC000  }
0xa9: {  	[spmem:s2] =	stream.indirect.scatter.add.f32 [tilespmem:s21], [sflag:$0x4], $0x80, s16, s20, $0xb8;
	[tilespmem:$0x1F800] =	vst v63  }
0xaa: {  	_ =	swait.ge [sflag:s17], $0x4000  }
0xab: {  	[sflag:s17] =	ssyncset.done $0x0  }
0xac: {  	[sflag:s17] =	ssyncadd.s32 $0xFFFFC000  }
0xad: {  	_ =	swait.ge [sflag:s24], $0x4000  }
0xae: {  	[sflag:s24] =	ssyncset.done $0x0  }
.Ltmp2:
0xaf: {  	s0 =	sadd.s32 $0x1780, s0;
	[sflag:s24] =	ssyncadd.s32 $0xFFFFC000;
	(pc) =	sbr.rel @p0 .LBB2_4-.Ltmp2, $4  }
0xb0: {  	[spmem:s2] =	stream.indirect.scatter.add.f32 [tilespmem:s22], [sflag:$0x4], $0x80, s0, s20, $0xb8;
	[tilespmem:$0x1F800] =	vst v63  }
0xb1: {  	_ =	swait.ge [sflag:s17], $0x4000  }
0xb2: {  	[sflag:s17] =	ssyncset.done $0x0  }
0xb3: {  	[sflag:s17] =	ssyncadd.s32 $0xFFFFC000  }
.Ltmp3:
0xb4: {  	(pc) =	sbr.rel .LBB2_2-.Ltmp3, $4  }
0xb5: {  	_ =	swait.ge [sflag:s25], $0x800  }
0xb6: {  	s0 =	sxor.u32 $0x800, s31;
	s30 =	sadd.s32 $0x1, s30;
	[sflag:s25] =	ssyncset.done $0x0  }
0xb7: {  	s29 =	sadd.s32 $0x800, s29;
	s28 =	sadd.s32 $0x2000, s28;
	[sflag:s25] =	ssyncadd.s32 $0xFFFFF800  }
0xb8: {  	[tilespmem:s21], [sflag:$0x1] =	stream.indirect.gather [hbm4b:s4+s20], $0x80, s0, s20, $0xb8;
	[tilespmem:$0x1F800] =	vst v63  }
.LBB2_4:
0xb9: {  	[bflag:$0x0] =	sbarrier.arrive $0xFFFF  }
0xba: {  	[hbm:s9], [sflag:s18] =	dma.local [spmem:s19], $0x2800  }
0xbb: {  	_ =	swait.ge [sflag:s17], $0x2800  }
0xbc: {  	[sflag:s17] =	ssyncset.done $0x0  }
0xbd: {  	[sflag:s17] =	ssyncadd.s32 $0xFFFFD800  }
0xbe: {  	[spmem:s19], [sflag:s18] =	dma.local [hbm:s10], $0x2800  }
0xbf: {  	_ =	swait.ge [sflag:s17], $0x2800  }
0xc0: {  	[sflag:s17] =	ssyncset.done $0x0  }
0xc1: {  	s28 =	simm.s32 $0x0;
	[sflag:s17] =	ssyncadd.s32 $0xFFFFD800  }
0xc2: {  	[tilespmem:s28], [sflag:$0x4] =	stream.linear.gather [hbm4b:s11+s28], $0x800, $0x38;
	[tilespmem:$0x1F800] =	vst v63  }
0xc3: {  	_ =	swait.ge [sflag:s17], $0x800  }
0xc4: {  	[sflag:s17] =	ssyncset.done $0x0  }
0xc5: {  	[sflag:s17] =	ssyncadd.s32 $0xFFFFF800  }
0xc6: {  	s29 =	smov.u32 s15;
	s30 =	simm.s32 $0x0;
	[bflag:$0x0] =	sbarrier.arrive $0xFFFF  }
0xc7: {  	[tilespmem:s21], [sflag:$0x1] =	stream.indirect.gather [hbm4b:s4+s20], $0x80, s28, s20, $0xb8;
	[tilespmem:$0x1F800] =	vst v63  }
.LBB2_5:
0xc8: {  	s0 =	sand.u32 $0x1, s30;
	p0 =	seq.s32 s28, $0x8000  }
0xc9: {  	s1 =	sshll.u32 @!p0 s0, $0xB  }
0xca: {  	s16 =	simm.s32 @!p0 $0x0;
	s31 =	sshll.u32 s0, $0xB;
	s1 =	sxor.u32 @!p0 $0x800, s1  }
0xcb: {  	[tilespmem:s1], [sflag:$0x3] =	stream.linear.gather @!p0 [hbm4b:s29+s16], $0x800, $0x38;
	[tilespmem:$0x1F800] =	vst v63  }
0xcc: {  	s0 =	sor.u32 $0x80, s31  }
0xcd: {  	[tilespmem:s22], [sflag:$0x2] =	stream.indirect.gather [hbm4b:s4+s20], $0x80, s0, s20, $0xb8;
	[tilespmem:$0x1F800] =	vst v63  }
0xce: {  	_ =	swait.ge [sflag:s23], $0x4000  }
0xcf: {  	s0 =	sshra.s32 s28, $0x2;
	[sflag:s23] =	ssyncset.done $0x0  }
0xd0: {  	s16 =	sadd.s32 $0x1000, s0;
	[sflag:s23] =	ssyncadd.s32 $0xFFFFC000  }
0xd1: {  	[spmem:s2] =	stream.indirect.scatter.add.f32 [tilespmem:s21], [sflag:$0x4], $0x80, s16, s20, $0xb8;
	[tilespmem:$0x1F800] =	vst v63  }
0xd2: {  	_ =	swait.ge [sflag:s17], $0x4000  }
0xd3: {  	[sflag:s17] =	ssyncset.done $0x0  }
0xd4: {  	s16 =	sor.u32 $0x100, s31;
	[sflag:s17] =	ssyncadd.s32 $0xFFFFC000  }
0xd5: {  	[tilespmem:s21], [sflag:$0x1] =	stream.indirect.gather [hbm4b:s4+s20], $0x80, s16, s20, $0xb8;
	[tilespmem:$0x1F800] =	vst v63  }
0xd6: {  	_ =	swait.ge [sflag:s24], $0x4000  }
0xd7: {  	[sflag:s24] =	ssyncset.done $0x0  }
0xd8: {  	s16 =	sadd.s32 $0x1080, s0;
	[sflag:s24] =	ssyncadd.s32 $0xFFFFC000  }
0xd9: {  	[spmem:s2] =	stream.indirect.scatter.add.f32 [tilespmem:s22], [sflag:$0x4], $0x80, s16, s20, $0xb8;
	[tilespmem:$0x1F800] =	vst v63  }
0xda: {  	_ =	swait.ge [sflag:s17], $0x4000  }
0xdb: {  	[sflag:s17] =	ssyncset.done $0x0  }
0xdc: {  	s16 =	sor.u32 $0x180, s31;
	[sflag:s17] =	ssyncadd.s32 $0xFFFFC000  }
0xdd: {  	[tilespmem:s22], [sflag:$0x2] =	stream.indirect.gather [hbm4b:s4+s20], $0x80, s16, s20, $0xb8;
	[tilespmem:$0x1F800] =	vst v63  }
0xde: {  	_ =	swait.ge [sflag:s23], $0x4000  }
0xdf: {  	[sflag:s23] =	ssyncset.done $0x0  }
0xe0: {  	s16 =	sadd.s32 $0x1100, s0;
	[sflag:s23] =	ssyncadd.s32 $0xFFFFC000  }
0xe1: {  	[spmem:s2] =	stream.indirect.scatter.add.f32 [tilespmem:s21], [sflag:$0x4], $0x80, s16, s20, $0xb8;
	[tilespmem:$0x1F800] =	vst v63  }
0xe2: {  	_ =	swait.ge [sflag:s17], $0x4000  }
0xe3: {  	[sflag:s17] =	ssyncset.done $0x0  }
0xe4: {  	s16 =	sor.u32 $0x200, s31;
	[sflag:s17] =	ssyncadd.s32 $0xFFFFC000  }
0xe5: {  	[tilespmem:s21], [sflag:$0x1] =	stream.indirect.gather [hbm4b:s4+s20], $0x80, s16, s20, $0xb8;
	[tilespmem:$0x1F800] =	vst v63  }
0xe6: {  	_ =	swait.ge [sflag:s24], $0x4000  }
0xe7: {  	[sflag:s24] =	ssyncset.done $0x0  }
0xe8: {  	s16 =	sadd.s32 $0x1180, s0;
	[sflag:s24] =	ssyncadd.s32 $0xFFFFC000  }
0xe9: {  	[spmem:s2] =	stream.indirect.scatter.add.f32 [tilespmem:s22], [sflag:$0x4], $0x80, s16, s20, $0xb8;
	[tilespmem:$0x1F800] =	vst v63  }
0xea: {  	_ =	swait.ge [sflag:s17], $0x4000  }
0xeb: {  	[sflag:s17] =	ssyncset.done $0x0  }
0xec: {  	s16 =	sor.u32 $0x280, s31;
	[sflag:s17] =	ssyncadd.s32 $0xFFFFC000  }
0xed: {  	[tilespmem:s22], [sflag:$0x2] =	stream.indirect.gather [hbm4b:s4+s20], $0x80, s16, s20, $0xb8;
	[tilespmem:$0x1F800] =	vst v63  }
0xee: {  	_ =	swait.ge [sflag:s23], $0x4000  }
0xef: {  	[sflag:s23] =	ssyncset.done $0x0  }
0xf0: {  	s16 =	sadd.s32 $0x1200, s0;
	[sflag:s23] =	ssyncadd.s32 $0xFFFFC000  }
0xf1: {  	[spmem:s2] =	stream.indirect.scatter.add.f32 [tilespmem:s21], [sflag:$0x4], $0x80, s16, s20, $0xb8;
	[tilespmem:$0x1F800] =	vst v63  }
0xf2: {  	_ =	swait.ge [sflag:s17], $0x4000  }
0xf3: {  	[sflag:s17] =	ssyncset.done $0x0  }
0xf4: {  	s16 =	sor.u32 $0x300, s31;
	[sflag:s17] =	ssyncadd.s32 $0xFFFFC000  }
0xf5: {  	[tilespmem:s21], [sflag:$0x1] =	stream.indirect.gather [hbm4b:s4+s20], $0x80, s16, s20, $0xb8;
	[tilespmem:$0x1F800] =	vst v63  }
0xf6: {  	_ =	swait.ge [sflag:s24], $0x4000  }
0xf7: {  	[sflag:s24] =	ssyncset.done $0x0  }
0xf8: {  	s16 =	sadd.s32 $0x1280, s0;
	[sflag:s24] =	ssyncadd.s32 $0xFFFFC000  }
0xf9: {  	[spmem:s2] =	stream.indirect.scatter.add.f32 [tilespmem:s22], [sflag:$0x4], $0x80, s16, s20, $0xb8;
	[tilespmem:$0x1F800] =	vst v63  }
0xfa: {  	_ =	swait.ge [sflag:s17], $0x4000  }
0xfb: {  	[sflag:s17] =	ssyncset.done $0x0  }
0xfc: {  	s16 =	sor.u32 $0x380, s31;
	[sflag:s17] =	ssyncadd.s32 $0xFFFFC000  }
0xfd: {  	[tilespmem:s22], [sflag:$0x2] =	stream.indirect.gather [hbm4b:s4+s20], $0x80, s16, s20, $0xb8;
	[tilespmem:$0x1F800] =	vst v63  }
0xfe: {  	_ =	swait.ge [sflag:s23], $0x4000  }
0xff: {  	[sflag:s23] =	ssyncset.done $0x0  }
0x100: {  	s16 =	sadd.s32 $0x1300, s0;
	[sflag:s23] =	ssyncadd.s32 $0xFFFFC000  }
0x101: {  	[spmem:s2] =	stream.indirect.scatter.add.f32 [tilespmem:s21], [sflag:$0x4], $0x80, s16, s20, $0xb8;
	[tilespmem:$0x1F800] =	vst v63  }
0x102: {  	_ =	swait.ge [sflag:s17], $0x4000  }
0x103: {  	[sflag:s17] =	ssyncset.done $0x0  }
0x104: {  	s16 =	sor.u32 $0x400, s31;
	[sflag:s17] =	ssyncadd.s32 $0xFFFFC000  }
0x105: {  	[tilespmem:s21], [sflag:$0x1] =	stream.indirect.gather [hbm4b:s4+s20], $0x80, s16, s20, $0xb8;
	[tilespmem:$0x1F800] =	vst v63  }
0x106: {  	_ =	swait.ge [sflag:s24], $0x4000  }
0x107: {  	[sflag:s24] =	ssyncset.done $0x0  }
0x108: {  	s16 =	sadd.s32 $0x1380, s0;
	[sflag:s24] =	ssyncadd.s32 $0xFFFFC000  }
0x109: {  	[spmem:s2] =	stream.indirect.scatter.add.f32 [tilespmem:s22], [sflag:$0x4], $0x80, s16, s20, $0xb8;
	[tilespmem:$0x1F800] =	vst v63  }
0x10a: {  	_ =	swait.ge [sflag:s17], $0x4000  }
0x10b: {  	[sflag:s17] =	ssyncset.done $0x0  }
0x10c: {  	s16 =	sor.u32 $0x480, s31;
	[sflag:s17] =	ssyncadd.s32 $0xFFFFC000  }
0x10d: {  	[tilespmem:s22], [sflag:$0x2] =	stream.indirect.gather [hbm4b:s4+s20], $0x80, s16, s20, $0xb8;
	[tilespmem:$0x1F800] =	vst v63  }
0x10e: {  	_ =	swait.ge [sflag:s23], $0x4000  }
0x10f: {  	[sflag:s23] =	ssyncset.done $0x0  }
0x110: {  	s16 =	sadd.s32 $0x1400, s0;
	[sflag:s23] =	ssyncadd.s32 $0xFFFFC000  }
0x111: {  	[spmem:s2] =	stream.indirect.scatter.add.f32 [tilespmem:s21], [sflag:$0x4], $0x80, s16, s20, $0xb8;
	[tilespmem:$0x1F800] =	vst v63  }
0x112: {  	_ =	swait.ge [sflag:s17], $0x4000  }
0x113: {  	[sflag:s17] =	ssyncset.done $0x0  }
0x114: {  	s16 =	sor.u32 $0x500, s31;
	[sflag:s17] =	ssyncadd.s32 $0xFFFFC000  }
0x115: {  	[tilespmem:s21], [sflag:$0x1] =	stream.indirect.gather [hbm4b:s4+s20], $0x80, s16, s20, $0xb8;
	[tilespmem:$0x1F800] =	vst v63  }
0x116: {  	_ =	swait.ge [sflag:s24], $0x4000  }
0x117: {  	[sflag:s24] =	ssyncset.done $0x0  }
0x118: {  	s16 =	sadd.s32 $0x1480, s0;
	[sflag:s24] =	ssyncadd.s32 $0xFFFFC000  }
0x119: {  	[spmem:s2] =	stream.indirect.scatter.add.f32 [tilespmem:s22], [sflag:$0x4], $0x80, s16, s20, $0xb8;
	[tilespmem:$0x1F800] =	vst v63  }
0x11a: {  	_ =	swait.ge [sflag:s17], $0x4000  }
0x11b: {  	[sflag:s17] =	ssyncset.done $0x0  }
0x11c: {  	s16 =	sor.u32 $0x580, s31;
	[sflag:s17] =	ssyncadd.s32 $0xFFFFC000  }
0x11d: {  	[tilespmem:s22], [sflag:$0x2] =	stream.indirect.gather [hbm4b:s4+s20], $0x80, s16, s20, $0xb8;
	[tilespmem:$0x1F800] =	vst v63  }
0x11e: {  	_ =	swait.ge [sflag:s23], $0x4000  }
0x11f: {  	[sflag:s23] =	ssyncset.done $0x0  }
0x120: {  	s16 =	sadd.s32 $0x1500, s0;
	[sflag:s23] =	ssyncadd.s32 $0xFFFFC000  }
0x121: {  	[spmem:s2] =	stream.indirect.scatter.add.f32 [tilespmem:s21], [sflag:$0x4], $0x80, s16, s20, $0xb8;
	[tilespmem:$0x1F800] =	vst v63  }
0x122: {  	_ =	swait.ge [sflag:s17], $0x4000  }
0x123: {  	[sflag:s17] =	ssyncset.done $0x0  }
0x124: {  	s16 =	sor.u32 $0x600, s31;
	[sflag:s17] =	ssyncadd.s32 $0xFFFFC000  }
0x125: {  	[tilespmem:s21], [sflag:$0x1] =	stream.indirect.gather [hbm4b:s4+s20], $0x80, s16, s20, $0xb8;
	[tilespmem:$0x1F800] =	vst v63  }
0x126: {  	_ =	swait.ge [sflag:s24], $0x4000  }
0x127: {  	[sflag:s24] =	ssyncset.done $0x0  }
0x128: {  	s16 =	sadd.s32 $0x1580, s0;
	[sflag:s24] =	ssyncadd.s32 $0xFFFFC000  }
0x129: {  	[spmem:s2] =	stream.indirect.scatter.add.f32 [tilespmem:s22], [sflag:$0x4], $0x80, s16, s20, $0xb8;
	[tilespmem:$0x1F800] =	vst v63  }
0x12a: {  	_ =	swait.ge [sflag:s17], $0x4000  }
0x12b: {  	[sflag:s17] =	ssyncset.done $0x0  }
0x12c: {  	s16 =	sor.u32 $0x680, s31;
	[sflag:s17] =	ssyncadd.s32 $0xFFFFC000  }
0x12d: {  	[tilespmem:s22], [sflag:$0x2] =	stream.indirect.gather [hbm4b:s4+s20], $0x80, s16, s20, $0xb8;
	[tilespmem:$0x1F800] =	vst v63  }
0x12e: {  	_ =	swait.ge [sflag:s23], $0x4000  }
0x12f: {  	[sflag:s23] =	ssyncset.done $0x0  }
0x130: {  	s16 =	sadd.s32 $0x1600, s0;
	[sflag:s23] =	ssyncadd.s32 $0xFFFFC000  }
0x131: {  	[spmem:s2] =	stream.indirect.scatter.add.f32 [tilespmem:s21], [sflag:$0x4], $0x80, s16, s20, $0xb8;
	[tilespmem:$0x1F800] =	vst v63  }
0x132: {  	_ =	swait.ge [sflag:s17], $0x4000  }
0x133: {  	[sflag:s17] =	ssyncset.done $0x0  }
0x134: {  	s16 =	sor.u32 $0x700, s31;
	[sflag:s17] =	ssyncadd.s32 $0xFFFFC000  }
0x135: {  	[tilespmem:s21], [sflag:$0x1] =	stream.indirect.gather [hbm4b:s4+s20], $0x80, s16, s20, $0xb8;
	[tilespmem:$0x1F800] =	vst v63  }
0x136: {  	_ =	swait.ge [sflag:s24], $0x4000  }
0x137: {  	[sflag:s24] =	ssyncset.done $0x0  }
0x138: {  	s16 =	sadd.s32 $0x1680, s0;
	[sflag:s24] =	ssyncadd.s32 $0xFFFFC000  }
0x139: {  	[spmem:s2] =	stream.indirect.scatter.add.f32 [tilespmem:s22], [sflag:$0x4], $0x80, s16, s20, $0xb8;
	[tilespmem:$0x1F800] =	vst v63  }
0x13a: {  	_ =	swait.ge [sflag:s17], $0x4000  }
0x13b: {  	[sflag:s17] =	ssyncset.done $0x0  }
0x13c: {  	s16 =	sor.u32 $0x780, s31;
	[sflag:s17] =	ssyncadd.s32 $0xFFFFC000  }
0x13d: {  	[tilespmem:s22], [sflag:$0x2] =	stream.indirect.gather [hbm4b:s4+s20], $0x80, s16, s20, $0xb8;
	[tilespmem:$0x1F800] =	vst v63  }
0x13e: {  	_ =	swait.ge [sflag:s23], $0x4000  }
0x13f: {  	[sflag:s23] =	ssyncset.done $0x0  }
0x140: {  	s16 =	sadd.s32 $0x1700, s0;
	[sflag:s23] =	ssyncadd.s32 $0xFFFFC000  }
0x141: {  	[spmem:s2] =	stream.indirect.scatter.add.f32 [tilespmem:s21], [sflag:$0x4], $0x80, s16, s20, $0xb8;
	[tilespmem:$0x1F800] =	vst v63  }
0x142: {  	_ =	swait.ge [sflag:s17], $0x4000  }
0x143: {  	[sflag:s17] =	ssyncset.done $0x0  }
0x144: {  	[sflag:s17] =	ssyncadd.s32 $0xFFFFC000  }
0x145: {  	_ =	swait.ge [sflag:s24], $0x4000  }
0x146: {  	[sflag:s24] =	ssyncset.done $0x0  }
.Ltmp4:
0x147: {  	s0 =	sadd.s32 $0x1780, s0;
	[sflag:s24] =	ssyncadd.s32 $0xFFFFC000;
	(pc) =	sbr.rel @p0 .LBB2_7-.Ltmp4, $4  }
0x148: {  	[spmem:s2] =	stream.indirect.scatter.add.f32 [tilespmem:s22], [sflag:$0x4], $0x80, s0, s20, $0xb8;
	[tilespmem:$0x1F800] =	vst v63  }
0x149: {  	_ =	swait.ge [sflag:s17], $0x4000  }
0x14a: {  	[sflag:s17] =	ssyncset.done $0x0  }
0x14b: {  	[sflag:s17] =	ssyncadd.s32 $0xFFFFC000  }
.Ltmp5:
0x14c: {  	(pc) =	sbr.rel .LBB2_5-.Ltmp5, $4  }
0x14d: {  	_ =	swait.ge [sflag:s25], $0x800  }
0x14e: {  	s0 =	sxor.u32 $0x800, s31;
	s30 =	sadd.s32 $0x1, s30;
	[sflag:s25] =	ssyncset.done $0x0  }
0x14f: {  	s29 =	sadd.s32 $0x100, s29;
	s28 =	sadd.s32 $0x2000, s28;
	[sflag:s25] =	ssyncadd.s32 $0xFFFFF800  }
0x150: {  	[tilespmem:s21], [sflag:$0x1] =	stream.indirect.gather [hbm4b:s4+s20], $0x80, s0, s20, $0xb8;
	[tilespmem:$0x1F800] =	vst v63  }
.LBB2_8:
0x151: {  	_ =	sfence.sel $0x180000  }
0x152: {  	[bflag:$0x0] =	sbarrier.arrive $0xFFFF  }
0x153: {  	_ =	strace $0x90000050  }
0x154: {  	s0 =	stileid.u32;
	[bflag:$0x2] =	sbarrier.arrive $0xFFFF  }
0x155: {  	p0 =	sne.s32 s0, $0x0;
	s0 =	rddreg [dreg:$0x2]  }
0x156: {  	s0 =	sadd.s32 @!p0 $0x100000, s0  }
0x157: {  	[sflag:s0] =	ssyncadd.tile.s32 @!p0 $0x1;
	_ =	shalt  }
.Lfunc_end2:
_tile_overlayer_lowered:
.L_overlay_start_2:
0x158: {  	(tag) =	ssettag $0x2  }
0x159: {  	s0 =	rddreg [dreg:$0x0];
	s2 =	stileid.u32  }
0x15a: {  	s1 =	rddreg [dreg:$0x1];
	p0 =	sne.s32 s2, $0x0  }
0x15b: {  	s3 =	rddreg [dreg:$0x2];
	[bflag:$0x3] =	sbarrier.arrive $0xFFFF;
	s2 =	simm.s32 @!p0 $0x1C04  }
0x15c: {  	[timem:s3], [sflag:s2] =	dma.local @!p0 [hbm:s0], s1  }
0x15d: {  	s0 =	simm.s32 @!p0 $0x4  }
0x15e: {  	_ =	swait.ge @!p0 [sflag:s0], s1  }
0x15f: {  	s1 =	ssub.s32 @!p0 $0x0, s1;
	[sflag:s0] =	ssyncset.done @!p0 $0x0  }
0x160: {  	[sflag:s0] =	ssyncadd.s32 @!p0 s1  }
0x161: {  	[bflag:$0x3] =	sbarrier.arrive $0xFFFF  }
0x162: {  	_ =	shalt  }

</sc_bundles>
